<compile_context>
chip_gen: v7x
topology: tpu7x:2x2x1
jax: 0.10.2.dev20260603
libtpu: 0.0.44.dev20260713+nightly
codegen_flags: <defaults>
</compile_context>

<pallas_src>
import jax
import jax.numpy as jnp
from jax import lax
from jax.experimental import pallas as pl
from jax.experimental.pallas import tpu as pltpu
from jax.experimental.pallas import tpu_sc as plsc

N_HEADS = 8
OUT_CH = 16
LANES = 16
NC = 2
NS = 16
ROW = 88
SRCW = 80


def _prep_body(x_ref, w_ref, as_ref, at_ref, src_tab_ref, atgt_ref):
    h = jnp.dot(x_ref[...], w_ref[...], preferred_element_type=jnp.float32)
    asrc = jnp.dot(h, as_ref[...], preferred_element_type=jnp.float32)
    atgt_ref[...] = jnp.dot(h, at_ref[...], preferred_element_type=jnp.float32)
    bits = lax.bitcast_convert_type(h, jnp.uint32)
    rne = (bits + jnp.uint32(0x7FFF) +
           ((bits >> jnp.uint32(16)) & jnp.uint32(1)))
    for k in range(4):
        ev = rne[:, (2 * k) * OUT_CH:(2 * k + 1) * OUT_CH] >> jnp.uint32(16)
        od = rne[:, (2 * k + 1) * OUT_CH:(2 * k + 2) * OUT_CH] & jnp.uint32(0xFFFF0000)
        src_tab_ref[:, k * OUT_CH:(k + 1) * OUT_CH] = (
            (ev | od).astype(jnp.int32))
    src_tab_ref[:, 64:64 + LANES] = lax.bitcast_convert_type(asrc, jnp.int32)


def _edge_body(src_hbm, tgt_hbm, stab_hbm, atgt_hbm, zn_hbm, zd_hbm,
               num_out, den_out,
               idx_s, idx_t, hrows, brows, wrows,
               num_acc, den_acc, isem0, isem1, gsem0, gsem1, ssem0, ssem1):
    n_out = num_out.shape[1]
    n_edges_pad = src_hbm.shape[0]
    cid = lax.axis_index("c")
    sid = lax.axis_index("s")
    worker = sid * NC + cid
    rpw = n_edges_pad // ROW // (NC * NS)
    base = worker * rpw
    isems = (isem0, isem1)
    gsems = (gsem0, gsem1)
    ssems = (ssem0, ssem1)


    def issue_idx(r, pi):
        qi = lax.rem(r, 4)
        pltpu.async_copy(src_hbm.at[pl.ds((base + r) * ROW, ROW)],
                         idx_s.at[qi], isems[pi])
        pltpu.async_copy(tgt_hbm.at[pl.ds((base + r) * ROW, ROW)],
                         idx_t.at[qi], isems[pi])

    def wait_idx(r, pi):
        qi = lax.rem(r, 4)
        pltpu.make_async_copy(src_hbm.at[pl.ds((base + r) * ROW, ROW)],
                              idx_s.at[qi], isems[pi]).wait()
        pltpu.make_async_copy(tgt_hbm.at[pl.ds((base + r) * ROW, ROW)],
                              idx_t.at[qi], isems[pi]).wait()

    def issue_gathers(r, bi):
        qi = lax.rem(r, 4)
        sem = gsems[bi]
        pltpu.async_copy(atgt_hbm.at[idx_t.at[qi]], brows.at[bi], sem)
        pltpu.async_copy(stab_hbm.at[idx_s.at[qi]], hrows.at[bi], sem)

    def wait_gathers(r, bi):
        qi = lax.rem(r, 4)
        sem = gsems[bi]
        pltpu.make_async_copy(atgt_hbm.at[idx_t.at[qi]], brows.at[bi], sem).wait()
        pltpu.make_async_copy(stab_hbm.at[idx_s.at[qi]], hrows.at[bi], sem).wait()

    def issue_scatters(r, bi):
        qi = lax.rem(r, 4)
        sem = ssems[bi]
        pltpu.async_copy(brows.at[bi], den_acc.at[idx_t.at[qi]], sem, add=True)
        pltpu.async_copy(wrows.at[bi], num_acc.at[idx_t.at[qi]], sem, add=True)

    def wait_scatters(r, bi):
        qi = lax.rem(r, 4)
        sem = ssems[bi]
        pltpu.make_async_copy(brows.at[bi], den_acc.at[idx_t.at[qi]], sem).wait()
        pltpu.make_async_copy(wrows.at[bi], num_acc.at[idx_t.at[qi]], sem).wait()

    def compute_row(bi):
        @plsc.parallel_loop(0, ROW, unroll=4)
        def _edge(e):
            sa = lax.bitcast_convert_type(hrows[bi, e, pl.ds(64, LANES)],
                                          jnp.float32)
            s = sa + brows[bi, e, :]
            s = jnp.where(s < 0.0, s * jnp.float32(0.01), s)
            p = jnp.exp(s)
            brows[bi, e, :] = p
            for k in range(4):
                v = hrows[bi, e, pl.ds(k * LANES, LANES)]
                lo = lax.bitcast_convert_type(
                    lax.shift_left(v, jnp.int32(16)), jnp.float32)
                hi = lax.bitcast_convert_type(
                    lax.bitwise_and(v, jnp.int32(-65536)), jnp.float32)
                wrows[bi, e, pl.ds((2 * k) * OUT_CH, OUT_CH)] = lo * p[2 * k]
                wrows[bi, e, pl.ds((2 * k + 1) * OUT_CH, OUT_CH)] = (
                    hi * p[2 * k + 1])

    def body(r, bi, first=False, gnext=True, inext=True):
        wait_gathers(r, bi)
        if not first:
            wait_scatters(r - 1, bi ^ 1)
        if gnext:
            wait_idx(r + 1, bi ^ 1)
            issue_gathers(r + 1, bi ^ 1)
        if inext:
            issue_idx(r + 3, bi ^ 1)
        compute_row(bi)
        issue_scatters(r, bi)

    issue_idx(0, 0)
    issue_idx(1, 1)
    issue_idx(2, 0)
    wait_idx(0, 0)
    issue_gathers(0, 0)
    npad = num_acc.shape[0]
    zrows = (npad // NS) // 8 * 8
    tail = npad - NS * zrows
    pltpu.sync_copy(zn_hbm.at[pl.ds(sid * zrows, zrows)],
                    num_acc.at[pl.ds(sid * zrows, zrows)])
    pltpu.sync_copy(zd_hbm.at[pl.ds(sid * zrows, zrows)],
                    den_acc.at[pl.ds(sid * zrows, zrows)])
    if tail:
        @pl.when(sid == 0)
        def _ztail():
            pltpu.sync_copy(zn_hbm.at[pl.ds(NS * zrows, tail)],
                            num_acc.at[pl.ds(NS * zrows, tail)])
            pltpu.sync_copy(zd_hbm.at[pl.ds(NS * zrows, tail)],
                            den_acc.at[pl.ds(NS * zrows, tail)])
    plsc.subcore_barrier()
    body(0, 0, first=True)

    @pl.loop(0, (rpw - 4) // 2)
    def _pair(i):
        for b in range(2):
            body(2 * i + 1 + b, 1 - b)

    body(rpw - 3, (rpw - 3) % 2, inext=False)
    body(rpw - 2, (rpw - 2) % 2, inext=False)
    body(rpw - 1, (rpw - 1) % 2, gnext=False, inext=False)
    wait_scatters(rpw - 1, (rpw - 1) % 2)

    plsc.subcore_barrier()
    orows = (n_out // NS) // 8 * 8
    otail = n_out - NS * orows
    pltpu.sync_copy(num_acc.at[pl.ds(sid * orows, orows)],
                    num_out.at[cid].at[pl.ds(sid * orows, orows)])
    pltpu.sync_copy(den_acc.at[pl.ds(sid * orows, orows)],
                    den_out.at[cid].at[pl.ds(sid * orows, orows)])
    if otail:
        @pl.when(sid == 1 % NS)
        def _otail():
            pltpu.sync_copy(num_acc.at[pl.ds(NS * orows, otail)],
                            num_out.at[cid].at[pl.ds(NS * orows, otail)])
            pltpu.sync_copy(den_acc.at[pl.ds(NS * orows, otail)],
                            den_out.at[cid].at[pl.ds(NS * orows, otail)])


def _combine_body(num_ref, den_ref, out_ref):
    num = num_ref[0] + num_ref[1]
    den = den_ref[0] + den_ref[1]
    recip = 1.0 / (den + jnp.float32(1e-16))
    acc = num[:, 0:OUT_CH] * recip[:, 0:1]
    for hh in range(1, N_HEADS):
        acc = acc + num[:, hh * OUT_CH:(hh + 1) * OUT_CH] * recip[:, hh:hh + 1]
    out_ref[...] = acc * jnp.float32(1.0 / N_HEADS)


def kernel(x, edge_indices, W, a_target, a_source):
    n_nodes, d_feat = x.shape
    n_edges = edge_indices.shape[1]

    quantum = NC * NS * 2 * ROW
    e_pad = -(-n_edges // quantum) * quantum
    n_pad = n_nodes + 8
    pad = jnp.full((2, e_pad - n_edges), n_nodes, jnp.int32)
    ei = jnp.concatenate([edge_indices.astype(jnp.int32), pad], axis=1)
    n_rows = e_pad // ROW
    rpw = n_rows // (NC * NS)

    src = ei[0]
    tgt = ei[1]

    hc = N_HEADS * OUT_CH
    k_idx = jnp.arange(hc)
    l_idx = jnp.arange(LANES)
    mask = (k_idx[:, None] // OUT_CH) == (l_idx[None, :] % N_HEADS)
    As = jnp.where(mask, a_source.reshape(-1)[:, None], 0.0).astype(jnp.float32)
    At = jnp.where(mask, a_target.reshape(-1)[:, None], 0.0).astype(jnp.float32)

    src_tab, atgt = pl.pallas_call(
        _prep_body,
        out_shape=[
            jax.ShapeDtypeStruct((n_nodes, SRCW), jnp.int32),
            jax.ShapeDtypeStruct((n_nodes, LANES), jnp.float32),
        ],
    )(x, W, As, At)

    pad_rows = n_pad - n_nodes
    src_tab = jnp.pad(src_tab, ((0, pad_rows), (0, 0)))
    atgt = jnp.pad(atgt, ((0, pad_rows), (0, 0)))
    zeros_num = jnp.zeros((n_pad, hc), jnp.float32)
    zeros_den = jnp.zeros((n_pad, LANES), jnp.float32)

    mesh = plsc.VectorSubcoreMesh(core_axis_name="c", subcore_axis_name="s",
                                  num_cores=NC, num_subcores=NS)
    edge_kernel = pl.kernel(
        _edge_body,
        out_type=[
            jax.ShapeDtypeStruct((NC, n_nodes, hc), jnp.float32),
            jax.ShapeDtypeStruct((NC, n_nodes, LANES), jnp.float32),
        ],
        mesh=mesh,
        compiler_params=pltpu.CompilerParams(use_tc_tiling_on_sc=False),
        scratch_types=[
            pltpu.VMEM((4, ROW), jnp.int32),
            pltpu.VMEM((4, ROW), jnp.int32),
            pltpu.VMEM((2, ROW, SRCW), jnp.int32),
            pltpu.VMEM((2, ROW, LANES), jnp.float32),
            pltpu.VMEM((2, ROW, hc), jnp.float32),
            pltpu.VMEM_SHARED((n_pad, hc), jnp.float32),
            pltpu.VMEM_SHARED((n_pad, LANES), jnp.float32),
            pltpu.SemaphoreType.DMA,
            pltpu.SemaphoreType.DMA,
            pltpu.SemaphoreType.DMA,
            pltpu.SemaphoreType.DMA,
            pltpu.SemaphoreType.DMA,
            pltpu.SemaphoreType.DMA,
        ],
    )
    num_p, den_p = edge_kernel(src, tgt, src_tab, atgt,
                               zeros_num, zeros_den)

    bn = 2000
    out = pl.pallas_call(
        _combine_body,
        grid=(n_nodes // bn,),
        in_specs=[
            pl.BlockSpec((NC, bn, hc), lambda i: (0, i, 0)),
            pl.BlockSpec((NC, bn, LANES), lambda i: (0, i, 0)),
        ],
        out_specs=pl.BlockSpec((bn, OUT_CH), lambda i: (i, 0)),
        out_shape=jax.ShapeDtypeStruct((n_nodes, OUT_CH), jnp.float32),
    )(num_p, den_p)
    return out

# --- scband reference (transcript-rebuilt; emitter-appended) ---
"""Pipeline reference for scband-gatlayer-12584254177712 (READ-ONLY COPY).

The authoritative reference and input builder live on the scoring server;
editing this copy changes nothing except your own understanding.
"""

import jax, jax.numpy as jnp
import numpy as np

N_NODES = 10000
N_EDGES = 320000
D_FEAT = 128
N_HEADS = 8
OUT_CH = 16


def setup_inputs(seed: int = 0) -> dict:
    key = jax.random.key(seed)
    k1, k2, k3, k4, k5 = jax.random.split(key, 5)
    x = jax.random.normal(k1, (N_NODES, D_FEAT), dtype=jnp.float32)
    edge_indices = jax.random.randint(k2, (2, N_EDGES), 0, N_NODES, dtype=jnp.int64)
    # Dense (no bias) kernel: [in_features, n_heads*out_channels]
    W = jax.random.normal(k3, (D_FEAT, N_HEADS * OUT_CH), dtype=jnp.float32) * (1.0 / np.sqrt(D_FEAT))
    a_target = jax.random.normal(k4, (1, N_HEADS, OUT_CH), dtype=jnp.float32) * 0.1
    a_source = jax.random.normal(k5, (1, N_HEADS, OUT_CH), dtype=jnp.float32) * 0.1
    return {"x": x, "edge_indices": edge_indices, "W": W, "a_target": a_target, "a_source": a_source}


def _scatter_softmax(target_ids, edge_scores, n_nodes):
    # numerically-stable segment softmax over edges grouped by target node
    seg_max = jax.ops.segment_max(edge_scores, target_ids, num_segments=n_nodes)
    seg_max = jnp.where(jnp.isfinite(seg_max), seg_max, 0.0)
    exp_scores = jnp.exp(edge_scores - seg_max[target_ids])
    seg_sum = jax.ops.segment_sum(exp_scores, target_ids, num_segments=n_nodes)
    return exp_scores / (seg_sum[target_ids] + 1e-16)


def reference(x, edge_indices, W, a_target, a_source):
    n_nodes = x.shape[0]
    src = edge_indices[0, :]
    tgt = edge_indices[1, :]
    # linear transform (dropout is identity: rate=0.0 / eval)
    linear_trans = (x @ W).reshape((-1, N_HEADS, OUT_CH))
    hidden_target = (a_target * linear_trans).sum(axis=-1)[tgt]  # [E, H]
    hidden_source = (a_source * linear_trans).sum(axis=-1)[src]  # [E, H]
    node_features_selected = linear_trans[src]  # [E, H, C]
    edge_scores = jax.nn.leaky_relu(hidden_source + hidden_target)  # slope 0.01
    edge_attention = _scatter_softmax(tgt, edge_scores, n_nodes)  # [E, H]
    node_features_selected_weighted = node_features_selected * jnp.expand_dims(edge_attention, axis=-1)
    node_feat = jnp.zeros((n_nodes, N_HEADS, OUT_CH), dtype=x.dtype)
    node_feat = node_feat.at[tgt].add(node_features_selected_weighted)
    # concat=False -> mean over heads; use_bias=False, residual=False
    node_feat = node_feat.mean(axis=1)
    return node_feat

if __name__ == "__main__":
    import jax
    _d = setup_inputs()
    print(jax.jit(kernel)(*tuple(_d.values())))

</pallas_src>

<mosaic_0001>
#map = affine_map<(d0, d1) -> (0)>
#map1 = affine_map<(d0, d1) -> (0, 0)>
#map2 = affine_map<(d0, d1) -> (0, 0, 0)>
module attributes {stable_mosaic.version = 14 : i64} {
  func.func @_edge_body(%arg0: i32, %arg1: i32, %arg2: memref<321024xi32, #tpu.memory_space<hbm>>, %arg3: memref<321024xi32, #tpu.memory_space<hbm>>, %arg4: memref<10008x80xi32, #tpu.memory_space<hbm>>, %arg5: memref<10008x16xf32, #tpu.memory_space<hbm>>, %arg6: memref<10008x128xf32, #tpu.memory_space<hbm>>, %arg7: memref<10008x16xf32, #tpu.memory_space<hbm>>, %arg8: memref<2x10000x128xf32, #tpu.memory_space<hbm>>, %arg9: memref<2x10000x16xf32, #tpu.memory_space<hbm>>, %arg10: memref<4x88xi32, #tpu.memory_space<vmem>>, %arg11: memref<4x88xi32, #tpu.memory_space<vmem>>, %arg12: memref<2x88x80xi32, #tpu.memory_space<vmem>>, %arg13: memref<2x88x16xf32, #tpu.memory_space<vmem>>, %arg14: memref<2x88x128xf32, #tpu.memory_space<vmem>>, %arg15: memref<10008x128xf32, #tpu.memory_space<vmem_shared>>, %arg16: memref<10008x16xf32, #tpu.memory_space<vmem_shared>>, %arg17: memref<!tpu.dma_semaphore, #tpu.memory_space<semaphore_mem>>, %arg18: memref<!tpu.dma_semaphore, #tpu.memory_space<semaphore_mem>>, %arg19: memref<!tpu.dma_semaphore, #tpu.memory_space<semaphore_mem>>, %arg20: memref<!tpu.dma_semaphore, #tpu.memory_space<semaphore_mem>>, %arg21: memref<!tpu.dma_semaphore, #tpu.memory_space<semaphore_mem>>, %arg22: memref<!tpu.dma_semaphore, #tpu.memory_space<semaphore_mem>>) attributes {dimension_semantics = [#tpu.dimension_semantics<core_parallel>, #tpu.dimension_semantics<subcore_parallel>], iteration_bounds = array<i64: 2, 16>, scalar_prefetch = 0 : i64, scratch_operands = 13 : i64, tpu.core_type = #tpu.core_type<sc_vector_subcore>, window_params = [{transform_indices = #map}, {transform_indices = #map}, {transform_indices = #map1}, {transform_indices = #map1}, {transform_indices = #map1}, {transform_indices = #map1}, {transform_indices = #map2}, {transform_indices = #map2}]} {
    %mul3A = arith.constant 2 : i32
    %mul3A_0 = arith.muli %arg1, %mul3A : i32
    %add3A = arith.addi %mul3A_0, %arg0 : i32
    %mul3A_1 = arith.constant 114 : i32
    %mul3A_2 = arith.muli %add3A, %mul3A_1 : i32
    %rem3A = arith.constant 0 : i32
    %rem3A_3 = arith.constant 4 : i32
    %rem3A_4 = arith.remsi %rem3A, %rem3A_3 : i32
    %add3A_5 = arith.constant 0 : i32
    %add3A_6 = arith.addi %mul3A_2, %add3A_5 : i32
    %mul3A_7 = arith.constant 88 : i32
    %mul3A_8 = arith.muli %add3A_6, %mul3A_7 : i32
    %dma_start3A = arith.constant 0 : i32
    %dma_start3A_9 = tpu.memref_slice %arg10[%rem3A_4, %dma_start3A] : memref<4x88xi32, #tpu.memory_space<vmem>> -> memref<1x88xi32, #tpu.memory_space<vmem>>
    %dma_start3A_10 = tpu.memref_squeeze %dma_start3A_9 : memref<1x88xi32, #tpu.memory_space<vmem>> -> memref<88xi32, #tpu.memory_space<vmem>>
    %dma_start3A_11 = tpu.memref_slice %arg2[%mul3A_8] : memref<321024xi32, #tpu.memory_space<hbm>> -> memref<88xi32, #tpu.memory_space<hbm>>
    %dma_start3A_12 = arith.constant 0 : i32
    %dma_start3A_13 = tpu.memref_slice %arg10[%rem3A_4, %dma_start3A_12] : memref<4x88xi32, #tpu.memory_space<vmem>> -> memref<1x88xi32, #tpu.memory_space<vmem>>
    %dma_start3A_14 = tpu.memref_squeeze %dma_start3A_13 : memref<1x88xi32, #tpu.memory_space<vmem>> -> memref<88xi32, #tpu.memory_space<vmem>>
    %dma_start3A_15 = tpu.memref_slice %arg2[%mul3A_8] : memref<321024xi32, #tpu.memory_space<hbm>> -> memref<88xi32, #tpu.memory_space<hbm>>
    tpu.enqueue_dma source(%dma_start3A_15 : memref<88xi32, #tpu.memory_space<hbm>>) target(%dma_start3A_14 : memref<88xi32, #tpu.memory_space<vmem>>) target_semaphore(%arg17 : memref<!tpu.dma_semaphore, #tpu.memory_space<semaphore_mem>>)
    %add3A_16 = arith.constant 0 : i32
    %add3A_17 = arith.addi %mul3A_2, %add3A_16 : i32
    %mul3A_18 = arith.constant 88 : i32
    %mul3A_19 = arith.muli %add3A_17, %mul3A_18 : i32
    %dma_start3A_20 = arith.constant 0 : i32
    %dma_start3A_21 = tpu.memref_slice %arg11[%rem3A_4, %dma_start3A_20] : memref<4x88xi32, #tpu.memory_space<vmem>> -> memref<1x88xi32, #tpu.memory_space<vmem>>
    %dma_start3A_22 = tpu.memref_squeeze %dma_start3A_21 : memref<1x88xi32, #tpu.memory_space<vmem>> -> memref<88xi32, #tpu.memory_space<vmem>>
    %dma_start3A_23 = tpu.memref_slice %arg3[%mul3A_19] : memref<321024xi32, #tpu.memory_space<hbm>> -> memref<88xi32, #tpu.memory_space<hbm>>
    %dma_start3A_24 = arith.constant 0 : i32
    %dma_start3A_25 = tpu.memref_slice %arg11[%rem3A_4, %dma_start3A_24] : memref<4x88xi32, #tpu.memory_space<vmem>> -> memref<1x88xi32, #tpu.memory_space<vmem>>
    %dma_start3A_26 = tpu.memref_squeeze %dma_start3A_25 : memref<1x88xi32, #tpu.memory_space<vmem>> -> memref<88xi32, #tpu.memory_space<vmem>>
    %dma_start3A_27 = tpu.memref_slice %arg3[%mul3A_19] : memref<321024xi32, #tpu.memory_space<hbm>> -> memref<88xi32, #tpu.memory_space<hbm>>
    tpu.enqueue_dma source(%dma_start3A_27 : memref<88xi32, #tpu.memory_space<hbm>>) target(%dma_start3A_26 : memref<88xi32, #tpu.memory_space<vmem>>) target_semaphore(%arg17 : memref<!tpu.dma_semaphore, #tpu.memory_space<semaphore_mem>>)
    %rem3A_28 = arith.constant 1 : i32
    %rem3A_29 = arith.constant 4 : i32
    %rem3A_30 = arith.remsi %rem3A_28, %rem3A_29 : i32
    %add3A_31 = arith.constant 1 : i32
    %add3A_32 = arith.addi %mul3A_2, %add3A_31 : i32
    %mul3A_33 = arith.constant 88 : i32
    %mul3A_34 = arith.muli %add3A_32, %mul3A_33 : i32
    %dma_start3A_35 = arith.constant 0 : i32
    %dma_start3A_36 = tpu.memref_slice %arg10[%rem3A_30, %dma_start3A_35] : memref<4x88xi32, #tpu.memory_space<vmem>> -> memref<1x88xi32, #tpu.memory_space<vmem>>
    %dma_start3A_37 = tpu.memref_squeeze %dma_start3A_36 : memref<1x88xi32, #tpu.memory_space<vmem>> -> memref<88xi32, #tpu.memory_space<vmem>>
    %dma_start3A_38 = tpu.memref_slice %arg2[%mul3A_34] : memref<321024xi32, #tpu.memory_space<hbm>> -> memref<88xi32, #tpu.memory_space<hbm>>
    %dma_start3A_39 = arith.constant 0 : i32
    %dma_start3A_40 = tpu.memref_slice %arg10[%rem3A_30, %dma_start3A_39] : memref<4x88xi32, #tpu.memory_space<vmem>> -> memref<1x88xi32, #tpu.memory_space<vmem>>
    %dma_start3A_41 = tpu.memref_squeeze %dma_start3A_40 : memref<1x88xi32, #tpu.memory_space<vmem>> -> memref<88xi32, #tpu.memory_space<vmem>>
    %dma_start3A_42 = tpu.memref_slice %arg2[%mul3A_34] : memref<321024xi32, #tpu.memory_space<hbm>> -> memref<88xi32, #tpu.memory_space<hbm>>
    tpu.enqueue_dma source(%dma_start3A_42 : memref<88xi32, #tpu.memory_space<hbm>>) target(%dma_start3A_41 : memref<88xi32, #tpu.memory_space<vmem>>) target_semaphore(%arg18 : memref<!tpu.dma_semaphore, #tpu.memory_space<semaphore_mem>>)
    %add3A_43 = arith.constant 1 : i32
    %add3A_44 = arith.addi %mul3A_2, %add3A_43 : i32
    %mul3A_45 = arith.constant 88 : i32
    %mul3A_46 = arith.muli %add3A_44, %mul3A_45 : i32
    %dma_start3A_47 = arith.constant 0 : i32
    %dma_start3A_48 = tpu.memref_slice %arg11[%rem3A_30, %dma_start3A_47] : memref<4x88xi32, #tpu.memory_space<vmem>> -> memref<1x88xi32, #tpu.memory_space<vmem>>
    %dma_start3A_49 = tpu.memref_squeeze %dma_start3A_48 : memref<1x88xi32, #tpu.memory_space<vmem>> -> memref<88xi32, #tpu.memory_space<vmem>>
    %dma_start3A_50 = tpu.memref_slice %arg3[%mul3A_46] : memref<321024xi32, #tpu.memory_space<hbm>> -> memref<88xi32, #tpu.memory_space<hbm>>
    %dma_start3A_51 = arith.constant 0 : i32
    %dma_start3A_52 = tpu.memref_slice %arg11[%rem3A_30, %dma_start3A_51] : memref<4x88xi32, #tpu.memory_space<vmem>> -> memref<1x88xi32, #tpu.memory_space<vmem>>
    %dma_start3A_53 = tpu.memref_squeeze %dma_start3A_52 : memref<1x88xi32, #tpu.memory_space<vmem>> -> memref<88xi32, #tpu.memory_space<vmem>>
    %dma_start3A_54 = tpu.memref_slice %arg3[%mul3A_46] : memref<321024xi32, #tpu.memory_space<hbm>> -> memref<88xi32, #tpu.memory_space<hbm>>
    tpu.enqueue_dma source(%dma_start3A_54 : memref<88xi32, #tpu.memory_space<hbm>>) target(%dma_start3A_53 : memref<88xi32, #tpu.memory_space<vmem>>) target_semaphore(%arg18 : memref<!tpu.dma_semaphore, #tpu.memory_space<semaphore_mem>>)
    %rem3A_55 = arith.constant 2 : i32
    %rem3A_56 = arith.constant 4 : i32
    %rem3A_57 = arith.remsi %rem3A_55, %rem3A_56 : i32
    %add3A_58 = arith.constant 2 : i32
    %add3A_59 = arith.addi %mul3A_2, %add3A_58 : i32
    %mul3A_60 = arith.constant 88 : i32
    %mul3A_61 = arith.muli %add3A_59, %mul3A_60 : i32
    %dma_start3A_62 = arith.constant 0 : i32
    %dma_start3A_63 = tpu.memref_slice %arg10[%rem3A_57, %dma_start3A_62] : memref<4x88xi32, #tpu.memory_space<vmem>> -> memref<1x88xi32, #tpu.memory_space<vmem>>
    %dma_start3A_64 = tpu.memref_squeeze %dma_start3A_63 : memref<1x88xi32, #tpu.memory_space<vmem>> -> memref<88xi32, #tpu.memory_space<vmem>>
    %dma_start3A_65 = tpu.memref_slice %arg2[%mul3A_61] : memref<321024xi32, #tpu.memory_space<hbm>> -> memref<88xi32, #tpu.memory_space<hbm>>
    %dma_start3A_66 = arith.constant 0 : i32
    %dma_start3A_67 = tpu.memref_slice %arg10[%rem3A_57, %dma_start3A_66] : memref<4x88xi32, #tpu.memory_space<vmem>> -> memref<1x88xi32, #tpu.memory_space<vmem>>
    %dma_start3A_68 = tpu.memref_squeeze %dma_start3A_67 : memref<1x88xi32, #tpu.memory_space<vmem>> -> memref<88xi32, #tpu.memory_space<vmem>>
    %dma_start3A_69 = tpu.memref_slice %arg2[%mul3A_61] : memref<321024xi32, #tpu.memory_space<hbm>> -> memref<88xi32, #tpu.memory_space<hbm>>
    tpu.enqueue_dma source(%dma_start3A_69 : memref<88xi32, #tpu.memory_space<hbm>>) target(%dma_start3A_68 : memref<88xi32, #tpu.memory_space<vmem>>) target_semaphore(%arg17 : memref<!tpu.dma_semaphore, #tpu.memory_space<semaphore_mem>>)
    %add3A_70 = arith.constant 2 : i32
    %add3A_71 = arith.addi %mul3A_2, %add3A_70 : i32
    %mul3A_72 = arith.constant 88 : i32
    %mul3A_73 = arith.muli %add3A_71, %mul3A_72 : i32
    %dma_start3A_74 = arith.constant 0 : i32
    %dma_start3A_75 = tpu.memref_slice %arg11[%rem3A_57, %dma_start3A_74] : memref<4x88xi32, #tpu.memory_space<vmem>> -> memref<1x88xi32, #tpu.memory_space<vmem>>
    %dma_start3A_76 = tpu.memref_squeeze %dma_start3A_75 : memref<1x88xi32, #tpu.memory_space<vmem>> -> memref<88xi32, #tpu.memory_space<vmem>>
    %dma_start3A_77 = tpu.memref_slice %arg3[%mul3A_73] : memref<321024xi32, #tpu.memory_space<hbm>> -> memref<88xi32, #tpu.memory_space<hbm>>
    %dma_start3A_78 = arith.constant 0 : i32
    %dma_start3A_79 = tpu.memref_slice %arg11[%rem3A_57, %dma_start3A_78] : memref<4x88xi32, #tpu.memory_space<vmem>> -> memref<1x88xi32, #tpu.memory_space<vmem>>
    %dma_start3A_80 = tpu.memref_squeeze %dma_start3A_79 : memref<1x88xi32, #tpu.memory_space<vmem>> -> memref<88xi32, #tpu.memory_space<vmem>>
    %dma_start3A_81 = tpu.memref_slice %arg3[%mul3A_73] : memref<321024xi32, #tpu.memory_space<hbm>> -> memref<88xi32, #tpu.memory_space<hbm>>
    tpu.enqueue_dma source(%dma_start3A_81 : memref<88xi32, #tpu.memory_space<hbm>>) target(%dma_start3A_80 : memref<88xi32, #tpu.memory_space<vmem>>) target_semaphore(%arg17 : memref<!tpu.dma_semaphore, #tpu.memory_space<semaphore_mem>>)
    %rem3A_82 = arith.constant 0 : i32
    %rem3A_83 = arith.constant 4 : i32
    %rem3A_84 = arith.remsi %rem3A_82, %rem3A_83 : i32
    %add3A_85 = arith.constant 0 : i32
    %add3A_86 = arith.addi %mul3A_2, %add3A_85 : i32
    %mul3A_87 = arith.constant 88 : i32
    %mul3A_88 = arith.muli %add3A_86, %mul3A_87 : i32
    %dma_wait3A = arith.constant 0 : i32
    %dma_wait3A_89 = tpu.memref_slice %arg10[%rem3A_84, %dma_wait3A] : memref<4x88xi32, #tpu.memory_space<vmem>> -> memref<1x88xi32, #tpu.memory_space<vmem>>
    %dma_wait3A_90 = tpu.memref_squeeze %dma_wait3A_89 : memref<1x88xi32, #tpu.memory_space<vmem>> -> memref<88xi32, #tpu.memory_space<vmem>>
    %dma_wait3A_91 = tpu.memref_slice %arg2[%mul3A_88] : memref<321024xi32, #tpu.memory_space<hbm>> -> memref<88xi32, #tpu.memory_space<hbm>>
    %dma_wait3A_92 = arith.constant 0 : i32
    %dma_wait3A_93 = tpu.memref_slice %arg10[%rem3A_84, %dma_wait3A_92] : memref<4x88xi32, #tpu.memory_space<vmem>> -> memref<1x88xi32, #tpu.memory_space<vmem>>
    %dma_wait3A_94 = tpu.memref_squeeze %dma_wait3A_93 : memref<1x88xi32, #tpu.memory_space<vmem>> -> memref<88xi32, #tpu.memory_space<vmem>>
    %dma_wait3A_95 = tpu.memref_slice %arg2[%mul3A_88] : memref<321024xi32, #tpu.memory_space<hbm>> -> memref<88xi32, #tpu.memory_space<hbm>>
    tpu.wait_dma2 semaphore(%arg17 : memref<!tpu.dma_semaphore, #tpu.memory_space<semaphore_mem>>) src(%dma_wait3A_95 : memref<88xi32, #tpu.memory_space<hbm>>) dst(%dma_wait3A_94 : memref<88xi32, #tpu.memory_space<vmem>>)
    %add3A_96 = arith.constant 0 : i32
    %add3A_97 = arith.addi %mul3A_2, %add3A_96 : i32
    %mul3A_98 = arith.constant 88 : i32
    %mul3A_99 = arith.muli %add3A_97, %mul3A_98 : i32
    %dma_wait3A_100 = arith.constant 0 : i32
    %dma_wait3A_101 = tpu.memref_slice %arg11[%rem3A_84, %dma_wait3A_100] : memref<4x88xi32, #tpu.memory_space<vmem>> -> memref<1x88xi32, #tpu.memory_space<vmem>>
    %dma_wait3A_102 = tpu.memref_squeeze %dma_wait3A_101 : memref<1x88xi32, #tpu.memory_space<vmem>> -> memref<88xi32, #tpu.memory_space<vmem>>
    %dma_wait3A_103 = tpu.memref_slice %arg3[%mul3A_99] : memref<321024xi32, #tpu.memory_space<hbm>> -> memref<88xi32, #tpu.memory_space<hbm>>
    %dma_wait3A_104 = arith.constant 0 : i32
    %dma_wait3A_105 = tpu.memref_slice %arg11[%rem3A_84, %dma_wait3A_104] : memref<4x88xi32, #tpu.memory_space<vmem>> -> memref<1x88xi32, #tpu.memory_space<vmem>>
    %dma_wait3A_106 = tpu.memref_squeeze %dma_wait3A_105 : memref<1x88xi32, #tpu.memory_space<vmem>> -> memref<88xi32, #tpu.memory_space<vmem>>
    %dma_wait3A_107 = tpu.memref_slice %arg3[%mul3A_99] : memref<321024xi32, #tpu.memory_space<hbm>> -> memref<88xi32, #tpu.memory_space<hbm>>
    tpu.wait_dma2 semaphore(%arg17 : memref<!tpu.dma_semaphore, #tpu.memory_space<semaphore_mem>>) src(%dma_wait3A_107 : memref<88xi32, #tpu.memory_space<hbm>>) dst(%dma_wait3A_106 : memref<88xi32, #tpu.memory_space<vmem>>)
    %rem3A_108 = arith.constant 0 : i32
    %rem3A_109 = arith.constant 4 : i32
    %rem3A_110 = arith.remsi %rem3A_108, %rem3A_109 : i32
    %dma_start3A_111 = arith.constant 0 : i32
    %dma_start3A_112 = arith.constant 0 : i32
    %dma_start3A_113 = arith.constant 0 : i32
    %dma_start3A_114 = tpu.memref_slice %arg13[%dma_start3A_111, %dma_start3A_112, %dma_start3A_113] : memref<2x88x16xf32, #tpu.memory_space<vmem>> -> memref<1x88x16xf32, #tpu.memory_space<vmem>>
    %dma_start3A_115 = tpu.memref_squeeze %dma_start3A_114 : memref<1x88x16xf32, #tpu.memory_space<vmem>> -> memref<88x16xf32, #tpu.memory_space<vmem>>
    %dma_start3A_116 = arith.constant 0 : i32
    %dma_start3A_117 = tpu.memref_slice %arg11[%rem3A_110, %dma_start3A_116] : memref<4x88xi32, #tpu.memory_space<vmem>> -> memref<1x88xi32, #tpu.memory_space<vmem>>
    %dma_start3A_118 = tpu.memref_squeeze %dma_start3A_117 : memref<1x88xi32, #tpu.memory_space<vmem>> -> memref<88xi32, #tpu.memory_space<vmem>>
    %dma_start3A_119 = arith.constant 0 : i32
    %dma_start3A_120 = arith.constant 0 : i32
    %dma_start3A_121 = tpu.memref_slice %arg5[%dma_start3A_119, %dma_start3A_120] : memref<10008x16xf32, #tpu.memory_space<hbm>> -> memref<10008x16xf32, #tpu.memory_space<hbm>>
    tpu.enqueue_indirect_dma source(%dma_start3A_121 : memref<10008x16xf32, #tpu.memory_space<hbm>>) target(%dma_start3A_115 : memref<88x16xf32, #tpu.memory_space<vmem>>) offsets(%dma_start3A_118 : memref<88xi32, #tpu.memory_space<vmem>>) semaphore(%arg19 : memref<!tpu.dma_semaphore, #tpu.memory_space<semaphore_mem>>)
    %dma_start3A_122 = arith.constant 0 : i32
    %dma_start3A_123 = arith.constant 0 : i32
    %dma_start3A_124 = arith.constant 0 : i32
    %dma_start3A_125 = tpu.memref_slice %arg12[%dma_start3A_122, %dma_start3A_123, %dma_start3A_124] : memref<2x88x80xi32, #tpu.memory_space<vmem>> -> memref<1x88x80xi32, #tpu.memory_space<vmem>>
    %dma_start3A_126 = tpu.memref_squeeze %dma_start3A_125 : memref<1x88x80xi32, #tpu.memory_space<vmem>> -> memref<88x80xi32, #tpu.memory_space<vmem>>
    %dma_start3A_127 = arith.constant 0 : i32
    %dma_start3A_128 = tpu.memref_slice %arg10[%rem3A_110, %dma_start3A_127] : memref<4x88xi32, #tpu.memory_space<vmem>> -> memref<1x88xi32, #tpu.memory_space<vmem>>
    %dma_start3A_129 = tpu.memref_squeeze %dma_start3A_128 : memref<1x88xi32, #tpu.memory_space<vmem>> -> memref<88xi32, #tpu.memory_space<vmem>>
    %dma_start3A_130 = arith.constant 0 : i32
    %dma_start3A_131 = arith.constant 0 : i32
    %dma_start3A_132 = tpu.memref_slice %arg4[%dma_start3A_130, %dma_start3A_131] : memref<10008x80xi32, #tpu.memory_space<hbm>> -> memref<10008x80xi32, #tpu.memory_space<hbm>>
    tpu.enqueue_indirect_dma source(%dma_start3A_132 : memref<10008x80xi32, #tpu.memory_space<hbm>>) target(%dma_start3A_126 : memref<88x80xi32, #tpu.memory_space<vmem>>) offsets(%dma_start3A_129 : memref<88xi32, #tpu.memory_space<vmem>>) semaphore(%arg19 : memref<!tpu.dma_semaphore, #tpu.memory_space<semaphore_mem>>)
    %mul3A_133 = arith.constant 624 : i32
    %mul3A_134 = arith.muli %arg1, %mul3A_133 : i32
    %mul3A_135 = arith.constant 624 : i32
    %mul3A_136 = arith.muli %arg1, %mul3A_135 : i32
    "tpu.region"() ({
      %run_scoped3A = tpu.sem_alloc : memref<!tpu.dma_semaphore, #tpu.memory_space<semaphore_mem>>
      %dma_start3A_655 = arith.constant 0 : i32
      %dma_start3A_656 = tpu.memref_slice %arg15[%mul3A_136, %dma_start3A_655] : memref<10008x128xf32, #tpu.memory_space<vmem_shared>> -> memref<624x128xf32, #tpu.memory_space<vmem_shared>>
      %dma_start3A_657 = arith.constant 0 : i32
      %dma_start3A_658 = tpu.memref_slice %arg6[%mul3A_134, %dma_start3A_657] : memref<10008x128xf32, #tpu.memory_space<hbm>> -> memref<624x128xf32, #tpu.memory_space<hbm>>
      tpu.enqueue_dma source(%dma_start3A_658 : memref<624x128xf32, #tpu.memory_space<hbm>>) target(%dma_start3A_656 : memref<624x128xf32, #tpu.memory_space<vmem_shared>>) target_semaphore(%run_scoped3A : memref<!tpu.dma_semaphore, #tpu.memory_space<semaphore_mem>>)
      %dma_wait3A_659 = arith.constant 0 : i32
      %dma_wait3A_660 = tpu.memref_slice %arg15[%mul3A_136, %dma_wait3A_659] : memref<10008x128xf32, #tpu.memory_space<vmem_shared>> -> memref<624x128xf32, #tpu.memory_space<vmem_shared>>
      %dma_wait3A_661 = arith.constant 0 : i32
      %dma_wait3A_662 = tpu.memref_slice %arg6[%mul3A_134, %dma_wait3A_661] : memref<10008x128xf32, #tpu.memory_space<hbm>> -> memref<624x128xf32, #tpu.memory_space<hbm>>
      tpu.wait_dma2 semaphore(%run_scoped3A : memref<!tpu.dma_semaphore, #tpu.memory_space<semaphore_mem>>) src(%dma_wait3A_662 : memref<624x128xf32, #tpu.memory_space<hbm>>) dst(%dma_wait3A_660 : memref<624x128xf32, #tpu.memory_space<vmem_shared>>)
      tpu.yield
    }) : () -> ()
    %mul3A_137 = arith.constant 624 : i32
    %mul3A_138 = arith.muli %arg1, %mul3A_137 : i32
    %mul3A_139 = arith.constant 624 : i32
    %mul3A_140 = arith.muli %arg1, %mul3A_139 : i32
    "tpu.region"() ({
      %run_scoped3A = tpu.sem_alloc : memref<!tpu.dma_semaphore, #tpu.memory_space<semaphore_mem>>
      %dma_start3A_655 = arith.constant 0 : i32
      %dma_start3A_656 = tpu.memref_slice %arg16[%mul3A_140, %dma_start3A_655] : memref<10008x16xf32, #tpu.memory_space<vmem_shared>> -> memref<624x16xf32, #tpu.memory_space<vmem_shared>>
      %dma_start3A_657 = arith.constant 0 : i32
      %dma_start3A_658 = tpu.memref_slice %arg7[%mul3A_138, %dma_start3A_657] : memref<10008x16xf32, #tpu.memory_space<hbm>> -> memref<624x16xf32, #tpu.memory_space<hbm>>
      tpu.enqueue_dma source(%dma_start3A_658 : memref<624x16xf32, #tpu.memory_space<hbm>>) target(%dma_start3A_656 : memref<624x16xf32, #tpu.memory_space<vmem_shared>>) target_semaphore(%run_scoped3A : memref<!tpu.dma_semaphore, #tpu.memory_space<semaphore_mem>>)
      %dma_wait3A_659 = arith.constant 0 : i32
      %dma_wait3A_660 = tpu.memref_slice %arg16[%mul3A_140, %dma_wait3A_659] : memref<10008x16xf32, #tpu.memory_space<vmem_shared>> -> memref<624x16xf32, #tpu.memory_space<vmem_shared>>
      %dma_wait3A_661 = arith.constant 0 : i32
      %dma_wait3A_662 = tpu.memref_slice %arg7[%mul3A_138, %dma_wait3A_661] : memref<10008x16xf32, #tpu.memory_space<hbm>> -> memref<624x16xf32, #tpu.memory_space<hbm>>
      tpu.wait_dma2 semaphore(%run_scoped3A : memref<!tpu.dma_semaphore, #tpu.memory_space<semaphore_mem>>) src(%dma_wait3A_662 : memref<624x16xf32, #tpu.memory_space<hbm>>) dst(%dma_wait3A_660 : memref<624x16xf32, #tpu.memory_space<vmem_shared>>)
      tpu.yield
    }) : () -> ()
    %eq3A = arith.constant 0 : i32
    %eq3A_141 = arith.cmpi eq, %arg1, %eq3A : i32
    %convert_element_type3A = arith.extui %eq3A_141 : i1 to i32
    %cond3A = arith.constant 0 : i32
    %cond3A_142 = arith.cmpi ne, %convert_element_type3A, %cond3A : i32
    scf.if %cond3A_142 {
      "tpu.region"() ({
        %run_scoped3A = tpu.sem_alloc : memref<!tpu.dma_semaphore, #tpu.memory_space<semaphore_mem>>
        %dma_start3A_655 = arith.constant 9984 : i32
        %dma_start3A_656 = arith.constant 0 : i32
        %dma_start3A_657 = tpu.memref_slice %arg15[%dma_start3A_655, %dma_start3A_656] : memref<10008x128xf32, #tpu.memory_space<vmem_shared>> -> memref<24x128xf32, #tpu.memory_space<vmem_shared>>
        %dma_start3A_658 = arith.constant 9984 : i32
        %dma_start3A_659 = arith.constant 0 : i32
        %dma_start3A_660 = tpu.memref_slice %arg6[%dma_start3A_658, %dma_start3A_659] : memref<10008x128xf32, #tpu.memory_space<hbm>> -> memref<24x128xf32, #tpu.memory_space<hbm>>
        tpu.enqueue_dma source(%dma_start3A_660 : memref<24x128xf32, #tpu.memory_space<hbm>>) target(%dma_start3A_657 : memref<24x128xf32, #tpu.memory_space<vmem_shared>>) target_semaphore(%run_scoped3A : memref<!tpu.dma_semaphore, #tpu.memory_space<semaphore_mem>>)
        %dma_wait3A_661 = arith.constant 9984 : i32
        %dma_wait3A_662 = arith.constant 0 : i32
        %dma_wait3A_663 = tpu.memref_slice %arg15[%dma_wait3A_661, %dma_wait3A_662] : memref<10008x128xf32, #tpu.memory_space<vmem_shared>> -> memref<24x128xf32, #tpu.memory_space<vmem_shared>>
        %dma_wait3A_664 = arith.constant 9984 : i32
        %dma_wait3A_665 = arith.constant 0 : i32
        %dma_wait3A_666 = tpu.memref_slice %arg6[%dma_wait3A_664, %dma_wait3A_665] : memref<10008x128xf32, #tpu.memory_space<hbm>> -> memref<24x128xf32, #tpu.memory_space<hbm>>
        tpu.wait_dma2 semaphore(%run_scoped3A : memref<!tpu.dma_semaphore, #tpu.memory_space<semaphore_mem>>) src(%dma_wait3A_666 : memref<24x128xf32, #tpu.memory_space<hbm>>) dst(%dma_wait3A_663 : memref<24x128xf32, #tpu.memory_space<vmem_shared>>)
        tpu.yield
      }) : () -> ()
      "tpu.region"() ({
        %run_scoped3A = tpu.sem_alloc : memref<!tpu.dma_semaphore, #tpu.memory_space<semaphore_mem>>
        %dma_start3A_655 = arith.constant 9984 : i32
        %dma_start3A_656 = arith.constant 0 : i32
        %dma_start3A_657 = tpu.memref_slice %arg16[%dma_start3A_655, %dma_start3A_656] : memref<10008x16xf32, #tpu.memory_space<vmem_shared>> -> memref<24x16xf32, #tpu.memory_space<vmem_shared>>
        %dma_start3A_658 = arith.constant 9984 : i32
        %dma_start3A_659 = arith.constant 0 : i32
        %dma_start3A_660 = tpu.memref_slice %arg7[%dma_start3A_658, %dma_start3A_659] : memref<10008x16xf32, #tpu.memory_space<hbm>> -> memref<24x16xf32, #tpu.memory_space<hbm>>
        tpu.enqueue_dma source(%dma_start3A_660 : memref<24x16xf32, #tpu.memory_space<hbm>>) target(%dma_start3A_657 : memref<24x16xf32, #tpu.memory_space<vmem_shared>>) target_semaphore(%run_scoped3A : memref<!tpu.dma_semaphore, #tpu.memory_space<semaphore_mem>>)
        %dma_wait3A_661 = arith.constant 9984 : i32
        %dma_wait3A_662 = arith.constant 0 : i32
        %dma_wait3A_663 = tpu.memref_slice %arg16[%dma_wait3A_661, %dma_wait3A_662] : memref<10008x16xf32, #tpu.memory_space<vmem_shared>> -> memref<24x16xf32, #tpu.memory_space<vmem_shared>>
        %dma_wait3A_664 = arith.constant 9984 : i32
        %dma_wait3A_665 = arith.constant 0 : i32
        %dma_wait3A_666 = tpu.memref_slice %arg7[%dma_wait3A_664, %dma_wait3A_665] : memref<10008x16xf32, #tpu.memory_space<hbm>> -> memref<24x16xf32, #tpu.memory_space<hbm>>
        tpu.wait_dma2 semaphore(%run_scoped3A : memref<!tpu.dma_semaphore, #tpu.memory_space<semaphore_mem>>) src(%dma_wait3A_666 : memref<24x16xf32, #tpu.memory_space<hbm>>) dst(%dma_wait3A_663 : memref<24x16xf32, #tpu.memory_space<vmem_shared>>)
        tpu.yield
      }) : () -> ()
    } else {
    }
    %barrier3A = arith.constant 0 : index
    tpu.barrier barrier_id(%barrier3A)
    %rem3A_143 = arith.constant 0 : i32
    %rem3A_144 = arith.constant 4 : i32
    %rem3A_145 = arith.remsi %rem3A_143, %rem3A_144 : i32
    %dma_wait3A_146 = arith.constant 0 : i32
    %dma_wait3A_147 = arith.constant 0 : i32
    %dma_wait3A_148 = arith.constant 0 : i32
    %dma_wait3A_149 = tpu.memref_slice %arg13[%dma_wait3A_146, %dma_wait3A_147, %dma_wait3A_148] : memref<2x88x16xf32, #tpu.memory_space<vmem>> -> memref<1x88x16xf32, #tpu.memory_space<vmem>>
    %dma_wait3A_150 = tpu.memref_squeeze %dma_wait3A_149 : memref<1x88x16xf32, #tpu.memory_space<vmem>> -> memref<88x16xf32, #tpu.memory_space<vmem>>
    %dma_wait3A_151 = arith.constant 0 : i32
    %dma_wait3A_152 = tpu.memref_slice %arg11[%rem3A_145, %dma_wait3A_151] : memref<4x88xi32, #tpu.memory_space<vmem>> -> memref<1x88xi32, #tpu.memory_space<vmem>>
    %dma_wait3A_153 = tpu.memref_squeeze %dma_wait3A_152 : memref<1x88xi32, #tpu.memory_space<vmem>> -> memref<88xi32, #tpu.memory_space<vmem>>
    %dma_wait3A_154 = arith.constant 0 : i32
    %dma_wait3A_155 = arith.constant 0 : i32
    %dma_wait3A_156 = tpu.memref_slice %arg5[%dma_wait3A_154, %dma_wait3A_155] : memref<10008x16xf32, #tpu.memory_space<hbm>> -> memref<10008x16xf32, #tpu.memory_space<hbm>>
    tpu.wait_indirect_dma semaphore(%arg19 : memref<!tpu.dma_semaphore, #tpu.memory_space<semaphore_mem>>) src(%dma_wait3A_156 : memref<10008x16xf32, #tpu.memory_space<hbm>>) dst(%dma_wait3A_150 : memref<88x16xf32, #tpu.memory_space<vmem>>)
    %dma_wait3A_157 = arith.constant 0 : i32
    %dma_wait3A_158 = arith.constant 0 : i32
    %dma_wait3A_159 = arith.constant 0 : i32
    %dma_wait3A_160 = tpu.memref_slice %arg12[%dma_wait3A_157, %dma_wait3A_158, %dma_wait3A_159] : memref<2x88x80xi32, #tpu.memory_space<vmem>> -> memref<1x88x80xi32, #tpu.memory_space<vmem>>
    %dma_wait3A_161 = tpu.memref_squeeze %dma_wait3A_160 : memref<1x88x80xi32, #tpu.memory_space<vmem>> -> memref<88x80xi32, #tpu.memory_space<vmem>>
    %dma_wait3A_162 = arith.constant 0 : i32
    %dma_wait3A_163 = tpu.memref_slice %arg10[%rem3A_145, %dma_wait3A_162] : memref<4x88xi32, #tpu.memory_space<vmem>> -> memref<1x88xi32, #tpu.memory_space<vmem>>
    %dma_wait3A_164 = tpu.memref_squeeze %dma_wait3A_163 : memref<1x88xi32, #tpu.memory_space<vmem>> -> memref<88xi32, #tpu.memory_space<vmem>>
    %dma_wait3A_165 = arith.constant 0 : i32
    %dma_wait3A_166 = arith.constant 0 : i32
    %dma_wait3A_167 = tpu.memref_slice %arg4[%dma_wait3A_165, %dma_wait3A_166] : memref<10008x80xi32, #tpu.memory_space<hbm>> -> memref<10008x80xi32, #tpu.memory_space<hbm>>
    tpu.wait_indirect_dma semaphore(%arg19 : memref<!tpu.dma_semaphore, #tpu.memory_space<semaphore_mem>>) src(%dma_wait3A_167 : memref<10008x80xi32, #tpu.memory_space<hbm>>) dst(%dma_wait3A_161 : memref<88x80xi32, #tpu.memory_space<vmem>>)
    %rem3A_168 = arith.constant 1 : i32
    %rem3A_169 = arith.constant 4 : i32
    %rem3A_170 = arith.remsi %rem3A_168, %rem3A_169 : i32
    %add3A_171 = arith.constant 1 : i32
    %add3A_172 = arith.addi %mul3A_2, %add3A_171 : i32
    %mul3A_173 = arith.constant 88 : i32
    %mul3A_174 = arith.muli %add3A_172, %mul3A_173 : i32
    %dma_wait3A_175 = arith.constant 0 : i32
    %dma_wait3A_176 = tpu.memref_slice %arg10[%rem3A_170, %dma_wait3A_175] : memref<4x88xi32, #tpu.memory_space<vmem>> -> memref<1x88xi32, #tpu.memory_space<vmem>>
    %dma_wait3A_177 = tpu.memref_squeeze %dma_wait3A_176 : memref<1x88xi32, #tpu.memory_space<vmem>> -> memref<88xi32, #tpu.memory_space<vmem>>
    %dma_wait3A_178 = tpu.memref_slice %arg2[%mul3A_174] : memref<321024xi32, #tpu.memory_space<hbm>> -> memref<88xi32, #tpu.memory_space<hbm>>
    %dma_wait3A_179 = arith.constant 0 : i32
    %dma_wait3A_180 = tpu.memref_slice %arg10[%rem3A_170, %dma_wait3A_179] : memref<4x88xi32, #tpu.memory_space<vmem>> -> memref<1x88xi32, #tpu.memory_space<vmem>>
    %dma_wait3A_181 = tpu.memref_squeeze %dma_wait3A_180 : memref<1x88xi32, #tpu.memory_space<vmem>> -> memref<88xi32, #tpu.memory_space<vmem>>
    %dma_wait3A_182 = tpu.memref_slice %arg2[%mul3A_174] : memref<321024xi32, #tpu.memory_space<hbm>> -> memref<88xi32, #tpu.memory_space<hbm>>
    tpu.wait_dma2 semaphore(%arg18 : memref<!tpu.dma_semaphore, #tpu.memory_space<semaphore_mem>>) src(%dma_wait3A_182 : memref<88xi32, #tpu.memory_space<hbm>>) dst(%dma_wait3A_181 : memref<88xi32, #tpu.memory_space<vmem>>)
    %add3A_183 = arith.constant 1 : i32
    %add3A_184 = arith.addi %mul3A_2, %add3A_183 : i32
    %mul3A_185 = arith.constant 88 : i32
    %mul3A_186 = arith.muli %add3A_184, %mul3A_185 : i32
    %dma_wait3A_187 = arith.constant 0 : i32
    %dma_wait3A_188 = tpu.memref_slice %arg11[%rem3A_170, %dma_wait3A_187] : memref<4x88xi32, #tpu.memory_space<vmem>> -> memref<1x88xi32, #tpu.memory_space<vmem>>
    %dma_wait3A_189 = tpu.memref_squeeze %dma_wait3A_188 : memref<1x88xi32, #tpu.memory_space<vmem>> -> memref<88xi32, #tpu.memory_space<vmem>>
    %dma_wait3A_190 = tpu.memref_slice %arg3[%mul3A_186] : memref<321024xi32, #tpu.memory_space<hbm>> -> memref<88xi32, #tpu.memory_space<hbm>>
    %dma_wait3A_191 = arith.constant 0 : i32
    %dma_wait3A_192 = tpu.memref_slice %arg11[%rem3A_170, %dma_wait3A_191] : memref<4x88xi32, #tpu.memory_space<vmem>> -> memref<1x88xi32, #tpu.memory_space<vmem>>
    %dma_wait3A_193 = tpu.memref_squeeze %dma_wait3A_192 : memref<1x88xi32, #tpu.memory_space<vmem>> -> memref<88xi32, #tpu.memory_space<vmem>>
    %dma_wait3A_194 = tpu.memref_slice %arg3[%mul3A_186] : memref<321024xi32, #tpu.memory_space<hbm>> -> memref<88xi32, #tpu.memory_space<hbm>>
    tpu.wait_dma2 semaphore(%arg18 : memref<!tpu.dma_semaphore, #tpu.memory_space<semaphore_mem>>) src(%dma_wait3A_194 : memref<88xi32, #tpu.memory_space<hbm>>) dst(%dma_wait3A_193 : memref<88xi32, #tpu.memory_space<vmem>>)
    %rem3A_195 = arith.constant 1 : i32
    %rem3A_196 = arith.constant 4 : i32
    %rem3A_197 = arith.remsi %rem3A_195, %rem3A_196 : i32
    %dma_start3A_198 = arith.constant 1 : i32
    %dma_start3A_199 = arith.constant 0 : i32
    %dma_start3A_200 = arith.constant 0 : i32
    %dma_start3A_201 = tpu.memref_slice %arg13[%dma_start3A_198, %dma_start3A_199, %dma_start3A_200] : memref<2x88x16xf32, #tpu.memory_space<vmem>> -> memref<1x88x16xf32, #tpu.memory_space<vmem>>
    %dma_start3A_202 = tpu.memref_squeeze %dma_start3A_201 : memref<1x88x16xf32, #tpu.memory_space<vmem>> -> memref<88x16xf32, #tpu.memory_space<vmem>>
    %dma_start3A_203 = arith.constant 0 : i32
    %dma_start3A_204 = tpu.memref_slice %arg11[%rem3A_197, %dma_start3A_203] : memref<4x88xi32, #tpu.memory_space<vmem>> -> memref<1x88xi32, #tpu.memory_space<vmem>>
    %dma_start3A_205 = tpu.memref_squeeze %dma_start3A_204 : memref<1x88xi32, #tpu.memory_space<vmem>> -> memref<88xi32, #tpu.memory_space<vmem>>
    %dma_start3A_206 = arith.constant 0 : i32
    %dma_start3A_207 = arith.constant 0 : i32
    %dma_start3A_208 = tpu.memref_slice %arg5[%dma_start3A_206, %dma_start3A_207] : memref<10008x16xf32, #tpu.memory_space<hbm>> -> memref<10008x16xf32, #tpu.memory_space<hbm>>
    tpu.enqueue_indirect_dma source(%dma_start3A_208 : memref<10008x16xf32, #tpu.memory_space<hbm>>) target(%dma_start3A_202 : memref<88x16xf32, #tpu.memory_space<vmem>>) offsets(%dma_start3A_205 : memref<88xi32, #tpu.memory_space<vmem>>) semaphore(%arg20 : memref<!tpu.dma_semaphore, #tpu.memory_space<semaphore_mem>>)
    %dma_start3A_209 = arith.constant 1 : i32
    %dma_start3A_210 = arith.constant 0 : i32
    %dma_start3A_211 = arith.constant 0 : i32
    %dma_start3A_212 = tpu.memref_slice %arg12[%dma_start3A_209, %dma_start3A_210, %dma_start3A_211] : memref<2x88x80xi32, #tpu.memory_space<vmem>> -> memref<1x88x80xi32, #tpu.memory_space<vmem>>
    %dma_start3A_213 = tpu.memref_squeeze %dma_start3A_212 : memref<1x88x80xi32, #tpu.memory_space<vmem>> -> memref<88x80xi32, #tpu.memory_space<vmem>>
    %dma_start3A_214 = arith.constant 0 : i32
    %dma_start3A_215 = tpu.memref_slice %arg10[%rem3A_197, %dma_start3A_214] : memref<4x88xi32, #tpu.memory_space<vmem>> -> memref<1x88xi32, #tpu.memory_space<vmem>>
    %dma_start3A_216 = tpu.memref_squeeze %dma_start3A_215 : memref<1x88xi32, #tpu.memory_space<vmem>> -> memref<88xi32, #tpu.memory_space<vmem>>
    %dma_start3A_217 = arith.constant 0 : i32
    %dma_start3A_218 = arith.constant 0 : i32
    %dma_start3A_219 = tpu.memref_slice %arg4[%dma_start3A_217, %dma_start3A_218] : memref<10008x80xi32, #tpu.memory_space<hbm>> -> memref<10008x80xi32, #tpu.memory_space<hbm>>
    tpu.enqueue_indirect_dma source(%dma_start3A_219 : memref<10008x80xi32, #tpu.memory_space<hbm>>) target(%dma_start3A_213 : memref<88x80xi32, #tpu.memory_space<vmem>>) offsets(%dma_start3A_216 : memref<88xi32, #tpu.memory_space<vmem>>) semaphore(%arg20 : memref<!tpu.dma_semaphore, #tpu.memory_space<semaphore_mem>>)
    %rem3A_220 = arith.constant 3 : i32
    %rem3A_221 = arith.constant 4 : i32
    %rem3A_222 = arith.remsi %rem3A_220, %rem3A_221 : i32
    %add3A_223 = arith.constant 3 : i32
    %add3A_224 = arith.addi %mul3A_2, %add3A_223 : i32
    %mul3A_225 = arith.constant 88 : i32
    %mul3A_226 = arith.muli %add3A_224, %mul3A_225 : i32
    %dma_start3A_227 = arith.constant 0 : i32
    %dma_start3A_228 = tpu.memref_slice %arg10[%rem3A_222, %dma_start3A_227] : memref<4x88xi32, #tpu.memory_space<vmem>> -> memref<1x88xi32, #tpu.memory_space<vmem>>
    %dma_start3A_229 = tpu.memref_squeeze %dma_start3A_228 : memref<1x88xi32, #tpu.memory_space<vmem>> -> memref<88xi32, #tpu.memory_space<vmem>>
    %dma_start3A_230 = tpu.memref_slice %arg2[%mul3A_226] : memref<321024xi32, #tpu.memory_space<hbm>> -> memref<88xi32, #tpu.memory_space<hbm>>
    %dma_start3A_231 = arith.constant 0 : i32
    %dma_start3A_232 = tpu.memref_slice %arg10[%rem3A_222, %dma_start3A_231] : memref<4x88xi32, #tpu.memory_space<vmem>> -> memref<1x88xi32, #tpu.memory_space<vmem>>
    %dma_start3A_233 = tpu.memref_squeeze %dma_start3A_232 : memref<1x88xi32, #tpu.memory_space<vmem>> -> memref<88xi32, #tpu.memory_space<vmem>>
    %dma_start3A_234 = tpu.memref_slice %arg2[%mul3A_226] : memref<321024xi32, #tpu.memory_space<hbm>> -> memref<88xi32, #tpu.memory_space<hbm>>
    tpu.enqueue_dma source(%dma_start3A_234 : memref<88xi32, #tpu.memory_space<hbm>>) target(%dma_start3A_233 : memref<88xi32, #tpu.memory_space<vmem>>) target_semaphore(%arg18 : memref<!tpu.dma_semaphore, #tpu.memory_space<semaphore_mem>>)
    %add3A_235 = arith.constant 3 : i32
    %add3A_236 = arith.addi %mul3A_2, %add3A_235 : i32
    %mul3A_237 = arith.constant 88 : i32
    %mul3A_238 = arith.muli %add3A_236, %mul3A_237 : i32
    %dma_start3A_239 = arith.constant 0 : i32
    %dma_start3A_240 = tpu.memref_slice %arg11[%rem3A_222, %dma_start3A_239] : memref<4x88xi32, #tpu.memory_space<vmem>> -> memref<1x88xi32, #tpu.memory_space<vmem>>
    %dma_start3A_241 = tpu.memref_squeeze %dma_start3A_240 : memref<1x88xi32, #tpu.memory_space<vmem>> -> memref<88xi32, #tpu.memory_space<vmem>>
    %dma_start3A_242 = tpu.memref_slice %arg3[%mul3A_238] : memref<321024xi32, #tpu.memory_space<hbm>> -> memref<88xi32, #tpu.memory_space<hbm>>
    %dma_start3A_243 = arith.constant 0 : i32
    %dma_start3A_244 = tpu.memref_slice %arg11[%rem3A_222, %dma_start3A_243] : memref<4x88xi32, #tpu.memory_space<vmem>> -> memref<1x88xi32, #tpu.memory_space<vmem>>
    %dma_start3A_245 = tpu.memref_squeeze %dma_start3A_244 : memref<1x88xi32, #tpu.memory_space<vmem>> -> memref<88xi32, #tpu.memory_space<vmem>>
    %dma_start3A_246 = tpu.memref_slice %arg3[%mul3A_238] : memref<321024xi32, #tpu.memory_space<hbm>> -> memref<88xi32, #tpu.memory_space<hbm>>
    tpu.enqueue_dma source(%dma_start3A_246 : memref<88xi32, #tpu.memory_space<hbm>>) target(%dma_start3A_245 : memref<88xi32, #tpu.memory_space<vmem>>) target_semaphore(%arg18 : memref<!tpu.dma_semaphore, #tpu.memory_space<semaphore_mem>>)
    %parallel_loop3A = arith.constant 0 : i32
    %parallel_loop3A_247 = arith.constant 88 : i32
    %parallel_loop3A_248 = arith.constant 1 : i32
    scf.for %parallel_loop3A_655 = %parallel_loop3A to %parallel_loop3A_247 step %parallel_loop3A_248  : i32 {
      %parallel_loop3A_656 = arith.constant 0 : i32
      %parallel_loop3A_657 = arith.index_cast %parallel_loop3A_656 : i32 to index
      %parallel_loop3A_658 = arith.index_cast %parallel_loop3A_655 : i32 to index
      %parallel_loop3A_659 = arith.constant 64 : index
      %parallel_loop3A_660 = tpu.vector_load %arg12[%parallel_loop3A_657, %parallel_loop3A_658, %parallel_loop3A_659] {strides = array<i32>} : memref<2x88x80xi32, #tpu.memory_space<vmem>>, vector<1x1x16xi32>,
      %parallel_loop3A_661 = vector.shape_cast %parallel_loop3A_660 : vector<1x1x16xi32> to vector<16xi32>
      %parallel_loop3A_662 = tpu.bitcast %parallel_loop3A_661 : vector<16xi32> -> vector<16xf32>
      %parallel_loop3A_663 = arith.constant 0 : i32
      %parallel_loop3A_664 = arith.index_cast %parallel_loop3A_663 : i32 to index
      %parallel_loop3A_665 = arith.index_cast %parallel_loop3A_655 : i32 to index
      %parallel_loop3A_666 = arith.constant 0 : index
      %parallel_loop3A_667 = tpu.vector_load %arg13[%parallel_loop3A_664, %parallel_loop3A_665, %parallel_loop3A_666] {strides = array<i32>} : memref<2x88x16xf32, #tpu.memory_space<vmem>>, vector<1x1x16xf32>,
      %parallel_loop3A_668 = vector.shape_cast %parallel_loop3A_667 : vector<1x1x16xf32> to vector<16xf32>
      %parallel_loop3A_669 = arith.addf %parallel_loop3A_662, %parallel_loop3A_668 : vector<16xf32>
      %parallel_loop3A_670 = arith.constant 0.000000e+00 : f32
      %parallel_loop3A_671 = vector.broadcast %parallel_loop3A_670 : f32 to vector<16xf32>
      %parallel_loop3A_672 = arith.cmpf olt, %parallel_loop3A_669, %parallel_loop3A_671 : vector<16xf32>
      %parallel_loop3A_673 = arith.constant 0.00999999977 : f32
      %parallel_loop3A_674 = vector.broadcast %parallel_loop3A_673 : f32 to vector<16xf32>
      %parallel_loop3A_675 = arith.mulf %parallel_loop3A_669, %parallel_loop3A_674 : vector<16xf32>
      %parallel_loop3A_676 = arith.select %parallel_loop3A_672, %parallel_loop3A_675, %parallel_loop3A_669 : vector<16xi1>, vector<16xf32>
      %parallel_loop3A_677 = math.exp %parallel_loop3A_676 : vector<16xf32>
      %parallel_loop3A_678 = arith.constant 0 : i32
      %parallel_loop3A_679 = arith.index_cast %parallel_loop3A_678 : i32 to index
      %parallel_loop3A_680 = arith.index_cast %parallel_loop3A_655 : i32 to index
      %parallel_loop3A_681 = arith.constant 0 : index
      %parallel_loop3A_682 = tpu.vector_load %arg13[%parallel_loop3A_679, %parallel_loop3A_680, %parallel_loop3A_681] {strides = array<i32>} : memref<2x88x16xf32, #tpu.memory_space<vmem>>, vector<1x1x16xf32>,
      %parallel_loop3A_683 = vector.shape_cast %parallel_loop3A_682 : vector<1x1x16xf32> to vector<16xf32>
      %parallel_loop3A_684 = vector.shape_cast %parallel_loop3A_677 : vector<16xf32> to vector<1x1x16xf32>
      tpu.vector_store %arg13[%parallel_loop3A_679, %parallel_loop3A_680, %parallel_loop3A_681], %parallel_loop3A_684 {strides = array<i32>} : memref<2x88x16xf32, #tpu.memory_space<vmem>>, vector<1x1x16xf32>,
      %parallel_loop3A_685 = arith.constant 0 : i32
      %parallel_loop3A_686 = arith.index_cast %parallel_loop3A_685 : i32 to index
      %parallel_loop3A_687 = arith.index_cast %parallel_loop3A_655 : i32 to index
      %parallel_loop3A_688 = arith.constant 0 : index
      %parallel_loop3A_689 = tpu.vector_load %arg12[%parallel_loop3A_686, %parallel_loop3A_687, %parallel_loop3A_688] {strides = array<i32>} : memref<2x88x80xi32, #tpu.memory_space<vmem>>, vector<1x1x16xi32>,
      %parallel_loop3A_690 = vector.shape_cast %parallel_loop3A_689 : vector<1x1x16xi32> to vector<16xi32>
      %parallel_loop3A_691 = arith.constant 16 : i32
      %parallel_loop3A_692 = vector.broadcast %parallel_loop3A_691 : i32 to vector<16xi32>
      %parallel_loop3A_693 = arith.shli %parallel_loop3A_690, %parallel_loop3A_692 : vector<16xi32>
      %parallel_loop3A_694 = tpu.bitcast %parallel_loop3A_693 : vector<16xi32> -> vector<16xf32>
      %parallel_loop3A_695 = arith.constant -65536 : i32
      %parallel_loop3A_696 = vector.broadcast %parallel_loop3A_695 : i32 to vector<16xi32>
      %parallel_loop3A_697 = arith.andi %parallel_loop3A_690, %parallel_loop3A_696 : vector<16xi32>
      %parallel_loop3A_698 = tpu.bitcast %parallel_loop3A_697 : vector<16xi32> -> vector<16xf32>
      %parallel_loop3A_699 = vector.extract_strided_slice %parallel_loop3A_677 {offsets = [0], sizes = [1], strides = [1]} : vector<16xf32> to vector<1xf32>
      %parallel_loop3A_700 = vector.extract %parallel_loop3A_699[0] : f32 from vector<1xf32>
      %parallel_loop3A_701 = vector.broadcast %parallel_loop3A_700 : f32 to vector<16xf32>
      %parallel_loop3A_702 = arith.mulf %parallel_loop3A_694, %parallel_loop3A_701 : vector<16xf32>
      %parallel_loop3A_703 = arith.constant 0 : i32
      %parallel_loop3A_704 = arith.index_cast %parallel_loop3A_703 : i32 to index
      %parallel_loop3A_705 = arith.index_cast %parallel_loop3A_655 : i32 to index
      %parallel_loop3A_706 = arith.constant 0 : index
      %parallel_loop3A_707 = tpu.vector_load %arg14[%parallel_loop3A_704, %parallel_loop3A_705, %parallel_loop3A_706] {strides = array<i32>} : memref<2x88x128xf32, #tpu.memory_space<vmem>>, vector<1x1x16xf32>,
      %parallel_loop3A_708 = vector.shape_cast %parallel_loop3A_707 : vector<1x1x16xf32> to vector<16xf32>
      %parallel_loop3A_709 = vector.shape_cast %parallel_loop3A_702 : vector<16xf32> to vector<1x1x16xf32>
      tpu.vector_store %arg14[%parallel_loop3A_704, %parallel_loop3A_705, %parallel_loop3A_706], %parallel_loop3A_709 {strides = array<i32>} : memref<2x88x128xf32, #tpu.memory_space<vmem>>, vector<1x1x16xf32>,
      %parallel_loop3A_710 = vector.extract_strided_slice %parallel_loop3A_677 {offsets = [1], sizes = [1], strides = [1]} : vector<16xf32> to vector<1xf32>
      %parallel_loop3A_711 = vector.extract %parallel_loop3A_710[0] : f32 from vector<1xf32>
      %parallel_loop3A_712 = vector.broadcast %parallel_loop3A_711 : f32 to vector<16xf32>
      %parallel_loop3A_713 = arith.mulf %parallel_loop3A_698, %parallel_loop3A_712 : vector<16xf32>
      %parallel_loop3A_714 = arith.constant 0 : i32
      %parallel_loop3A_715 = arith.index_cast %parallel_loop3A_714 : i32 to index
      %parallel_loop3A_716 = arith.index_cast %parallel_loop3A_655 : i32 to index
      %parallel_loop3A_717 = arith.constant 16 : index
      %parallel_loop3A_718 = tpu.vector_load %arg14[%parallel_loop3A_715, %parallel_loop3A_716, %parallel_loop3A_717] {strides = array<i32>} : memref<2x88x128xf32, #tpu.memory_space<vmem>>, vector<1x1x16xf32>,
      %parallel_loop3A_719 = vector.shape_cast %parallel_loop3A_718 : vector<1x1x16xf32> to vector<16xf32>
      %parallel_loop3A_720 = vector.shape_cast %parallel_loop3A_713 : vector<16xf32> to vector<1x1x16xf32>
      tpu.vector_store %arg14[%parallel_loop3A_715, %parallel_loop3A_716, %parallel_loop3A_717], %parallel_loop3A_720 {strides = array<i32>} : memref<2x88x128xf32, #tpu.memory_space<vmem>>, vector<1x1x16xf32>,
      %parallel_loop3A_721 = arith.constant 0 : i32
      %parallel_loop3A_722 = arith.index_cast %parallel_loop3A_721 : i32 to index
      %parallel_loop3A_723 = arith.index_cast %parallel_loop3A_655 : i32 to index
      %parallel_loop3A_724 = arith.constant 16 : index
      %parallel_loop3A_725 = tpu.vector_load %arg12[%parallel_loop3A_722, %parallel_loop3A_723, %parallel_loop3A_724] {strides = array<i32>} : memref<2x88x80xi32, #tpu.memory_space<vmem>>, vector<1x1x16xi32>,
      %parallel_loop3A_726 = vector.shape_cast %parallel_loop3A_725 : vector<1x1x16xi32> to vector<16xi32>
      %parallel_loop3A_727 = arith.constant 16 : i32
      %parallel_loop3A_728 = vector.broadcast %parallel_loop3A_727 : i32 to vector<16xi32>
      %parallel_loop3A_729 = arith.shli %parallel_loop3A_726, %parallel_loop3A_728 : vector<16xi32>
      %parallel_loop3A_730 = tpu.bitcast %parallel_loop3A_729 : vector<16xi32> -> vector<16xf32>
      %parallel_loop3A_731 = arith.constant -65536 : i32
      %parallel_loop3A_732 = vector.broadcast %parallel_loop3A_731 : i32 to vector<16xi32>
      %parallel_loop3A_733 = arith.andi %parallel_loop3A_726, %parallel_loop3A_732 : vector<16xi32>
      %parallel_loop3A_734 = tpu.bitcast %parallel_loop3A_733 : vector<16xi32> -> vector<16xf32>
      %parallel_loop3A_735 = vector.extract_strided_slice %parallel_loop3A_677 {offsets = [2], sizes = [1], strides = [1]} : vector<16xf32> to vector<1xf32>
      %parallel_loop3A_736 = vector.extract %parallel_loop3A_735[0] : f32 from vector<1xf32>
      %parallel_loop3A_737 = vector.broadcast %parallel_loop3A_736 : f32 to vector<16xf32>
      %parallel_loop3A_738 = arith.mulf %parallel_loop3A_730, %parallel_loop3A_737 : vector<16xf32>
      %parallel_loop3A_739 = arith.constant 0 : i32
      %parallel_loop3A_740 = arith.index_cast %parallel_loop3A_739 : i32 to index
      %parallel_loop3A_741 = arith.index_cast %parallel_loop3A_655 : i32 to index
      %parallel_loop3A_742 = arith.constant 32 : index
      %parallel_loop3A_743 = tpu.vector_load %arg14[%parallel_loop3A_740, %parallel_loop3A_741, %parallel_loop3A_742] {strides = array<i32>} : memref<2x88x128xf32, #tpu.memory_space<vmem>>, vector<1x1x16xf32>,
      %parallel_loop3A_744 = vector.shape_cast %parallel_loop3A_743 : vector<1x1x16xf32> to vector<16xf32>
      %parallel_loop3A_745 = vector.shape_cast %parallel_loop3A_738 : vector<16xf32> to vector<1x1x16xf32>
      tpu.vector_store %arg14[%parallel_loop3A_740, %parallel_loop3A_741, %parallel_loop3A_742], %parallel_loop3A_745 {strides = array<i32>} : memref<2x88x128xf32, #tpu.memory_space<vmem>>, vector<1x1x16xf32>,
      %parallel_loop3A_746 = vector.extract_strided_slice %parallel_loop3A_677 {offsets = [3], sizes = [1], strides = [1]} : vector<16xf32> to vector<1xf32>
      %parallel_loop3A_747 = vector.extract %parallel_loop3A_746[0] : f32 from vector<1xf32>
      %parallel_loop3A_748 = vector.broadcast %parallel_loop3A_747 : f32 to vector<16xf32>
      %parallel_loop3A_749 = arith.mulf %parallel_loop3A_734, %parallel_loop3A_748 : vector<16xf32>
      %parallel_loop3A_750 = arith.constant 0 : i32
      %parallel_loop3A_751 = arith.index_cast %parallel_loop3A_750 : i32 to index
      %parallel_loop3A_752 = arith.index_cast %parallel_loop3A_655 : i32 to index
      %parallel_loop3A_753 = arith.constant 48 : index
      %parallel_loop3A_754 = tpu.vector_load %arg14[%parallel_loop3A_751, %parallel_loop3A_752, %parallel_loop3A_753] {strides = array<i32>} : memref<2x88x128xf32, #tpu.memory_space<vmem>>, vector<1x1x16xf32>,
      %parallel_loop3A_755 = vector.shape_cast %parallel_loop3A_754 : vector<1x1x16xf32> to vector<16xf32>
      %parallel_loop3A_756 = vector.shape_cast %parallel_loop3A_749 : vector<16xf32> to vector<1x1x16xf32>
      tpu.vector_store %arg14[%parallel_loop3A_751, %parallel_loop3A_752, %parallel_loop3A_753], %parallel_loop3A_756 {strides = array<i32>} : memref<2x88x128xf32, #tpu.memory_space<vmem>>, vector<1x1x16xf32>,
      %parallel_loop3A_757 = arith.constant 0 : i32
      %parallel_loop3A_758 = arith.index_cast %parallel_loop3A_757 : i32 to index
      %parallel_loop3A_759 = arith.index_cast %parallel_loop3A_655 : i32 to index
      %parallel_loop3A_760 = arith.constant 32 : index
      %parallel_loop3A_761 = tpu.vector_load %arg12[%parallel_loop3A_758, %parallel_loop3A_759, %parallel_loop3A_760] {strides = array<i32>} : memref<2x88x80xi32, #tpu.memory_space<vmem>>, vector<1x1x16xi32>,
      %parallel_loop3A_762 = vector.shape_cast %parallel_loop3A_761 : vector<1x1x16xi32> to vector<16xi32>
      %parallel_loop3A_763 = arith.constant 16 : i32
      %parallel_loop3A_764 = vector.broadcast %parallel_loop3A_763 : i32 to vector<16xi32>
      %parallel_loop3A_765 = arith.shli %parallel_loop3A_762, %parallel_loop3A_764 : vector<16xi32>
      %parallel_loop3A_766 = tpu.bitcast %parallel_loop3A_765 : vector<16xi32> -> vector<16xf32>
      %parallel_loop3A_767 = arith.constant -65536 : i32
      %parallel_loop3A_768 = vector.broadcast %parallel_loop3A_767 : i32 to vector<16xi32>
      %parallel_loop3A_769 = arith.andi %parallel_loop3A_762, %parallel_loop3A_768 : vector<16xi32>
      %parallel_loop3A_770 = tpu.bitcast %parallel_loop3A_769 : vector<16xi32> -> vector<16xf32>
      %parallel_loop3A_771 = vector.extract_strided_slice %parallel_loop3A_677 {offsets = [4], sizes = [1], strides = [1]} : vector<16xf32> to vector<1xf32>
      %parallel_loop3A_772 = vector.extract %parallel_loop3A_771[0] : f32 from vector<1xf32>
      %parallel_loop3A_773 = vector.broadcast %parallel_loop3A_772 : f32 to vector<16xf32>
      %parallel_loop3A_774 = arith.mulf %parallel_loop3A_766, %parallel_loop3A_773 : vector<16xf32>
      %parallel_loop3A_775 = arith.constant 0 : i32
      %parallel_loop3A_776 = arith.index_cast %parallel_loop3A_775 : i32 to index
      %parallel_loop3A_777 = arith.index_cast %parallel_loop3A_655 : i32 to index
      %parallel_loop3A_778 = arith.constant 64 : index
      %parallel_loop3A_779 = tpu.vector_load %arg14[%parallel_loop3A_776, %parallel_loop3A_777, %parallel_loop3A_778] {strides = array<i32>} : memref<2x88x128xf32, #tpu.memory_space<vmem>>, vector<1x1x16xf32>,
      %parallel_loop3A_780 = vector.shape_cast %parallel_loop3A_779 : vector<1x1x16xf32> to vector<16xf32>
      %parallel_loop3A_781 = vector.shape_cast %parallel_loop3A_774 : vector<16xf32> to vector<1x1x16xf32>
      tpu.vector_store %arg14[%parallel_loop3A_776, %parallel_loop3A_777, %parallel_loop3A_778], %parallel_loop3A_781 {strides = array<i32>} : memref<2x88x128xf32, #tpu.memory_space<vmem>>, vector<1x1x16xf32>,
      %parallel_loop3A_782 = vector.extract_strided_slice %parallel_loop3A_677 {offsets = [5], sizes = [1], strides = [1]} : vector<16xf32> to vector<1xf32>
      %parallel_loop3A_783 = vector.extract %parallel_loop3A_782[0] : f32 from vector<1xf32>
      %parallel_loop3A_784 = vector.broadcast %parallel_loop3A_783 : f32 to vector<16xf32>
      %parallel_loop3A_785 = arith.mulf %parallel_loop3A_770, %parallel_loop3A_784 : vector<16xf32>
      %parallel_loop3A_786 = arith.constant 0 : i32
      %parallel_loop3A_787 = arith.index_cast %parallel_loop3A_786 : i32 to index
      %parallel_loop3A_788 = arith.index_cast %parallel_loop3A_655 : i32 to index
      %parallel_loop3A_789 = arith.constant 80 : index
      %parallel_loop3A_790 = tpu.vector_load %arg14[%parallel_loop3A_787, %parallel_loop3A_788, %parallel_loop3A_789] {strides = array<i32>} : memref<2x88x128xf32, #tpu.memory_space<vmem>>, vector<1x1x16xf32>,
      %parallel_loop3A_791 = vector.shape_cast %parallel_loop3A_790 : vector<1x1x16xf32> to vector<16xf32>
      %parallel_loop3A_792 = vector.shape_cast %parallel_loop3A_785 : vector<16xf32> to vector<1x1x16xf32>
      tpu.vector_store %arg14[%parallel_loop3A_787, %parallel_loop3A_788, %parallel_loop3A_789], %parallel_loop3A_792 {strides = array<i32>} : memref<2x88x128xf32, #tpu.memory_space<vmem>>, vector<1x1x16xf32>,
      %parallel_loop3A_793 = arith.constant 0 : i32
      %parallel_loop3A_794 = arith.index_cast %parallel_loop3A_793 : i32 to index
      %parallel_loop3A_795 = arith.index_cast %parallel_loop3A_655 : i32 to index
      %parallel_loop3A_796 = arith.constant 48 : index
      %parallel_loop3A_797 = tpu.vector_load %arg12[%parallel_loop3A_794, %parallel_loop3A_795, %parallel_loop3A_796] {strides = array<i32>} : memref<2x88x80xi32, #tpu.memory_space<vmem>>, vector<1x1x16xi32>,
      %parallel_loop3A_798 = vector.shape_cast %parallel_loop3A_797 : vector<1x1x16xi32> to vector<16xi32>
      %parallel_loop3A_799 = arith.constant 16 : i32
      %parallel_loop3A_800 = vector.broadcast %parallel_loop3A_799 : i32 to vector<16xi32>
      %parallel_loop3A_801 = arith.shli %parallel_loop3A_798, %parallel_loop3A_800 : vector<16xi32>
      %parallel_loop3A_802 = tpu.bitcast %parallel_loop3A_801 : vector<16xi32> -> vector<16xf32>
      %parallel_loop3A_803 = arith.constant -65536 : i32
      %parallel_loop3A_804 = vector.broadcast %parallel_loop3A_803 : i32 to vector<16xi32>
      %parallel_loop3A_805 = arith.andi %parallel_loop3A_798, %parallel_loop3A_804 : vector<16xi32>
      %parallel_loop3A_806 = tpu.bitcast %parallel_loop3A_805 : vector<16xi32> -> vector<16xf32>
      %parallel_loop3A_807 = vector.extract_strided_slice %parallel_loop3A_677 {offsets = [6], sizes = [1], strides = [1]} : vector<16xf32> to vector<1xf32>
      %parallel_loop3A_808 = vector.extract %parallel_loop3A_807[0] : f32 from vector<1xf32>
      %parallel_loop3A_809 = vector.broadcast %parallel_loop3A_808 : f32 to vector<16xf32>
      %parallel_loop3A_810 = arith.mulf %parallel_loop3A_802, %parallel_loop3A_809 : vector<16xf32>
      %parallel_loop3A_811 = arith.constant 0 : i32
      %parallel_loop3A_812 = arith.index_cast %parallel_loop3A_811 : i32 to index
      %parallel_loop3A_813 = arith.index_cast %parallel_loop3A_655 : i32 to index
      %parallel_loop3A_814 = arith.constant 96 : index
      %parallel_loop3A_815 = tpu.vector_load %arg14[%parallel_loop3A_812, %parallel_loop3A_813, %parallel_loop3A_814] {strides = array<i32>} : memref<2x88x128xf32, #tpu.memory_space<vmem>>, vector<1x1x16xf32>,
      %parallel_loop3A_816 = vector.shape_cast %parallel_loop3A_815 : vector<1x1x16xf32> to vector<16xf32>
      %parallel_loop3A_817 = vector.shape_cast %parallel_loop3A_810 : vector<16xf32> to vector<1x1x16xf32>
      tpu.vector_store %arg14[%parallel_loop3A_812, %parallel_loop3A_813, %parallel_loop3A_814], %parallel_loop3A_817 {strides = array<i32>} : memref<2x88x128xf32, #tpu.memory_space<vmem>>, vector<1x1x16xf32>,
      %parallel_loop3A_818 = vector.extract_strided_slice %parallel_loop3A_677 {offsets = [7], sizes = [1], strides = [1]} : vector<16xf32> to vector<1xf32>
      %parallel_loop3A_819 = vector.extract %parallel_loop3A_818[0] : f32 from vector<1xf32>
      %parallel_loop3A_820 = vector.broadcast %parallel_loop3A_819 : f32 to vector<16xf32>
      %parallel_loop3A_821 = arith.mulf %parallel_loop3A_806, %parallel_loop3A_820 : vector<16xf32>
      %parallel_loop3A_822 = arith.constant 0 : i32
      %parallel_loop3A_823 = arith.index_cast %parallel_loop3A_822 : i32 to index
      %parallel_loop3A_824 = arith.index_cast %parallel_loop3A_655 : i32 to index
      %parallel_loop3A_825 = arith.constant 112 : index
      %parallel_loop3A_826 = tpu.vector_load %arg14[%parallel_loop3A_823, %parallel_loop3A_824, %parallel_loop3A_825] {strides = array<i32>} : memref<2x88x128xf32, #tpu.memory_space<vmem>>, vector<1x1x16xf32>,
      %parallel_loop3A_827 = vector.shape_cast %parallel_loop3A_826 : vector<1x1x16xf32> to vector<16xf32>
      %parallel_loop3A_828 = vector.shape_cast %parallel_loop3A_821 : vector<16xf32> to vector<1x1x16xf32>
      tpu.vector_store %arg14[%parallel_loop3A_823, %parallel_loop3A_824, %parallel_loop3A_825], %parallel_loop3A_828 {strides = array<i32>} : memref<2x88x128xf32, #tpu.memory_space<vmem>>, vector<1x1x16xf32>,
    } {sc.loop_unroll_factor = 4 : i64, sc.parallel_access}
    %rem3A_249 = arith.constant 0 : i32
    %rem3A_250 = arith.constant 4 : i32
    %rem3A_251 = arith.remsi %rem3A_249, %rem3A_250 : i32
    %dma_start3A_252 = arith.constant 0 : i32
    %dma_start3A_253 = arith.constant 0 : i32
    %dma_start3A_254 = arith.constant 0 : i32
    %dma_start3A_255 = tpu.memref_slice %arg13[%dma_start3A_252, %dma_start3A_253, %dma_start3A_254] : memref<2x88x16xf32, #tpu.memory_space<vmem>> -> memref<1x88x16xf32, #tpu.memory_space<vmem>>
    %dma_start3A_256 = tpu.memref_squeeze %dma_start3A_255 : memref<1x88x16xf32, #tpu.memory_space<vmem>> -> memref<88x16xf32, #tpu.memory_space<vmem>>
    %dma_start3A_257 = arith.constant 0 : i32
    %dma_start3A_258 = tpu.memref_slice %arg11[%rem3A_251, %dma_start3A_257] : memref<4x88xi32, #tpu.memory_space<vmem>> -> memref<1x88xi32, #tpu.memory_space<vmem>>
    %dma_start3A_259 = tpu.memref_squeeze %dma_start3A_258 : memref<1x88xi32, #tpu.memory_space<vmem>> -> memref<88xi32, #tpu.memory_space<vmem>>
    %dma_start3A_260 = arith.constant 0 : i32
    %dma_start3A_261 = arith.constant 0 : i32
    %dma_start3A_262 = tpu.memref_slice %arg16[%dma_start3A_260, %dma_start3A_261] : memref<10008x16xf32, #tpu.memory_space<vmem_shared>> -> memref<10008x16xf32, #tpu.memory_space<vmem_shared>>
    tpu.enqueue_indirect_dma source(%dma_start3A_256 : memref<88x16xf32, #tpu.memory_space<vmem>>) target(%dma_start3A_262 : memref<10008x16xf32, #tpu.memory_space<vmem_shared>>) offsets(%dma_start3A_259 : memref<88xi32, #tpu.memory_space<vmem>>) semaphore(%arg21 : memref<!tpu.dma_semaphore, #tpu.memory_space<semaphore_mem>>) {add = true}
    %dma_start3A_263 = arith.constant 0 : i32
    %dma_start3A_264 = arith.constant 0 : i32
    %dma_start3A_265 = arith.constant 0 : i32
    %dma_start3A_266 = tpu.memref_slice %arg14[%dma_start3A_263, %dma_start3A_264, %dma_start3A_265] : memref<2x88x128xf32, #tpu.memory_space<vmem>> -> memref<1x88x128xf32, #tpu.memory_space<vmem>>
    %dma_start3A_267 = tpu.memref_squeeze %dma_start3A_266 : memref<1x88x128xf32, #tpu.memory_space<vmem>> -> memref<88x128xf32, #tpu.memory_space<vmem>>
    %dma_start3A_268 = arith.constant 0 : i32
    %dma_start3A_269 = tpu.memref_slice %arg11[%rem3A_251, %dma_start3A_268] : memref<4x88xi32, #tpu.memory_space<vmem>> -> memref<1x88xi32, #tpu.memory_space<vmem>>
    %dma_start3A_270 = tpu.memref_squeeze %dma_start3A_269 : memref<1x88xi32, #tpu.memory_space<vmem>> -> memref<88xi32, #tpu.memory_space<vmem>>
    %dma_start3A_271 = arith.constant 0 : i32
    %dma_start3A_272 = arith.constant 0 : i32
    %dma_start3A_273 = tpu.memref_slice %arg15[%dma_start3A_271, %dma_start3A_272] : memref<10008x128xf32, #tpu.memory_space<vmem_shared>> -> memref<10008x128xf32, #tpu.memory_space<vmem_shared>>
    tpu.enqueue_indirect_dma source(%dma_start3A_267 : memref<88x128xf32, #tpu.memory_space<vmem>>) target(%dma_start3A_273 : memref<10008x128xf32, #tpu.memory_space<vmem_shared>>) offsets(%dma_start3A_270 : memref<88xi32, #tpu.memory_space<vmem>>) semaphore(%arg21 : memref<!tpu.dma_semaphore, #tpu.memory_space<semaphore_mem>>) {add = true}
    %scan3A = arith.constant 0 : i32
    %scan3A_274 = arith.constant 55 : i32
    %scan3A_275 = arith.addi %scan3A, %scan3A_274 : i32
    %scan3A_276 = arith.constant 1 : i32
    scf.for %scan3A_655 = %scan3A to %scan3A_275 step %scan3A_276  : i32 {
      %mul3A_656 = arith.constant 1 : i32
      %mul3A_657 = arith.muli %scan3A_655, %mul3A_656 : i32
      %add3A_658 = arith.constant 0 : i32
      %add3A_659 = arith.addi %add3A_658, %mul3A_657 : i32
      %mul3A_660 = arith.constant 2 : i32
      %mul3A_661 = arith.muli %mul3A_660, %add3A_659 : i32
      %add3A_662 = arith.constant 1 : i32
      %add3A_663 = arith.addi %mul3A_661, %add3A_662 : i32
      %add3A_664 = arith.constant 0 : i32
      %add3A_665 = arith.addi %add3A_663, %add3A_664 : i32
      %rem3A_666 = arith.constant 4 : i32
      %rem3A_667 = arith.remsi %add3A_665, %rem3A_666 : i32
      %dma_wait3A_668 = arith.constant 1 : i32
      %dma_wait3A_669 = arith.constant 0 : i32
      %dma_wait3A_670 = arith.constant 0 : i32
      %dma_wait3A_671 = tpu.memref_slice %arg13[%dma_wait3A_668, %dma_wait3A_669, %dma_wait3A_670] : memref<2x88x16xf32, #tpu.memory_space<vmem>> -> memref<1x88x16xf32, #tpu.memory_space<vmem>>
      %dma_wait3A_672 = tpu.memref_squeeze %dma_wait3A_671 : memref<1x88x16xf32, #tpu.memory_space<vmem>> -> memref<88x16xf32, #tpu.memory_space<vmem>>
      %dma_wait3A_673 = arith.constant 0 : i32
      %dma_wait3A_674 = tpu.memref_slice %arg11[%rem3A_667, %dma_wait3A_673] : memref<4x88xi32, #tpu.memory_space<vmem>> -> memref<1x88xi32, #tpu.memory_space<vmem>>
      %dma_wait3A_675 = tpu.memref_squeeze %dma_wait3A_674 : memref<1x88xi32, #tpu.memory_space<vmem>> -> memref<88xi32, #tpu.memory_space<vmem>>
      %dma_wait3A_676 = arith.constant 0 : i32
      %dma_wait3A_677 = arith.constant 0 : i32
      %dma_wait3A_678 = tpu.memref_slice %arg5[%dma_wait3A_676, %dma_wait3A_677] : memref<10008x16xf32, #tpu.memory_space<hbm>> -> memref<10008x16xf32, #tpu.memory_space<hbm>>
      tpu.wait_indirect_dma semaphore(%arg20 : memref<!tpu.dma_semaphore, #tpu.memory_space<semaphore_mem>>) src(%dma_wait3A_678 : memref<10008x16xf32, #tpu.memory_space<hbm>>) dst(%dma_wait3A_672 : memref<88x16xf32, #tpu.memory_space<vmem>>)
      %dma_wait3A_679 = arith.constant 1 : i32
      %dma_wait3A_680 = arith.constant 0 : i32
      %dma_wait3A_681 = arith.constant 0 : i32
      %dma_wait3A_682 = tpu.memref_slice %arg12[%dma_wait3A_679, %dma_wait3A_680, %dma_wait3A_681] : memref<2x88x80xi32, #tpu.memory_space<vmem>> -> memref<1x88x80xi32, #tpu.memory_space<vmem>>
      %dma_wait3A_683 = tpu.memref_squeeze %dma_wait3A_682 : memref<1x88x80xi32, #tpu.memory_space<vmem>> -> memref<88x80xi32, #tpu.memory_space<vmem>>
      %dma_wait3A_684 = arith.constant 0 : i32
      %dma_wait3A_685 = tpu.memref_slice %arg10[%rem3A_667, %dma_wait3A_684] : memref<4x88xi32, #tpu.memory_space<vmem>> -> memref<1x88xi32, #tpu.memory_space<vmem>>
      %dma_wait3A_686 = tpu.memref_squeeze %dma_wait3A_685 : memref<1x88xi32, #tpu.memory_space<vmem>> -> memref<88xi32, #tpu.memory_space<vmem>>
      %dma_wait3A_687 = arith.constant 0 : i32
      %dma_wait3A_688 = arith.constant 0 : i32
      %dma_wait3A_689 = tpu.memref_slice %arg4[%dma_wait3A_687, %dma_wait3A_688] : memref<10008x80xi32, #tpu.memory_space<hbm>> -> memref<10008x80xi32, #tpu.memory_space<hbm>>
      tpu.wait_indirect_dma semaphore(%arg20 : memref<!tpu.dma_semaphore, #tpu.memory_space<semaphore_mem>>) src(%dma_wait3A_689 : memref<10008x80xi32, #tpu.memory_space<hbm>>) dst(%dma_wait3A_683 : memref<88x80xi32, #tpu.memory_space<vmem>>)
      %sub3A = arith.constant 1 : i32
      %sub3A_690 = arith.subi %add3A_665, %sub3A : i32
      %rem3A_691 = arith.constant 4 : i32
      %rem3A_692 = arith.remsi %sub3A_690, %rem3A_691 : i32
      %dma_wait3A_693 = arith.constant 0 : i32
      %dma_wait3A_694 = arith.constant 0 : i32
      %dma_wait3A_695 = arith.constant 0 : i32
      %dma_wait3A_696 = tpu.memref_slice %arg13[%dma_wait3A_693, %dma_wait3A_694, %dma_wait3A_695] : memref<2x88x16xf32, #tpu.memory_space<vmem>> -> memref<1x88x16xf32, #tpu.memory_space<vmem>>
      %dma_wait3A_697 = tpu.memref_squeeze %dma_wait3A_696 : memref<1x88x16xf32, #tpu.memory_space<vmem>> -> memref<88x16xf32, #tpu.memory_space<vmem>>
      %dma_wait3A_698 = arith.constant 0 : i32
      %dma_wait3A_699 = tpu.memref_slice %arg11[%rem3A_692, %dma_wait3A_698] : memref<4x88xi32, #tpu.memory_space<vmem>> -> memref<1x88xi32, #tpu.memory_space<vmem>>
      %dma_wait3A_700 = tpu.memref_squeeze %dma_wait3A_699 : memref<1x88xi32, #tpu.memory_space<vmem>> -> memref<88xi32, #tpu.memory_space<vmem>>
      %dma_wait3A_701 = arith.constant 0 : i32
      %dma_wait3A_702 = arith.constant 0 : i32
      %dma_wait3A_703 = tpu.memref_slice %arg16[%dma_wait3A_701, %dma_wait3A_702] : memref<10008x16xf32, #tpu.memory_space<vmem_shared>> -> memref<10008x16xf32, #tpu.memory_space<vmem_shared>>
      tpu.wait_indirect_dma semaphore(%arg21 : memref<!tpu.dma_semaphore, #tpu.memory_space<semaphore_mem>>) src(%dma_wait3A_697 : memref<88x16xf32, #tpu.memory_space<vmem>>) dst(%dma_wait3A_703 : memref<10008x16xf32, #tpu.memory_space<vmem_shared>>)
      %dma_wait3A_704 = arith.constant 0 : i32
      %dma_wait3A_705 = arith.constant 0 : i32
      %dma_wait3A_706 = arith.constant 0 : i32
      %dma_wait3A_707 = tpu.memref_slice %arg14[%dma_wait3A_704, %dma_wait3A_705, %dma_wait3A_706] : memref<2x88x128xf32, #tpu.memory_space<vmem>> -> memref<1x88x128xf32, #tpu.memory_space<vmem>>
      %dma_wait3A_708 = tpu.memref_squeeze %dma_wait3A_707 : memref<1x88x128xf32, #tpu.memory_space<vmem>> -> memref<88x128xf32, #tpu.memory_space<vmem>>
      %dma_wait3A_709 = arith.constant 0 : i32
      %dma_wait3A_710 = tpu.memref_slice %arg11[%rem3A_692, %dma_wait3A_709] : memref<4x88xi32, #tpu.memory_space<vmem>> -> memref<1x88xi32, #tpu.memory_space<vmem>>
      %dma_wait3A_711 = tpu.memref_squeeze %dma_wait3A_710 : memref<1x88xi32, #tpu.memory_space<vmem>> -> memref<88xi32, #tpu.memory_space<vmem>>
      %dma_wait3A_712 = arith.constant 0 : i32
      %dma_wait3A_713 = arith.constant 0 : i32
      %dma_wait3A_714 = tpu.memref_slice %arg15[%dma_wait3A_712, %dma_wait3A_713] : memref<10008x128xf32, #tpu.memory_space<vmem_shared>> -> memref<10008x128xf32, #tpu.memory_space<vmem_shared>>
      tpu.wait_indirect_dma semaphore(%arg21 : memref<!tpu.dma_semaphore, #tpu.memory_space<semaphore_mem>>) src(%dma_wait3A_708 : memref<88x128xf32, #tpu.memory_space<vmem>>) dst(%dma_wait3A_714 : memref<10008x128xf32, #tpu.memory_space<vmem_shared>>)
      %add3A_715 = arith.constant 1 : i32
      %add3A_716 = arith.addi %add3A_665, %add3A_715 : i32
      %rem3A_717 = arith.constant 4 : i32
      %rem3A_718 = arith.remsi %add3A_716, %rem3A_717 : i32
      %add3A_719 = arith.addi %mul3A_2, %add3A_716 : i32
      %mul3A_720 = arith.constant 88 : i32
      %mul3A_721 = arith.muli %add3A_719, %mul3A_720 : i32
      %dma_wait3A_722 = arith.constant 0 : i32
      %dma_wait3A_723 = tpu.memref_slice %arg10[%rem3A_718, %dma_wait3A_722] : memref<4x88xi32, #tpu.memory_space<vmem>> -> memref<1x88xi32, #tpu.memory_space<vmem>>
      %dma_wait3A_724 = tpu.memref_squeeze %dma_wait3A_723 : memref<1x88xi32, #tpu.memory_space<vmem>> -> memref<88xi32, #tpu.memory_space<vmem>>
      %dma_wait3A_725 = tpu.memref_slice %arg2[%mul3A_721] : memref<321024xi32, #tpu.memory_space<hbm>> -> memref<88xi32, #tpu.memory_space<hbm>>
      %dma_wait3A_726 = arith.constant 0 : i32
      %dma_wait3A_727 = tpu.memref_slice %arg10[%rem3A_718, %dma_wait3A_726] : memref<4x88xi32, #tpu.memory_space<vmem>> -> memref<1x88xi32, #tpu.memory_space<vmem>>
      %dma_wait3A_728 = tpu.memref_squeeze %dma_wait3A_727 : memref<1x88xi32, #tpu.memory_space<vmem>> -> memref<88xi32, #tpu.memory_space<vmem>>
      %dma_wait3A_729 = tpu.memref_slice %arg2[%mul3A_721] : memref<321024xi32, #tpu.memory_space<hbm>> -> memref<88xi32, #tpu.memory_space<hbm>>
      tpu.wait_dma2 semaphore(%arg17 : memref<!tpu.dma_semaphore, #tpu.memory_space<semaphore_mem>>) src(%dma_wait3A_729 : memref<88xi32, #tpu.memory_space<hbm>>) dst(%dma_wait3A_728 : memref<88xi32, #tpu.memory_space<vmem>>)
      %add3A_730 = arith.addi %mul3A_2, %add3A_716 : i32
      %mul3A_731 = arith.constant 88 : i32
      %mul3A_732 = arith.muli %add3A_730, %mul3A_731 : i32
      %dma_wait3A_733 = arith.constant 0 : i32
      %dma_wait3A_734 = tpu.memref_slice %arg11[%rem3A_718, %dma_wait3A_733] : memref<4x88xi32, #tpu.memory_space<vmem>> -> memref<1x88xi32, #tpu.memory_space<vmem>>
      %dma_wait3A_735 = tpu.memref_squeeze %dma_wait3A_734 : memref<1x88xi32, #tpu.memory_space<vmem>> -> memref<88xi32, #tpu.memory_space<vmem>>
      %dma_wait3A_736 = tpu.memref_slice %arg3[%mul3A_732] : memref<321024xi32, #tpu.memory_space<hbm>> -> memref<88xi32, #tpu.memory_space<hbm>>
      %dma_wait3A_737 = arith.constant 0 : i32
      %dma_wait3A_738 = tpu.memref_slice %arg11[%rem3A_718, %dma_wait3A_737] : memref<4x88xi32, #tpu.memory_space<vmem>> -> memref<1x88xi32, #tpu.memory_space<vmem>>
      %dma_wait3A_739 = tpu.memref_squeeze %dma_wait3A_738 : memref<1x88xi32, #tpu.memory_space<vmem>> -> memref<88xi32, #tpu.memory_space<vmem>>
      %dma_wait3A_740 = tpu.memref_slice %arg3[%mul3A_732] : memref<321024xi32, #tpu.memory_space<hbm>> -> memref<88xi32, #tpu.memory_space<hbm>>
      tpu.wait_dma2 semaphore(%arg17 : memref<!tpu.dma_semaphore, #tpu.memory_space<semaphore_mem>>) src(%dma_wait3A_740 : memref<88xi32, #tpu.memory_space<hbm>>) dst(%dma_wait3A_739 : memref<88xi32, #tpu.memory_space<vmem>>)
      %add3A_741 = arith.constant 1 : i32
      %add3A_742 = arith.addi %add3A_665, %add3A_741 : i32
      %rem3A_743 = arith.constant 4 : i32
      %rem3A_744 = arith.remsi %add3A_742, %rem3A_743 : i32
      %dma_start3A_745 = arith.constant 0 : i32
      %dma_start3A_746 = arith.constant 0 : i32
      %dma_start3A_747 = arith.constant 0 : i32
      %dma_start3A_748 = tpu.memref_slice %arg13[%dma_start3A_745, %dma_start3A_746, %dma_start3A_747] : memref<2x88x16xf32, #tpu.memory_space<vmem>> -> memref<1x88x16xf32, #tpu.memory_space<vmem>>
      %dma_start3A_749 = tpu.memref_squeeze %dma_start3A_748 : memref<1x88x16xf32, #tpu.memory_space<vmem>> -> memref<88x16xf32, #tpu.memory_space<vmem>>
      %dma_start3A_750 = arith.constant 0 : i32
      %dma_start3A_751 = tpu.memref_slice %arg11[%rem3A_744, %dma_start3A_750] : memref<4x88xi32, #tpu.memory_space<vmem>> -> memref<1x88xi32, #tpu.memory_space<vmem>>
      %dma_start3A_752 = tpu.memref_squeeze %dma_start3A_751 : memref<1x88xi32, #tpu.memory_space<vmem>> -> memref<88xi32, #tpu.memory_space<vmem>>
      %dma_start3A_753 = arith.constant 0 : i32
      %dma_start3A_754 = arith.constant 0 : i32
      %dma_start3A_755 = tpu.memref_slice %arg5[%dma_start3A_753, %dma_start3A_754] : memref<10008x16xf32, #tpu.memory_space<hbm>> -> memref<10008x16xf32, #tpu.memory_space<hbm>>
      tpu.enqueue_indirect_dma source(%dma_start3A_755 : memref<10008x16xf32, #tpu.memory_space<hbm>>) target(%dma_start3A_749 : memref<88x16xf32, #tpu.memory_space<vmem>>) offsets(%dma_start3A_752 : memref<88xi32, #tpu.memory_space<vmem>>) semaphore(%arg19 : memref<!tpu.dma_semaphore, #tpu.memory_space<semaphore_mem>>)
      %dma_start3A_756 = arith.constant 0 : i32
      %dma_start3A_757 = arith.constant 0 : i32
      %dma_start3A_758 = arith.constant 0 : i32
      %dma_start3A_759 = tpu.memref_slice %arg12[%dma_start3A_756, %dma_start3A_757, %dma_start3A_758] : memref<2x88x80xi32, #tpu.memory_space<vmem>> -> memref<1x88x80xi32, #tpu.memory_space<vmem>>
      %dma_start3A_760 = tpu.memref_squeeze %dma_start3A_759 : memref<1x88x80xi32, #tpu.memory_space<vmem>> -> memref<88x80xi32, #tpu.memory_space<vmem>>
      %dma_start3A_761 = arith.constant 0 : i32
      %dma_start3A_762 = tpu.memref_slice %arg10[%rem3A_744, %dma_start3A_761] : memref<4x88xi32, #tpu.memory_space<vmem>> -> memref<1x88xi32, #tpu.memory_space<vmem>>
      %dma_start3A_763 = tpu.memref_squeeze %dma_start3A_762 : memref<1x88xi32, #tpu.memory_space<vmem>> -> memref<88xi32, #tpu.memory_space<vmem>>
      %dma_start3A_764 = arith.constant 0 : i32
      %dma_start3A_765 = arith.constant 0 : i32
      %dma_start3A_766 = tpu.memref_slice %arg4[%dma_start3A_764, %dma_start3A_765] : memref<10008x80xi32, #tpu.memory_space<hbm>> -> memref<10008x80xi32, #tpu.memory_space<hbm>>
      tpu.enqueue_indirect_dma source(%dma_start3A_766 : memref<10008x80xi32, #tpu.memory_space<hbm>>) target(%dma_start3A_760 : memref<88x80xi32, #tpu.memory_space<vmem>>) offsets(%dma_start3A_763 : memref<88xi32, #tpu.memory_space<vmem>>) semaphore(%arg19 : memref<!tpu.dma_semaphore, #tpu.memory_space<semaphore_mem>>)
      %add3A_767 = arith.constant 3 : i32
      %add3A_768 = arith.addi %add3A_665, %add3A_767 : i32
      %rem3A_769 = arith.constant 4 : i32
      %rem3A_770 = arith.remsi %add3A_768, %rem3A_769 : i32
      %add3A_771 = arith.addi %mul3A_2, %add3A_768 : i32
      %mul3A_772 = arith.constant 88 : i32
      %mul3A_773 = arith.muli %add3A_771, %mul3A_772 : i32
      %dma_start3A_774 = arith.constant 0 : i32
      %dma_start3A_775 = tpu.memref_slice %arg10[%rem3A_770, %dma_start3A_774] : memref<4x88xi32, #tpu.memory_space<vmem>> -> memref<1x88xi32, #tpu.memory_space<vmem>>
      %dma_start3A_776 = tpu.memref_squeeze %dma_start3A_775 : memref<1x88xi32, #tpu.memory_space<vmem>> -> memref<88xi32, #tpu.memory_space<vmem>>
      %dma_start3A_777 = tpu.memref_slice %arg2[%mul3A_773] : memref<321024xi32, #tpu.memory_space<hbm>> -> memref<88xi32, #tpu.memory_space<hbm>>
      %dma_start3A_778 = arith.constant 0 : i32
      %dma_start3A_779 = tpu.memref_slice %arg10[%rem3A_770, %dma_start3A_778] : memref<4x88xi32, #tpu.memory_space<vmem>> -> memref<1x88xi32, #tpu.memory_space<vmem>>
      %dma_start3A_780 = tpu.memref_squeeze %dma_start3A_779 : memref<1x88xi32, #tpu.memory_space<vmem>> -> memref<88xi32, #tpu.memory_space<vmem>>
      %dma_start3A_781 = tpu.memref_slice %arg2[%mul3A_773] : memref<321024xi32, #tpu.memory_space<hbm>> -> memref<88xi32, #tpu.memory_space<hbm>>
      tpu.enqueue_dma source(%dma_start3A_781 : memref<88xi32, #tpu.memory_space<hbm>>) target(%dma_start3A_780 : memref<88xi32, #tpu.memory_space<vmem>>) target_semaphore(%arg17 : memref<!tpu.dma_semaphore, #tpu.memory_space<semaphore_mem>>)
      %add3A_782 = arith.addi %mul3A_2, %add3A_768 : i32
      %mul3A_783 = arith.constant 88 : i32
      %mul3A_784 = arith.muli %add3A_782, %mul3A_783 : i32
      %dma_start3A_785 = arith.constant 0 : i32
      %dma_start3A_786 = tpu.memref_slice %arg11[%rem3A_770, %dma_start3A_785] : memref<4x88xi32, #tpu.memory_space<vmem>> -> memref<1x88xi32, #tpu.memory_space<vmem>>
      %dma_start3A_787 = tpu.memref_squeeze %dma_start3A_786 : memref<1x88xi32, #tpu.memory_space<vmem>> -> memref<88xi32, #tpu.memory_space<vmem>>
      %dma_start3A_788 = tpu.memref_slice %arg3[%mul3A_784] : memref<321024xi32, #tpu.memory_space<hbm>> -> memref<88xi32, #tpu.memory_space<hbm>>
      %dma_start3A_789 = arith.constant 0 : i32
      %dma_start3A_790 = tpu.memref_slice %arg11[%rem3A_770, %dma_start3A_789] : memref<4x88xi32, #tpu.memory_space<vmem>> -> memref<1x88xi32, #tpu.memory_space<vmem>>
      %dma_start3A_791 = tpu.memref_squeeze %dma_start3A_790 : memref<1x88xi32, #tpu.memory_space<vmem>> -> memref<88xi32, #tpu.memory_space<vmem>>
      %dma_start3A_792 = tpu.memref_slice %arg3[%mul3A_784] : memref<321024xi32, #tpu.memory_space<hbm>> -> memref<88xi32, #tpu.memory_space<hbm>>
      tpu.enqueue_dma source(%dma_start3A_792 : memref<88xi32, #tpu.memory_space<hbm>>) target(%dma_start3A_791 : memref<88xi32, #tpu.memory_space<vmem>>) target_semaphore(%arg17 : memref<!tpu.dma_semaphore, #tpu.memory_space<semaphore_mem>>)
      %parallel_loop3A_793 = arith.constant 0 : i32
      %parallel_loop3A_794 = arith.constant 88 : i32
      %parallel_loop3A_795 = arith.constant 1 : i32
      scf.for %parallel_loop3A_981 = %parallel_loop3A_793 to %parallel_loop3A_794 step %parallel_loop3A_795  : i32 {
        %parallel_loop3A_982 = arith.constant 1 : i32
        %parallel_loop3A_983 = arith.index_cast %parallel_loop3A_982 : i32 to index
        %parallel_loop3A_984 = arith.index_cast %parallel_loop3A_981 : i32 to index
        %parallel_loop3A_985 = arith.constant 64 : index
        %parallel_loop3A_986 = tpu.vector_load %arg12[%parallel_loop3A_983, %parallel_loop3A_984, %parallel_loop3A_985] {strides = array<i32>} : memref<2x88x80xi32, #tpu.memory_space<vmem>>, vector<1x1x16xi32>,
        %parallel_loop3A_987 = vector.shape_cast %parallel_loop3A_986 : vector<1x1x16xi32> to vector<16xi32>
        %parallel_loop3A_988 = tpu.bitcast %parallel_loop3A_987 : vector<16xi32> -> vector<16xf32>
        %parallel_loop3A_989 = arith.constant 1 : i32
        %parallel_loop3A_990 = arith.index_cast %parallel_loop3A_989 : i32 to index
        %parallel_loop3A_991 = arith.index_cast %parallel_loop3A_981 : i32 to index
        %parallel_loop3A_992 = arith.constant 0 : index
        %parallel_loop3A_993 = tpu.vector_load %arg13[%parallel_loop3A_990, %parallel_loop3A_991, %parallel_loop3A_992] {strides = array<i32>} : memref<2x88x16xf32, #tpu.memory_space<vmem>>, vector<1x1x16xf32>,
        %parallel_loop3A_994 = vector.shape_cast %parallel_loop3A_993 : vector<1x1x16xf32> to vector<16xf32>
        %parallel_loop3A_995 = arith.addf %parallel_loop3A_988, %parallel_loop3A_994 : vector<16xf32>
        %parallel_loop3A_996 = arith.constant 0.000000e+00 : f32
        %parallel_loop3A_997 = vector.broadcast %parallel_loop3A_996 : f32 to vector<16xf32>
        %parallel_loop3A_998 = arith.cmpf olt, %parallel_loop3A_995, %parallel_loop3A_997 : vector<16xf32>
        %parallel_loop3A_999 = arith.constant 0.00999999977 : f32
        %parallel_loop3A_1000 = vector.broadcast %parallel_loop3A_999 : f32 to vector<16xf32>
        %parallel_loop3A_1001 = arith.mulf %parallel_loop3A_995, %parallel_loop3A_1000 : vector<16xf32>
        %parallel_loop3A_1002 = arith.select %parallel_loop3A_998, %parallel_loop3A_1001, %parallel_loop3A_995 : vector<16xi1>, vector<16xf32>
        %parallel_loop3A_1003 = math.exp %parallel_loop3A_1002 : vector<16xf32>
        %parallel_loop3A_1004 = arith.constant 1 : i32
        %parallel_loop3A_1005 = arith.index_cast %parallel_loop3A_1004 : i32 to index
        %parallel_loop3A_1006 = arith.index_cast %parallel_loop3A_981 : i32 to index
        %parallel_loop3A_1007 = arith.constant 0 : index
        %parallel_loop3A_1008 = tpu.vector_load %arg13[%parallel_loop3A_1005, %parallel_loop3A_1006, %parallel_loop3A_1007] {strides = array<i32>} : memref<2x88x16xf32, #tpu.memory_space<vmem>>, vector<1x1x16xf32>,
        %parallel_loop3A_1009 = vector.shape_cast %parallel_loop3A_1008 : vector<1x1x16xf32> to vector<16xf32>
        %parallel_loop3A_1010 = vector.shape_cast %parallel_loop3A_1003 : vector<16xf32> to vector<1x1x16xf32>
        tpu.vector_store %arg13[%parallel_loop3A_1005, %parallel_loop3A_1006, %parallel_loop3A_1007], %parallel_loop3A_1010 {strides = array<i32>} : memref<2x88x16xf32, #tpu.memory_space<vmem>>, vector<1x1x16xf32>,
        %parallel_loop3A_1011 = arith.constant 1 : i32
        %parallel_loop3A_1012 = arith.index_cast %parallel_loop3A_1011 : i32 to index
        %parallel_loop3A_1013 = arith.index_cast %parallel_loop3A_981 : i32 to index
        %parallel_loop3A_1014 = arith.constant 0 : index
        %parallel_loop3A_1015 = tpu.vector_load %arg12[%parallel_loop3A_1012, %parallel_loop3A_1013, %parallel_loop3A_1014] {strides = array<i32>} : memref<2x88x80xi32, #tpu.memory_space<vmem>>, vector<1x1x16xi32>,
        %parallel_loop3A_1016 = vector.shape_cast %parallel_loop3A_1015 : vector<1x1x16xi32> to vector<16xi32>
        %parallel_loop3A_1017 = arith.constant 16 : i32
        %parallel_loop3A_1018 = vector.broadcast %parallel_loop3A_1017 : i32 to vector<16xi32>
        %parallel_loop3A_1019 = arith.shli %parallel_loop3A_1016, %parallel_loop3A_1018 : vector<16xi32>
        %parallel_loop3A_1020 = tpu.bitcast %parallel_loop3A_1019 : vector<16xi32> -> vector<16xf32>
        %parallel_loop3A_1021 = arith.constant -65536 : i32
        %parallel_loop3A_1022 = vector.broadcast %parallel_loop3A_1021 : i32 to vector<16xi32>
        %parallel_loop3A_1023 = arith.andi %parallel_loop3A_1016, %parallel_loop3A_1022 : vector<16xi32>
        %parallel_loop3A_1024 = tpu.bitcast %parallel_loop3A_1023 : vector<16xi32> -> vector<16xf32>
        %parallel_loop3A_1025 = vector.extract_strided_slice %parallel_loop3A_1003 {offsets = [0], sizes = [1], strides = [1]} : vector<16xf32> to vector<1xf32>
        %parallel_loop3A_1026 = vector.extract %parallel_loop3A_1025[0] : f32 from vector<1xf32>
        %parallel_loop3A_1027 = vector.broadcast %parallel_loop3A_1026 : f32 to vector<16xf32>
        %parallel_loop3A_1028 = arith.mulf %parallel_loop3A_1020, %parallel_loop3A_1027 : vector<16xf32>
        %parallel_loop3A_1029 = arith.constant 1 : i32
        %parallel_loop3A_1030 = arith.index_cast %parallel_loop3A_1029 : i32 to index
        %parallel_loop3A_1031 = arith.index_cast %parallel_loop3A_981 : i32 to index
        %parallel_loop3A_1032 = arith.constant 0 : index
        %parallel_loop3A_1033 = tpu.vector_load %arg14[%parallel_loop3A_1030, %parallel_loop3A_1031, %parallel_loop3A_1032] {strides = array<i32>} : memref<2x88x128xf32, #tpu.memory_space<vmem>>, vector<1x1x16xf32>,
        %parallel_loop3A_1034 = vector.shape_cast %parallel_loop3A_1033 : vector<1x1x16xf32> to vector<16xf32>
        %parallel_loop3A_1035 = vector.shape_cast %parallel_loop3A_1028 : vector<16xf32> to vector<1x1x16xf32>
        tpu.vector_store %arg14[%parallel_loop3A_1030, %parallel_loop3A_1031, %parallel_loop3A_1032], %parallel_loop3A_1035 {strides = array<i32>} : memref<2x88x128xf32, #tpu.memory_space<vmem>>, vector<1x1x16xf32>,
        %parallel_loop3A_1036 = vector.extract_strided_slice %parallel_loop3A_1003 {offsets = [1], sizes = [1], strides = [1]} : vector<16xf32> to vector<1xf32>
        %parallel_loop3A_1037 = vector.extract %parallel_loop3A_1036[0] : f32 from vector<1xf32>
        %parallel_loop3A_1038 = vector.broadcast %parallel_loop3A_1037 : f32 to vector<16xf32>
        %parallel_loop3A_1039 = arith.mulf %parallel_loop3A_1024, %parallel_loop3A_1038 : vector<16xf32>
        %parallel_loop3A_1040 = arith.constant 1 : i32
        %parallel_loop3A_1041 = arith.index_cast %parallel_loop3A_1040 : i32 to index
        %parallel_loop3A_1042 = arith.index_cast %parallel_loop3A_981 : i32 to index
        %parallel_loop3A_1043 = arith.constant 16 : index
        %parallel_loop3A_1044 = tpu.vector_load %arg14[%parallel_loop3A_1041, %parallel_loop3A_1042, %parallel_loop3A_1043] {strides = array<i32>} : memref<2x88x128xf32, #tpu.memory_space<vmem>>, vector<1x1x16xf32>,
        %parallel_loop3A_1045 = vector.shape_cast %parallel_loop3A_1044 : vector<1x1x16xf32> to vector<16xf32>
        %parallel_loop3A_1046 = vector.shape_cast %parallel_loop3A_1039 : vector<16xf32> to vector<1x1x16xf32>
        tpu.vector_store %arg14[%parallel_loop3A_1041, %parallel_loop3A_1042, %parallel_loop3A_1043], %parallel_loop3A_1046 {strides = array<i32>} : memref<2x88x128xf32, #tpu.memory_space<vmem>>, vector<1x1x16xf32>,
        %parallel_loop3A_1047 = arith.constant 1 : i32
        %parallel_loop3A_1048 = arith.index_cast %parallel_loop3A_1047 : i32 to index
        %parallel_loop3A_1049 = arith.index_cast %parallel_loop3A_981 : i32 to index
        %parallel_loop3A_1050 = arith.constant 16 : index
        %parallel_loop3A_1051 = tpu.vector_load %arg12[%parallel_loop3A_1048, %parallel_loop3A_1049, %parallel_loop3A_1050] {strides = array<i32>} : memref<2x88x80xi32, #tpu.memory_space<vmem>>, vector<1x1x16xi32>,
        %parallel_loop3A_1052 = vector.shape_cast %parallel_loop3A_1051 : vector<1x1x16xi32> to vector<16xi32>
        %parallel_loop3A_1053 = arith.constant 16 : i32
        %parallel_loop3A_1054 = vector.broadcast %parallel_loop3A_1053 : i32 to vector<16xi32>
        %parallel_loop3A_1055 = arith.shli %parallel_loop3A_1052, %parallel_loop3A_1054 : vector<16xi32>
        %parallel_loop3A_1056 = tpu.bitcast %parallel_loop3A_1055 : vector<16xi32> -> vector<16xf32>
        %parallel_loop3A_1057 = arith.constant -65536 : i32
        %parallel_loop3A_1058 = vector.broadcast %parallel_loop3A_1057 : i32 to vector<16xi32>
        %parallel_loop3A_1059 = arith.andi %parallel_loop3A_1052, %parallel_loop3A_1058 : vector<16xi32>
        %parallel_loop3A_1060 = tpu.bitcast %parallel_loop3A_1059 : vector<16xi32> -> vector<16xf32>
        %parallel_loop3A_1061 = vector.extract_strided_slice %parallel_loop3A_1003 {offsets = [2], sizes = [1], strides = [1]} : vector<16xf32> to vector<1xf32>
        %parallel_loop3A_1062 = vector.extract %parallel_loop3A_1061[0] : f32 from vector<1xf32>
        %parallel_loop3A_1063 = vector.broadcast %parallel_loop3A_1062 : f32 to vector<16xf32>
        %parallel_loop3A_1064 = arith.mulf %parallel_loop3A_1056, %parallel_loop3A_1063 : vector<16xf32>
        %parallel_loop3A_1065 = arith.constant 1 : i32
        %parallel_loop3A_1066 = arith.index_cast %parallel_loop3A_1065 : i32 to index
        %parallel_loop3A_1067 = arith.index_cast %parallel_loop3A_981 : i32 to index
        %parallel_loop3A_1068 = arith.constant 32 : index
        %parallel_loop3A_1069 = tpu.vector_load %arg14[%parallel_loop3A_1066, %parallel_loop3A_1067, %parallel_loop3A_1068] {strides = array<i32>} : memref<2x88x128xf32, #tpu.memory_space<vmem>>, vector<1x1x16xf32>,
        %parallel_loop3A_1070 = vector.shape_cast %parallel_loop3A_1069 : vector<1x1x16xf32> to vector<16xf32>
        %parallel_loop3A_1071 = vector.shape_cast %parallel_loop3A_1064 : vector<16xf32> to vector<1x1x16xf32>
        tpu.vector_store %arg14[%parallel_loop3A_1066, %parallel_loop3A_1067, %parallel_loop3A_1068], %parallel_loop3A_1071 {strides = array<i32>} : memref<2x88x128xf32, #tpu.memory_space<vmem>>, vector<1x1x16xf32>,
        %parallel_loop3A_1072 = vector.extract_strided_slice %parallel_loop3A_1003 {offsets = [3], sizes = [1], strides = [1]} : vector<16xf32> to vector<1xf32>
        %parallel_loop3A_1073 = vector.extract %parallel_loop3A_1072[0] : f32 from vector<1xf32>
        %parallel_loop3A_1074 = vector.broadcast %parallel_loop3A_1073 : f32 to vector<16xf32>
        %parallel_loop3A_1075 = arith.mulf %parallel_loop3A_1060, %parallel_loop3A_1074 : vector<16xf32>
        %parallel_loop3A_1076 = arith.constant 1 : i32
        %parallel_loop3A_1077 = arith.index_cast %parallel_loop3A_1076 : i32 to index
        %parallel_loop3A_1078 = arith.index_cast %parallel_loop3A_981 : i32 to index
        %parallel_loop3A_1079 = arith.constant 48 : index
        %parallel_loop3A_1080 = tpu.vector_load %arg14[%parallel_loop3A_1077, %parallel_loop3A_1078, %parallel_loop3A_1079] {strides = array<i32>} : memref<2x88x128xf32, #tpu.memory_space<vmem>>, vector<1x1x16xf32>,
        %parallel_loop3A_1081 = vector.shape_cast %parallel_loop3A_1080 : vector<1x1x16xf32> to vector<16xf32>
        %parallel_loop3A_1082 = vector.shape_cast %parallel_loop3A_1075 : vector<16xf32> to vector<1x1x16xf32>
        tpu.vector_store %arg14[%parallel_loop3A_1077, %parallel_loop3A_1078, %parallel_loop3A_1079], %parallel_loop3A_1082 {strides = array<i32>} : memref<2x88x128xf32, #tpu.memory_space<vmem>>, vector<1x1x16xf32>,
        %parallel_loop3A_1083 = arith.constant 1 : i32
        %parallel_loop3A_1084 = arith.index_cast %parallel_loop3A_1083 : i32 to index
        %parallel_loop3A_1085 = arith.index_cast %parallel_loop3A_981 : i32 to index
        %parallel_loop3A_1086 = arith.constant 32 : index
        %parallel_loop3A_1087 = tpu.vector_load %arg12[%parallel_loop3A_1084, %parallel_loop3A_1085, %parallel_loop3A_1086] {strides = array<i32>} : memref<2x88x80xi32, #tpu.memory_space<vmem>>, vector<1x1x16xi32>,
        %parallel_loop3A_1088 = vector.shape_cast %parallel_loop3A_1087 : vector<1x1x16xi32> to vector<16xi32>
        %parallel_loop3A_1089 = arith.constant 16 : i32
        %parallel_loop3A_1090 = vector.broadcast %parallel_loop3A_1089 : i32 to vector<16xi32>
        %parallel_loop3A_1091 = arith.shli %parallel_loop3A_1088, %parallel_loop3A_1090 : vector<16xi32>
        %parallel_loop3A_1092 = tpu.bitcast %parallel_loop3A_1091 : vector<16xi32> -> vector<16xf32>
        %parallel_loop3A_1093 = arith.constant -65536 : i32
        %parallel_loop3A_1094 = vector.broadcast %parallel_loop3A_1093 : i32 to vector<16xi32>
        %parallel_loop3A_1095 = arith.andi %parallel_loop3A_1088, %parallel_loop3A_1094 : vector<16xi32>
        %parallel_loop3A_1096 = tpu.bitcast %parallel_loop3A_1095 : vector<16xi32> -> vector<16xf32>
        %parallel_loop3A_1097 = vector.extract_strided_slice %parallel_loop3A_1003 {offsets = [4], sizes = [1], strides = [1]} : vector<16xf32> to vector<1xf32>
        %parallel_loop3A_1098 = vector.extract %parallel_loop3A_1097[0] : f32 from vector<1xf32>
        %parallel_loop3A_1099 = vector.broadcast %parallel_loop3A_1098 : f32 to vector<16xf32>
        %parallel_loop3A_1100 = arith.mulf %parallel_loop3A_1092, %parallel_loop3A_1099 : vector<16xf32>
        %parallel_loop3A_1101 = arith.constant 1 : i32
        %parallel_loop3A_1102 = arith.index_cast %parallel_loop3A_1101 : i32 to index
        %parallel_loop3A_1103 = arith.index_cast %parallel_loop3A_981 : i32 to index
        %parallel_loop3A_1104 = arith.constant 64 : index
        %parallel_loop3A_1105 = tpu.vector_load %arg14[%parallel_loop3A_1102, %parallel_loop3A_1103, %parallel_loop3A_1104] {strides = array<i32>} : memref<2x88x128xf32, #tpu.memory_space<vmem>>, vector<1x1x16xf32>,
        %parallel_loop3A_1106 = vector.shape_cast %parallel_loop3A_1105 : vector<1x1x16xf32> to vector<16xf32>
        %parallel_loop3A_1107 = vector.shape_cast %parallel_loop3A_1100 : vector<16xf32> to vector<1x1x16xf32>
        tpu.vector_store %arg14[%parallel_loop3A_1102, %parallel_loop3A_1103, %parallel_loop3A_1104], %parallel_loop3A_1107 {strides = array<i32>} : memref<2x88x128xf32, #tpu.memory_space<vmem>>, vector<1x1x16xf32>,
        %parallel_loop3A_1108 = vector.extract_strided_slice %parallel_loop3A_1003 {offsets = [5], sizes = [1], strides = [1]} : vector<16xf32> to vector<1xf32>
        %parallel_loop3A_1109 = vector.extract %parallel_loop3A_1108[0] : f32 from vector<1xf32>
        %parallel_loop3A_1110 = vector.broadcast %parallel_loop3A_1109 : f32 to vector<16xf32>
        %parallel_loop3A_1111 = arith.mulf %parallel_loop3A_1096, %parallel_loop3A_1110 : vector<16xf32>
        %parallel_loop3A_1112 = arith.constant 1 : i32
        %parallel_loop3A_1113 = arith.index_cast %parallel_loop3A_1112 : i32 to index
        %parallel_loop3A_1114 = arith.index_cast %parallel_loop3A_981 : i32 to index
        %parallel_loop3A_1115 = arith.constant 80 : index
        %parallel_loop3A_1116 = tpu.vector_load %arg14[%parallel_loop3A_1113, %parallel_loop3A_1114, %parallel_loop3A_1115] {strides = array<i32>} : memref<2x88x128xf32, #tpu.memory_space<vmem>>, vector<1x1x16xf32>,
        %parallel_loop3A_1117 = vector.shape_cast %parallel_loop3A_1116 : vector<1x1x16xf32> to vector<16xf32>
        %parallel_loop3A_1118 = vector.shape_cast %parallel_loop3A_1111 : vector<16xf32> to vector<1x1x16xf32>
        tpu.vector_store %arg14[%parallel_loop3A_1113, %parallel_loop3A_1114, %parallel_loop3A_1115], %parallel_loop3A_1118 {strides = array<i32>} : memref<2x88x128xf32, #tpu.memory_space<vmem>>, vector<1x1x16xf32>,
        %parallel_loop3A_1119 = arith.constant 1 : i32
        %parallel_loop3A_1120 = arith.index_cast %parallel_loop3A_1119 : i32 to index
        %parallel_loop3A_1121 = arith.index_cast %parallel_loop3A_981 : i32 to index
        %parallel_loop3A_1122 = arith.constant 48 : index
        %parallel_loop3A_1123 = tpu.vector_load %arg12[%parallel_loop3A_1120, %parallel_loop3A_1121, %parallel_loop3A_1122] {strides = array<i32>} : memref<2x88x80xi32, #tpu.memory_space<vmem>>, vector<1x1x16xi32>,
        %parallel_loop3A_1124 = vector.shape_cast %parallel_loop3A_1123 : vector<1x1x16xi32> to vector<16xi32>
        %parallel_loop3A_1125 = arith.constant 16 : i32
        %parallel_loop3A_1126 = vector.broadcast %parallel_loop3A_1125 : i32 to vector<16xi32>
        %parallel_loop3A_1127 = arith.shli %parallel_loop3A_1124, %parallel_loop3A_1126 : vector<16xi32>
        %parallel_loop3A_1128 = tpu.bitcast %parallel_loop3A_1127 : vector<16xi32> -> vector<16xf32>
        %parallel_loop3A_1129 = arith.constant -65536 : i32
        %parallel_loop3A_1130 = vector.broadcast %parallel_loop3A_1129 : i32 to vector<16xi32>
        %parallel_loop3A_1131 = arith.andi %parallel_loop3A_1124, %parallel_loop3A_1130 : vector<16xi32>
        %parallel_loop3A_1132 = tpu.bitcast %parallel_loop3A_1131 : vector<16xi32> -> vector<16xf32>
        %parallel_loop3A_1133 = vector.extract_strided_slice %parallel_loop3A_1003 {offsets = [6], sizes = [1], strides = [1]} : vector<16xf32> to vector<1xf32>
        %parallel_loop3A_1134 = vector.extract %parallel_loop3A_1133[0] : f32 from vector<1xf32>
        %parallel_loop3A_1135 = vector.broadcast %parallel_loop3A_1134 : f32 to vector<16xf32>
        %parallel_loop3A_1136 = arith.mulf %parallel_loop3A_1128, %parallel_loop3A_1135 : vector<16xf32>
        %parallel_loop3A_1137 = arith.constant 1 : i32
        %parallel_loop3A_1138 = arith.index_cast %parallel_loop3A_1137 : i32 to index
        %parallel_loop3A_1139 = arith.index_cast %parallel_loop3A_981 : i32 to index
        %parallel_loop3A_1140 = arith.constant 96 : index
        %parallel_loop3A_1141 = tpu.vector_load %arg14[%parallel_loop3A_1138, %parallel_loop3A_1139, %parallel_loop3A_1140] {strides = array<i32>} : memref<2x88x128xf32, #tpu.memory_space<vmem>>, vector<1x1x16xf32>,
        %parallel_loop3A_1142 = vector.shape_cast %parallel_loop3A_1141 : vector<1x1x16xf32> to vector<16xf32>
        %parallel_loop3A_1143 = vector.shape_cast %parallel_loop3A_1136 : vector<16xf32> to vector<1x1x16xf32>
        tpu.vector_store %arg14[%parallel_loop3A_1138, %parallel_loop3A_1139, %parallel_loop3A_1140], %parallel_loop3A_1143 {strides = array<i32>} : memref<2x88x128xf32, #tpu.memory_space<vmem>>, vector<1x1x16xf32>,
        %parallel_loop3A_1144 = vector.extract_strided_slice %parallel_loop3A_1003 {offsets = [7], sizes = [1], strides = [1]} : vector<16xf32> to vector<1xf32>
        %parallel_loop3A_1145 = vector.extract %parallel_loop3A_1144[0] : f32 from vector<1xf32>
        %parallel_loop3A_1146 = vector.broadcast %parallel_loop3A_1145 : f32 to vector<16xf32>
        %parallel_loop3A_1147 = arith.mulf %parallel_loop3A_1132, %parallel_loop3A_1146 : vector<16xf32>
        %parallel_loop3A_1148 = arith.constant 1 : i32
        %parallel_loop3A_1149 = arith.index_cast %parallel_loop3A_1148 : i32 to index
        %parallel_loop3A_1150 = arith.index_cast %parallel_loop3A_981 : i32 to index
        %parallel_loop3A_1151 = arith.constant 112 : index
        %parallel_loop3A_1152 = tpu.vector_load %arg14[%parallel_loop3A_1149, %parallel_loop3A_1150, %parallel_loop3A_1151] {strides = array<i32>} : memref<2x88x128xf32, #tpu.memory_space<vmem>>, vector<1x1x16xf32>,
        %parallel_loop3A_1153 = vector.shape_cast %parallel_loop3A_1152 : vector<1x1x16xf32> to vector<16xf32>
        %parallel_loop3A_1154 = vector.shape_cast %parallel_loop3A_1147 : vector<16xf32> to vector<1x1x16xf32>
        tpu.vector_store %arg14[%parallel_loop3A_1149, %parallel_loop3A_1150, %parallel_loop3A_1151], %parallel_loop3A_1154 {strides = array<i32>} : memref<2x88x128xf32, #tpu.memory_space<vmem>>, vector<1x1x16xf32>,
      } {sc.loop_unroll_factor = 4 : i64, sc.parallel_access}
      %rem3A_796 = arith.constant 4 : i32
      %rem3A_797 = arith.remsi %add3A_665, %rem3A_796 : i32
      %dma_start3A_798 = arith.constant 1 : i32
      %dma_start3A_799 = arith.constant 0 : i32
      %dma_start3A_800 = arith.constant 0 : i32
      %dma_start3A_801 = tpu.memref_slice %arg13[%dma_start3A_798, %dma_start3A_799, %dma_start3A_800] : memref<2x88x16xf32, #tpu.memory_space<vmem>> -> memref<1x88x16xf32, #tpu.memory_space<vmem>>
      %dma_start3A_802 = tpu.memref_squeeze %dma_start3A_801 : memref<1x88x16xf32, #tpu.memory_space<vmem>> -> memref<88x16xf32, #tpu.memory_space<vmem>>
      %dma_start3A_803 = arith.constant 0 : i32
      %dma_start3A_804 = tpu.memref_slice %arg11[%rem3A_797, %dma_start3A_803] : memref<4x88xi32, #tpu.memory_space<vmem>> -> memref<1x88xi32, #tpu.memory_space<vmem>>
      %dma_start3A_805 = tpu.memref_squeeze %dma_start3A_804 : memref<1x88xi32, #tpu.memory_space<vmem>> -> memref<88xi32, #tpu.memory_space<vmem>>
      %dma_start3A_806 = arith.constant 0 : i32
      %dma_start3A_807 = arith.constant 0 : i32
      %dma_start3A_808 = tpu.memref_slice %arg16[%dma_start3A_806, %dma_start3A_807] : memref<10008x16xf32, #tpu.memory_space<vmem_shared>> -> memref<10008x16xf32, #tpu.memory_space<vmem_shared>>
      tpu.enqueue_indirect_dma source(%dma_start3A_802 : memref<88x16xf32, #tpu.memory_space<vmem>>) target(%dma_start3A_808 : memref<10008x16xf32, #tpu.memory_space<vmem_shared>>) offsets(%dma_start3A_805 : memref<88xi32, #tpu.memory_space<vmem>>) semaphore(%arg22 : memref<!tpu.dma_semaphore, #tpu.memory_space<semaphore_mem>>) {add = true}
      %dma_start3A_809 = arith.constant 1 : i32
      %dma_start3A_810 = arith.constant 0 : i32
      %dma_start3A_811 = arith.constant 0 : i32
      %dma_start3A_812 = tpu.memref_slice %arg14[%dma_start3A_809, %dma_start3A_810, %dma_start3A_811] : memref<2x88x128xf32, #tpu.memory_space<vmem>> -> memref<1x88x128xf32, #tpu.memory_space<vmem>>
      %dma_start3A_813 = tpu.memref_squeeze %dma_start3A_812 : memref<1x88x128xf32, #tpu.memory_space<vmem>> -> memref<88x128xf32, #tpu.memory_space<vmem>>
      %dma_start3A_814 = arith.constant 0 : i32
      %dma_start3A_815 = tpu.memref_slice %arg11[%rem3A_797, %dma_start3A_814] : memref<4x88xi32, #tpu.memory_space<vmem>> -> memref<1x88xi32, #tpu.memory_space<vmem>>
      %dma_start3A_816 = tpu.memref_squeeze %dma_start3A_815 : memref<1x88xi32, #tpu.memory_space<vmem>> -> memref<88xi32, #tpu.memory_space<vmem>>
      %dma_start3A_817 = arith.constant 0 : i32
      %dma_start3A_818 = arith.constant 0 : i32
      %dma_start3A_819 = tpu.memref_slice %arg15[%dma_start3A_817, %dma_start3A_818] : memref<10008x128xf32, #tpu.memory_space<vmem_shared>> -> memref<10008x128xf32, #tpu.memory_space<vmem_shared>>
      tpu.enqueue_indirect_dma source(%dma_start3A_813 : memref<88x128xf32, #tpu.memory_space<vmem>>) target(%dma_start3A_819 : memref<10008x128xf32, #tpu.memory_space<vmem_shared>>) offsets(%dma_start3A_816 : memref<88xi32, #tpu.memory_space<vmem>>) semaphore(%arg22 : memref<!tpu.dma_semaphore, #tpu.memory_space<semaphore_mem>>) {add = true}
      %mul3A_820 = arith.constant 2 : i32
      %mul3A_821 = arith.muli %mul3A_820, %add3A_659 : i32
      %add3A_822 = arith.constant 1 : i32
      %add3A_823 = arith.addi %mul3A_821, %add3A_822 : i32
      %add3A_824 = arith.constant 1 : i32
      %add3A_825 = arith.addi %add3A_823, %add3A_824 : i32
      %rem3A_826 = arith.constant 4 : i32
      %rem3A_827 = arith.remsi %add3A_825, %rem3A_826 : i32
      %dma_wait3A_828 = arith.constant 0 : i32
      %dma_wait3A_829 = arith.constant 0 : i32
      %dma_wait3A_830 = arith.constant 0 : i32
      %dma_wait3A_831 = tpu.memref_slice %arg13[%dma_wait3A_828, %dma_wait3A_829, %dma_wait3A_830] : memref<2x88x16xf32, #tpu.memory_space<vmem>> -> memref<1x88x16xf32, #tpu.memory_space<vmem>>
      %dma_wait3A_832 = tpu.memref_squeeze %dma_wait3A_831 : memref<1x88x16xf32, #tpu.memory_space<vmem>> -> memref<88x16xf32, #tpu.memory_space<vmem>>
      %dma_wait3A_833 = arith.constant 0 : i32
      %dma_wait3A_834 = tpu.memref_slice %arg11[%rem3A_827, %dma_wait3A_833] : memref<4x88xi32, #tpu.memory_space<vmem>> -> memref<1x88xi32, #tpu.memory_space<vmem>>
      %dma_wait3A_835 = tpu.memref_squeeze %dma_wait3A_834 : memref<1x88xi32, #tpu.memory_space<vmem>> -> memref<88xi32, #tpu.memory_space<vmem>>
      %dma_wait3A_836 = arith.constant 0 : i32
      %dma_wait3A_837 = arith.constant 0 : i32
      %dma_wait3A_838 = tpu.memref_slice %arg5[%dma_wait3A_836, %dma_wait3A_837] : memref<10008x16xf32, #tpu.memory_space<hbm>> -> memref<10008x16xf32, #tpu.memory_space<hbm>>
      tpu.wait_indirect_dma semaphore(%arg19 : memref<!tpu.dma_semaphore, #tpu.memory_space<semaphore_mem>>) src(%dma_wait3A_838 : memref<10008x16xf32, #tpu.memory_space<hbm>>) dst(%dma_wait3A_832 : memref<88x16xf32, #tpu.memory_space<vmem>>)
      %dma_wait3A_839 = arith.constant 0 : i32
      %dma_wait3A_840 = arith.constant 0 : i32
      %dma_wait3A_841 = arith.constant 0 : i32
      %dma_wait3A_842 = tpu.memref_slice %arg12[%dma_wait3A_839, %dma_wait3A_840, %dma_wait3A_841] : memref<2x88x80xi32, #tpu.memory_space<vmem>> -> memref<1x88x80xi32, #tpu.memory_space<vmem>>
      %dma_wait3A_843 = tpu.memref_squeeze %dma_wait3A_842 : memref<1x88x80xi32, #tpu.memory_space<vmem>> -> memref<88x80xi32, #tpu.memory_space<vmem>>
      %dma_wait3A_844 = arith.constant 0 : i32
      %dma_wait3A_845 = tpu.memref_slice %arg10[%rem3A_827, %dma_wait3A_844] : memref<4x88xi32, #tpu.memory_space<vmem>> -> memref<1x88xi32, #tpu.memory_space<vmem>>
      %dma_wait3A_846 = tpu.memref_squeeze %dma_wait3A_845 : memref<1x88xi32, #tpu.memory_space<vmem>> -> memref<88xi32, #tpu.memory_space<vmem>>
      %dma_wait3A_847 = arith.constant 0 : i32
      %dma_wait3A_848 = arith.constant 0 : i32
      %dma_wait3A_849 = tpu.memref_slice %arg4[%dma_wait3A_847, %dma_wait3A_848] : memref<10008x80xi32, #tpu.memory_space<hbm>> -> memref<10008x80xi32, #tpu.memory_space<hbm>>
      tpu.wait_indirect_dma semaphore(%arg19 : memref<!tpu.dma_semaphore, #tpu.memory_space<semaphore_mem>>) src(%dma_wait3A_849 : memref<10008x80xi32, #tpu.memory_space<hbm>>) dst(%dma_wait3A_843 : memref<88x80xi32, #tpu.memory_space<vmem>>)
      %sub3A_850 = arith.constant 1 : i32
      %sub3A_851 = arith.subi %add3A_825, %sub3A_850 : i32
      %rem3A_852 = arith.constant 4 : i32
      %rem3A_853 = arith.remsi %sub3A_851, %rem3A_852 : i32
      %dma_wait3A_854 = arith.constant 1 : i32
      %dma_wait3A_855 = arith.constant 0 : i32
      %dma_wait3A_856 = arith.constant 0 : i32
      %dma_wait3A_857 = tpu.memref_slice %arg13[%dma_wait3A_854, %dma_wait3A_855, %dma_wait3A_856] : memref<2x88x16xf32, #tpu.memory_space<vmem>> -> memref<1x88x16xf32, #tpu.memory_space<vmem>>
      %dma_wait3A_858 = tpu.memref_squeeze %dma_wait3A_857 : memref<1x88x16xf32, #tpu.memory_space<vmem>> -> memref<88x16xf32, #tpu.memory_space<vmem>>
      %dma_wait3A_859 = arith.constant 0 : i32
      %dma_wait3A_860 = tpu.memref_slice %arg11[%rem3A_853, %dma_wait3A_859] : memref<4x88xi32, #tpu.memory_space<vmem>> -> memref<1x88xi32, #tpu.memory_space<vmem>>
      %dma_wait3A_861 = tpu.memref_squeeze %dma_wait3A_860 : memref<1x88xi32, #tpu.memory_space<vmem>> -> memref<88xi32, #tpu.memory_space<vmem>>
      %dma_wait3A_862 = arith.constant 0 : i32
      %dma_wait3A_863 = arith.constant 0 : i32
      %dma_wait3A_864 = tpu.memref_slice %arg16[%dma_wait3A_862, %dma_wait3A_863] : memref<10008x16xf32, #tpu.memory_space<vmem_shared>> -> memref<10008x16xf32, #tpu.memory_space<vmem_shared>>
      tpu.wait_indirect_dma semaphore(%arg22 : memref<!tpu.dma_semaphore, #tpu.memory_space<semaphore_mem>>) src(%dma_wait3A_858 : memref<88x16xf32, #tpu.memory_space<vmem>>) dst(%dma_wait3A_864 : memref<10008x16xf32, #tpu.memory_space<vmem_shared>>)
      %dma_wait3A_865 = arith.constant 1 : i32
      %dma_wait3A_866 = arith.constant 0 : i32
      %dma_wait3A_867 = arith.constant 0 : i32
      %dma_wait3A_868 = tpu.memref_slice %arg14[%dma_wait3A_865, %dma_wait3A_866, %dma_wait3A_867] : memref<2x88x128xf32, #tpu.memory_space<vmem>> -> memref<1x88x128xf32, #tpu.memory_space<vmem>>
      %dma_wait3A_869 = tpu.memref_squeeze %dma_wait3A_868 : memref<1x88x128xf32, #tpu.memory_space<vmem>> -> memref<88x128xf32, #tpu.memory_space<vmem>>
      %dma_wait3A_870 = arith.constant 0 : i32
      %dma_wait3A_871 = tpu.memref_slice %arg11[%rem3A_853, %dma_wait3A_870] : memref<4x88xi32, #tpu.memory_space<vmem>> -> memref<1x88xi32, #tpu.memory_space<vmem>>
      %dma_wait3A_872 = tpu.memref_squeeze %dma_wait3A_871 : memref<1x88xi32, #tpu.memory_space<vmem>> -> memref<88xi32, #tpu.memory_space<vmem>>
      %dma_wait3A_873 = arith.constant 0 : i32
      %dma_wait3A_874 = arith.constant 0 : i32
      %dma_wait3A_875 = tpu.memref_slice %arg15[%dma_wait3A_873, %dma_wait3A_874] : memref<10008x128xf32, #tpu.memory_space<vmem_shared>> -> memref<10008x128xf32, #tpu.memory_space<vmem_shared>>
      tpu.wait_indirect_dma semaphore(%arg22 : memref<!tpu.dma_semaphore, #tpu.memory_space<semaphore_mem>>) src(%dma_wait3A_869 : memref<88x128xf32, #tpu.memory_space<vmem>>) dst(%dma_wait3A_875 : memref<10008x128xf32, #tpu.memory_space<vmem_shared>>)
      %add3A_876 = arith.constant 1 : i32
      %add3A_877 = arith.addi %add3A_825, %add3A_876 : i32
      %rem3A_878 = arith.constant 4 : i32
      %rem3A_879 = arith.remsi %add3A_877, %rem3A_878 : i32
      %add3A_880 = arith.addi %mul3A_2, %add3A_877 : i32
      %mul3A_881 = arith.constant 88 : i32
      %mul3A_882 = arith.muli %add3A_880, %mul3A_881 : i32
      %dma_wait3A_883 = arith.constant 0 : i32
      %dma_wait3A_884 = tpu.memref_slice %arg10[%rem3A_879, %dma_wait3A_883] : memref<4x88xi32, #tpu.memory_space<vmem>> -> memref<1x88xi32, #tpu.memory_space<vmem>>
      %dma_wait3A_885 = tpu.memref_squeeze %dma_wait3A_884 : memref<1x88xi32, #tpu.memory_space<vmem>> -> memref<88xi32, #tpu.memory_space<vmem>>
      %dma_wait3A_886 = tpu.memref_slice %arg2[%mul3A_882] : memref<321024xi32, #tpu.memory_space<hbm>> -> memref<88xi32, #tpu.memory_space<hbm>>
      %dma_wait3A_887 = arith.constant 0 : i32
      %dma_wait3A_888 = tpu.memref_slice %arg10[%rem3A_879, %dma_wait3A_887] : memref<4x88xi32, #tpu.memory_space<vmem>> -> memref<1x88xi32, #tpu.memory_space<vmem>>
      %dma_wait3A_889 = tpu.memref_squeeze %dma_wait3A_888 : memref<1x88xi32, #tpu.memory_space<vmem>> -> memref<88xi32, #tpu.memory_space<vmem>>
      %dma_wait3A_890 = tpu.memref_slice %arg2[%mul3A_882] : memref<321024xi32, #tpu.memory_space<hbm>> -> memref<88xi32, #tpu.memory_space<hbm>>
      tpu.wait_dma2 semaphore(%arg18 : memref<!tpu.dma_semaphore, #tpu.memory_space<semaphore_mem>>) src(%dma_wait3A_890 : memref<88xi32, #tpu.memory_space<hbm>>) dst(%dma_wait3A_889 : memref<88xi32, #tpu.memory_space<vmem>>)
      %add3A_891 = arith.addi %mul3A_2, %add3A_877 : i32
      %mul3A_892 = arith.constant 88 : i32
      %mul3A_893 = arith.muli %add3A_891, %mul3A_892 : i32
      %dma_wait3A_894 = arith.constant 0 : i32
      %dma_wait3A_895 = tpu.memref_slice %arg11[%rem3A_879, %dma_wait3A_894] : memref<4x88xi32, #tpu.memory_space<vmem>> -> memref<1x88xi32, #tpu.memory_space<vmem>>
      %dma_wait3A_896 = tpu.memref_squeeze %dma_wait3A_895 : memref<1x88xi32, #tpu.memory_space<vmem>> -> memref<88xi32, #tpu.memory_space<vmem>>
      %dma_wait3A_897 = tpu.memref_slice %arg3[%mul3A_893] : memref<321024xi32, #tpu.memory_space<hbm>> -> memref<88xi32, #tpu.memory_space<hbm>>
      %dma_wait3A_898 = arith.constant 0 : i32
      %dma_wait3A_899 = tpu.memref_slice %arg11[%rem3A_879, %dma_wait3A_898] : memref<4x88xi32, #tpu.memory_space<vmem>> -> memref<1x88xi32, #tpu.memory_space<vmem>>
      %dma_wait3A_900 = tpu.memref_squeeze %dma_wait3A_899 : memref<1x88xi32, #tpu.memory_space<vmem>> -> memref<88xi32, #tpu.memory_space<vmem>>
      %dma_wait3A_901 = tpu.memref_slice %arg3[%mul3A_893] : memref<321024xi32, #tpu.memory_space<hbm>> -> memref<88xi32, #tpu.memory_space<hbm>>
      tpu.wait_dma2 semaphore(%arg18 : memref<!tpu.dma_semaphore, #tpu.memory_space<semaphore_mem>>) src(%dma_wait3A_901 : memref<88xi32, #tpu.memory_space<hbm>>) dst(%dma_wait3A_900 : memref<88xi32, #tpu.memory_space<vmem>>)
      %add3A_902 = arith.constant 1 : i32
      %add3A_903 = arith.addi %add3A_825, %add3A_902 : i32
      %rem3A_904 = arith.constant 4 : i32
      %rem3A_905 = arith.remsi %add3A_903, %rem3A_904 : i32
      %dma_start3A_906 = arith.constant 1 : i32
      %dma_start3A_907 = arith.constant 0 : i32
      %dma_start3A_908 = arith.constant 0 : i32
      %dma_start3A_909 = tpu.memref_slice %arg13[%dma_start3A_906, %dma_start3A_907, %dma_start3A_908] : memref<2x88x16xf32, #tpu.memory_space<vmem>> -> memref<1x88x16xf32, #tpu.memory_space<vmem>>
      %dma_start3A_910 = tpu.memref_squeeze %dma_start3A_909 : memref<1x88x16xf32, #tpu.memory_space<vmem>> -> memref<88x16xf32, #tpu.memory_space<vmem>>
      %dma_start3A_911 = arith.constant 0 : i32
      %dma_start3A_912 = tpu.memref_slice %arg11[%rem3A_905, %dma_start3A_911] : memref<4x88xi32, #tpu.memory_space<vmem>> -> memref<1x88xi32, #tpu.memory_space<vmem>>
      %dma_start3A_913 = tpu.memref_squeeze %dma_start3A_912 : memref<1x88xi32, #tpu.memory_space<vmem>> -> memref<88xi32, #tpu.memory_space<vmem>>
      %dma_start3A_914 = arith.constant 0 : i32
      %dma_start3A_915 = arith.constant 0 : i32
      %dma_start3A_916 = tpu.memref_slice %arg5[%dma_start3A_914, %dma_start3A_915] : memref<10008x16xf32, #tpu.memory_space<hbm>> -> memref<10008x16xf32, #tpu.memory_space<hbm>>
      tpu.enqueue_indirect_dma source(%dma_start3A_916 : memref<10008x16xf32, #tpu.memory_space<hbm>>) target(%dma_start3A_910 : memref<88x16xf32, #tpu.memory_space<vmem>>) offsets(%dma_start3A_913 : memref<88xi32, #tpu.memory_space<vmem>>) semaphore(%arg20 : memref<!tpu.dma_semaphore, #tpu.memory_space<semaphore_mem>>)
      %dma_start3A_917 = arith.constant 1 : i32
      %dma_start3A_918 = arith.constant 0 : i32
      %dma_start3A_919 = arith.constant 0 : i32
      %dma_start3A_920 = tpu.memref_slice %arg12[%dma_start3A_917, %dma_start3A_918, %dma_start3A_919] : memref<2x88x80xi32, #tpu.memory_space<vmem>> -> memref<1x88x80xi32, #tpu.memory_space<vmem>>
      %dma_start3A_921 = tpu.memref_squeeze %dma_start3A_920 : memref<1x88x80xi32, #tpu.memory_space<vmem>> -> memref<88x80xi32, #tpu.memory_space<vmem>>
      %dma_start3A_922 = arith.constant 0 : i32
      %dma_start3A_923 = tpu.memref_slice %arg10[%rem3A_905, %dma_start3A_922] : memref<4x88xi32, #tpu.memory_space<vmem>> -> memref<1x88xi32, #tpu.memory_space<vmem>>
      %dma_start3A_924 = tpu.memref_squeeze %dma_start3A_923 : memref<1x88xi32, #tpu.memory_space<vmem>> -> memref<88xi32, #tpu.memory_space<vmem>>
      %dma_start3A_925 = arith.constant 0 : i32
      %dma_start3A_926 = arith.constant 0 : i32
      %dma_start3A_927 = tpu.memref_slice %arg4[%dma_start3A_925, %dma_start3A_926] : memref<10008x80xi32, #tpu.memory_space<hbm>> -> memref<10008x80xi32, #tpu.memory_space<hbm>>
      tpu.enqueue_indirect_dma source(%dma_start3A_927 : memref<10008x80xi32, #tpu.memory_space<hbm>>) target(%dma_start3A_921 : memref<88x80xi32, #tpu.memory_space<vmem>>) offsets(%dma_start3A_924 : memref<88xi32, #tpu.memory_space<vmem>>) semaphore(%arg20 : memref<!tpu.dma_semaphore, #tpu.memory_space<semaphore_mem>>)
      %add3A_928 = arith.constant 3 : i32
      %add3A_929 = arith.addi %add3A_825, %add3A_928 : i32
      %rem3A_930 = arith.constant 4 : i32
      %rem3A_931 = arith.remsi %add3A_929, %rem3A_930 : i32
      %add3A_932 = arith.addi %mul3A_2, %add3A_929 : i32
      %mul3A_933 = arith.constant 88 : i32
      %mul3A_934 = arith.muli %add3A_932, %mul3A_933 : i32
      %dma_start3A_935 = arith.constant 0 : i32
      %dma_start3A_936 = tpu.memref_slice %arg10[%rem3A_931, %dma_start3A_935] : memref<4x88xi32, #tpu.memory_space<vmem>> -> memref<1x88xi32, #tpu.memory_space<vmem>>
      %dma_start3A_937 = tpu.memref_squeeze %dma_start3A_936 : memref<1x88xi32, #tpu.memory_space<vmem>> -> memref<88xi32, #tpu.memory_space<vmem>>
      %dma_start3A_938 = tpu.memref_slice %arg2[%mul3A_934] : memref<321024xi32, #tpu.memory_space<hbm>> -> memref<88xi32, #tpu.memory_space<hbm>>
      %dma_start3A_939 = arith.constant 0 : i32
      %dma_start3A_940 = tpu.memref_slice %arg10[%rem3A_931, %dma_start3A_939] : memref<4x88xi32, #tpu.memory_space<vmem>> -> memref<1x88xi32, #tpu.memory_space<vmem>>
      %dma_start3A_941 = tpu.memref_squeeze %dma_start3A_940 : memref<1x88xi32, #tpu.memory_space<vmem>> -> memref<88xi32, #tpu.memory_space<vmem>>
      %dma_start3A_942 = tpu.memref_slice %arg2[%mul3A_934] : memref<321024xi32, #tpu.memory_space<hbm>> -> memref<88xi32, #tpu.memory_space<hbm>>
      tpu.enqueue_dma source(%dma_start3A_942 : memref<88xi32, #tpu.memory_space<hbm>>) target(%dma_start3A_941 : memref<88xi32, #tpu.memory_space<vmem>>) target_semaphore(%arg18 : memref<!tpu.dma_semaphore, #tpu.memory_space<semaphore_mem>>)
      %add3A_943 = arith.addi %mul3A_2, %add3A_929 : i32
      %mul3A_944 = arith.constant 88 : i32
      %mul3A_945 = arith.muli %add3A_943, %mul3A_944 : i32
      %dma_start3A_946 = arith.constant 0 : i32
      %dma_start3A_947 = tpu.memref_slice %arg11[%rem3A_931, %dma_start3A_946] : memref<4x88xi32, #tpu.memory_space<vmem>> -> memref<1x88xi32, #tpu.memory_space<vmem>>
      %dma_start3A_948 = tpu.memref_squeeze %dma_start3A_947 : memref<1x88xi32, #tpu.memory_space<vmem>> -> memref<88xi32, #tpu.memory_space<vmem>>
      %dma_start3A_949 = tpu.memref_slice %arg3[%mul3A_945] : memref<321024xi32, #tpu.memory_space<hbm>> -> memref<88xi32, #tpu.memory_space<hbm>>
      %dma_start3A_950 = arith.constant 0 : i32
      %dma_start3A_951 = tpu.memref_slice %arg11[%rem3A_931, %dma_start3A_950] : memref<4x88xi32, #tpu.memory_space<vmem>> -> memref<1x88xi32, #tpu.memory_space<vmem>>
      %dma_start3A_952 = tpu.memref_squeeze %dma_start3A_951 : memref<1x88xi32, #tpu.memory_space<vmem>> -> memref<88xi32, #tpu.memory_space<vmem>>
      %dma_start3A_953 = tpu.memref_slice %arg3[%mul3A_945] : memref<321024xi32, #tpu.memory_space<hbm>> -> memref<88xi32, #tpu.memory_space<hbm>>
      tpu.enqueue_dma source(%dma_start3A_953 : memref<88xi32, #tpu.memory_space<hbm>>) target(%dma_start3A_952 : memref<88xi32, #tpu.memory_space<vmem>>) target_semaphore(%arg18 : memref<!tpu.dma_semaphore, #tpu.memory_space<semaphore_mem>>)
      %parallel_loop3A_954 = arith.constant 0 : i32
      %parallel_loop3A_955 = arith.constant 88 : i32
      %parallel_loop3A_956 = arith.constant 1 : i32
      scf.for %parallel_loop3A_981 = %parallel_loop3A_954 to %parallel_loop3A_955 step %parallel_loop3A_956  : i32 {
        %parallel_loop3A_982 = arith.constant 0 : i32
        %parallel_loop3A_983 = arith.index_cast %parallel_loop3A_982 : i32 to index
        %parallel_loop3A_984 = arith.index_cast %parallel_loop3A_981 : i32 to index
        %parallel_loop3A_985 = arith.constant 64 : index
        %parallel_loop3A_986 = tpu.vector_load %arg12[%parallel_loop3A_983, %parallel_loop3A_984, %parallel_loop3A_985] {strides = array<i32>} : memref<2x88x80xi32, #tpu.memory_space<vmem>>, vector<1x1x16xi32>,
        %parallel_loop3A_987 = vector.shape_cast %parallel_loop3A_986 : vector<1x1x16xi32> to vector<16xi32>
        %parallel_loop3A_988 = tpu.bitcast %parallel_loop3A_987 : vector<16xi32> -> vector<16xf32>
        %parallel_loop3A_989 = arith.constant 0 : i32
        %parallel_loop3A_990 = arith.index_cast %parallel_loop3A_989 : i32 to index
        %parallel_loop3A_991 = arith.index_cast %parallel_loop3A_981 : i32 to index
        %parallel_loop3A_992 = arith.constant 0 : index
        %parallel_loop3A_993 = tpu.vector_load %arg13[%parallel_loop3A_990, %parallel_loop3A_991, %parallel_loop3A_992] {strides = array<i32>} : memref<2x88x16xf32, #tpu.memory_space<vmem>>, vector<1x1x16xf32>,
        %parallel_loop3A_994 = vector.shape_cast %parallel_loop3A_993 : vector<1x1x16xf32> to vector<16xf32>
        %parallel_loop3A_995 = arith.addf %parallel_loop3A_988, %parallel_loop3A_994 : vector<16xf32>
        %parallel_loop3A_996 = arith.constant 0.000000e+00 : f32
        %parallel_loop3A_997 = vector.broadcast %parallel_loop3A_996 : f32 to vector<16xf32>
        %parallel_loop3A_998 = arith.cmpf olt, %parallel_loop3A_995, %parallel_loop3A_997 : vector<16xf32>
        %parallel_loop3A_999 = arith.constant 0.00999999977 : f32
        %parallel_loop3A_1000 = vector.broadcast %parallel_loop3A_999 : f32 to vector<16xf32>
        %parallel_loop3A_1001 = arith.mulf %parallel_loop3A_995, %parallel_loop3A_1000 : vector<16xf32>
        %parallel_loop3A_1002 = arith.select %parallel_loop3A_998, %parallel_loop3A_1001, %parallel_loop3A_995 : vector<16xi1>, vector<16xf32>
        %parallel_loop3A_1003 = math.exp %parallel_loop3A_1002 : vector<16xf32>
        %parallel_loop3A_1004 = arith.constant 0 : i32
        %parallel_loop3A_1005 = arith.index_cast %parallel_loop3A_1004 : i32 to index
        %parallel_loop3A_1006 = arith.index_cast %parallel_loop3A_981 : i32 to index
        %parallel_loop3A_1007 = arith.constant 0 : index
        %parallel_loop3A_1008 = tpu.vector_load %arg13[%parallel_loop3A_1005, %parallel_loop3A_1006, %parallel_loop3A_1007] {strides = array<i32>} : memref<2x88x16xf32, #tpu.memory_space<vmem>>, vector<1x1x16xf32>,
        %parallel_loop3A_1009 = vector.shape_cast %parallel_loop3A_1008 : vector<1x1x16xf32> to vector<16xf32>
        %parallel_loop3A_1010 = vector.shape_cast %parallel_loop3A_1003 : vector<16xf32> to vector<1x1x16xf32>
        tpu.vector_store %arg13[%parallel_loop3A_1005, %parallel_loop3A_1006, %parallel_loop3A_1007], %parallel_loop3A_1010 {strides = array<i32>} : memref<2x88x16xf32, #tpu.memory_space<vmem>>, vector<1x1x16xf32>,
        %parallel_loop3A_1011 = arith.constant 0 : i32
        %parallel_loop3A_1012 = arith.index_cast %parallel_loop3A_1011 : i32 to index
        %parallel_loop3A_1013 = arith.index_cast %parallel_loop3A_981 : i32 to index
        %parallel_loop3A_1014 = arith.constant 0 : index
        %parallel_loop3A_1015 = tpu.vector_load %arg12[%parallel_loop3A_1012, %parallel_loop3A_1013, %parallel_loop3A_1014] {strides = array<i32>} : memref<2x88x80xi32, #tpu.memory_space<vmem>>, vector<1x1x16xi32>,
        %parallel_loop3A_1016 = vector.shape_cast %parallel_loop3A_1015 : vector<1x1x16xi32> to vector<16xi32>
        %parallel_loop3A_1017 = arith.constant 16 : i32
        %parallel_loop3A_1018 = vector.broadcast %parallel_loop3A_1017 : i32 to vector<16xi32>
        %parallel_loop3A_1019 = arith.shli %parallel_loop3A_1016, %parallel_loop3A_1018 : vector<16xi32>
        %parallel_loop3A_1020 = tpu.bitcast %parallel_loop3A_1019 : vector<16xi32> -> vector<16xf32>
        %parallel_loop3A_1021 = arith.constant -65536 : i32
        %parallel_loop3A_1022 = vector.broadcast %parallel_loop3A_1021 : i32 to vector<16xi32>
        %parallel_loop3A_1023 = arith.andi %parallel_loop3A_1016, %parallel_loop3A_1022 : vector<16xi32>
        %parallel_loop3A_1024 = tpu.bitcast %parallel_loop3A_1023 : vector<16xi32> -> vector<16xf32>
        %parallel_loop3A_1025 = vector.extract_strided_slice %parallel_loop3A_1003 {offsets = [0], sizes = [1], strides = [1]} : vector<16xf32> to vector<1xf32>
        %parallel_loop3A_1026 = vector.extract %parallel_loop3A_1025[0] : f32 from vector<1xf32>
        %parallel_loop3A_1027 = vector.broadcast %parallel_loop3A_1026 : f32 to vector<16xf32>
        %parallel_loop3A_1028 = arith.mulf %parallel_loop3A_1020, %parallel_loop3A_1027 : vector<16xf32>
        %parallel_loop3A_1029 = arith.constant 0 : i32
        %parallel_loop3A_1030 = arith.index_cast %parallel_loop3A_1029 : i32 to index
        %parallel_loop3A_1031 = arith.index_cast %parallel_loop3A_981 : i32 to index
        %parallel_loop3A_1032 = arith.constant 0 : index
        %parallel_loop3A_1033 = tpu.vector_load %arg14[%parallel_loop3A_1030, %parallel_loop3A_1031, %parallel_loop3A_1032] {strides = array<i32>} : memref<2x88x128xf32, #tpu.memory_space<vmem>>, vector<1x1x16xf32>,
        %parallel_loop3A_1034 = vector.shape_cast %parallel_loop3A_1033 : vector<1x1x16xf32> to vector<16xf32>
        %parallel_loop3A_1035 = vector.shape_cast %parallel_loop3A_1028 : vector<16xf32> to vector<1x1x16xf32>
        tpu.vector_store %arg14[%parallel_loop3A_1030, %parallel_loop3A_1031, %parallel_loop3A_1032], %parallel_loop3A_1035 {strides = array<i32>} : memref<2x88x128xf32, #tpu.memory_space<vmem>>, vector<1x1x16xf32>,
        %parallel_loop3A_1036 = vector.extract_strided_slice %parallel_loop3A_1003 {offsets = [1], sizes = [1], strides = [1]} : vector<16xf32> to vector<1xf32>
        %parallel_loop3A_1037 = vector.extract %parallel_loop3A_1036[0] : f32 from vector<1xf32>
        %parallel_loop3A_1038 = vector.broadcast %parallel_loop3A_1037 : f32 to vector<16xf32>
        %parallel_loop3A_1039 = arith.mulf %parallel_loop3A_1024, %parallel_loop3A_1038 : vector<16xf32>
        %parallel_loop3A_1040 = arith.constant 0 : i32
        %parallel_loop3A_1041 = arith.index_cast %parallel_loop3A_1040 : i32 to index
        %parallel_loop3A_1042 = arith.index_cast %parallel_loop3A_981 : i32 to index
        %parallel_loop3A_1043 = arith.constant 16 : index
        %parallel_loop3A_1044 = tpu.vector_load %arg14[%parallel_loop3A_1041, %parallel_loop3A_1042, %parallel_loop3A_1043] {strides = array<i32>} : memref<2x88x128xf32, #tpu.memory_space<vmem>>, vector<1x1x16xf32>,
        %parallel_loop3A_1045 = vector.shape_cast %parallel_loop3A_1044 : vector<1x1x16xf32> to vector<16xf32>
        %parallel_loop3A_1046 = vector.shape_cast %parallel_loop3A_1039 : vector<16xf32> to vector<1x1x16xf32>
        tpu.vector_store %arg14[%parallel_loop3A_1041, %parallel_loop3A_1042, %parallel_loop3A_1043], %parallel_loop3A_1046 {strides = array<i32>} : memref<2x88x128xf32, #tpu.memory_space<vmem>>, vector<1x1x16xf32>,
        %parallel_loop3A_1047 = arith.constant 0 : i32
        %parallel_loop3A_1048 = arith.index_cast %parallel_loop3A_1047 : i32 to index
        %parallel_loop3A_1049 = arith.index_cast %parallel_loop3A_981 : i32 to index
        %parallel_loop3A_1050 = arith.constant 16 : index
        %parallel_loop3A_1051 = tpu.vector_load %arg12[%parallel_loop3A_1048, %parallel_loop3A_1049, %parallel_loop3A_1050] {strides = array<i32>} : memref<2x88x80xi32, #tpu.memory_space<vmem>>, vector<1x1x16xi32>,
        %parallel_loop3A_1052 = vector.shape_cast %parallel_loop3A_1051 : vector<1x1x16xi32> to vector<16xi32>
        %parallel_loop3A_1053 = arith.constant 16 : i32
        %parallel_loop3A_1054 = vector.broadcast %parallel_loop3A_1053 : i32 to vector<16xi32>
        %parallel_loop3A_1055 = arith.shli %parallel_loop3A_1052, %parallel_loop3A_1054 : vector<16xi32>
        %parallel_loop3A_1056 = tpu.bitcast %parallel_loop3A_1055 : vector<16xi32> -> vector<16xf32>
        %parallel_loop3A_1057 = arith.constant -65536 : i32
        %parallel_loop3A_1058 = vector.broadcast %parallel_loop3A_1057 : i32 to vector<16xi32>
        %parallel_loop3A_1059 = arith.andi %parallel_loop3A_1052, %parallel_loop3A_1058 : vector<16xi32>
        %parallel_loop3A_1060 = tpu.bitcast %parallel_loop3A_1059 : vector<16xi32> -> vector<16xf32>
        %parallel_loop3A_1061 = vector.extract_strided_slice %parallel_loop3A_1003 {offsets = [2], sizes = [1], strides = [1]} : vector<16xf32> to vector<1xf32>
        %parallel_loop3A_1062 = vector.extract %parallel_loop3A_1061[0] : f32 from vector<1xf32>
        %parallel_loop3A_1063 = vector.broadcast %parallel_loop3A_1062 : f32 to vector<16xf32>
        %parallel_loop3A_1064 = arith.mulf %parallel_loop3A_1056, %parallel_loop3A_1063 : vector<16xf32>
        %parallel_loop3A_1065 = arith.constant 0 : i32
        %parallel_loop3A_1066 = arith.index_cast %parallel_loop3A_1065 : i32 to index
        %parallel_loop3A_1067 = arith.index_cast %parallel_loop3A_981 : i32 to index
        %parallel_loop3A_1068 = arith.constant 32 : index
        %parallel_loop3A_1069 = tpu.vector_load %arg14[%parallel_loop3A_1066, %parallel_loop3A_1067, %parallel_loop3A_1068] {strides = array<i32>} : memref<2x88x128xf32, #tpu.memory_space<vmem>>, vector<1x1x16xf32>,
        %parallel_loop3A_1070 = vector.shape_cast %parallel_loop3A_1069 : vector<1x1x16xf32> to vector<16xf32>
        %parallel_loop3A_1071 = vector.shape_cast %parallel_loop3A_1064 : vector<16xf32> to vector<1x1x16xf32>
        tpu.vector_store %arg14[%parallel_loop3A_1066, %parallel_loop3A_1067, %parallel_loop3A_1068], %parallel_loop3A_1071 {strides = array<i32>} : memref<2x88x128xf32, #tpu.memory_space<vmem>>, vector<1x1x16xf32>,
        %parallel_loop3A_1072 = vector.extract_strided_slice %parallel_loop3A_1003 {offsets = [3], sizes = [1], strides = [1]} : vector<16xf32> to vector<1xf32>
        %parallel_loop3A_1073 = vector.extract %parallel_loop3A_1072[0] : f32 from vector<1xf32>
        %parallel_loop3A_1074 = vector.broadcast %parallel_loop3A_1073 : f32 to vector<16xf32>
        %parallel_loop3A_1075 = arith.mulf %parallel_loop3A_1060, %parallel_loop3A_1074 : vector<16xf32>
        %parallel_loop3A_1076 = arith.constant 0 : i32
        %parallel_loop3A_1077 = arith.index_cast %parallel_loop3A_1076 : i32 to index
        %parallel_loop3A_1078 = arith.index_cast %parallel_loop3A_981 : i32 to index
        %parallel_loop3A_1079 = arith.constant 48 : index
        %parallel_loop3A_1080 = tpu.vector_load %arg14[%parallel_loop3A_1077, %parallel_loop3A_1078, %parallel_loop3A_1079] {strides = array<i32>} : memref<2x88x128xf32, #tpu.memory_space<vmem>>, vector<1x1x16xf32>,
        %parallel_loop3A_1081 = vector.shape_cast %parallel_loop3A_1080 : vector<1x1x16xf32> to vector<16xf32>
        %parallel_loop3A_1082 = vector.shape_cast %parallel_loop3A_1075 : vector<16xf32> to vector<1x1x16xf32>
        tpu.vector_store %arg14[%parallel_loop3A_1077, %parallel_loop3A_1078, %parallel_loop3A_1079], %parallel_loop3A_1082 {strides = array<i32>} : memref<2x88x128xf32, #tpu.memory_space<vmem>>, vector<1x1x16xf32>,
        %parallel_loop3A_1083 = arith.constant 0 : i32
        %parallel_loop3A_1084 = arith.index_cast %parallel_loop3A_1083 : i32 to index
        %parallel_loop3A_1085 = arith.index_cast %parallel_loop3A_981 : i32 to index
        %parallel_loop3A_1086 = arith.constant 32 : index
        %parallel_loop3A_1087 = tpu.vector_load %arg12[%parallel_loop3A_1084, %parallel_loop3A_1085, %parallel_loop3A_1086] {strides = array<i32>} : memref<2x88x80xi32, #tpu.memory_space<vmem>>, vector<1x1x16xi32>,
        %parallel_loop3A_1088 = vector.shape_cast %parallel_loop3A_1087 : vector<1x1x16xi32> to vector<16xi32>
        %parallel_loop3A_1089 = arith.constant 16 : i32
        %parallel_loop3A_1090 = vector.broadcast %parallel_loop3A_1089 : i32 to vector<16xi32>
        %parallel_loop3A_1091 = arith.shli %parallel_loop3A_1088, %parallel_loop3A_1090 : vector<16xi32>
        %parallel_loop3A_1092 = tpu.bitcast %parallel_loop3A_1091 : vector<16xi32> -> vector<16xf32>
        %parallel_loop3A_1093 = arith.constant -65536 : i32
        %parallel_loop3A_1094 = vector.broadcast %parallel_loop3A_1093 : i32 to vector<16xi32>
        %parallel_loop3A_1095 = arith.andi %parallel_loop3A_1088, %parallel_loop3A_1094 : vector<16xi32>
        %parallel_loop3A_1096 = tpu.bitcast %parallel_loop3A_1095 : vector<16xi32> -> vector<16xf32>
        %parallel_loop3A_1097 = vector.extract_strided_slice %parallel_loop3A_1003 {offsets = [4], sizes = [1], strides = [1]} : vector<16xf32> to vector<1xf32>
        %parallel_loop3A_1098 = vector.extract %parallel_loop3A_1097[0] : f32 from vector<1xf32>
        %parallel_loop3A_1099 = vector.broadcast %parallel_loop3A_1098 : f32 to vector<16xf32>
        %parallel_loop3A_1100 = arith.mulf %parallel_loop3A_1092, %parallel_loop3A_1099 : vector<16xf32>
        %parallel_loop3A_1101 = arith.constant 0 : i32
        %parallel_loop3A_1102 = arith.index_cast %parallel_loop3A_1101 : i32 to index
        %parallel_loop3A_1103 = arith.index_cast %parallel_loop3A_981 : i32 to index
        %parallel_loop3A_1104 = arith.constant 64 : index
        %parallel_loop3A_1105 = tpu.vector_load %arg14[%parallel_loop3A_1102, %parallel_loop3A_1103, %parallel_loop3A_1104] {strides = array<i32>} : memref<2x88x128xf32, #tpu.memory_space<vmem>>, vector<1x1x16xf32>,
        %parallel_loop3A_1106 = vector.shape_cast %parallel_loop3A_1105 : vector<1x1x16xf32> to vector<16xf32>
        %parallel_loop3A_1107 = vector.shape_cast %parallel_loop3A_1100 : vector<16xf32> to vector<1x1x16xf32>
        tpu.vector_store %arg14[%parallel_loop3A_1102, %parallel_loop3A_1103, %parallel_loop3A_1104], %parallel_loop3A_1107 {strides = array<i32>} : memref<2x88x128xf32, #tpu.memory_space<vmem>>, vector<1x1x16xf32>,
        %parallel_loop3A_1108 = vector.extract_strided_slice %parallel_loop3A_1003 {offsets = [5], sizes = [1], strides = [1]} : vector<16xf32> to vector<1xf32>
        %parallel_loop3A_1109 = vector.extract %parallel_loop3A_1108[0] : f32 from vector<1xf32>
        %parallel_loop3A_1110 = vector.broadcast %parallel_loop3A_1109 : f32 to vector<16xf32>
        %parallel_loop3A_1111 = arith.mulf %parallel_loop3A_1096, %parallel_loop3A_1110 : vector<16xf32>
        %parallel_loop3A_1112 = arith.constant 0 : i32
        %parallel_loop3A_1113 = arith.index_cast %parallel_loop3A_1112 : i32 to index
        %parallel_loop3A_1114 = arith.index_cast %parallel_loop3A_981 : i32 to index
        %parallel_loop3A_1115 = arith.constant 80 : index
        %parallel_loop3A_1116 = tpu.vector_load %arg14[%parallel_loop3A_1113, %parallel_loop3A_1114, %parallel_loop3A_1115] {strides = array<i32>} : memref<2x88x128xf32, #tpu.memory_space<vmem>>, vector<1x1x16xf32>,
        %parallel_loop3A_1117 = vector.shape_cast %parallel_loop3A_1116 : vector<1x1x16xf32> to vector<16xf32>
        %parallel_loop3A_1118 = vector.shape_cast %parallel_loop3A_1111 : vector<16xf32> to vector<1x1x16xf32>
        tpu.vector_store %arg14[%parallel_loop3A_1113, %parallel_loop3A_1114, %parallel_loop3A_1115], %parallel_loop3A_1118 {strides = array<i32>} : memref<2x88x128xf32, #tpu.memory_space<vmem>>, vector<1x1x16xf32>,
        %parallel_loop3A_1119 = arith.constant 0 : i32
        %parallel_loop3A_1120 = arith.index_cast %parallel_loop3A_1119 : i32 to index
        %parallel_loop3A_1121 = arith.index_cast %parallel_loop3A_981 : i32 to index
        %parallel_loop3A_1122 = arith.constant 48 : index
        %parallel_loop3A_1123 = tpu.vector_load %arg12[%parallel_loop3A_1120, %parallel_loop3A_1121, %parallel_loop3A_1122] {strides = array<i32>} : memref<2x88x80xi32, #tpu.memory_space<vmem>>, vector<1x1x16xi32>,
        %parallel_loop3A_1124 = vector.shape_cast %parallel_loop3A_1123 : vector<1x1x16xi32> to vector<16xi32>
        %parallel_loop3A_1125 = arith.constant 16 : i32
        %parallel_loop3A_1126 = vector.broadcast %parallel_loop3A_1125 : i32 to vector<16xi32>
        %parallel_loop3A_1127 = arith.shli %parallel_loop3A_1124, %parallel_loop3A_1126 : vector<16xi32>
        %parallel_loop3A_1128 = tpu.bitcast %parallel_loop3A_1127 : vector<16xi32> -> vector<16xf32>
        %parallel_loop3A_1129 = arith.constant -65536 : i32
        %parallel_loop3A_1130 = vector.broadcast %parallel_loop3A_1129 : i32 to vector<16xi32>
        %parallel_loop3A_1131 = arith.andi %parallel_loop3A_1124, %parallel_loop3A_1130 : vector<16xi32>
        %parallel_loop3A_1132 = tpu.bitcast %parallel_loop3A_1131 : vector<16xi32> -> vector<16xf32>
        %parallel_loop3A_1133 = vector.extract_strided_slice %parallel_loop3A_1003 {offsets = [6], sizes = [1], strides = [1]} : vector<16xf32> to vector<1xf32>
        %parallel_loop3A_1134 = vector.extract %parallel_loop3A_1133[0] : f32 from vector<1xf32>
        %parallel_loop3A_1135 = vector.broadcast %parallel_loop3A_1134 : f32 to vector<16xf32>
        %parallel_loop3A_1136 = arith.mulf %parallel_loop3A_1128, %parallel_loop3A_1135 : vector<16xf32>
        %parallel_loop3A_1137 = arith.constant 0 : i32
        %parallel_loop3A_1138 = arith.index_cast %parallel_loop3A_1137 : i32 to index
        %parallel_loop3A_1139 = arith.index_cast %parallel_loop3A_981 : i32 to index
        %parallel_loop3A_1140 = arith.constant 96 : index
        %parallel_loop3A_1141 = tpu.vector_load %arg14[%parallel_loop3A_1138, %parallel_loop3A_1139, %parallel_loop3A_1140] {strides = array<i32>} : memref<2x88x128xf32, #tpu.memory_space<vmem>>, vector<1x1x16xf32>,
        %parallel_loop3A_1142 = vector.shape_cast %parallel_loop3A_1141 : vector<1x1x16xf32> to vector<16xf32>
        %parallel_loop3A_1143 = vector.shape_cast %parallel_loop3A_1136 : vector<16xf32> to vector<1x1x16xf32>
        tpu.vector_store %arg14[%parallel_loop3A_1138, %parallel_loop3A_1139, %parallel_loop3A_1140], %parallel_loop3A_1143 {strides = array<i32>} : memref<2x88x128xf32, #tpu.memory_space<vmem>>, vector<1x1x16xf32>,
        %parallel_loop3A_1144 = vector.extract_strided_slice %parallel_loop3A_1003 {offsets = [7], sizes = [1], strides = [1]} : vector<16xf32> to vector<1xf32>
        %parallel_loop3A_1145 = vector.extract %parallel_loop3A_1144[0] : f32 from vector<1xf32>
        %parallel_loop3A_1146 = vector.broadcast %parallel_loop3A_1145 : f32 to vector<16xf32>
        %parallel_loop3A_1147 = arith.mulf %parallel_loop3A_1132, %parallel_loop3A_1146 : vector<16xf32>
        %parallel_loop3A_1148 = arith.constant 0 : i32
        %parallel_loop3A_1149 = arith.index_cast %parallel_loop3A_1148 : i32 to index
        %parallel_loop3A_1150 = arith.index_cast %parallel_loop3A_981 : i32 to index
        %parallel_loop3A_1151 = arith.constant 112 : index
        %parallel_loop3A_1152 = tpu.vector_load %arg14[%parallel_loop3A_1149, %parallel_loop3A_1150, %parallel_loop3A_1151] {strides = array<i32>} : memref<2x88x128xf32, #tpu.memory_space<vmem>>, vector<1x1x16xf32>,
        %parallel_loop3A_1153 = vector.shape_cast %parallel_loop3A_1152 : vector<1x1x16xf32> to vector<16xf32>
        %parallel_loop3A_1154 = vector.shape_cast %parallel_loop3A_1147 : vector<16xf32> to vector<1x1x16xf32>
        tpu.vector_store %arg14[%parallel_loop3A_1149, %parallel_loop3A_1150, %parallel_loop3A_1151], %parallel_loop3A_1154 {strides = array<i32>} : memref<2x88x128xf32, #tpu.memory_space<vmem>>, vector<1x1x16xf32>,
      } {sc.loop_unroll_factor = 4 : i64, sc.parallel_access}
      %rem3A_957 = arith.constant 4 : i32
      %rem3A_958 = arith.remsi %add3A_825, %rem3A_957 : i32
      %dma_start3A_959 = arith.constant 0 : i32
      %dma_start3A_960 = arith.constant 0 : i32
      %dma_start3A_961 = arith.constant 0 : i32
      %dma_start3A_962 = tpu.memref_slice %arg13[%dma_start3A_959, %dma_start3A_960, %dma_start3A_961] : memref<2x88x16xf32, #tpu.memory_space<vmem>> -> memref<1x88x16xf32, #tpu.memory_space<vmem>>
      %dma_start3A_963 = tpu.memref_squeeze %dma_start3A_962 : memref<1x88x16xf32, #tpu.memory_space<vmem>> -> memref<88x16xf32, #tpu.memory_space<vmem>>
      %dma_start3A_964 = arith.constant 0 : i32
      %dma_start3A_965 = tpu.memref_slice %arg11[%rem3A_958, %dma_start3A_964] : memref<4x88xi32, #tpu.memory_space<vmem>> -> memref<1x88xi32, #tpu.memory_space<vmem>>
      %dma_start3A_966 = tpu.memref_squeeze %dma_start3A_965 : memref<1x88xi32, #tpu.memory_space<vmem>> -> memref<88xi32, #tpu.memory_space<vmem>>
      %dma_start3A_967 = arith.constant 0 : i32
      %dma_start3A_968 = arith.constant 0 : i32
      %dma_start3A_969 = tpu.memref_slice %arg16[%dma_start3A_967, %dma_start3A_968] : memref<10008x16xf32, #tpu.memory_space<vmem_shared>> -> memref<10008x16xf32, #tpu.memory_space<vmem_shared>>
      tpu.enqueue_indirect_dma source(%dma_start3A_963 : memref<88x16xf32, #tpu.memory_space<vmem>>) target(%dma_start3A_969 : memref<10008x16xf32, #tpu.memory_space<vmem_shared>>) offsets(%dma_start3A_966 : memref<88xi32, #tpu.memory_space<vmem>>) semaphore(%arg21 : memref<!tpu.dma_semaphore, #tpu.memory_space<semaphore_mem>>) {add = true}
      %dma_start3A_970 = arith.constant 0 : i32
      %dma_start3A_971 = arith.constant 0 : i32
      %dma_start3A_972 = arith.constant 0 : i32
      %dma_start3A_973 = tpu.memref_slice %arg14[%dma_start3A_970, %dma_start3A_971, %dma_start3A_972] : memref<2x88x128xf32, #tpu.memory_space<vmem>> -> memref<1x88x128xf32, #tpu.memory_space<vmem>>
      %dma_start3A_974 = tpu.memref_squeeze %dma_start3A_973 : memref<1x88x128xf32, #tpu.memory_space<vmem>> -> memref<88x128xf32, #tpu.memory_space<vmem>>
      %dma_start3A_975 = arith.constant 0 : i32
      %dma_start3A_976 = tpu.memref_slice %arg11[%rem3A_958, %dma_start3A_975] : memref<4x88xi32, #tpu.memory_space<vmem>> -> memref<1x88xi32, #tpu.memory_space<vmem>>
      %dma_start3A_977 = tpu.memref_squeeze %dma_start3A_976 : memref<1x88xi32, #tpu.memory_space<vmem>> -> memref<88xi32, #tpu.memory_space<vmem>>
      %dma_start3A_978 = arith.constant 0 : i32
      %dma_start3A_979 = arith.constant 0 : i32
      %dma_start3A_980 = tpu.memref_slice %arg15[%dma_start3A_978, %dma_start3A_979] : memref<10008x128xf32, #tpu.memory_space<vmem_shared>> -> memref<10008x128xf32, #tpu.memory_space<vmem_shared>>
      tpu.enqueue_indirect_dma source(%dma_start3A_974 : memref<88x128xf32, #tpu.memory_space<vmem>>) target(%dma_start3A_980 : memref<10008x128xf32, #tpu.memory_space<vmem_shared>>) offsets(%dma_start3A_977 : memref<88xi32, #tpu.memory_space<vmem>>) semaphore(%arg21 : memref<!tpu.dma_semaphore, #tpu.memory_space<semaphore_mem>>) {add = true}
    }
    %scan3A_277 = arith.constant 55 : i32
    %rem3A_278 = arith.constant 111 : i32
    %rem3A_279 = arith.constant 4 : i32
    %rem3A_280 = arith.remsi %rem3A_278, %rem3A_279 : i32
    %dma_wait3A_281 = arith.constant 1 : i32
    %dma_wait3A_282 = arith.constant 0 : i32
    %dma_wait3A_283 = arith.constant 0 : i32
    %dma_wait3A_284 = tpu.memref_slice %arg13[%dma_wait3A_281, %dma_wait3A_282, %dma_wait3A_283] : memref<2x88x16xf32, #tpu.memory_space<vmem>> -> memref<1x88x16xf32, #tpu.memory_space<vmem>>
    %dma_wait3A_285 = tpu.memref_squeeze %dma_wait3A_284 : memref<1x88x16xf32, #tpu.memory_space<vmem>> -> memref<88x16xf32, #tpu.memory_space<vmem>>
    %dma_wait3A_286 = arith.constant 0 : i32
    %dma_wait3A_287 = tpu.memref_slice %arg11[%rem3A_280, %dma_wait3A_286] : memref<4x88xi32, #tpu.memory_space<vmem>> -> memref<1x88xi32, #tpu.memory_space<vmem>>
    %dma_wait3A_288 = tpu.memref_squeeze %dma_wait3A_287 : memref<1x88xi32, #tpu.memory_space<vmem>> -> memref<88xi32, #tpu.memory_space<vmem>>
    %dma_wait3A_289 = arith.constant 0 : i32
    %dma_wait3A_290 = arith.constant 0 : i32
    %dma_wait3A_291 = tpu.memref_slice %arg5[%dma_wait3A_289, %dma_wait3A_290] : memref<10008x16xf32, #tpu.memory_space<hbm>> -> memref<10008x16xf32, #tpu.memory_space<hbm>>
    tpu.wait_indirect_dma semaphore(%arg20 : memref<!tpu.dma_semaphore, #tpu.memory_space<semaphore_mem>>) src(%dma_wait3A_291 : memref<10008x16xf32, #tpu.memory_space<hbm>>) dst(%dma_wait3A_285 : memref<88x16xf32, #tpu.memory_space<vmem>>)
    %dma_wait3A_292 = arith.constant 1 : i32
    %dma_wait3A_293 = arith.constant 0 : i32
    %dma_wait3A_294 = arith.constant 0 : i32
    %dma_wait3A_295 = tpu.memref_slice %arg12[%dma_wait3A_292, %dma_wait3A_293, %dma_wait3A_294] : memref<2x88x80xi32, #tpu.memory_space<vmem>> -> memref<1x88x80xi32, #tpu.memory_space<vmem>>
    %dma_wait3A_296 = tpu.memref_squeeze %dma_wait3A_295 : memref<1x88x80xi32, #tpu.memory_space<vmem>> -> memref<88x80xi32, #tpu.memory_space<vmem>>
    %dma_wait3A_297 = arith.constant 0 : i32
    %dma_wait3A_298 = tpu.memref_slice %arg10[%rem3A_280, %dma_wait3A_297] : memref<4x88xi32, #tpu.memory_space<vmem>> -> memref<1x88xi32, #tpu.memory_space<vmem>>
    %dma_wait3A_299 = tpu.memref_squeeze %dma_wait3A_298 : memref<1x88xi32, #tpu.memory_space<vmem>> -> memref<88xi32, #tpu.memory_space<vmem>>
    %dma_wait3A_300 = arith.constant 0 : i32
    %dma_wait3A_301 = arith.constant 0 : i32
    %dma_wait3A_302 = tpu.memref_slice %arg4[%dma_wait3A_300, %dma_wait3A_301] : memref<10008x80xi32, #tpu.memory_space<hbm>> -> memref<10008x80xi32, #tpu.memory_space<hbm>>
    tpu.wait_indirect_dma semaphore(%arg20 : memref<!tpu.dma_semaphore, #tpu.memory_space<semaphore_mem>>) src(%dma_wait3A_302 : memref<10008x80xi32, #tpu.memory_space<hbm>>) dst(%dma_wait3A_296 : memref<88x80xi32, #tpu.memory_space<vmem>>)
    %rem3A_303 = arith.constant 110 : i32
    %rem3A_304 = arith.constant 4 : i32
    %rem3A_305 = arith.remsi %rem3A_303, %rem3A_304 : i32
    %dma_wait3A_306 = arith.constant 0 : i32
    %dma_wait3A_307 = arith.constant 0 : i32
    %dma_wait3A_308 = arith.constant 0 : i32
    %dma_wait3A_309 = tpu.memref_slice %arg13[%dma_wait3A_306, %dma_wait3A_307, %dma_wait3A_308] : memref<2x88x16xf32, #tpu.memory_space<vmem>> -> memref<1x88x16xf32, #tpu.memory_space<vmem>>
    %dma_wait3A_310 = tpu.memref_squeeze %dma_wait3A_309 : memref<1x88x16xf32, #tpu.memory_space<vmem>> -> memref<88x16xf32, #tpu.memory_space<vmem>>
    %dma_wait3A_311 = arith.constant 0 : i32
    %dma_wait3A_312 = tpu.memref_slice %arg11[%rem3A_305, %dma_wait3A_311] : memref<4x88xi32, #tpu.memory_space<vmem>> -> memref<1x88xi32, #tpu.memory_space<vmem>>
    %dma_wait3A_313 = tpu.memref_squeeze %dma_wait3A_312 : memref<1x88xi32, #tpu.memory_space<vmem>> -> memref<88xi32, #tpu.memory_space<vmem>>
    %dma_wait3A_314 = arith.constant 0 : i32
    %dma_wait3A_315 = arith.constant 0 : i32
    %dma_wait3A_316 = tpu.memref_slice %arg16[%dma_wait3A_314, %dma_wait3A_315] : memref<10008x16xf32, #tpu.memory_space<vmem_shared>> -> memref<10008x16xf32, #tpu.memory_space<vmem_shared>>
    tpu.wait_indirect_dma semaphore(%arg21 : memref<!tpu.dma_semaphore, #tpu.memory_space<semaphore_mem>>) src(%dma_wait3A_310 : memref<88x16xf32, #tpu.memory_space<vmem>>) dst(%dma_wait3A_316 : memref<10008x16xf32, #tpu.memory_space<vmem_shared>>)
    %dma_wait3A_317 = arith.constant 0 : i32
    %dma_wait3A_318 = arith.constant 0 : i32
    %dma_wait3A_319 = arith.constant 0 : i32
    %dma_wait3A_320 = tpu.memref_slice %arg14[%dma_wait3A_317, %dma_wait3A_318, %dma_wait3A_319] : memref<2x88x128xf32, #tpu.memory_space<vmem>> -> memref<1x88x128xf32, #tpu.memory_space<vmem>>
    %dma_wait3A_321 = tpu.memref_squeeze %dma_wait3A_320 : memref<1x88x128xf32, #tpu.memory_space<vmem>> -> memref<88x128xf32, #tpu.memory_space<vmem>>
    %dma_wait3A_322 = arith.constant 0 : i32
    %dma_wait3A_323 = tpu.memref_slice %arg11[%rem3A_305, %dma_wait3A_322] : memref<4x88xi32, #tpu.memory_space<vmem>> -> memref<1x88xi32, #tpu.memory_space<vmem>>
    %dma_wait3A_324 = tpu.memref_squeeze %dma_wait3A_323 : memref<1x88xi32, #tpu.memory_space<vmem>> -> memref<88xi32, #tpu.memory_space<vmem>>
    %dma_wait3A_325 = arith.constant 0 : i32
    %dma_wait3A_326 = arith.constant 0 : i32
    %dma_wait3A_327 = tpu.memref_slice %arg15[%dma_wait3A_325, %dma_wait3A_326] : memref<10008x128xf32, #tpu.memory_space<vmem_shared>> -> memref<10008x128xf32, #tpu.memory_space<vmem_shared>>
    tpu.wait_indirect_dma semaphore(%arg21 : memref<!tpu.dma_semaphore, #tpu.memory_space<semaphore_mem>>) src(%dma_wait3A_321 : memref<88x128xf32, #tpu.memory_space<vmem>>) dst(%dma_wait3A_327 : memref<10008x128xf32, #tpu.memory_space<vmem_shared>>)
    %rem3A_328 = arith.constant 112 : i32
    %rem3A_329 = arith.constant 4 : i32
    %rem3A_330 = arith.remsi %rem3A_328, %rem3A_329 : i32
    %add3A_331 = arith.constant 112 : i32
    %add3A_332 = arith.addi %mul3A_2, %add3A_331 : i32
    %mul3A_333 = arith.constant 88 : i32
    %mul3A_334 = arith.muli %add3A_332, %mul3A_333 : i32
    %dma_wait3A_335 = arith.constant 0 : i32
    %dma_wait3A_336 = tpu.memref_slice %arg10[%rem3A_330, %dma_wait3A_335] : memref<4x88xi32, #tpu.memory_space<vmem>> -> memref<1x88xi32, #tpu.memory_space<vmem>>
    %dma_wait3A_337 = tpu.memref_squeeze %dma_wait3A_336 : memref<1x88xi32, #tpu.memory_space<vmem>> -> memref<88xi32, #tpu.memory_space<vmem>>
    %dma_wait3A_338 = tpu.memref_slice %arg2[%mul3A_334] : memref<321024xi32, #tpu.memory_space<hbm>> -> memref<88xi32, #tpu.memory_space<hbm>>
    %dma_wait3A_339 = arith.constant 0 : i32
    %dma_wait3A_340 = tpu.memref_slice %arg10[%rem3A_330, %dma_wait3A_339] : memref<4x88xi32, #tpu.memory_space<vmem>> -> memref<1x88xi32, #tpu.memory_space<vmem>>
    %dma_wait3A_341 = tpu.memref_squeeze %dma_wait3A_340 : memref<1x88xi32, #tpu.memory_space<vmem>> -> memref<88xi32, #tpu.memory_space<vmem>>
    %dma_wait3A_342 = tpu.memref_slice %arg2[%mul3A_334] : memref<321024xi32, #tpu.memory_space<hbm>> -> memref<88xi32, #tpu.memory_space<hbm>>
    tpu.wait_dma2 semaphore(%arg17 : memref<!tpu.dma_semaphore, #tpu.memory_space<semaphore_mem>>) src(%dma_wait3A_342 : memref<88xi32, #tpu.memory_space<hbm>>) dst(%dma_wait3A_341 : memref<88xi32, #tpu.memory_space<vmem>>)
    %add3A_343 = arith.constant 112 : i32
    %add3A_344 = arith.addi %mul3A_2, %add3A_343 : i32
    %mul3A_345 = arith.constant 88 : i32
    %mul3A_346 = arith.muli %add3A_344, %mul3A_345 : i32
    %dma_wait3A_347 = arith.constant 0 : i32
    %dma_wait3A_348 = tpu.memref_slice %arg11[%rem3A_330, %dma_wait3A_347] : memref<4x88xi32, #tpu.memory_space<vmem>> -> memref<1x88xi32, #tpu.memory_space<vmem>>
    %dma_wait3A_349 = tpu.memref_squeeze %dma_wait3A_348 : memref<1x88xi32, #tpu.memory_space<vmem>> -> memref<88xi32, #tpu.memory_space<vmem>>
    %dma_wait3A_350 = tpu.memref_slice %arg3[%mul3A_346] : memref<321024xi32, #tpu.memory_space<hbm>> -> memref<88xi32, #tpu.memory_space<hbm>>
    %dma_wait3A_351 = arith.constant 0 : i32
    %dma_wait3A_352 = tpu.memref_slice %arg11[%rem3A_330, %dma_wait3A_351] : memref<4x88xi32, #tpu.memory_space<vmem>> -> memref<1x88xi32, #tpu.memory_space<vmem>>
    %dma_wait3A_353 = tpu.memref_squeeze %dma_wait3A_352 : memref<1x88xi32, #tpu.memory_space<vmem>> -> memref<88xi32, #tpu.memory_space<vmem>>
    %dma_wait3A_354 = tpu.memref_slice %arg3[%mul3A_346] : memref<321024xi32, #tpu.memory_space<hbm>> -> memref<88xi32, #tpu.memory_space<hbm>>
    tpu.wait_dma2 semaphore(%arg17 : memref<!tpu.dma_semaphore, #tpu.memory_space<semaphore_mem>>) src(%dma_wait3A_354 : memref<88xi32, #tpu.memory_space<hbm>>) dst(%dma_wait3A_353 : memref<88xi32, #tpu.memory_space<vmem>>)
    %rem3A_355 = arith.constant 112 : i32
    %rem3A_356 = arith.constant 4 : i32
    %rem3A_357 = arith.remsi %rem3A_355, %rem3A_356 : i32
    %dma_start3A_358 = arith.constant 0 : i32
    %dma_start3A_359 = arith.constant 0 : i32
    %dma_start3A_360 = arith.constant 0 : i32
    %dma_start3A_361 = tpu.memref_slice %arg13[%dma_start3A_358, %dma_start3A_359, %dma_start3A_360] : memref<2x88x16xf32, #tpu.memory_space<vmem>> -> memref<1x88x16xf32, #tpu.memory_space<vmem>>
    %dma_start3A_362 = tpu.memref_squeeze %dma_start3A_361 : memref<1x88x16xf32, #tpu.memory_space<vmem>> -> memref<88x16xf32, #tpu.memory_space<vmem>>
    %dma_start3A_363 = arith.constant 0 : i32
    %dma_start3A_364 = tpu.memref_slice %arg11[%rem3A_357, %dma_start3A_363] : memref<4x88xi32, #tpu.memory_space<vmem>> -> memref<1x88xi32, #tpu.memory_space<vmem>>
    %dma_start3A_365 = tpu.memref_squeeze %dma_start3A_364 : memref<1x88xi32, #tpu.memory_space<vmem>> -> memref<88xi32, #tpu.memory_space<vmem>>
    %dma_start3A_366 = arith.constant 0 : i32
    %dma_start3A_367 = arith.constant 0 : i32
    %dma_start3A_368 = tpu.memref_slice %arg5[%dma_start3A_366, %dma_start3A_367] : memref<10008x16xf32, #tpu.memory_space<hbm>> -> memref<10008x16xf32, #tpu.memory_space<hbm>>
    tpu.enqueue_indirect_dma source(%dma_start3A_368 : memref<10008x16xf32, #tpu.memory_space<hbm>>) target(%dma_start3A_362 : memref<88x16xf32, #tpu.memory_space<vmem>>) offsets(%dma_start3A_365 : memref<88xi32, #tpu.memory_space<vmem>>) semaphore(%arg19 : memref<!tpu.dma_semaphore, #tpu.memory_space<semaphore_mem>>)
    %dma_start3A_369 = arith.constant 0 : i32
    %dma_start3A_370 = arith.constant 0 : i32
    %dma_start3A_371 = arith.constant 0 : i32
    %dma_start3A_372 = tpu.memref_slice %arg12[%dma_start3A_369, %dma_start3A_370, %dma_start3A_371] : memref<2x88x80xi32, #tpu.memory_space<vmem>> -> memref<1x88x80xi32, #tpu.memory_space<vmem>>
    %dma_start3A_373 = tpu.memref_squeeze %dma_start3A_372 : memref<1x88x80xi32, #tpu.memory_space<vmem>> -> memref<88x80xi32, #tpu.memory_space<vmem>>
    %dma_start3A_374 = arith.constant 0 : i32
    %dma_start3A_375 = tpu.memref_slice %arg10[%rem3A_357, %dma_start3A_374] : memref<4x88xi32, #tpu.memory_space<vmem>> -> memref<1x88xi32, #tpu.memory_space<vmem>>
    %dma_start3A_376 = tpu.memref_squeeze %dma_start3A_375 : memref<1x88xi32, #tpu.memory_space<vmem>> -> memref<88xi32, #tpu.memory_space<vmem>>
    %dma_start3A_377 = arith.constant 0 : i32
    %dma_start3A_378 = arith.constant 0 : i32
    %dma_start3A_379 = tpu.memref_slice %arg4[%dma_start3A_377, %dma_start3A_378] : memref<10008x80xi32, #tpu.memory_space<hbm>> -> memref<10008x80xi32, #tpu.memory_space<hbm>>
    tpu.enqueue_indirect_dma source(%dma_start3A_379 : memref<10008x80xi32, #tpu.memory_space<hbm>>) target(%dma_start3A_373 : memref<88x80xi32, #tpu.memory_space<vmem>>) offsets(%dma_start3A_376 : memref<88xi32, #tpu.memory_space<vmem>>) semaphore(%arg19 : memref<!tpu.dma_semaphore, #tpu.memory_space<semaphore_mem>>)
    %parallel_loop3A_380 = arith.constant 0 : i32
    %parallel_loop3A_381 = arith.constant 88 : i32
    %parallel_loop3A_382 = arith.constant 1 : i32
    scf.for %parallel_loop3A_655 = %parallel_loop3A_380 to %parallel_loop3A_381 step %parallel_loop3A_382  : i32 {
      %parallel_loop3A_656 = arith.constant 1 : i32
      %parallel_loop3A_657 = arith.index_cast %parallel_loop3A_656 : i32 to index
      %parallel_loop3A_658 = arith.index_cast %parallel_loop3A_655 : i32 to index
      %parallel_loop3A_659 = arith.constant 64 : index
      %parallel_loop3A_660 = tpu.vector_load %arg12[%parallel_loop3A_657, %parallel_loop3A_658, %parallel_loop3A_659] {strides = array<i32>} : memref<2x88x80xi32, #tpu.memory_space<vmem>>, vector<1x1x16xi32>,
      %parallel_loop3A_661 = vector.shape_cast %parallel_loop3A_660 : vector<1x1x16xi32> to vector<16xi32>
      %parallel_loop3A_662 = tpu.bitcast %parallel_loop3A_661 : vector<16xi32> -> vector<16xf32>
      %parallel_loop3A_663 = arith.constant 1 : i32
      %parallel_loop3A_664 = arith.index_cast %parallel_loop3A_663 : i32 to index
      %parallel_loop3A_665 = arith.index_cast %parallel_loop3A_655 : i32 to index
      %parallel_loop3A_666 = arith.constant 0 : index
      %parallel_loop3A_667 = tpu.vector_load %arg13[%parallel_loop3A_664, %parallel_loop3A_665, %parallel_loop3A_666] {strides = array<i32>} : memref<2x88x16xf32, #tpu.memory_space<vmem>>, vector<1x1x16xf32>,
      %parallel_loop3A_668 = vector.shape_cast %parallel_loop3A_667 : vector<1x1x16xf32> to vector<16xf32>
      %parallel_loop3A_669 = arith.addf %parallel_loop3A_662, %parallel_loop3A_668 : vector<16xf32>
      %parallel_loop3A_670 = arith.constant 0.000000e+00 : f32
      %parallel_loop3A_671 = vector.broadcast %parallel_loop3A_670 : f32 to vector<16xf32>
      %parallel_loop3A_672 = arith.cmpf olt, %parallel_loop3A_669, %parallel_loop3A_671 : vector<16xf32>
      %parallel_loop3A_673 = arith.constant 0.00999999977 : f32
      %parallel_loop3A_674 = vector.broadcast %parallel_loop3A_673 : f32 to vector<16xf32>
      %parallel_loop3A_675 = arith.mulf %parallel_loop3A_669, %parallel_loop3A_674 : vector<16xf32>
      %parallel_loop3A_676 = arith.select %parallel_loop3A_672, %parallel_loop3A_675, %parallel_loop3A_669 : vector<16xi1>, vector<16xf32>
      %parallel_loop3A_677 = math.exp %parallel_loop3A_676 : vector<16xf32>
      %parallel_loop3A_678 = arith.constant 1 : i32
      %parallel_loop3A_679 = arith.index_cast %parallel_loop3A_678 : i32 to index
      %parallel_loop3A_680 = arith.index_cast %parallel_loop3A_655 : i32 to index
      %parallel_loop3A_681 = arith.constant 0 : index
      %parallel_loop3A_682 = tpu.vector_load %arg13[%parallel_loop3A_679, %parallel_loop3A_680, %parallel_loop3A_681] {strides = array<i32>} : memref<2x88x16xf32, #tpu.memory_space<vmem>>, vector<1x1x16xf32>,
      %parallel_loop3A_683 = vector.shape_cast %parallel_loop3A_682 : vector<1x1x16xf32> to vector<16xf32>
      %parallel_loop3A_684 = vector.shape_cast %parallel_loop3A_677 : vector<16xf32> to vector<1x1x16xf32>
      tpu.vector_store %arg13[%parallel_loop3A_679, %parallel_loop3A_680, %parallel_loop3A_681], %parallel_loop3A_684 {strides = array<i32>} : memref<2x88x16xf32, #tpu.memory_space<vmem>>, vector<1x1x16xf32>,
      %parallel_loop3A_685 = arith.constant 1 : i32
      %parallel_loop3A_686 = arith.index_cast %parallel_loop3A_685 : i32 to index
      %parallel_loop3A_687 = arith.index_cast %parallel_loop3A_655 : i32 to index
      %parallel_loop3A_688 = arith.constant 0 : index
      %parallel_loop3A_689 = tpu.vector_load %arg12[%parallel_loop3A_686, %parallel_loop3A_687, %parallel_loop3A_688] {strides = array<i32>} : memref<2x88x80xi32, #tpu.memory_space<vmem>>, vector<1x1x16xi32>,
      %parallel_loop3A_690 = vector.shape_cast %parallel_loop3A_689 : vector<1x1x16xi32> to vector<16xi32>
      %parallel_loop3A_691 = arith.constant 16 : i32
      %parallel_loop3A_692 = vector.broadcast %parallel_loop3A_691 : i32 to vector<16xi32>
      %parallel_loop3A_693 = arith.shli %parallel_loop3A_690, %parallel_loop3A_692 : vector<16xi32>
      %parallel_loop3A_694 = tpu.bitcast %parallel_loop3A_693 : vector<16xi32> -> vector<16xf32>
      %parallel_loop3A_695 = arith.constant -65536 : i32
      %parallel_loop3A_696 = vector.broadcast %parallel_loop3A_695 : i32 to vector<16xi32>
      %parallel_loop3A_697 = arith.andi %parallel_loop3A_690, %parallel_loop3A_696 : vector<16xi32>
      %parallel_loop3A_698 = tpu.bitcast %parallel_loop3A_697 : vector<16xi32> -> vector<16xf32>
      %parallel_loop3A_699 = vector.extract_strided_slice %parallel_loop3A_677 {offsets = [0], sizes = [1], strides = [1]} : vector<16xf32> to vector<1xf32>
      %parallel_loop3A_700 = vector.extract %parallel_loop3A_699[0] : f32 from vector<1xf32>
      %parallel_loop3A_701 = vector.broadcast %parallel_loop3A_700 : f32 to vector<16xf32>
      %parallel_loop3A_702 = arith.mulf %parallel_loop3A_694, %parallel_loop3A_701 : vector<16xf32>
      %parallel_loop3A_703 = arith.constant 1 : i32
      %parallel_loop3A_704 = arith.index_cast %parallel_loop3A_703 : i32 to index
      %parallel_loop3A_705 = arith.index_cast %parallel_loop3A_655 : i32 to index
      %parallel_loop3A_706 = arith.constant 0 : index
      %parallel_loop3A_707 = tpu.vector_load %arg14[%parallel_loop3A_704, %parallel_loop3A_705, %parallel_loop3A_706] {strides = array<i32>} : memref<2x88x128xf32, #tpu.memory_space<vmem>>, vector<1x1x16xf32>,
      %parallel_loop3A_708 = vector.shape_cast %parallel_loop3A_707 : vector<1x1x16xf32> to vector<16xf32>
      %parallel_loop3A_709 = vector.shape_cast %parallel_loop3A_702 : vector<16xf32> to vector<1x1x16xf32>
      tpu.vector_store %arg14[%parallel_loop3A_704, %parallel_loop3A_705, %parallel_loop3A_706], %parallel_loop3A_709 {strides = array<i32>} : memref<2x88x128xf32, #tpu.memory_space<vmem>>, vector<1x1x16xf32>,
      %parallel_loop3A_710 = vector.extract_strided_slice %parallel_loop3A_677 {offsets = [1], sizes = [1], strides = [1]} : vector<16xf32> to vector<1xf32>
      %parallel_loop3A_711 = vector.extract %parallel_loop3A_710[0] : f32 from vector<1xf32>
      %parallel_loop3A_712 = vector.broadcast %parallel_loop3A_711 : f32 to vector<16xf32>
      %parallel_loop3A_713 = arith.mulf %parallel_loop3A_698, %parallel_loop3A_712 : vector<16xf32>
      %parallel_loop3A_714 = arith.constant 1 : i32
      %parallel_loop3A_715 = arith.index_cast %parallel_loop3A_714 : i32 to index
      %parallel_loop3A_716 = arith.index_cast %parallel_loop3A_655 : i32 to index
      %parallel_loop3A_717 = arith.constant 16 : index
      %parallel_loop3A_718 = tpu.vector_load %arg14[%parallel_loop3A_715, %parallel_loop3A_716, %parallel_loop3A_717] {strides = array<i32>} : memref<2x88x128xf32, #tpu.memory_space<vmem>>, vector<1x1x16xf32>,
      %parallel_loop3A_719 = vector.shape_cast %parallel_loop3A_718 : vector<1x1x16xf32> to vector<16xf32>
      %parallel_loop3A_720 = vector.shape_cast %parallel_loop3A_713 : vector<16xf32> to vector<1x1x16xf32>
      tpu.vector_store %arg14[%parallel_loop3A_715, %parallel_loop3A_716, %parallel_loop3A_717], %parallel_loop3A_720 {strides = array<i32>} : memref<2x88x128xf32, #tpu.memory_space<vmem>>, vector<1x1x16xf32>,
      %parallel_loop3A_721 = arith.constant 1 : i32
      %parallel_loop3A_722 = arith.index_cast %parallel_loop3A_721 : i32 to index
      %parallel_loop3A_723 = arith.index_cast %parallel_loop3A_655 : i32 to index
      %parallel_loop3A_724 = arith.constant 16 : index
      %parallel_loop3A_725 = tpu.vector_load %arg12[%parallel_loop3A_722, %parallel_loop3A_723, %parallel_loop3A_724] {strides = array<i32>} : memref<2x88x80xi32, #tpu.memory_space<vmem>>, vector<1x1x16xi32>,
      %parallel_loop3A_726 = vector.shape_cast %parallel_loop3A_725 : vector<1x1x16xi32> to vector<16xi32>
      %parallel_loop3A_727 = arith.constant 16 : i32
      %parallel_loop3A_728 = vector.broadcast %parallel_loop3A_727 : i32 to vector<16xi32>
      %parallel_loop3A_729 = arith.shli %parallel_loop3A_726, %parallel_loop3A_728 : vector<16xi32>
      %parallel_loop3A_730 = tpu.bitcast %parallel_loop3A_729 : vector<16xi32> -> vector<16xf32>
      %parallel_loop3A_731 = arith.constant -65536 : i32
      %parallel_loop3A_732 = vector.broadcast %parallel_loop3A_731 : i32 to vector<16xi32>
      %parallel_loop3A_733 = arith.andi %parallel_loop3A_726, %parallel_loop3A_732 : vector<16xi32>
      %parallel_loop3A_734 = tpu.bitcast %parallel_loop3A_733 : vector<16xi32> -> vector<16xf32>
      %parallel_loop3A_735 = vector.extract_strided_slice %parallel_loop3A_677 {offsets = [2], sizes = [1], strides = [1]} : vector<16xf32> to vector<1xf32>
      %parallel_loop3A_736 = vector.extract %parallel_loop3A_735[0] : f32 from vector<1xf32>
      %parallel_loop3A_737 = vector.broadcast %parallel_loop3A_736 : f32 to vector<16xf32>
      %parallel_loop3A_738 = arith.mulf %parallel_loop3A_730, %parallel_loop3A_737 : vector<16xf32>
      %parallel_loop3A_739 = arith.constant 1 : i32
      %parallel_loop3A_740 = arith.index_cast %parallel_loop3A_739 : i32 to index
      %parallel_loop3A_741 = arith.index_cast %parallel_loop3A_655 : i32 to index
      %parallel_loop3A_742 = arith.constant 32 : index
      %parallel_loop3A_743 = tpu.vector_load %arg14[%parallel_loop3A_740, %parallel_loop3A_741, %parallel_loop3A_742] {strides = array<i32>} : memref<2x88x128xf32, #tpu.memory_space<vmem>>, vector<1x1x16xf32>,
      %parallel_loop3A_744 = vector.shape_cast %parallel_loop3A_743 : vector<1x1x16xf32> to vector<16xf32>
      %parallel_loop3A_745 = vector.shape_cast %parallel_loop3A_738 : vector<16xf32> to vector<1x1x16xf32>
      tpu.vector_store %arg14[%parallel_loop3A_740, %parallel_loop3A_741, %parallel_loop3A_742], %parallel_loop3A_745 {strides = array<i32>} : memref<2x88x128xf32, #tpu.memory_space<vmem>>, vector<1x1x16xf32>,
      %parallel_loop3A_746 = vector.extract_strided_slice %parallel_loop3A_677 {offsets = [3], sizes = [1], strides = [1]} : vector<16xf32> to vector<1xf32>
      %parallel_loop3A_747 = vector.extract %parallel_loop3A_746[0] : f32 from vector<1xf32>
      %parallel_loop3A_748 = vector.broadcast %parallel_loop3A_747 : f32 to vector<16xf32>
      %parallel_loop3A_749 = arith.mulf %parallel_loop3A_734, %parallel_loop3A_748 : vector<16xf32>
      %parallel_loop3A_750 = arith.constant 1 : i32
      %parallel_loop3A_751 = arith.index_cast %parallel_loop3A_750 : i32 to index
      %parallel_loop3A_752 = arith.index_cast %parallel_loop3A_655 : i32 to index
      %parallel_loop3A_753 = arith.constant 48 : index
      %parallel_loop3A_754 = tpu.vector_load %arg14[%parallel_loop3A_751, %parallel_loop3A_752, %parallel_loop3A_753] {strides = array<i32>} : memref<2x88x128xf32, #tpu.memory_space<vmem>>, vector<1x1x16xf32>,
      %parallel_loop3A_755 = vector.shape_cast %parallel_loop3A_754 : vector<1x1x16xf32> to vector<16xf32>
      %parallel_loop3A_756 = vector.shape_cast %parallel_loop3A_749 : vector<16xf32> to vector<1x1x16xf32>
      tpu.vector_store %arg14[%parallel_loop3A_751, %parallel_loop3A_752, %parallel_loop3A_753], %parallel_loop3A_756 {strides = array<i32>} : memref<2x88x128xf32, #tpu.memory_space<vmem>>, vector<1x1x16xf32>,
      %parallel_loop3A_757 = arith.constant 1 : i32
      %parallel_loop3A_758 = arith.index_cast %parallel_loop3A_757 : i32 to index
      %parallel_loop3A_759 = arith.index_cast %parallel_loop3A_655 : i32 to index
      %parallel_loop3A_760 = arith.constant 32 : index
      %parallel_loop3A_761 = tpu.vector_load %arg12[%parallel_loop3A_758, %parallel_loop3A_759, %parallel_loop3A_760] {strides = array<i32>} : memref<2x88x80xi32, #tpu.memory_space<vmem>>, vector<1x1x16xi32>,
      %parallel_loop3A_762 = vector.shape_cast %parallel_loop3A_761 : vector<1x1x16xi32> to vector<16xi32>
      %parallel_loop3A_763 = arith.constant 16 : i32
      %parallel_loop3A_764 = vector.broadcast %parallel_loop3A_763 : i32 to vector<16xi32>
      %parallel_loop3A_765 = arith.shli %parallel_loop3A_762, %parallel_loop3A_764 : vector<16xi32>
      %parallel_loop3A_766 = tpu.bitcast %parallel_loop3A_765 : vector<16xi32> -> vector<16xf32>
      %parallel_loop3A_767 = arith.constant -65536 : i32
      %parallel_loop3A_768 = vector.broadcast %parallel_loop3A_767 : i32 to vector<16xi32>
      %parallel_loop3A_769 = arith.andi %parallel_loop3A_762, %parallel_loop3A_768 : vector<16xi32>
      %parallel_loop3A_770 = tpu.bitcast %parallel_loop3A_769 : vector<16xi32> -> vector<16xf32>
      %parallel_loop3A_771 = vector.extract_strided_slice %parallel_loop3A_677 {offsets = [4], sizes = [1], strides = [1]} : vector<16xf32> to vector<1xf32>
      %parallel_loop3A_772 = vector.extract %parallel_loop3A_771[0] : f32 from vector<1xf32>
      %parallel_loop3A_773 = vector.broadcast %parallel_loop3A_772 : f32 to vector<16xf32>
      %parallel_loop3A_774 = arith.mulf %parallel_loop3A_766, %parallel_loop3A_773 : vector<16xf32>
      %parallel_loop3A_775 = arith.constant 1 : i32
      %parallel_loop3A_776 = arith.index_cast %parallel_loop3A_775 : i32 to index
      %parallel_loop3A_777 = arith.index_cast %parallel_loop3A_655 : i32 to index
      %parallel_loop3A_778 = arith.constant 64 : index
      %parallel_loop3A_779 = tpu.vector_load %arg14[%parallel_loop3A_776, %parallel_loop3A_777, %parallel_loop3A_778] {strides = array<i32>} : memref<2x88x128xf32, #tpu.memory_space<vmem>>, vector<1x1x16xf32>,
      %parallel_loop3A_780 = vector.shape_cast %parallel_loop3A_779 : vector<1x1x16xf32> to vector<16xf32>
      %parallel_loop3A_781 = vector.shape_cast %parallel_loop3A_774 : vector<16xf32> to vector<1x1x16xf32>
      tpu.vector_store %arg14[%parallel_loop3A_776, %parallel_loop3A_777, %parallel_loop3A_778], %parallel_loop3A_781 {strides = array<i32>} : memref<2x88x128xf32, #tpu.memory_space<vmem>>, vector<1x1x16xf32>,
      %parallel_loop3A_782 = vector.extract_strided_slice %parallel_loop3A_677 {offsets = [5], sizes = [1], strides = [1]} : vector<16xf32> to vector<1xf32>
      %parallel_loop3A_783 = vector.extract %parallel_loop3A_782[0] : f32 from vector<1xf32>
      %parallel_loop3A_784 = vector.broadcast %parallel_loop3A_783 : f32 to vector<16xf32>
      %parallel_loop3A_785 = arith.mulf %parallel_loop3A_770, %parallel_loop3A_784 : vector<16xf32>
      %parallel_loop3A_786 = arith.constant 1 : i32
      %parallel_loop3A_787 = arith.index_cast %parallel_loop3A_786 : i32 to index
      %parallel_loop3A_788 = arith.index_cast %parallel_loop3A_655 : i32 to index
      %parallel_loop3A_789 = arith.constant 80 : index
      %parallel_loop3A_790 = tpu.vector_load %arg14[%parallel_loop3A_787, %parallel_loop3A_788, %parallel_loop3A_789] {strides = array<i32>} : memref<2x88x128xf32, #tpu.memory_space<vmem>>, vector<1x1x16xf32>,
      %parallel_loop3A_791 = vector.shape_cast %parallel_loop3A_790 : vector<1x1x16xf32> to vector<16xf32>
      %parallel_loop3A_792 = vector.shape_cast %parallel_loop3A_785 : vector<16xf32> to vector<1x1x16xf32>
      tpu.vector_store %arg14[%parallel_loop3A_787, %parallel_loop3A_788, %parallel_loop3A_789], %parallel_loop3A_792 {strides = array<i32>} : memref<2x88x128xf32, #tpu.memory_space<vmem>>, vector<1x1x16xf32>,
      %parallel_loop3A_793 = arith.constant 1 : i32
      %parallel_loop3A_794 = arith.index_cast %parallel_loop3A_793 : i32 to index
      %parallel_loop3A_795 = arith.index_cast %parallel_loop3A_655 : i32 to index
      %parallel_loop3A_796 = arith.constant 48 : index
      %parallel_loop3A_797 = tpu.vector_load %arg12[%parallel_loop3A_794, %parallel_loop3A_795, %parallel_loop3A_796] {strides = array<i32>} : memref<2x88x80xi32, #tpu.memory_space<vmem>>, vector<1x1x16xi32>,
      %parallel_loop3A_798 = vector.shape_cast %parallel_loop3A_797 : vector<1x1x16xi32> to vector<16xi32>
      %parallel_loop3A_799 = arith.constant 16 : i32
      %parallel_loop3A_800 = vector.broadcast %parallel_loop3A_799 : i32 to vector<16xi32>
      %parallel_loop3A_801 = arith.shli %parallel_loop3A_798, %parallel_loop3A_800 : vector<16xi32>
      %parallel_loop3A_802 = tpu.bitcast %parallel_loop3A_801 : vector<16xi32> -> vector<16xf32>
      %parallel_loop3A_803 = arith.constant -65536 : i32
      %parallel_loop3A_804 = vector.broadcast %parallel_loop3A_803 : i32 to vector<16xi32>
      %parallel_loop3A_805 = arith.andi %parallel_loop3A_798, %parallel_loop3A_804 : vector<16xi32>
      %parallel_loop3A_806 = tpu.bitcast %parallel_loop3A_805 : vector<16xi32> -> vector<16xf32>
      %parallel_loop3A_807 = vector.extract_strided_slice %parallel_loop3A_677 {offsets = [6], sizes = [1], strides = [1]} : vector<16xf32> to vector<1xf32>
      %parallel_loop3A_808 = vector.extract %parallel_loop3A_807[0] : f32 from vector<1xf32>
      %parallel_loop3A_809 = vector.broadcast %parallel_loop3A_808 : f32 to vector<16xf32>
      %parallel_loop3A_810 = arith.mulf %parallel_loop3A_802, %parallel_loop3A_809 : vector<16xf32>
      %parallel_loop3A_811 = arith.constant 1 : i32
      %parallel_loop3A_812 = arith.index_cast %parallel_loop3A_811 : i32 to index
      %parallel_loop3A_813 = arith.index_cast %parallel_loop3A_655 : i32 to index
      %parallel_loop3A_814 = arith.constant 96 : index
      %parallel_loop3A_815 = tpu.vector_load %arg14[%parallel_loop3A_812, %parallel_loop3A_813, %parallel_loop3A_814] {strides = array<i32>} : memref<2x88x128xf32, #tpu.memory_space<vmem>>, vector<1x1x16xf32>,
      %parallel_loop3A_816 = vector.shape_cast %parallel_loop3A_815 : vector<1x1x16xf32> to vector<16xf32>
      %parallel_loop3A_817 = vector.shape_cast %parallel_loop3A_810 : vector<16xf32> to vector<1x1x16xf32>
      tpu.vector_store %arg14[%parallel_loop3A_812, %parallel_loop3A_813, %parallel_loop3A_814], %parallel_loop3A_817 {strides = array<i32>} : memref<2x88x128xf32, #tpu.memory_space<vmem>>, vector<1x1x16xf32>,
      %parallel_loop3A_818 = vector.extract_strided_slice %parallel_loop3A_677 {offsets = [7], sizes = [1], strides = [1]} : vector<16xf32> to vector<1xf32>
      %parallel_loop3A_819 = vector.extract %parallel_loop3A_818[0] : f32 from vector<1xf32>
      %parallel_loop3A_820 = vector.broadcast %parallel_loop3A_819 : f32 to vector<16xf32>
      %parallel_loop3A_821 = arith.mulf %parallel_loop3A_806, %parallel_loop3A_820 : vector<16xf32>
      %parallel_loop3A_822 = arith.constant 1 : i32
      %parallel_loop3A_823 = arith.index_cast %parallel_loop3A_822 : i32 to index
      %parallel_loop3A_824 = arith.index_cast %parallel_loop3A_655 : i32 to index
      %parallel_loop3A_825 = arith.constant 112 : index
      %parallel_loop3A_826 = tpu.vector_load %arg14[%parallel_loop3A_823, %parallel_loop3A_824, %parallel_loop3A_825] {strides = array<i32>} : memref<2x88x128xf32, #tpu.memory_space<vmem>>, vector<1x1x16xf32>,
      %parallel_loop3A_827 = vector.shape_cast %parallel_loop3A_826 : vector<1x1x16xf32> to vector<16xf32>
      %parallel_loop3A_828 = vector.shape_cast %parallel_loop3A_821 : vector<16xf32> to vector<1x1x16xf32>
      tpu.vector_store %arg14[%parallel_loop3A_823, %parallel_loop3A_824, %parallel_loop3A_825], %parallel_loop3A_828 {strides = array<i32>} : memref<2x88x128xf32, #tpu.memory_space<vmem>>, vector<1x1x16xf32>,
    } {sc.loop_unroll_factor = 4 : i64, sc.parallel_access}
    %rem3A_383 = arith.constant 111 : i32
    %rem3A_384 = arith.constant 4 : i32
    %rem3A_385 = arith.remsi %rem3A_383, %rem3A_384 : i32
    %dma_start3A_386 = arith.constant 1 : i32
    %dma_start3A_387 = arith.constant 0 : i32
    %dma_start3A_388 = arith.constant 0 : i32
    %dma_start3A_389 = tpu.memref_slice %arg13[%dma_start3A_386, %dma_start3A_387, %dma_start3A_388] : memref<2x88x16xf32, #tpu.memory_space<vmem>> -> memref<1x88x16xf32, #tpu.memory_space<vmem>>
    %dma_start3A_390 = tpu.memref_squeeze %dma_start3A_389 : memref<1x88x16xf32, #tpu.memory_space<vmem>> -> memref<88x16xf32, #tpu.memory_space<vmem>>
    %dma_start3A_391 = arith.constant 0 : i32
    %dma_start3A_392 = tpu.memref_slice %arg11[%rem3A_385, %dma_start3A_391] : memref<4x88xi32, #tpu.memory_space<vmem>> -> memref<1x88xi32, #tpu.memory_space<vmem>>
    %dma_start3A_393 = tpu.memref_squeeze %dma_start3A_392 : memref<1x88xi32, #tpu.memory_space<vmem>> -> memref<88xi32, #tpu.memory_space<vmem>>
    %dma_start3A_394 = arith.constant 0 : i32
    %dma_start3A_395 = arith.constant 0 : i32
    %dma_start3A_396 = tpu.memref_slice %arg16[%dma_start3A_394, %dma_start3A_395] : memref<10008x16xf32, #tpu.memory_space<vmem_shared>> -> memref<10008x16xf32, #tpu.memory_space<vmem_shared>>
    tpu.enqueue_indirect_dma source(%dma_start3A_390 : memref<88x16xf32, #tpu.memory_space<vmem>>) target(%dma_start3A_396 : memref<10008x16xf32, #tpu.memory_space<vmem_shared>>) offsets(%dma_start3A_393 : memref<88xi32, #tpu.memory_space<vmem>>) semaphore(%arg22 : memref<!tpu.dma_semaphore, #tpu.memory_space<semaphore_mem>>) {add = true}
    %dma_start3A_397 = arith.constant 1 : i32
    %dma_start3A_398 = arith.constant 0 : i32
    %dma_start3A_399 = arith.constant 0 : i32
    %dma_start3A_400 = tpu.memref_slice %arg14[%dma_start3A_397, %dma_start3A_398, %dma_start3A_399] : memref<2x88x128xf32, #tpu.memory_space<vmem>> -> memref<1x88x128xf32, #tpu.memory_space<vmem>>
    %dma_start3A_401 = tpu.memref_squeeze %dma_start3A_400 : memref<1x88x128xf32, #tpu.memory_space<vmem>> -> memref<88x128xf32, #tpu.memory_space<vmem>>
    %dma_start3A_402 = arith.constant 0 : i32
    %dma_start3A_403 = tpu.memref_slice %arg11[%rem3A_385, %dma_start3A_402] : memref<4x88xi32, #tpu.memory_space<vmem>> -> memref<1x88xi32, #tpu.memory_space<vmem>>
    %dma_start3A_404 = tpu.memref_squeeze %dma_start3A_403 : memref<1x88xi32, #tpu.memory_space<vmem>> -> memref<88xi32, #tpu.memory_space<vmem>>
    %dma_start3A_405 = arith.constant 0 : i32
    %dma_start3A_406 = arith.constant 0 : i32
    %dma_start3A_407 = tpu.memref_slice %arg15[%dma_start3A_405, %dma_start3A_406] : memref<10008x128xf32, #tpu.memory_space<vmem_shared>> -> memref<10008x128xf32, #tpu.memory_space<vmem_shared>>
    tpu.enqueue_indirect_dma source(%dma_start3A_401 : memref<88x128xf32, #tpu.memory_space<vmem>>) target(%dma_start3A_407 : memref<10008x128xf32, #tpu.memory_space<vmem_shared>>) offsets(%dma_start3A_404 : memref<88xi32, #tpu.memory_space<vmem>>) semaphore(%arg22 : memref<!tpu.dma_semaphore, #tpu.memory_space<semaphore_mem>>) {add = true}
    %rem3A_408 = arith.constant 112 : i32
    %rem3A_409 = arith.constant 4 : i32
    %rem3A_410 = arith.remsi %rem3A_408, %rem3A_409 : i32
    %dma_wait3A_411 = arith.constant 0 : i32
    %dma_wait3A_412 = arith.constant 0 : i32
    %dma_wait3A_413 = arith.constant 0 : i32
    %dma_wait3A_414 = tpu.memref_slice %arg13[%dma_wait3A_411, %dma_wait3A_412, %dma_wait3A_413] : memref<2x88x16xf32, #tpu.memory_space<vmem>> -> memref<1x88x16xf32, #tpu.memory_space<vmem>>
    %dma_wait3A_415 = tpu.memref_squeeze %dma_wait3A_414 : memref<1x88x16xf32, #tpu.memory_space<vmem>> -> memref<88x16xf32, #tpu.memory_space<vmem>>
    %dma_wait3A_416 = arith.constant 0 : i32
    %dma_wait3A_417 = tpu.memref_slice %arg11[%rem3A_410, %dma_wait3A_416] : memref<4x88xi32, #tpu.memory_space<vmem>> -> memref<1x88xi32, #tpu.memory_space<vmem>>
    %dma_wait3A_418 = tpu.memref_squeeze %dma_wait3A_417 : memref<1x88xi32, #tpu.memory_space<vmem>> -> memref<88xi32, #tpu.memory_space<vmem>>
    %dma_wait3A_419 = arith.constant 0 : i32
    %dma_wait3A_420 = arith.constant 0 : i32
    %dma_wait3A_421 = tpu.memref_slice %arg5[%dma_wait3A_419, %dma_wait3A_420] : memref<10008x16xf32, #tpu.memory_space<hbm>> -> memref<10008x16xf32, #tpu.memory_space<hbm>>
    tpu.wait_indirect_dma semaphore(%arg19 : memref<!tpu.dma_semaphore, #tpu.memory_space<semaphore_mem>>) src(%dma_wait3A_421 : memref<10008x16xf32, #tpu.memory_space<hbm>>) dst(%dma_wait3A_415 : memref<88x16xf32, #tpu.memory_space<vmem>>)
    %dma_wait3A_422 = arith.constant 0 : i32
    %dma_wait3A_423 = arith.constant 0 : i32
    %dma_wait3A_424 = arith.constant 0 : i32
    %dma_wait3A_425 = tpu.memref_slice %arg12[%dma_wait3A_422, %dma_wait3A_423, %dma_wait3A_424] : memref<2x88x80xi32, #tpu.memory_space<vmem>> -> memref<1x88x80xi32, #tpu.memory_space<vmem>>
    %dma_wait3A_426 = tpu.memref_squeeze %dma_wait3A_425 : memref<1x88x80xi32, #tpu.memory_space<vmem>> -> memref<88x80xi32, #tpu.memory_space<vmem>>
    %dma_wait3A_427 = arith.constant 0 : i32
    %dma_wait3A_428 = tpu.memref_slice %arg10[%rem3A_410, %dma_wait3A_427] : memref<4x88xi32, #tpu.memory_space<vmem>> -> memref<1x88xi32, #tpu.memory_space<vmem>>
    %dma_wait3A_429 = tpu.memref_squeeze %dma_wait3A_428 : memref<1x88xi32, #tpu.memory_space<vmem>> -> memref<88xi32, #tpu.memory_space<vmem>>
    %dma_wait3A_430 = arith.constant 0 : i32
    %dma_wait3A_431 = arith.constant 0 : i32
    %dma_wait3A_432 = tpu.memref_slice %arg4[%dma_wait3A_430, %dma_wait3A_431] : memref<10008x80xi32, #tpu.memory_space<hbm>> -> memref<10008x80xi32, #tpu.memory_space<hbm>>
    tpu.wait_indirect_dma semaphore(%arg19 : memref<!tpu.dma_semaphore, #tpu.memory_space<semaphore_mem>>) src(%dma_wait3A_432 : memref<10008x80xi32, #tpu.memory_space<hbm>>) dst(%dma_wait3A_426 : memref<88x80xi32, #tpu.memory_space<vmem>>)
    %rem3A_433 = arith.constant 111 : i32
    %rem3A_434 = arith.constant 4 : i32
    %rem3A_435 = arith.remsi %rem3A_433, %rem3A_434 : i32
    %dma_wait3A_436 = arith.constant 1 : i32
    %dma_wait3A_437 = arith.constant 0 : i32
    %dma_wait3A_438 = arith.constant 0 : i32
    %dma_wait3A_439 = tpu.memref_slice %arg13[%dma_wait3A_436, %dma_wait3A_437, %dma_wait3A_438] : memref<2x88x16xf32, #tpu.memory_space<vmem>> -> memref<1x88x16xf32, #tpu.memory_space<vmem>>
    %dma_wait3A_440 = tpu.memref_squeeze %dma_wait3A_439 : memref<1x88x16xf32, #tpu.memory_space<vmem>> -> memref<88x16xf32, #tpu.memory_space<vmem>>
    %dma_wait3A_441 = arith.constant 0 : i32
    %dma_wait3A_442 = tpu.memref_slice %arg11[%rem3A_435, %dma_wait3A_441] : memref<4x88xi32, #tpu.memory_space<vmem>> -> memref<1x88xi32, #tpu.memory_space<vmem>>
    %dma_wait3A_443 = tpu.memref_squeeze %dma_wait3A_442 : memref<1x88xi32, #tpu.memory_space<vmem>> -> memref<88xi32, #tpu.memory_space<vmem>>
    %dma_wait3A_444 = arith.constant 0 : i32
    %dma_wait3A_445 = arith.constant 0 : i32
    %dma_wait3A_446 = tpu.memref_slice %arg16[%dma_wait3A_444, %dma_wait3A_445] : memref<10008x16xf32, #tpu.memory_space<vmem_shared>> -> memref<10008x16xf32, #tpu.memory_space<vmem_shared>>
    tpu.wait_indirect_dma semaphore(%arg22 : memref<!tpu.dma_semaphore, #tpu.memory_space<semaphore_mem>>) src(%dma_wait3A_440 : memref<88x16xf32, #tpu.memory_space<vmem>>) dst(%dma_wait3A_446 : memref<10008x16xf32, #tpu.memory_space<vmem_shared>>)
    %dma_wait3A_447 = arith.constant 1 : i32
    %dma_wait3A_448 = arith.constant 0 : i32
    %dma_wait3A_449 = arith.constant 0 : i32
    %dma_wait3A_450 = tpu.memref_slice %arg14[%dma_wait3A_447, %dma_wait3A_448, %dma_wait3A_449] : memref<2x88x128xf32, #tpu.memory_space<vmem>> -> memref<1x88x128xf32, #tpu.memory_space<vmem>>
    %dma_wait3A_451 = tpu.memref_squeeze %dma_wait3A_450 : memref<1x88x128xf32, #tpu.memory_space<vmem>> -> memref<88x128xf32, #tpu.memory_space<vmem>>
    %dma_wait3A_452 = arith.constant 0 : i32
    %dma_wait3A_453 = tpu.memref_slice %arg11[%rem3A_435, %dma_wait3A_452] : memref<4x88xi32, #tpu.memory_space<vmem>> -> memref<1x88xi32, #tpu.memory_space<vmem>>
    %dma_wait3A_454 = tpu.memref_squeeze %dma_wait3A_453 : memref<1x88xi32, #tpu.memory_space<vmem>> -> memref<88xi32, #tpu.memory_space<vmem>>
    %dma_wait3A_455 = arith.constant 0 : i32
    %dma_wait3A_456 = arith.constant 0 : i32
    %dma_wait3A_457 = tpu.memref_slice %arg15[%dma_wait3A_455, %dma_wait3A_456] : memref<10008x128xf32, #tpu.memory_space<vmem_shared>> -> memref<10008x128xf32, #tpu.memory_space<vmem_shared>>
    tpu.wait_indirect_dma semaphore(%arg22 : memref<!tpu.dma_semaphore, #tpu.memory_space<semaphore_mem>>) src(%dma_wait3A_451 : memref<88x128xf32, #tpu.memory_space<vmem>>) dst(%dma_wait3A_457 : memref<10008x128xf32, #tpu.memory_space<vmem_shared>>)
    %rem3A_458 = arith.constant 113 : i32
    %rem3A_459 = arith.constant 4 : i32
    %rem3A_460 = arith.remsi %rem3A_458, %rem3A_459 : i32
    %add3A_461 = arith.constant 113 : i32
    %add3A_462 = arith.addi %mul3A_2, %add3A_461 : i32
    %mul3A_463 = arith.constant 88 : i32
    %mul3A_464 = arith.muli %add3A_462, %mul3A_463 : i32
    %dma_wait3A_465 = arith.constant 0 : i32
    %dma_wait3A_466 = tpu.memref_slice %arg10[%rem3A_460, %dma_wait3A_465] : memref<4x88xi32, #tpu.memory_space<vmem>> -> memref<1x88xi32, #tpu.memory_space<vmem>>
    %dma_wait3A_467 = tpu.memref_squeeze %dma_wait3A_466 : memref<1x88xi32, #tpu.memory_space<vmem>> -> memref<88xi32, #tpu.memory_space<vmem>>
    %dma_wait3A_468 = tpu.memref_slice %arg2[%mul3A_464] : memref<321024xi32, #tpu.memory_space<hbm>> -> memref<88xi32, #tpu.memory_space<hbm>>
    %dma_wait3A_469 = arith.constant 0 : i32
    %dma_wait3A_470 = tpu.memref_slice %arg10[%rem3A_460, %dma_wait3A_469] : memref<4x88xi32, #tpu.memory_space<vmem>> -> memref<1x88xi32, #tpu.memory_space<vmem>>
    %dma_wait3A_471 = tpu.memref_squeeze %dma_wait3A_470 : memref<1x88xi32, #tpu.memory_space<vmem>> -> memref<88xi32, #tpu.memory_space<vmem>>
    %dma_wait3A_472 = tpu.memref_slice %arg2[%mul3A_464] : memref<321024xi32, #tpu.memory_space<hbm>> -> memref<88xi32, #tpu.memory_space<hbm>>
    tpu.wait_dma2 semaphore(%arg18 : memref<!tpu.dma_semaphore, #tpu.memory_space<semaphore_mem>>) src(%dma_wait3A_472 : memref<88xi32, #tpu.memory_space<hbm>>) dst(%dma_wait3A_471 : memref<88xi32, #tpu.memory_space<vmem>>)
    %add3A_473 = arith.constant 113 : i32
    %add3A_474 = arith.addi %mul3A_2, %add3A_473 : i32
    %mul3A_475 = arith.constant 88 : i32
    %mul3A_476 = arith.muli %add3A_474, %mul3A_475 : i32
    %dma_wait3A_477 = arith.constant 0 : i32
    %dma_wait3A_478 = tpu.memref_slice %arg11[%rem3A_460, %dma_wait3A_477] : memref<4x88xi32, #tpu.memory_space<vmem>> -> memref<1x88xi32, #tpu.memory_space<vmem>>
    %dma_wait3A_479 = tpu.memref_squeeze %dma_wait3A_478 : memref<1x88xi32, #tpu.memory_space<vmem>> -> memref<88xi32, #tpu.memory_space<vmem>>
    %dma_wait3A_480 = tpu.memref_slice %arg3[%mul3A_476] : memref<321024xi32, #tpu.memory_space<hbm>> -> memref<88xi32, #tpu.memory_space<hbm>>
    %dma_wait3A_481 = arith.constant 0 : i32
    %dma_wait3A_482 = tpu.memref_slice %arg11[%rem3A_460, %dma_wait3A_481] : memref<4x88xi32, #tpu.memory_space<vmem>> -> memref<1x88xi32, #tpu.memory_space<vmem>>
    %dma_wait3A_483 = tpu.memref_squeeze %dma_wait3A_482 : memref<1x88xi32, #tpu.memory_space<vmem>> -> memref<88xi32, #tpu.memory_space<vmem>>
    %dma_wait3A_484 = tpu.memref_slice %arg3[%mul3A_476] : memref<321024xi32, #tpu.memory_space<hbm>> -> memref<88xi32, #tpu.memory_space<hbm>>
    tpu.wait_dma2 semaphore(%arg18 : memref<!tpu.dma_semaphore, #tpu.memory_space<semaphore_mem>>) src(%dma_wait3A_484 : memref<88xi32, #tpu.memory_space<hbm>>) dst(%dma_wait3A_483 : memref<88xi32, #tpu.memory_space<vmem>>)
    %rem3A_485 = arith.constant 113 : i32
    %rem3A_486 = arith.constant 4 : i32
    %rem3A_487 = arith.remsi %rem3A_485, %rem3A_486 : i32
    %dma_start3A_488 = arith.constant 1 : i32
    %dma_start3A_489 = arith.constant 0 : i32
    %dma_start3A_490 = arith.constant 0 : i32
    %dma_start3A_491 = tpu.memref_slice %arg13[%dma_start3A_488, %dma_start3A_489, %dma_start3A_490] : memref<2x88x16xf32, #tpu.memory_space<vmem>> -> memref<1x88x16xf32, #tpu.memory_space<vmem>>
    %dma_start3A_492 = tpu.memref_squeeze %dma_start3A_491 : memref<1x88x16xf32, #tpu.memory_space<vmem>> -> memref<88x16xf32, #tpu.memory_space<vmem>>
    %dma_start3A_493 = arith.constant 0 : i32
    %dma_start3A_494 = tpu.memref_slice %arg11[%rem3A_487, %dma_start3A_493] : memref<4x88xi32, #tpu.memory_space<vmem>> -> memref<1x88xi32, #tpu.memory_space<vmem>>
    %dma_start3A_495 = tpu.memref_squeeze %dma_start3A_494 : memref<1x88xi32, #tpu.memory_space<vmem>> -> memref<88xi32, #tpu.memory_space<vmem>>
    %dma_start3A_496 = arith.constant 0 : i32
    %dma_start3A_497 = arith.constant 0 : i32
    %dma_start3A_498 = tpu.memref_slice %arg5[%dma_start3A_496, %dma_start3A_497] : memref<10008x16xf32, #tpu.memory_space<hbm>> -> memref<10008x16xf32, #tpu.memory_space<hbm>>
    tpu.enqueue_indirect_dma source(%dma_start3A_498 : memref<10008x16xf32, #tpu.memory_space<hbm>>) target(%dma_start3A_492 : memref<88x16xf32, #tpu.memory_space<vmem>>) offsets(%dma_start3A_495 : memref<88xi32, #tpu.memory_space<vmem>>) semaphore(%arg20 : memref<!tpu.dma_semaphore, #tpu.memory_space<semaphore_mem>>)
    %dma_start3A_499 = arith.constant 1 : i32
    %dma_start3A_500 = arith.constant 0 : i32
    %dma_start3A_501 = arith.constant 0 : i32
    %dma_start3A_502 = tpu.memref_slice %arg12[%dma_start3A_499, %dma_start3A_500, %dma_start3A_501] : memref<2x88x80xi32, #tpu.memory_space<vmem>> -> memref<1x88x80xi32, #tpu.memory_space<vmem>>
    %dma_start3A_503 = tpu.memref_squeeze %dma_start3A_502 : memref<1x88x80xi32, #tpu.memory_space<vmem>> -> memref<88x80xi32, #tpu.memory_space<vmem>>
    %dma_start3A_504 = arith.constant 0 : i32
    %dma_start3A_505 = tpu.memref_slice %arg10[%rem3A_487, %dma_start3A_504] : memref<4x88xi32, #tpu.memory_space<vmem>> -> memref<1x88xi32, #tpu.memory_space<vmem>>
    %dma_start3A_506 = tpu.memref_squeeze %dma_start3A_505 : memref<1x88xi32, #tpu.memory_space<vmem>> -> memref<88xi32, #tpu.memory_space<vmem>>
    %dma_start3A_507 = arith.constant 0 : i32
    %dma_start3A_508 = arith.constant 0 : i32
    %dma_start3A_509 = tpu.memref_slice %arg4[%dma_start3A_507, %dma_start3A_508] : memref<10008x80xi32, #tpu.memory_space<hbm>> -> memref<10008x80xi32, #tpu.memory_space<hbm>>
    tpu.enqueue_indirect_dma source(%dma_start3A_509 : memref<10008x80xi32, #tpu.memory_space<hbm>>) target(%dma_start3A_503 : memref<88x80xi32, #tpu.memory_space<vmem>>) offsets(%dma_start3A_506 : memref<88xi32, #tpu.memory_space<vmem>>) semaphore(%arg20 : memref<!tpu.dma_semaphore, #tpu.memory_space<semaphore_mem>>)
    %parallel_loop3A_510 = arith.constant 0 : i32
    %parallel_loop3A_511 = arith.constant 88 : i32
    %parallel_loop3A_512 = arith.constant 1 : i32
    scf.for %parallel_loop3A_655 = %parallel_loop3A_510 to %parallel_loop3A_511 step %parallel_loop3A_512  : i32 {
      %parallel_loop3A_656 = arith.constant 0 : i32
      %parallel_loop3A_657 = arith.index_cast %parallel_loop3A_656 : i32 to index
      %parallel_loop3A_658 = arith.index_cast %parallel_loop3A_655 : i32 to index
      %parallel_loop3A_659 = arith.constant 64 : index
      %parallel_loop3A_660 = tpu.vector_load %arg12[%parallel_loop3A_657, %parallel_loop3A_658, %parallel_loop3A_659] {strides = array<i32>} : memref<2x88x80xi32, #tpu.memory_space<vmem>>, vector<1x1x16xi32>,
      %parallel_loop3A_661 = vector.shape_cast %parallel_loop3A_660 : vector<1x1x16xi32> to vector<16xi32>
      %parallel_loop3A_662 = tpu.bitcast %parallel_loop3A_661 : vector<16xi32> -> vector<16xf32>
      %parallel_loop3A_663 = arith.constant 0 : i32
      %parallel_loop3A_664 = arith.index_cast %parallel_loop3A_663 : i32 to index
      %parallel_loop3A_665 = arith.index_cast %parallel_loop3A_655 : i32 to index
      %parallel_loop3A_666 = arith.constant 0 : index
      %parallel_loop3A_667 = tpu.vector_load %arg13[%parallel_loop3A_664, %parallel_loop3A_665, %parallel_loop3A_666] {strides = array<i32>} : memref<2x88x16xf32, #tpu.memory_space<vmem>>, vector<1x1x16xf32>,
      %parallel_loop3A_668 = vector.shape_cast %parallel_loop3A_667 : vector<1x1x16xf32> to vector<16xf32>
      %parallel_loop3A_669 = arith.addf %parallel_loop3A_662, %parallel_loop3A_668 : vector<16xf32>
      %parallel_loop3A_670 = arith.constant 0.000000e+00 : f32
      %parallel_loop3A_671 = vector.broadcast %parallel_loop3A_670 : f32 to vector<16xf32>
      %parallel_loop3A_672 = arith.cmpf olt, %parallel_loop3A_669, %parallel_loop3A_671 : vector<16xf32>
      %parallel_loop3A_673 = arith.constant 0.00999999977 : f32
      %parallel_loop3A_674 = vector.broadcast %parallel_loop3A_673 : f32 to vector<16xf32>
      %parallel_loop3A_675 = arith.mulf %parallel_loop3A_669, %parallel_loop3A_674 : vector<16xf32>
      %parallel_loop3A_676 = arith.select %parallel_loop3A_672, %parallel_loop3A_675, %parallel_loop3A_669 : vector<16xi1>, vector<16xf32>
      %parallel_loop3A_677 = math.exp %parallel_loop3A_676 : vector<16xf32>
      %parallel_loop3A_678 = arith.constant 0 : i32
      %parallel_loop3A_679 = arith.index_cast %parallel_loop3A_678 : i32 to index
      %parallel_loop3A_680 = arith.index_cast %parallel_loop3A_655 : i32 to index
      %parallel_loop3A_681 = arith.constant 0 : index
      %parallel_loop3A_682 = tpu.vector_load %arg13[%parallel_loop3A_679, %parallel_loop3A_680, %parallel_loop3A_681] {strides = array<i32>} : memref<2x88x16xf32, #tpu.memory_space<vmem>>, vector<1x1x16xf32>,
      %parallel_loop3A_683 = vector.shape_cast %parallel_loop3A_682 : vector<1x1x16xf32> to vector<16xf32>
      %parallel_loop3A_684 = vector.shape_cast %parallel_loop3A_677 : vector<16xf32> to vector<1x1x16xf32>
      tpu.vector_store %arg13[%parallel_loop3A_679, %parallel_loop3A_680, %parallel_loop3A_681], %parallel_loop3A_684 {strides = array<i32>} : memref<2x88x16xf32, #tpu.memory_space<vmem>>, vector<1x1x16xf32>,
      %parallel_loop3A_685 = arith.constant 0 : i32
      %parallel_loop3A_686 = arith.index_cast %parallel_loop3A_685 : i32 to index
      %parallel_loop3A_687 = arith.index_cast %parallel_loop3A_655 : i32 to index
      %parallel_loop3A_688 = arith.constant 0 : index
      %parallel_loop3A_689 = tpu.vector_load %arg12[%parallel_loop3A_686, %parallel_loop3A_687, %parallel_loop3A_688] {strides = array<i32>} : memref<2x88x80xi32, #tpu.memory_space<vmem>>, vector<1x1x16xi32>,
      %parallel_loop3A_690 = vector.shape_cast %parallel_loop3A_689 : vector<1x1x16xi32> to vector<16xi32>
      %parallel_loop3A_691 = arith.constant 16 : i32
      %parallel_loop3A_692 = vector.broadcast %parallel_loop3A_691 : i32 to vector<16xi32>
      %parallel_loop3A_693 = arith.shli %parallel_loop3A_690, %parallel_loop3A_692 : vector<16xi32>
      %parallel_loop3A_694 = tpu.bitcast %parallel_loop3A_693 : vector<16xi32> -> vector<16xf32>
      %parallel_loop3A_695 = arith.constant -65536 : i32
      %parallel_loop3A_696 = vector.broadcast %parallel_loop3A_695 : i32 to vector<16xi32>
      %parallel_loop3A_697 = arith.andi %parallel_loop3A_690, %parallel_loop3A_696 : vector<16xi32>
      %parallel_loop3A_698 = tpu.bitcast %parallel_loop3A_697 : vector<16xi32> -> vector<16xf32>
      %parallel_loop3A_699 = vector.extract_strided_slice %parallel_loop3A_677 {offsets = [0], sizes = [1], strides = [1]} : vector<16xf32> to vector<1xf32>
      %parallel_loop3A_700 = vector.extract %parallel_loop3A_699[0] : f32 from vector<1xf32>
      %parallel_loop3A_701 = vector.broadcast %parallel_loop3A_700 : f32 to vector<16xf32>
      %parallel_loop3A_702 = arith.mulf %parallel_loop3A_694, %parallel_loop3A_701 : vector<16xf32>
      %parallel_loop3A_703 = arith.constant 0 : i32
      %parallel_loop3A_704 = arith.index_cast %parallel_loop3A_703 : i32 to index
      %parallel_loop3A_705 = arith.index_cast %parallel_loop3A_655 : i32 to index
      %parallel_loop3A_706 = arith.constant 0 : index
      %parallel_loop3A_707 = tpu.vector_load %arg14[%parallel_loop3A_704, %parallel_loop3A_705, %parallel_loop3A_706] {strides = array<i32>} : memref<2x88x128xf32, #tpu.memory_space<vmem>>, vector<1x1x16xf32>,
      %parallel_loop3A_708 = vector.shape_cast %parallel_loop3A_707 : vector<1x1x16xf32> to vector<16xf32>
      %parallel_loop3A_709 = vector.shape_cast %parallel_loop3A_702 : vector<16xf32> to vector<1x1x16xf32>
      tpu.vector_store %arg14[%parallel_loop3A_704, %parallel_loop3A_705, %parallel_loop3A_706], %parallel_loop3A_709 {strides = array<i32>} : memref<2x88x128xf32, #tpu.memory_space<vmem>>, vector<1x1x16xf32>,
      %parallel_loop3A_710 = vector.extract_strided_slice %parallel_loop3A_677 {offsets = [1], sizes = [1], strides = [1]} : vector<16xf32> to vector<1xf32>
      %parallel_loop3A_711 = vector.extract %parallel_loop3A_710[0] : f32 from vector<1xf32>
      %parallel_loop3A_712 = vector.broadcast %parallel_loop3A_711 : f32 to vector<16xf32>
      %parallel_loop3A_713 = arith.mulf %parallel_loop3A_698, %parallel_loop3A_712 : vector<16xf32>
      %parallel_loop3A_714 = arith.constant 0 : i32
      %parallel_loop3A_715 = arith.index_cast %parallel_loop3A_714 : i32 to index
      %parallel_loop3A_716 = arith.index_cast %parallel_loop3A_655 : i32 to index
      %parallel_loop3A_717 = arith.constant 16 : index
      %parallel_loop3A_718 = tpu.vector_load %arg14[%parallel_loop3A_715, %parallel_loop3A_716, %parallel_loop3A_717] {strides = array<i32>} : memref<2x88x128xf32, #tpu.memory_space<vmem>>, vector<1x1x16xf32>,
      %parallel_loop3A_719 = vector.shape_cast %parallel_loop3A_718 : vector<1x1x16xf32> to vector<16xf32>
      %parallel_loop3A_720 = vector.shape_cast %parallel_loop3A_713 : vector<16xf32> to vector<1x1x16xf32>
      tpu.vector_store %arg14[%parallel_loop3A_715, %parallel_loop3A_716, %parallel_loop3A_717], %parallel_loop3A_720 {strides = array<i32>} : memref<2x88x128xf32, #tpu.memory_space<vmem>>, vector<1x1x16xf32>,
      %parallel_loop3A_721 = arith.constant 0 : i32
      %parallel_loop3A_722 = arith.index_cast %parallel_loop3A_721 : i32 to index
      %parallel_loop3A_723 = arith.index_cast %parallel_loop3A_655 : i32 to index
      %parallel_loop3A_724 = arith.constant 16 : index
      %parallel_loop3A_725 = tpu.vector_load %arg12[%parallel_loop3A_722, %parallel_loop3A_723, %parallel_loop3A_724] {strides = array<i32>} : memref<2x88x80xi32, #tpu.memory_space<vmem>>, vector<1x1x16xi32>,
      %parallel_loop3A_726 = vector.shape_cast %parallel_loop3A_725 : vector<1x1x16xi32> to vector<16xi32>
      %parallel_loop3A_727 = arith.constant 16 : i32
      %parallel_loop3A_728 = vector.broadcast %parallel_loop3A_727 : i32 to vector<16xi32>
      %parallel_loop3A_729 = arith.shli %parallel_loop3A_726, %parallel_loop3A_728 : vector<16xi32>
      %parallel_loop3A_730 = tpu.bitcast %parallel_loop3A_729 : vector<16xi32> -> vector<16xf32>
      %parallel_loop3A_731 = arith.constant -65536 : i32
      %parallel_loop3A_732 = vector.broadcast %parallel_loop3A_731 : i32 to vector<16xi32>
      %parallel_loop3A_733 = arith.andi %parallel_loop3A_726, %parallel_loop3A_732 : vector<16xi32>
      %parallel_loop3A_734 = tpu.bitcast %parallel_loop3A_733 : vector<16xi32> -> vector<16xf32>
      %parallel_loop3A_735 = vector.extract_strided_slice %parallel_loop3A_677 {offsets = [2], sizes = [1], strides = [1]} : vector<16xf32> to vector<1xf32>
      %parallel_loop3A_736 = vector.extract %parallel_loop3A_735[0] : f32 from vector<1xf32>
      %parallel_loop3A_737 = vector.broadcast %parallel_loop3A_736 : f32 to vector<16xf32>
      %parallel_loop3A_738 = arith.mulf %parallel_loop3A_730, %parallel_loop3A_737 : vector<16xf32>
      %parallel_loop3A_739 = arith.constant 0 : i32
      %parallel_loop3A_740 = arith.index_cast %parallel_loop3A_739 : i32 to index
      %parallel_loop3A_741 = arith.index_cast %parallel_loop3A_655 : i32 to index
      %parallel_loop3A_742 = arith.constant 32 : index
      %parallel_loop3A_743 = tpu.vector_load %arg14[%parallel_loop3A_740, %parallel_loop3A_741, %parallel_loop3A_742] {strides = array<i32>} : memref<2x88x128xf32, #tpu.memory_space<vmem>>, vector<1x1x16xf32>,
      %parallel_loop3A_744 = vector.shape_cast %parallel_loop3A_743 : vector<1x1x16xf32> to vector<16xf32>
      %parallel_loop3A_745 = vector.shape_cast %parallel_loop3A_738 : vector<16xf32> to vector<1x1x16xf32>
      tpu.vector_store %arg14[%parallel_loop3A_740, %parallel_loop3A_741, %parallel_loop3A_742], %parallel_loop3A_745 {strides = array<i32>} : memref<2x88x128xf32, #tpu.memory_space<vmem>>, vector<1x1x16xf32>,
      %parallel_loop3A_746 = vector.extract_strided_slice %parallel_loop3A_677 {offsets = [3], sizes = [1], strides = [1]} : vector<16xf32> to vector<1xf32>
      %parallel_loop3A_747 = vector.extract %parallel_loop3A_746[0] : f32 from vector<1xf32>
      %parallel_loop3A_748 = vector.broadcast %parallel_loop3A_747 : f32 to vector<16xf32>
      %parallel_loop3A_749 = arith.mulf %parallel_loop3A_734, %parallel_loop3A_748 : vector<16xf32>
      %parallel_loop3A_750 = arith.constant 0 : i32
      %parallel_loop3A_751 = arith.index_cast %parallel_loop3A_750 : i32 to index
      %parallel_loop3A_752 = arith.index_cast %parallel_loop3A_655 : i32 to index
      %parallel_loop3A_753 = arith.constant 48 : index
      %parallel_loop3A_754 = tpu.vector_load %arg14[%parallel_loop3A_751, %parallel_loop3A_752, %parallel_loop3A_753] {strides = array<i32>} : memref<2x88x128xf32, #tpu.memory_space<vmem>>, vector<1x1x16xf32>,
      %parallel_loop3A_755 = vector.shape_cast %parallel_loop3A_754 : vector<1x1x16xf32> to vector<16xf32>
      %parallel_loop3A_756 = vector.shape_cast %parallel_loop3A_749 : vector<16xf32> to vector<1x1x16xf32>
      tpu.vector_store %arg14[%parallel_loop3A_751, %parallel_loop3A_752, %parallel_loop3A_753], %parallel_loop3A_756 {strides = array<i32>} : memref<2x88x128xf32, #tpu.memory_space<vmem>>, vector<1x1x16xf32>,
      %parallel_loop3A_757 = arith.constant 0 : i32
      %parallel_loop3A_758 = arith.index_cast %parallel_loop3A_757 : i32 to index
      %parallel_loop3A_759 = arith.index_cast %parallel_loop3A_655 : i32 to index
      %parallel_loop3A_760 = arith.constant 32 : index
      %parallel_loop3A_761 = tpu.vector_load %arg12[%parallel_loop3A_758, %parallel_loop3A_759, %parallel_loop3A_760] {strides = array<i32>} : memref<2x88x80xi32, #tpu.memory_space<vmem>>, vector<1x1x16xi32>,
      %parallel_loop3A_762 = vector.shape_cast %parallel_loop3A_761 : vector<1x1x16xi32> to vector<16xi32>
      %parallel_loop3A_763 = arith.constant 16 : i32
      %parallel_loop3A_764 = vector.broadcast %parallel_loop3A_763 : i32 to vector<16xi32>
      %parallel_loop3A_765 = arith.shli %parallel_loop3A_762, %parallel_loop3A_764 : vector<16xi32>
      %parallel_loop3A_766 = tpu.bitcast %parallel_loop3A_765 : vector<16xi32> -> vector<16xf32>
      %parallel_loop3A_767 = arith.constant -65536 : i32
      %parallel_loop3A_768 = vector.broadcast %parallel_loop3A_767 : i32 to vector<16xi32>
      %parallel_loop3A_769 = arith.andi %parallel_loop3A_762, %parallel_loop3A_768 : vector<16xi32>
      %parallel_loop3A_770 = tpu.bitcast %parallel_loop3A_769 : vector<16xi32> -> vector<16xf32>
      %parallel_loop3A_771 = vector.extract_strided_slice %parallel_loop3A_677 {offsets = [4], sizes = [1], strides = [1]} : vector<16xf32> to vector<1xf32>
      %parallel_loop3A_772 = vector.extract %parallel_loop3A_771[0] : f32 from vector<1xf32>
      %parallel_loop3A_773 = vector.broadcast %parallel_loop3A_772 : f32 to vector<16xf32>
      %parallel_loop3A_774 = arith.mulf %parallel_loop3A_766, %parallel_loop3A_773 : vector<16xf32>
      %parallel_loop3A_775 = arith.constant 0 : i32
      %parallel_loop3A_776 = arith.index_cast %parallel_loop3A_775 : i32 to index
      %parallel_loop3A_777 = arith.index_cast %parallel_loop3A_655 : i32 to index
      %parallel_loop3A_778 = arith.constant 64 : index
      %parallel_loop3A_779 = tpu.vector_load %arg14[%parallel_loop3A_776, %parallel_loop3A_777, %parallel_loop3A_778] {strides = array<i32>} : memref<2x88x128xf32, #tpu.memory_space<vmem>>, vector<1x1x16xf32>,
      %parallel_loop3A_780 = vector.shape_cast %parallel_loop3A_779 : vector<1x1x16xf32> to vector<16xf32>
      %parallel_loop3A_781 = vector.shape_cast %parallel_loop3A_774 : vector<16xf32> to vector<1x1x16xf32>
      tpu.vector_store %arg14[%parallel_loop3A_776, %parallel_loop3A_777, %parallel_loop3A_778], %parallel_loop3A_781 {strides = array<i32>} : memref<2x88x128xf32, #tpu.memory_space<vmem>>, vector<1x1x16xf32>,
      %parallel_loop3A_782 = vector.extract_strided_slice %parallel_loop3A_677 {offsets = [5], sizes = [1], strides = [1]} : vector<16xf32> to vector<1xf32>
      %parallel_loop3A_783 = vector.extract %parallel_loop3A_782[0] : f32 from vector<1xf32>
      %parallel_loop3A_784 = vector.broadcast %parallel_loop3A_783 : f32 to vector<16xf32>
      %parallel_loop3A_785 = arith.mulf %parallel_loop3A_770, %parallel_loop3A_784 : vector<16xf32>
      %parallel_loop3A_786 = arith.constant 0 : i32
      %parallel_loop3A_787 = arith.index_cast %parallel_loop3A_786 : i32 to index
      %parallel_loop3A_788 = arith.index_cast %parallel_loop3A_655 : i32 to index
      %parallel_loop3A_789 = arith.constant 80 : index
      %parallel_loop3A_790 = tpu.vector_load %arg14[%parallel_loop3A_787, %parallel_loop3A_788, %parallel_loop3A_789] {strides = array<i32>} : memref<2x88x128xf32, #tpu.memory_space<vmem>>, vector<1x1x16xf32>,
      %parallel_loop3A_791 = vector.shape_cast %parallel_loop3A_790 : vector<1x1x16xf32> to vector<16xf32>
      %parallel_loop3A_792 = vector.shape_cast %parallel_loop3A_785 : vector<16xf32> to vector<1x1x16xf32>
      tpu.vector_store %arg14[%parallel_loop3A_787, %parallel_loop3A_788, %parallel_loop3A_789], %parallel_loop3A_792 {strides = array<i32>} : memref<2x88x128xf32, #tpu.memory_space<vmem>>, vector<1x1x16xf32>,
      %parallel_loop3A_793 = arith.constant 0 : i32
      %parallel_loop3A_794 = arith.index_cast %parallel_loop3A_793 : i32 to index
      %parallel_loop3A_795 = arith.index_cast %parallel_loop3A_655 : i32 to index
      %parallel_loop3A_796 = arith.constant 48 : index
      %parallel_loop3A_797 = tpu.vector_load %arg12[%parallel_loop3A_794, %parallel_loop3A_795, %parallel_loop3A_796] {strides = array<i32>} : memref<2x88x80xi32, #tpu.memory_space<vmem>>, vector<1x1x16xi32>,
      %parallel_loop3A_798 = vector.shape_cast %parallel_loop3A_797 : vector<1x1x16xi32> to vector<16xi32>
      %parallel_loop3A_799 = arith.constant 16 : i32
      %parallel_loop3A_800 = vector.broadcast %parallel_loop3A_799 : i32 to vector<16xi32>
      %parallel_loop3A_801 = arith.shli %parallel_loop3A_798, %parallel_loop3A_800 : vector<16xi32>
      %parallel_loop3A_802 = tpu.bitcast %parallel_loop3A_801 : vector<16xi32> -> vector<16xf32>
      %parallel_loop3A_803 = arith.constant -65536 : i32
      %parallel_loop3A_804 = vector.broadcast %parallel_loop3A_803 : i32 to vector<16xi32>
      %parallel_loop3A_805 = arith.andi %parallel_loop3A_798, %parallel_loop3A_804 : vector<16xi32>
      %parallel_loop3A_806 = tpu.bitcast %parallel_loop3A_805 : vector<16xi32> -> vector<16xf32>
      %parallel_loop3A_807 = vector.extract_strided_slice %parallel_loop3A_677 {offsets = [6], sizes = [1], strides = [1]} : vector<16xf32> to vector<1xf32>
      %parallel_loop3A_808 = vector.extract %parallel_loop3A_807[0] : f32 from vector<1xf32>
      %parallel_loop3A_809 = vector.broadcast %parallel_loop3A_808 : f32 to vector<16xf32>
      %parallel_loop3A_810 = arith.mulf %parallel_loop3A_802, %parallel_loop3A_809 : vector<16xf32>
      %parallel_loop3A_811 = arith.constant 0 : i32
      %parallel_loop3A_812 = arith.index_cast %parallel_loop3A_811 : i32 to index
      %parallel_loop3A_813 = arith.index_cast %parallel_loop3A_655 : i32 to index
      %parallel_loop3A_814 = arith.constant 96 : index
      %parallel_loop3A_815 = tpu.vector_load %arg14[%parallel_loop3A_812, %parallel_loop3A_813, %parallel_loop3A_814] {strides = array<i32>} : memref<2x88x128xf32, #tpu.memory_space<vmem>>, vector<1x1x16xf32>,
      %parallel_loop3A_816 = vector.shape_cast %parallel_loop3A_815 : vector<1x1x16xf32> to vector<16xf32>
      %parallel_loop3A_817 = vector.shape_cast %parallel_loop3A_810 : vector<16xf32> to vector<1x1x16xf32>
      tpu.vector_store %arg14[%parallel_loop3A_812, %parallel_loop3A_813, %parallel_loop3A_814], %parallel_loop3A_817 {strides = array<i32>} : memref<2x88x128xf32, #tpu.memory_space<vmem>>, vector<1x1x16xf32>,
      %parallel_loop3A_818 = vector.extract_strided_slice %parallel_loop3A_677 {offsets = [7], sizes = [1], strides = [1]} : vector<16xf32> to vector<1xf32>
      %parallel_loop3A_819 = vector.extract %parallel_loop3A_818[0] : f32 from vector<1xf32>
      %parallel_loop3A_820 = vector.broadcast %parallel_loop3A_819 : f32 to vector<16xf32>
      %parallel_loop3A_821 = arith.mulf %parallel_loop3A_806, %parallel_loop3A_820 : vector<16xf32>
      %parallel_loop3A_822 = arith.constant 0 : i32
      %parallel_loop3A_823 = arith.index_cast %parallel_loop3A_822 : i32 to index
      %parallel_loop3A_824 = arith.index_cast %parallel_loop3A_655 : i32 to index
      %parallel_loop3A_825 = arith.constant 112 : index
      %parallel_loop3A_826 = tpu.vector_load %arg14[%parallel_loop3A_823, %parallel_loop3A_824, %parallel_loop3A_825] {strides = array<i32>} : memref<2x88x128xf32, #tpu.memory_space<vmem>>, vector<1x1x16xf32>,
      %parallel_loop3A_827 = vector.shape_cast %parallel_loop3A_826 : vector<1x1x16xf32> to vector<16xf32>
      %parallel_loop3A_828 = vector.shape_cast %parallel_loop3A_821 : vector<16xf32> to vector<1x1x16xf32>
      tpu.vector_store %arg14[%parallel_loop3A_823, %parallel_loop3A_824, %parallel_loop3A_825], %parallel_loop3A_828 {strides = array<i32>} : memref<2x88x128xf32, #tpu.memory_space<vmem>>, vector<1x1x16xf32>,
    } {sc.loop_unroll_factor = 4 : i64, sc.parallel_access}
    %rem3A_513 = arith.constant 112 : i32
    %rem3A_514 = arith.constant 4 : i32
    %rem3A_515 = arith.remsi %rem3A_513, %rem3A_514 : i32
    %dma_start3A_516 = arith.constant 0 : i32
    %dma_start3A_517 = arith.constant 0 : i32
    %dma_start3A_518 = arith.constant 0 : i32
    %dma_start3A_519 = tpu.memref_slice %arg13[%dma_start3A_516, %dma_start3A_517, %dma_start3A_518] : memref<2x88x16xf32, #tpu.memory_space<vmem>> -> memref<1x88x16xf32, #tpu.memory_space<vmem>>
    %dma_start3A_520 = tpu.memref_squeeze %dma_start3A_519 : memref<1x88x16xf32, #tpu.memory_space<vmem>> -> memref<88x16xf32, #tpu.memory_space<vmem>>
    %dma_start3A_521 = arith.constant 0 : i32
    %dma_start3A_522 = tpu.memref_slice %arg11[%rem3A_515, %dma_start3A_521] : memref<4x88xi32, #tpu.memory_space<vmem>> -> memref<1x88xi32, #tpu.memory_space<vmem>>
    %dma_start3A_523 = tpu.memref_squeeze %dma_start3A_522 : memref<1x88xi32, #tpu.memory_space<vmem>> -> memref<88xi32, #tpu.memory_space<vmem>>
    %dma_start3A_524 = arith.constant 0 : i32
    %dma_start3A_525 = arith.constant 0 : i32
    %dma_start3A_526 = tpu.memref_slice %arg16[%dma_start3A_524, %dma_start3A_525] : memref<10008x16xf32, #tpu.memory_space<vmem_shared>> -> memref<10008x16xf32, #tpu.memory_space<vmem_shared>>
    tpu.enqueue_indirect_dma source(%dma_start3A_520 : memref<88x16xf32, #tpu.memory_space<vmem>>) target(%dma_start3A_526 : memref<10008x16xf32, #tpu.memory_space<vmem_shared>>) offsets(%dma_start3A_523 : memref<88xi32, #tpu.memory_space<vmem>>) semaphore(%arg21 : memref<!tpu.dma_semaphore, #tpu.memory_space<semaphore_mem>>) {add = true}
    %dma_start3A_527 = arith.constant 0 : i32
    %dma_start3A_528 = arith.constant 0 : i32
    %dma_start3A_529 = arith.constant 0 : i32
    %dma_start3A_530 = tpu.memref_slice %arg14[%dma_start3A_527, %dma_start3A_528, %dma_start3A_529] : memref<2x88x128xf32, #tpu.memory_space<vmem>> -> memref<1x88x128xf32, #tpu.memory_space<vmem>>
    %dma_start3A_531 = tpu.memref_squeeze %dma_start3A_530 : memref<1x88x128xf32, #tpu.memory_space<vmem>> -> memref<88x128xf32, #tpu.memory_space<vmem>>
    %dma_start3A_532 = arith.constant 0 : i32
    %dma_start3A_533 = tpu.memref_slice %arg11[%rem3A_515, %dma_start3A_532] : memref<4x88xi32, #tpu.memory_space<vmem>> -> memref<1x88xi32, #tpu.memory_space<vmem>>
    %dma_start3A_534 = tpu.memref_squeeze %dma_start3A_533 : memref<1x88xi32, #tpu.memory_space<vmem>> -> memref<88xi32, #tpu.memory_space<vmem>>
    %dma_start3A_535 = arith.constant 0 : i32
    %dma_start3A_536 = arith.constant 0 : i32
    %dma_start3A_537 = tpu.memref_slice %arg15[%dma_start3A_535, %dma_start3A_536] : memref<10008x128xf32, #tpu.memory_space<vmem_shared>> -> memref<10008x128xf32, #tpu.memory_space<vmem_shared>>
    tpu.enqueue_indirect_dma source(%dma_start3A_531 : memref<88x128xf32, #tpu.memory_space<vmem>>) target(%dma_start3A_537 : memref<10008x128xf32, #tpu.memory_space<vmem_shared>>) offsets(%dma_start3A_534 : memref<88xi32, #tpu.memory_space<vmem>>) semaphore(%arg21 : memref<!tpu.dma_semaphore, #tpu.memory_space<semaphore_mem>>) {add = true}
    %rem3A_538 = arith.constant 113 : i32
    %rem3A_539 = arith.constant 4 : i32
    %rem3A_540 = arith.remsi %rem3A_538, %rem3A_539 : i32
    %dma_wait3A_541 = arith.constant 1 : i32
    %dma_wait3A_542 = arith.constant 0 : i32
    %dma_wait3A_543 = arith.constant 0 : i32
    %dma_wait3A_544 = tpu.memref_slice %arg13[%dma_wait3A_541, %dma_wait3A_542, %dma_wait3A_543] : memref<2x88x16xf32, #tpu.memory_space<vmem>> -> memref<1x88x16xf32, #tpu.memory_space<vmem>>
    %dma_wait3A_545 = tpu.memref_squeeze %dma_wait3A_544 : memref<1x88x16xf32, #tpu.memory_space<vmem>> -> memref<88x16xf32, #tpu.memory_space<vmem>>
    %dma_wait3A_546 = arith.constant 0 : i32
    %dma_wait3A_547 = tpu.memref_slice %arg11[%rem3A_540, %dma_wait3A_546] : memref<4x88xi32, #tpu.memory_space<vmem>> -> memref<1x88xi32, #tpu.memory_space<vmem>>
    %dma_wait3A_548 = tpu.memref_squeeze %dma_wait3A_547 : memref<1x88xi32, #tpu.memory_space<vmem>> -> memref<88xi32, #tpu.memory_space<vmem>>
    %dma_wait3A_549 = arith.constant 0 : i32
    %dma_wait3A_550 = arith.constant 0 : i32
    %dma_wait3A_551 = tpu.memref_slice %arg5[%dma_wait3A_549, %dma_wait3A_550] : memref<10008x16xf32, #tpu.memory_space<hbm>> -> memref<10008x16xf32, #tpu.memory_space<hbm>>
    tpu.wait_indirect_dma semaphore(%arg20 : memref<!tpu.dma_semaphore, #tpu.memory_space<semaphore_mem>>) src(%dma_wait3A_551 : memref<10008x16xf32, #tpu.memory_space<hbm>>) dst(%dma_wait3A_545 : memref<88x16xf32, #tpu.memory_space<vmem>>)
    %dma_wait3A_552 = arith.constant 1 : i32
    %dma_wait3A_553 = arith.constant 0 : i32
    %dma_wait3A_554 = arith.constant 0 : i32
    %dma_wait3A_555 = tpu.memref_slice %arg12[%dma_wait3A_552, %dma_wait3A_553, %dma_wait3A_554] : memref<2x88x80xi32, #tpu.memory_space<vmem>> -> memref<1x88x80xi32, #tpu.memory_space<vmem>>
    %dma_wait3A_556 = tpu.memref_squeeze %dma_wait3A_555 : memref<1x88x80xi32, #tpu.memory_space<vmem>> -> memref<88x80xi32, #tpu.memory_space<vmem>>
    %dma_wait3A_557 = arith.constant 0 : i32
    %dma_wait3A_558 = tpu.memref_slice %arg10[%rem3A_540, %dma_wait3A_557] : memref<4x88xi32, #tpu.memory_space<vmem>> -> memref<1x88xi32, #tpu.memory_space<vmem>>
    %dma_wait3A_559 = tpu.memref_squeeze %dma_wait3A_558 : memref<1x88xi32, #tpu.memory_space<vmem>> -> memref<88xi32, #tpu.memory_space<vmem>>
    %dma_wait3A_560 = arith.constant 0 : i32
    %dma_wait3A_561 = arith.constant 0 : i32
    %dma_wait3A_562 = tpu.memref_slice %arg4[%dma_wait3A_560, %dma_wait3A_561] : memref<10008x80xi32, #tpu.memory_space<hbm>> -> memref<10008x80xi32, #tpu.memory_space<hbm>>
    tpu.wait_indirect_dma semaphore(%arg20 : memref<!tpu.dma_semaphore, #tpu.memory_space<semaphore_mem>>) src(%dma_wait3A_562 : memref<10008x80xi32, #tpu.memory_space<hbm>>) dst(%dma_wait3A_556 : memref<88x80xi32, #tpu.memory_space<vmem>>)
    %rem3A_563 = arith.constant 112 : i32
    %rem3A_564 = arith.constant 4 : i32
    %rem3A_565 = arith.remsi %rem3A_563, %rem3A_564 : i32
    %dma_wait3A_566 = arith.constant 0 : i32
    %dma_wait3A_567 = arith.constant 0 : i32
    %dma_wait3A_568 = arith.constant 0 : i32
    %dma_wait3A_569 = tpu.memref_slice %arg13[%dma_wait3A_566, %dma_wait3A_567, %dma_wait3A_568] : memref<2x88x16xf32, #tpu.memory_space<vmem>> -> memref<1x88x16xf32, #tpu.memory_space<vmem>>
    %dma_wait3A_570 = tpu.memref_squeeze %dma_wait3A_569 : memref<1x88x16xf32, #tpu.memory_space<vmem>> -> memref<88x16xf32, #tpu.memory_space<vmem>>
    %dma_wait3A_571 = arith.constant 0 : i32
    %dma_wait3A_572 = tpu.memref_slice %arg11[%rem3A_565, %dma_wait3A_571] : memref<4x88xi32, #tpu.memory_space<vmem>> -> memref<1x88xi32, #tpu.memory_space<vmem>>
    %dma_wait3A_573 = tpu.memref_squeeze %dma_wait3A_572 : memref<1x88xi32, #tpu.memory_space<vmem>> -> memref<88xi32, #tpu.memory_space<vmem>>
    %dma_wait3A_574 = arith.constant 0 : i32
    %dma_wait3A_575 = arith.constant 0 : i32
    %dma_wait3A_576 = tpu.memref_slice %arg16[%dma_wait3A_574, %dma_wait3A_575] : memref<10008x16xf32, #tpu.memory_space<vmem_shared>> -> memref<10008x16xf32, #tpu.memory_space<vmem_shared>>
    tpu.wait_indirect_dma semaphore(%arg21 : memref<!tpu.dma_semaphore, #tpu.memory_space<semaphore_mem>>) src(%dma_wait3A_570 : memref<88x16xf32, #tpu.memory_space<vmem>>) dst(%dma_wait3A_576 : memref<10008x16xf32, #tpu.memory_space<vmem_shared>>)
    %dma_wait3A_577 = arith.constant 0 : i32
    %dma_wait3A_578 = arith.constant 0 : i32
    %dma_wait3A_579 = arith.constant 0 : i32
    %dma_wait3A_580 = tpu.memref_slice %arg14[%dma_wait3A_577, %dma_wait3A_578, %dma_wait3A_579] : memref<2x88x128xf32, #tpu.memory_space<vmem>> -> memref<1x88x128xf32, #tpu.memory_space<vmem>>
    %dma_wait3A_581 = tpu.memref_squeeze %dma_wait3A_580 : memref<1x88x128xf32, #tpu.memory_space<vmem>> -> memref<88x128xf32, #tpu.memory_space<vmem>>
    %dma_wait3A_582 = arith.constant 0 : i32
    %dma_wait3A_583 = tpu.memref_slice %arg11[%rem3A_565, %dma_wait3A_582] : memref<4x88xi32, #tpu.memory_space<vmem>> -> memref<1x88xi32, #tpu.memory_space<vmem>>
    %dma_wait3A_584 = tpu.memref_squeeze %dma_wait3A_583 : memref<1x88xi32, #tpu.memory_space<vmem>> -> memref<88xi32, #tpu.memory_space<vmem>>
    %dma_wait3A_585 = arith.constant 0 : i32
    %dma_wait3A_586 = arith.constant 0 : i32
    %dma_wait3A_587 = tpu.memref_slice %arg15[%dma_wait3A_585, %dma_wait3A_586] : memref<10008x128xf32, #tpu.memory_space<vmem_shared>> -> memref<10008x128xf32, #tpu.memory_space<vmem_shared>>
    tpu.wait_indirect_dma semaphore(%arg21 : memref<!tpu.dma_semaphore, #tpu.memory_space<semaphore_mem>>) src(%dma_wait3A_581 : memref<88x128xf32, #tpu.memory_space<vmem>>) dst(%dma_wait3A_587 : memref<10008x128xf32, #tpu.memory_space<vmem_shared>>)
    %parallel_loop3A_588 = arith.constant 0 : i32
    %parallel_loop3A_589 = arith.constant 88 : i32
    %parallel_loop3A_590 = arith.constant 1 : i32
    scf.for %parallel_loop3A_655 = %parallel_loop3A_588 to %parallel_loop3A_589 step %parallel_loop3A_590  : i32 {
      %parallel_loop3A_656 = arith.constant 1 : i32
      %parallel_loop3A_657 = arith.index_cast %parallel_loop3A_656 : i32 to index
      %parallel_loop3A_658 = arith.index_cast %parallel_loop3A_655 : i32 to index
      %parallel_loop3A_659 = arith.constant 64 : index
      %parallel_loop3A_660 = tpu.vector_load %arg12[%parallel_loop3A_657, %parallel_loop3A_658, %parallel_loop3A_659] {strides = array<i32>} : memref<2x88x80xi32, #tpu.memory_space<vmem>>, vector<1x1x16xi32>,
      %parallel_loop3A_661 = vector.shape_cast %parallel_loop3A_660 : vector<1x1x16xi32> to vector<16xi32>
      %parallel_loop3A_662 = tpu.bitcast %parallel_loop3A_661 : vector<16xi32> -> vector<16xf32>
      %parallel_loop3A_663 = arith.constant 1 : i32
      %parallel_loop3A_664 = arith.index_cast %parallel_loop3A_663 : i32 to index
      %parallel_loop3A_665 = arith.index_cast %parallel_loop3A_655 : i32 to index
      %parallel_loop3A_666 = arith.constant 0 : index
      %parallel_loop3A_667 = tpu.vector_load %arg13[%parallel_loop3A_664, %parallel_loop3A_665, %parallel_loop3A_666] {strides = array<i32>} : memref<2x88x16xf32, #tpu.memory_space<vmem>>, vector<1x1x16xf32>,
      %parallel_loop3A_668 = vector.shape_cast %parallel_loop3A_667 : vector<1x1x16xf32> to vector<16xf32>
      %parallel_loop3A_669 = arith.addf %parallel_loop3A_662, %parallel_loop3A_668 : vector<16xf32>
      %parallel_loop3A_670 = arith.constant 0.000000e+00 : f32
      %parallel_loop3A_671 = vector.broadcast %parallel_loop3A_670 : f32 to vector<16xf32>
      %parallel_loop3A_672 = arith.cmpf olt, %parallel_loop3A_669, %parallel_loop3A_671 : vector<16xf32>
      %parallel_loop3A_673 = arith.constant 0.00999999977 : f32
      %parallel_loop3A_674 = vector.broadcast %parallel_loop3A_673 : f32 to vector<16xf32>
      %parallel_loop3A_675 = arith.mulf %parallel_loop3A_669, %parallel_loop3A_674 : vector<16xf32>
      %parallel_loop3A_676 = arith.select %parallel_loop3A_672, %parallel_loop3A_675, %parallel_loop3A_669 : vector<16xi1>, vector<16xf32>
      %parallel_loop3A_677 = math.exp %parallel_loop3A_676 : vector<16xf32>
      %parallel_loop3A_678 = arith.constant 1 : i32
      %parallel_loop3A_679 = arith.index_cast %parallel_loop3A_678 : i32 to index
      %parallel_loop3A_680 = arith.index_cast %parallel_loop3A_655 : i32 to index
      %parallel_loop3A_681 = arith.constant 0 : index
      %parallel_loop3A_682 = tpu.vector_load %arg13[%parallel_loop3A_679, %parallel_loop3A_680, %parallel_loop3A_681] {strides = array<i32>} : memref<2x88x16xf32, #tpu.memory_space<vmem>>, vector<1x1x16xf32>,
      %parallel_loop3A_683 = vector.shape_cast %parallel_loop3A_682 : vector<1x1x16xf32> to vector<16xf32>
      %parallel_loop3A_684 = vector.shape_cast %parallel_loop3A_677 : vector<16xf32> to vector<1x1x16xf32>
      tpu.vector_store %arg13[%parallel_loop3A_679, %parallel_loop3A_680, %parallel_loop3A_681], %parallel_loop3A_684 {strides = array<i32>} : memref<2x88x16xf32, #tpu.memory_space<vmem>>, vector<1x1x16xf32>,
      %parallel_loop3A_685 = arith.constant 1 : i32
      %parallel_loop3A_686 = arith.index_cast %parallel_loop3A_685 : i32 to index
      %parallel_loop3A_687 = arith.index_cast %parallel_loop3A_655 : i32 to index
      %parallel_loop3A_688 = arith.constant 0 : index
      %parallel_loop3A_689 = tpu.vector_load %arg12[%parallel_loop3A_686, %parallel_loop3A_687, %parallel_loop3A_688] {strides = array<i32>} : memref<2x88x80xi32, #tpu.memory_space<vmem>>, vector<1x1x16xi32>,
      %parallel_loop3A_690 = vector.shape_cast %parallel_loop3A_689 : vector<1x1x16xi32> to vector<16xi32>
      %parallel_loop3A_691 = arith.constant 16 : i32
      %parallel_loop3A_692 = vector.broadcast %parallel_loop3A_691 : i32 to vector<16xi32>
      %parallel_loop3A_693 = arith.shli %parallel_loop3A_690, %parallel_loop3A_692 : vector<16xi32>
      %parallel_loop3A_694 = tpu.bitcast %parallel_loop3A_693 : vector<16xi32> -> vector<16xf32>
      %parallel_loop3A_695 = arith.constant -65536 : i32
      %parallel_loop3A_696 = vector.broadcast %parallel_loop3A_695 : i32 to vector<16xi32>
      %parallel_loop3A_697 = arith.andi %parallel_loop3A_690, %parallel_loop3A_696 : vector<16xi32>
      %parallel_loop3A_698 = tpu.bitcast %parallel_loop3A_697 : vector<16xi32> -> vector<16xf32>
      %parallel_loop3A_699 = vector.extract_strided_slice %parallel_loop3A_677 {offsets = [0], sizes = [1], strides = [1]} : vector<16xf32> to vector<1xf32>
      %parallel_loop3A_700 = vector.extract %parallel_loop3A_699[0] : f32 from vector<1xf32>
      %parallel_loop3A_701 = vector.broadcast %parallel_loop3A_700 : f32 to vector<16xf32>
      %parallel_loop3A_702 = arith.mulf %parallel_loop3A_694, %parallel_loop3A_701 : vector<16xf32>
      %parallel_loop3A_703 = arith.constant 1 : i32
      %parallel_loop3A_704 = arith.index_cast %parallel_loop3A_703 : i32 to index
      %parallel_loop3A_705 = arith.index_cast %parallel_loop3A_655 : i32 to index
      %parallel_loop3A_706 = arith.constant 0 : index
      %parallel_loop3A_707 = tpu.vector_load %arg14[%parallel_loop3A_704, %parallel_loop3A_705, %parallel_loop3A_706] {strides = array<i32>} : memref<2x88x128xf32, #tpu.memory_space<vmem>>, vector<1x1x16xf32>,
      %parallel_loop3A_708 = vector.shape_cast %parallel_loop3A_707 : vector<1x1x16xf32> to vector<16xf32>
      %parallel_loop3A_709 = vector.shape_cast %parallel_loop3A_702 : vector<16xf32> to vector<1x1x16xf32>
      tpu.vector_store %arg14[%parallel_loop3A_704, %parallel_loop3A_705, %parallel_loop3A_706], %parallel_loop3A_709 {strides = array<i32>} : memref<2x88x128xf32, #tpu.memory_space<vmem>>, vector<1x1x16xf32>,
      %parallel_loop3A_710 = vector.extract_strided_slice %parallel_loop3A_677 {offsets = [1], sizes = [1], strides = [1]} : vector<16xf32> to vector<1xf32>
      %parallel_loop3A_711 = vector.extract %parallel_loop3A_710[0] : f32 from vector<1xf32>
      %parallel_loop3A_712 = vector.broadcast %parallel_loop3A_711 : f32 to vector<16xf32>
      %parallel_loop3A_713 = arith.mulf %parallel_loop3A_698, %parallel_loop3A_712 : vector<16xf32>
      %parallel_loop3A_714 = arith.constant 1 : i32
      %parallel_loop3A_715 = arith.index_cast %parallel_loop3A_714 : i32 to index
      %parallel_loop3A_716 = arith.index_cast %parallel_loop3A_655 : i32 to index
      %parallel_loop3A_717 = arith.constant 16 : index
      %parallel_loop3A_718 = tpu.vector_load %arg14[%parallel_loop3A_715, %parallel_loop3A_716, %parallel_loop3A_717] {strides = array<i32>} : memref<2x88x128xf32, #tpu.memory_space<vmem>>, vector<1x1x16xf32>,
      %parallel_loop3A_719 = vector.shape_cast %parallel_loop3A_718 : vector<1x1x16xf32> to vector<16xf32>
      %parallel_loop3A_720 = vector.shape_cast %parallel_loop3A_713 : vector<16xf32> to vector<1x1x16xf32>
      tpu.vector_store %arg14[%parallel_loop3A_715, %parallel_loop3A_716, %parallel_loop3A_717], %parallel_loop3A_720 {strides = array<i32>} : memref<2x88x128xf32, #tpu.memory_space<vmem>>, vector<1x1x16xf32>,
      %parallel_loop3A_721 = arith.constant 1 : i32
      %parallel_loop3A_722 = arith.index_cast %parallel_loop3A_721 : i32 to index
      %parallel_loop3A_723 = arith.index_cast %parallel_loop3A_655 : i32 to index
      %parallel_loop3A_724 = arith.constant 16 : index
      %parallel_loop3A_725 = tpu.vector_load %arg12[%parallel_loop3A_722, %parallel_loop3A_723, %parallel_loop3A_724] {strides = array<i32>} : memref<2x88x80xi32, #tpu.memory_space<vmem>>, vector<1x1x16xi32>,
      %parallel_loop3A_726 = vector.shape_cast %parallel_loop3A_725 : vector<1x1x16xi32> to vector<16xi32>
      %parallel_loop3A_727 = arith.constant 16 : i32
      %parallel_loop3A_728 = vector.broadcast %parallel_loop3A_727 : i32 to vector<16xi32>
      %parallel_loop3A_729 = arith.shli %parallel_loop3A_726, %parallel_loop3A_728 : vector<16xi32>
      %parallel_loop3A_730 = tpu.bitcast %parallel_loop3A_729 : vector<16xi32> -> vector<16xf32>
      %parallel_loop3A_731 = arith.constant -65536 : i32
      %parallel_loop3A_732 = vector.broadcast %parallel_loop3A_731 : i32 to vector<16xi32>
      %parallel_loop3A_733 = arith.andi %parallel_loop3A_726, %parallel_loop3A_732 : vector<16xi32>
      %parallel_loop3A_734 = tpu.bitcast %parallel_loop3A_733 : vector<16xi32> -> vector<16xf32>
      %parallel_loop3A_735 = vector.extract_strided_slice %parallel_loop3A_677 {offsets = [2], sizes = [1], strides = [1]} : vector<16xf32> to vector<1xf32>
      %parallel_loop3A_736 = vector.extract %parallel_loop3A_735[0] : f32 from vector<1xf32>
      %parallel_loop3A_737 = vector.broadcast %parallel_loop3A_736 : f32 to vector<16xf32>
      %parallel_loop3A_738 = arith.mulf %parallel_loop3A_730, %parallel_loop3A_737 : vector<16xf32>
      %parallel_loop3A_739 = arith.constant 1 : i32
      %parallel_loop3A_740 = arith.index_cast %parallel_loop3A_739 : i32 to index
      %parallel_loop3A_741 = arith.index_cast %parallel_loop3A_655 : i32 to index
      %parallel_loop3A_742 = arith.constant 32 : index
      %parallel_loop3A_743 = tpu.vector_load %arg14[%parallel_loop3A_740, %parallel_loop3A_741, %parallel_loop3A_742] {strides = array<i32>} : memref<2x88x128xf32, #tpu.memory_space<vmem>>, vector<1x1x16xf32>,
      %parallel_loop3A_744 = vector.shape_cast %parallel_loop3A_743 : vector<1x1x16xf32> to vector<16xf32>
      %parallel_loop3A_745 = vector.shape_cast %parallel_loop3A_738 : vector<16xf32> to vector<1x1x16xf32>
      tpu.vector_store %arg14[%parallel_loop3A_740, %parallel_loop3A_741, %parallel_loop3A_742], %parallel_loop3A_745 {strides = array<i32>} : memref<2x88x128xf32, #tpu.memory_space<vmem>>, vector<1x1x16xf32>,
      %parallel_loop3A_746 = vector.extract_strided_slice %parallel_loop3A_677 {offsets = [3], sizes = [1], strides = [1]} : vector<16xf32> to vector<1xf32>
      %parallel_loop3A_747 = vector.extract %parallel_loop3A_746[0] : f32 from vector<1xf32>
      %parallel_loop3A_748 = vector.broadcast %parallel_loop3A_747 : f32 to vector<16xf32>
      %parallel_loop3A_749 = arith.mulf %parallel_loop3A_734, %parallel_loop3A_748 : vector<16xf32>
      %parallel_loop3A_750 = arith.constant 1 : i32
      %parallel_loop3A_751 = arith.index_cast %parallel_loop3A_750 : i32 to index
      %parallel_loop3A_752 = arith.index_cast %parallel_loop3A_655 : i32 to index
      %parallel_loop3A_753 = arith.constant 48 : index
      %parallel_loop3A_754 = tpu.vector_load %arg14[%parallel_loop3A_751, %parallel_loop3A_752, %parallel_loop3A_753] {strides = array<i32>} : memref<2x88x128xf32, #tpu.memory_space<vmem>>, vector<1x1x16xf32>,
      %parallel_loop3A_755 = vector.shape_cast %parallel_loop3A_754 : vector<1x1x16xf32> to vector<16xf32>
      %parallel_loop3A_756 = vector.shape_cast %parallel_loop3A_749 : vector<16xf32> to vector<1x1x16xf32>
      tpu.vector_store %arg14[%parallel_loop3A_751, %parallel_loop3A_752, %parallel_loop3A_753], %parallel_loop3A_756 {strides = array<i32>} : memref<2x88x128xf32, #tpu.memory_space<vmem>>, vector<1x1x16xf32>,
      %parallel_loop3A_757 = arith.constant 1 : i32
      %parallel_loop3A_758 = arith.index_cast %parallel_loop3A_757 : i32 to index
      %parallel_loop3A_759 = arith.index_cast %parallel_loop3A_655 : i32 to index
      %parallel_loop3A_760 = arith.constant 32 : index
      %parallel_loop3A_761 = tpu.vector_load %arg12[%parallel_loop3A_758, %parallel_loop3A_759, %parallel_loop3A_760] {strides = array<i32>} : memref<2x88x80xi32, #tpu.memory_space<vmem>>, vector<1x1x16xi32>,
      %parallel_loop3A_762 = vector.shape_cast %parallel_loop3A_761 : vector<1x1x16xi32> to vector<16xi32>
      %parallel_loop3A_763 = arith.constant 16 : i32
      %parallel_loop3A_764 = vector.broadcast %parallel_loop3A_763 : i32 to vector<16xi32>
      %parallel_loop3A_765 = arith.shli %parallel_loop3A_762, %parallel_loop3A_764 : vector<16xi32>
      %parallel_loop3A_766 = tpu.bitcast %parallel_loop3A_765 : vector<16xi32> -> vector<16xf32>
      %parallel_loop3A_767 = arith.constant -65536 : i32
      %parallel_loop3A_768 = vector.broadcast %parallel_loop3A_767 : i32 to vector<16xi32>
      %parallel_loop3A_769 = arith.andi %parallel_loop3A_762, %parallel_loop3A_768 : vector<16xi32>
      %parallel_loop3A_770 = tpu.bitcast %parallel_loop3A_769 : vector<16xi32> -> vector<16xf32>
      %parallel_loop3A_771 = vector.extract_strided_slice %parallel_loop3A_677 {offsets = [4], sizes = [1], strides = [1]} : vector<16xf32> to vector<1xf32>
      %parallel_loop3A_772 = vector.extract %parallel_loop3A_771[0] : f32 from vector<1xf32>
      %parallel_loop3A_773 = vector.broadcast %parallel_loop3A_772 : f32 to vector<16xf32>
      %parallel_loop3A_774 = arith.mulf %parallel_loop3A_766, %parallel_loop3A_773 : vector<16xf32>
      %parallel_loop3A_775 = arith.constant 1 : i32
      %parallel_loop3A_776 = arith.index_cast %parallel_loop3A_775 : i32 to index
      %parallel_loop3A_777 = arith.index_cast %parallel_loop3A_655 : i32 to index
      %parallel_loop3A_778 = arith.constant 64 : index
      %parallel_loop3A_779 = tpu.vector_load %arg14[%parallel_loop3A_776, %parallel_loop3A_777, %parallel_loop3A_778] {strides = array<i32>} : memref<2x88x128xf32, #tpu.memory_space<vmem>>, vector<1x1x16xf32>,
      %parallel_loop3A_780 = vector.shape_cast %parallel_loop3A_779 : vector<1x1x16xf32> to vector<16xf32>
      %parallel_loop3A_781 = vector.shape_cast %parallel_loop3A_774 : vector<16xf32> to vector<1x1x16xf32>
      tpu.vector_store %arg14[%parallel_loop3A_776, %parallel_loop3A_777, %parallel_loop3A_778], %parallel_loop3A_781 {strides = array<i32>} : memref<2x88x128xf32, #tpu.memory_space<vmem>>, vector<1x1x16xf32>,
      %parallel_loop3A_782 = vector.extract_strided_slice %parallel_loop3A_677 {offsets = [5], sizes = [1], strides = [1]} : vector<16xf32> to vector<1xf32>
      %parallel_loop3A_783 = vector.extract %parallel_loop3A_782[0] : f32 from vector<1xf32>
      %parallel_loop3A_784 = vector.broadcast %parallel_loop3A_783 : f32 to vector<16xf32>
      %parallel_loop3A_785 = arith.mulf %parallel_loop3A_770, %parallel_loop3A_784 : vector<16xf32>
      %parallel_loop3A_786 = arith.constant 1 : i32
      %parallel_loop3A_787 = arith.index_cast %parallel_loop3A_786 : i32 to index
      %parallel_loop3A_788 = arith.index_cast %parallel_loop3A_655 : i32 to index
      %parallel_loop3A_789 = arith.constant 80 : index
      %parallel_loop3A_790 = tpu.vector_load %arg14[%parallel_loop3A_787, %parallel_loop3A_788, %parallel_loop3A_789] {strides = array<i32>} : memref<2x88x128xf32, #tpu.memory_space<vmem>>, vector<1x1x16xf32>,
      %parallel_loop3A_791 = vector.shape_cast %parallel_loop3A_790 : vector<1x1x16xf32> to vector<16xf32>
      %parallel_loop3A_792 = vector.shape_cast %parallel_loop3A_785 : vector<16xf32> to vector<1x1x16xf32>
      tpu.vector_store %arg14[%parallel_loop3A_787, %parallel_loop3A_788, %parallel_loop3A_789], %parallel_loop3A_792 {strides = array<i32>} : memref<2x88x128xf32, #tpu.memory_space<vmem>>, vector<1x1x16xf32>,
      %parallel_loop3A_793 = arith.constant 1 : i32
      %parallel_loop3A_794 = arith.index_cast %parallel_loop3A_793 : i32 to index
      %parallel_loop3A_795 = arith.index_cast %parallel_loop3A_655 : i32 to index
      %parallel_loop3A_796 = arith.constant 48 : index
      %parallel_loop3A_797 = tpu.vector_load %arg12[%parallel_loop3A_794, %parallel_loop3A_795, %parallel_loop3A_796] {strides = array<i32>} : memref<2x88x80xi32, #tpu.memory_space<vmem>>, vector<1x1x16xi32>,
      %parallel_loop3A_798 = vector.shape_cast %parallel_loop3A_797 : vector<1x1x16xi32> to vector<16xi32>
      %parallel_loop3A_799 = arith.constant 16 : i32
      %parallel_loop3A_800 = vector.broadcast %parallel_loop3A_799 : i32 to vector<16xi32>
      %parallel_loop3A_801 = arith.shli %parallel_loop3A_798, %parallel_loop3A_800 : vector<16xi32>
      %parallel_loop3A_802 = tpu.bitcast %parallel_loop3A_801 : vector<16xi32> -> vector<16xf32>
      %parallel_loop3A_803 = arith.constant -65536 : i32
      %parallel_loop3A_804 = vector.broadcast %parallel_loop3A_803 : i32 to vector<16xi32>
      %parallel_loop3A_805 = arith.andi %parallel_loop3A_798, %parallel_loop3A_804 : vector<16xi32>
      %parallel_loop3A_806 = tpu.bitcast %parallel_loop3A_805 : vector<16xi32> -> vector<16xf32>
      %parallel_loop3A_807 = vector.extract_strided_slice %parallel_loop3A_677 {offsets = [6], sizes = [1], strides = [1]} : vector<16xf32> to vector<1xf32>
      %parallel_loop3A_808 = vector.extract %parallel_loop3A_807[0] : f32 from vector<1xf32>
      %parallel_loop3A_809 = vector.broadcast %parallel_loop3A_808 : f32 to vector<16xf32>
      %parallel_loop3A_810 = arith.mulf %parallel_loop3A_802, %parallel_loop3A_809 : vector<16xf32>
      %parallel_loop3A_811 = arith.constant 1 : i32
      %parallel_loop3A_812 = arith.index_cast %parallel_loop3A_811 : i32 to index
      %parallel_loop3A_813 = arith.index_cast %parallel_loop3A_655 : i32 to index
      %parallel_loop3A_814 = arith.constant 96 : index
      %parallel_loop3A_815 = tpu.vector_load %arg14[%parallel_loop3A_812, %parallel_loop3A_813, %parallel_loop3A_814] {strides = array<i32>} : memref<2x88x128xf32, #tpu.memory_space<vmem>>, vector<1x1x16xf32>,
      %parallel_loop3A_816 = vector.shape_cast %parallel_loop3A_815 : vector<1x1x16xf32> to vector<16xf32>
      %parallel_loop3A_817 = vector.shape_cast %parallel_loop3A_810 : vector<16xf32> to vector<1x1x16xf32>
      tpu.vector_store %arg14[%parallel_loop3A_812, %parallel_loop3A_813, %parallel_loop3A_814], %parallel_loop3A_817 {strides = array<i32>} : memref<2x88x128xf32, #tpu.memory_space<vmem>>, vector<1x1x16xf32>,
      %parallel_loop3A_818 = vector.extract_strided_slice %parallel_loop3A_677 {offsets = [7], sizes = [1], strides = [1]} : vector<16xf32> to vector<1xf32>
      %parallel_loop3A_819 = vector.extract %parallel_loop3A_818[0] : f32 from vector<1xf32>
      %parallel_loop3A_820 = vector.broadcast %parallel_loop3A_819 : f32 to vector<16xf32>
      %parallel_loop3A_821 = arith.mulf %parallel_loop3A_806, %parallel_loop3A_820 : vector<16xf32>
      %parallel_loop3A_822 = arith.constant 1 : i32
      %parallel_loop3A_823 = arith.index_cast %parallel_loop3A_822 : i32 to index
      %parallel_loop3A_824 = arith.index_cast %parallel_loop3A_655 : i32 to index
      %parallel_loop3A_825 = arith.constant 112 : index
      %parallel_loop3A_826 = tpu.vector_load %arg14[%parallel_loop3A_823, %parallel_loop3A_824, %parallel_loop3A_825] {strides = array<i32>} : memref<2x88x128xf32, #tpu.memory_space<vmem>>, vector<1x1x16xf32>,
      %parallel_loop3A_827 = vector.shape_cast %parallel_loop3A_826 : vector<1x1x16xf32> to vector<16xf32>
      %parallel_loop3A_828 = vector.shape_cast %parallel_loop3A_821 : vector<16xf32> to vector<1x1x16xf32>
      tpu.vector_store %arg14[%parallel_loop3A_823, %parallel_loop3A_824, %parallel_loop3A_825], %parallel_loop3A_828 {strides = array<i32>} : memref<2x88x128xf32, #tpu.memory_space<vmem>>, vector<1x1x16xf32>,
    } {sc.loop_unroll_factor = 4 : i64, sc.parallel_access}
    %rem3A_591 = arith.constant 113 : i32
    %rem3A_592 = arith.constant 4 : i32
    %rem3A_593 = arith.remsi %rem3A_591, %rem3A_592 : i32
    %dma_start3A_594 = arith.constant 1 : i32
    %dma_start3A_595 = arith.constant 0 : i32
    %dma_start3A_596 = arith.constant 0 : i32
    %dma_start3A_597 = tpu.memref_slice %arg13[%dma_start3A_594, %dma_start3A_595, %dma_start3A_596] : memref<2x88x16xf32, #tpu.memory_space<vmem>> -> memref<1x88x16xf32, #tpu.memory_space<vmem>>
    %dma_start3A_598 = tpu.memref_squeeze %dma_start3A_597 : memref<1x88x16xf32, #tpu.memory_space<vmem>> -> memref<88x16xf32, #tpu.memory_space<vmem>>
    %dma_start3A_599 = arith.constant 0 : i32
    %dma_start3A_600 = tpu.memref_slice %arg11[%rem3A_593, %dma_start3A_599] : memref<4x88xi32, #tpu.memory_space<vmem>> -> memref<1x88xi32, #tpu.memory_space<vmem>>
    %dma_start3A_601 = tpu.memref_squeeze %dma_start3A_600 : memref<1x88xi32, #tpu.memory_space<vmem>> -> memref<88xi32, #tpu.memory_space<vmem>>
    %dma_start3A_602 = arith.constant 0 : i32
    %dma_start3A_603 = arith.constant 0 : i32
    %dma_start3A_604 = tpu.memref_slice %arg16[%dma_start3A_602, %dma_start3A_603] : memref<10008x16xf32, #tpu.memory_space<vmem_shared>> -> memref<10008x16xf32, #tpu.memory_space<vmem_shared>>
    tpu.enqueue_indirect_dma source(%dma_start3A_598 : memref<88x16xf32, #tpu.memory_space<vmem>>) target(%dma_start3A_604 : memref<10008x16xf32, #tpu.memory_space<vmem_shared>>) offsets(%dma_start3A_601 : memref<88xi32, #tpu.memory_space<vmem>>) semaphore(%arg22 : memref<!tpu.dma_semaphore, #tpu.memory_space<semaphore_mem>>) {add = true}
    %dma_start3A_605 = arith.constant 1 : i32
    %dma_start3A_606 = arith.constant 0 : i32
    %dma_start3A_607 = arith.constant 0 : i32
    %dma_start3A_608 = tpu.memref_slice %arg14[%dma_start3A_605, %dma_start3A_606, %dma_start3A_607] : memref<2x88x128xf32, #tpu.memory_space<vmem>> -> memref<1x88x128xf32, #tpu.memory_space<vmem>>
    %dma_start3A_609 = tpu.memref_squeeze %dma_start3A_608 : memref<1x88x128xf32, #tpu.memory_space<vmem>> -> memref<88x128xf32, #tpu.memory_space<vmem>>
    %dma_start3A_610 = arith.constant 0 : i32
    %dma_start3A_611 = tpu.memref_slice %arg11[%rem3A_593, %dma_start3A_610] : memref<4x88xi32, #tpu.memory_space<vmem>> -> memref<1x88xi32, #tpu.memory_space<vmem>>
    %dma_start3A_612 = tpu.memref_squeeze %dma_start3A_611 : memref<1x88xi32, #tpu.memory_space<vmem>> -> memref<88xi32, #tpu.memory_space<vmem>>
    %dma_start3A_613 = arith.constant 0 : i32
    %dma_start3A_614 = arith.constant 0 : i32
    %dma_start3A_615 = tpu.memref_slice %arg15[%dma_start3A_613, %dma_start3A_614] : memref<10008x128xf32, #tpu.memory_space<vmem_shared>> -> memref<10008x128xf32, #tpu.memory_space<vmem_shared>>
    tpu.enqueue_indirect_dma source(%dma_start3A_609 : memref<88x128xf32, #tpu.memory_space<vmem>>) target(%dma_start3A_615 : memref<10008x128xf32, #tpu.memory_space<vmem_shared>>) offsets(%dma_start3A_612 : memref<88xi32, #tpu.memory_space<vmem>>) semaphore(%arg22 : memref<!tpu.dma_semaphore, #tpu.memory_space<semaphore_mem>>) {add = true}
    %rem3A_616 = arith.constant 113 : i32
    %rem3A_617 = arith.constant 4 : i32
    %rem3A_618 = arith.remsi %rem3A_616, %rem3A_617 : i32
    %dma_wait3A_619 = arith.constant 1 : i32
    %dma_wait3A_620 = arith.constant 0 : i32
    %dma_wait3A_621 = arith.constant 0 : i32
    %dma_wait3A_622 = tpu.memref_slice %arg13[%dma_wait3A_619, %dma_wait3A_620, %dma_wait3A_621] : memref<2x88x16xf32, #tpu.memory_space<vmem>> -> memref<1x88x16xf32, #tpu.memory_space<vmem>>
    %dma_wait3A_623 = tpu.memref_squeeze %dma_wait3A_622 : memref<1x88x16xf32, #tpu.memory_space<vmem>> -> memref<88x16xf32, #tpu.memory_space<vmem>>
    %dma_wait3A_624 = arith.constant 0 : i32
    %dma_wait3A_625 = tpu.memref_slice %arg11[%rem3A_618, %dma_wait3A_624] : memref<4x88xi32, #tpu.memory_space<vmem>> -> memref<1x88xi32, #tpu.memory_space<vmem>>
    %dma_wait3A_626 = tpu.memref_squeeze %dma_wait3A_625 : memref<1x88xi32, #tpu.memory_space<vmem>> -> memref<88xi32, #tpu.memory_space<vmem>>
    %dma_wait3A_627 = arith.constant 0 : i32
    %dma_wait3A_628 = arith.constant 0 : i32
    %dma_wait3A_629 = tpu.memref_slice %arg16[%dma_wait3A_627, %dma_wait3A_628] : memref<10008x16xf32, #tpu.memory_space<vmem_shared>> -> memref<10008x16xf32, #tpu.memory_space<vmem_shared>>
    tpu.wait_indirect_dma semaphore(%arg22 : memref<!tpu.dma_semaphore, #tpu.memory_space<semaphore_mem>>) src(%dma_wait3A_623 : memref<88x16xf32, #tpu.memory_space<vmem>>) dst(%dma_wait3A_629 : memref<10008x16xf32, #tpu.memory_space<vmem_shared>>)
    %dma_wait3A_630 = arith.constant 1 : i32
    %dma_wait3A_631 = arith.constant 0 : i32
    %dma_wait3A_632 = arith.constant 0 : i32
    %dma_wait3A_633 = tpu.memref_slice %arg14[%dma_wait3A_630, %dma_wait3A_631, %dma_wait3A_632] : memref<2x88x128xf32, #tpu.memory_space<vmem>> -> memref<1x88x128xf32, #tpu.memory_space<vmem>>
    %dma_wait3A_634 = tpu.memref_squeeze %dma_wait3A_633 : memref<1x88x128xf32, #tpu.memory_space<vmem>> -> memref<88x128xf32, #tpu.memory_space<vmem>>
    %dma_wait3A_635 = arith.constant 0 : i32
    %dma_wait3A_636 = tpu.memref_slice %arg11[%rem3A_618, %dma_wait3A_635] : memref<4x88xi32, #tpu.memory_space<vmem>> -> memref<1x88xi32, #tpu.memory_space<vmem>>
    %dma_wait3A_637 = tpu.memref_squeeze %dma_wait3A_636 : memref<1x88xi32, #tpu.memory_space<vmem>> -> memref<88xi32, #tpu.memory_space<vmem>>
    %dma_wait3A_638 = arith.constant 0 : i32
    %dma_wait3A_639 = arith.constant 0 : i32
    %dma_wait3A_640 = tpu.memref_slice %arg15[%dma_wait3A_638, %dma_wait3A_639] : memref<10008x128xf32, #tpu.memory_space<vmem_shared>> -> memref<10008x128xf32, #tpu.memory_space<vmem_shared>>
    tpu.wait_indirect_dma semaphore(%arg22 : memref<!tpu.dma_semaphore, #tpu.memory_space<semaphore_mem>>) src(%dma_wait3A_634 : memref<88x128xf32, #tpu.memory_space<vmem>>) dst(%dma_wait3A_640 : memref<10008x128xf32, #tpu.memory_space<vmem_shared>>)
    %barrier3A_641 = arith.constant 0 : index
    tpu.barrier barrier_id(%barrier3A_641)
    %mul3A_642 = arith.constant 624 : i32
    %mul3A_643 = arith.muli %arg1, %mul3A_642 : i32
    %mul3A_644 = arith.constant 624 : i32
    %mul3A_645 = arith.muli %arg1, %mul3A_644 : i32
    "tpu.region"() ({
      %run_scoped3A = tpu.sem_alloc : memref<!tpu.dma_semaphore, #tpu.memory_space<semaphore_mem>>
      %dma_start3A_655 = arith.constant 0 : i32
      %dma_start3A_656 = arith.constant 0 : i32
      %dma_start3A_657 = tpu.memref_slice %arg8[%arg0, %dma_start3A_655, %dma_start3A_656] : memref<2x10000x128xf32, #tpu.memory_space<hbm>> -> memref<1x10000x128xf32, #tpu.memory_space<hbm>>
      %dma_start3A_658 = tpu.memref_squeeze %dma_start3A_657 : memref<1x10000x128xf32, #tpu.memory_space<hbm>> -> memref<10000x128xf32, #tpu.memory_space<hbm>>
      %dma_start3A_659 = arith.constant 0 : i32
      %dma_start3A_660 = tpu.memref_slice %dma_start3A_658[%mul3A_645, %dma_start3A_659] : memref<10000x128xf32, #tpu.memory_space<hbm>> -> memref<624x128xf32, #tpu.memory_space<hbm>>
      %dma_start3A_661 = arith.constant 0 : i32
      %dma_start3A_662 = tpu.memref_slice %arg15[%mul3A_643, %dma_start3A_661] : memref<10008x128xf32, #tpu.memory_space<vmem_shared>> -> memref<624x128xf32, #tpu.memory_space<vmem_shared>>
      tpu.enqueue_dma source(%dma_start3A_662 : memref<624x128xf32, #tpu.memory_space<vmem_shared>>) target(%dma_start3A_660 : memref<624x128xf32, #tpu.memory_space<hbm>>) target_semaphore(%run_scoped3A : memref<!tpu.dma_semaphore, #tpu.memory_space<semaphore_mem>>)
      %dma_wait3A_663 = arith.constant 0 : i32
      %dma_wait3A_664 = arith.constant 0 : i32
      %dma_wait3A_665 = tpu.memref_slice %arg8[%arg0, %dma_wait3A_663, %dma_wait3A_664] : memref<2x10000x128xf32, #tpu.memory_space<hbm>> -> memref<1x10000x128xf32, #tpu.memory_space<hbm>>
      %dma_wait3A_666 = tpu.memref_squeeze %dma_wait3A_665 : memref<1x10000x128xf32, #tpu.memory_space<hbm>> -> memref<10000x128xf32, #tpu.memory_space<hbm>>
      %dma_wait3A_667 = arith.constant 0 : i32
      %dma_wait3A_668 = tpu.memref_slice %dma_wait3A_666[%mul3A_645, %dma_wait3A_667] : memref<10000x128xf32, #tpu.memory_space<hbm>> -> memref<624x128xf32, #tpu.memory_space<hbm>>
      %dma_wait3A_669 = arith.constant 0 : i32
      %dma_wait3A_670 = tpu.memref_slice %arg15[%mul3A_643, %dma_wait3A_669] : memref<10008x128xf32, #tpu.memory_space<vmem_shared>> -> memref<624x128xf32, #tpu.memory_space<vmem_shared>>
      tpu.wait_dma2 semaphore(%run_scoped3A : memref<!tpu.dma_semaphore, #tpu.memory_space<semaphore_mem>>) src(%dma_wait3A_670 : memref<624x128xf32, #tpu.memory_space<vmem_shared>>) dst(%dma_wait3A_668 : memref<624x128xf32, #tpu.memory_space<hbm>>)
      tpu.yield
    }) : () -> ()
    %mul3A_646 = arith.constant 624 : i32
    %mul3A_647 = arith.muli %arg1, %mul3A_646 : i32
    %mul3A_648 = arith.constant 624 : i32
    %mul3A_649 = arith.muli %arg1, %mul3A_648 : i32
    "tpu.region"() ({
      %run_scoped3A = tpu.sem_alloc : memref<!tpu.dma_semaphore, #tpu.memory_space<semaphore_mem>>
      %dma_start3A_655 = arith.constant 0 : i32
      %dma_start3A_656 = arith.constant 0 : i32
      %dma_start3A_657 = tpu.memref_slice %arg9[%arg0, %dma_start3A_655, %dma_start3A_656] : memref<2x10000x16xf32, #tpu.memory_space<hbm>> -> memref<1x10000x16xf32, #tpu.memory_space<hbm>>
      %dma_start3A_658 = tpu.memref_squeeze %dma_start3A_657 : memref<1x10000x16xf32, #tpu.memory_space<hbm>> -> memref<10000x16xf32, #tpu.memory_space<hbm>>
      %dma_start3A_659 = arith.constant 0 : i32
      %dma_start3A_660 = tpu.memref_slice %dma_start3A_658[%mul3A_649, %dma_start3A_659] : memref<10000x16xf32, #tpu.memory_space<hbm>> -> memref<624x16xf32, #tpu.memory_space<hbm>>
      %dma_start3A_661 = arith.constant 0 : i32
      %dma_start3A_662 = tpu.memref_slice %arg16[%mul3A_647, %dma_start3A_661] : memref<10008x16xf32, #tpu.memory_space<vmem_shared>> -> memref<624x16xf32, #tpu.memory_space<vmem_shared>>
      tpu.enqueue_dma source(%dma_start3A_662 : memref<624x16xf32, #tpu.memory_space<vmem_shared>>) target(%dma_start3A_660 : memref<624x16xf32, #tpu.memory_space<hbm>>) target_semaphore(%run_scoped3A : memref<!tpu.dma_semaphore, #tpu.memory_space<semaphore_mem>>)
      %dma_wait3A_663 = arith.constant 0 : i32
      %dma_wait3A_664 = arith.constant 0 : i32
      %dma_wait3A_665 = tpu.memref_slice %arg9[%arg0, %dma_wait3A_663, %dma_wait3A_664] : memref<2x10000x16xf32, #tpu.memory_space<hbm>> -> memref<1x10000x16xf32, #tpu.memory_space<hbm>>
      %dma_wait3A_666 = tpu.memref_squeeze %dma_wait3A_665 : memref<1x10000x16xf32, #tpu.memory_space<hbm>> -> memref<10000x16xf32, #tpu.memory_space<hbm>>
      %dma_wait3A_667 = arith.constant 0 : i32
      %dma_wait3A_668 = tpu.memref_slice %dma_wait3A_666[%mul3A_649, %dma_wait3A_667] : memref<10000x16xf32, #tpu.memory_space<hbm>> -> memref<624x16xf32, #tpu.memory_space<hbm>>
      %dma_wait3A_669 = arith.constant 0 : i32
      %dma_wait3A_670 = tpu.memref_slice %arg16[%mul3A_647, %dma_wait3A_669] : memref<10008x16xf32, #tpu.memory_space<vmem_shared>> -> memref<624x16xf32, #tpu.memory_space<vmem_shared>>
      tpu.wait_dma2 semaphore(%run_scoped3A : memref<!tpu.dma_semaphore, #tpu.memory_space<semaphore_mem>>) src(%dma_wait3A_670 : memref<624x16xf32, #tpu.memory_space<vmem_shared>>) dst(%dma_wait3A_668 : memref<624x16xf32, #tpu.memory_space<hbm>>)
      tpu.yield
    }) : () -> ()
    %eq3A_650 = arith.constant 1 : i32
    %eq3A_651 = arith.cmpi eq, %arg1, %eq3A_650 : i32
    %convert_element_type3A_652 = arith.extui %eq3A_651 : i1 to i32
    %cond3A_653 = arith.constant 0 : i32
    %cond3A_654 = arith.cmpi ne, %convert_element_type3A_652, %cond3A_653 : i32
    scf.if %cond3A_654 {
      "tpu.region"() ({
        %run_scoped3A = tpu.sem_alloc : memref<!tpu.dma_semaphore, #tpu.memory_space<semaphore_mem>>
        %dma_start3A_655 = arith.constant 0 : i32
        %dma_start3A_656 = arith.constant 0 : i32
        %dma_start3A_657 = tpu.memref_slice %arg8[%arg0, %dma_start3A_655, %dma_start3A_656] : memref<2x10000x128xf32, #tpu.memory_space<hbm>> -> memref<1x10000x128xf32, #tpu.memory_space<hbm>>
        %dma_start3A_658 = tpu.memref_squeeze %dma_start3A_657 : memref<1x10000x128xf32, #tpu.memory_space<hbm>> -> memref<10000x128xf32, #tpu.memory_space<hbm>>
        %dma_start3A_659 = arith.constant 9984 : i32
        %dma_start3A_660 = arith.constant 0 : i32
        %dma_start3A_661 = tpu.memref_slice %dma_start3A_658[%dma_start3A_659, %dma_start3A_660] : memref<10000x128xf32, #tpu.memory_space<hbm>> -> memref<16x128xf32, #tpu.memory_space<hbm>>
        %dma_start3A_662 = arith.constant 9984 : i32
        %dma_start3A_663 = arith.constant 0 : i32
        %dma_start3A_664 = tpu.memref_slice %arg15[%dma_start3A_662, %dma_start3A_663] : memref<10008x128xf32, #tpu.memory_space<vmem_shared>> -> memref<16x128xf32, #tpu.memory_space<vmem_shared>>
        tpu.enqueue_dma source(%dma_start3A_664 : memref<16x128xf32, #tpu.memory_space<vmem_shared>>) target(%dma_start3A_661 : memref<16x128xf32, #tpu.memory_space<hbm>>) target_semaphore(%run_scoped3A : memref<!tpu.dma_semaphore, #tpu.memory_space<semaphore_mem>>)
        %dma_wait3A_665 = arith.constant 0 : i32
        %dma_wait3A_666 = arith.constant 0 : i32
        %dma_wait3A_667 = tpu.memref_slice %arg8[%arg0, %dma_wait3A_665, %dma_wait3A_666] : memref<2x10000x128xf32, #tpu.memory_space<hbm>> -> memref<1x10000x128xf32, #tpu.memory_space<hbm>>
        %dma_wait3A_668 = tpu.memref_squeeze %dma_wait3A_667 : memref<1x10000x128xf32, #tpu.memory_space<hbm>> -> memref<10000x128xf32, #tpu.memory_space<hbm>>
        %dma_wait3A_669 = arith.constant 9984 : i32
        %dma_wait3A_670 = arith.constant 0 : i32
        %dma_wait3A_671 = tpu.memref_slice %dma_wait3A_668[%dma_wait3A_669, %dma_wait3A_670] : memref<10000x128xf32, #tpu.memory_space<hbm>> -> memref<16x128xf32, #tpu.memory_space<hbm>>
        %dma_wait3A_672 = arith.constant 9984 : i32
        %dma_wait3A_673 = arith.constant 0 : i32
        %dma_wait3A_674 = tpu.memref_slice %arg15[%dma_wait3A_672, %dma_wait3A_673] : memref<10008x128xf32, #tpu.memory_space<vmem_shared>> -> memref<16x128xf32, #tpu.memory_space<vmem_shared>>
        tpu.wait_dma2 semaphore(%run_scoped3A : memref<!tpu.dma_semaphore, #tpu.memory_space<semaphore_mem>>) src(%dma_wait3A_674 : memref<16x128xf32, #tpu.memory_space<vmem_shared>>) dst(%dma_wait3A_671 : memref<16x128xf32, #tpu.memory_space<hbm>>)
        tpu.yield
      }) : () -> ()
      "tpu.region"() ({
        %run_scoped3A = tpu.sem_alloc : memref<!tpu.dma_semaphore, #tpu.memory_space<semaphore_mem>>
        %dma_start3A_655 = arith.constant 0 : i32
        %dma_start3A_656 = arith.constant 0 : i32
        %dma_start3A_657 = tpu.memref_slice %arg9[%arg0, %dma_start3A_655, %dma_start3A_656] : memref<2x10000x16xf32, #tpu.memory_space<hbm>> -> memref<1x10000x16xf32, #tpu.memory_space<hbm>>
        %dma_start3A_658 = tpu.memref_squeeze %dma_start3A_657 : memref<1x10000x16xf32, #tpu.memory_space<hbm>> -> memref<10000x16xf32, #tpu.memory_space<hbm>>
        %dma_start3A_659 = arith.constant 9984 : i32
        %dma_start3A_660 = arith.constant 0 : i32
        %dma_start3A_661 = tpu.memref_slice %dma_start3A_658[%dma_start3A_659, %dma_start3A_660] : memref<10000x16xf32, #tpu.memory_space<hbm>> -> memref<16x16xf32, #tpu.memory_space<hbm>>
        %dma_start3A_662 = arith.constant 9984 : i32
        %dma_start3A_663 = arith.constant 0 : i32
        %dma_start3A_664 = tpu.memref_slice %arg16[%dma_start3A_662, %dma_start3A_663] : memref<10008x16xf32, #tpu.memory_space<vmem_shared>> -> memref<16x16xf32, #tpu.memory_space<vmem_shared>>
        tpu.enqueue_dma source(%dma_start3A_664 : memref<16x16xf32, #tpu.memory_space<vmem_shared>>) target(%dma_start3A_661 : memref<16x16xf32, #tpu.memory_space<hbm>>) target_semaphore(%run_scoped3A : memref<!tpu.dma_semaphore, #tpu.memory_space<semaphore_mem>>)
        %dma_wait3A_665 = arith.constant 0 : i32
        %dma_wait3A_666 = arith.constant 0 : i32
        %dma_wait3A_667 = tpu.memref_slice %arg9[%arg0, %dma_wait3A_665, %dma_wait3A_666] : memref<2x10000x16xf32, #tpu.memory_space<hbm>> -> memref<1x10000x16xf32, #tpu.memory_space<hbm>>
        %dma_wait3A_668 = tpu.memref_squeeze %dma_wait3A_667 : memref<1x10000x16xf32, #tpu.memory_space<hbm>> -> memref<10000x16xf32, #tpu.memory_space<hbm>>
        %dma_wait3A_669 = arith.constant 9984 : i32
        %dma_wait3A_670 = arith.constant 0 : i32
        %dma_wait3A_671 = tpu.memref_slice %dma_wait3A_668[%dma_wait3A_669, %dma_wait3A_670] : memref<10000x16xf32, #tpu.memory_space<hbm>> -> memref<16x16xf32, #tpu.memory_space<hbm>>
        %dma_wait3A_672 = arith.constant 9984 : i32
        %dma_wait3A_673 = arith.constant 0 : i32
        %dma_wait3A_674 = tpu.memref_slice %arg16[%dma_wait3A_672, %dma_wait3A_673] : memref<10008x16xf32, #tpu.memory_space<vmem_shared>> -> memref<16x16xf32, #tpu.memory_space<vmem_shared>>
        tpu.wait_dma2 semaphore(%run_scoped3A : memref<!tpu.dma_semaphore, #tpu.memory_space<semaphore_mem>>) src(%dma_wait3A_674 : memref<16x16xf32, #tpu.memory_space<vmem_shared>>) dst(%dma_wait3A_671 : memref<16x16xf32, #tpu.memory_space<hbm>>)
        tpu.yield
      }) : () -> ()
    } else {
    }
    return
  }
}

module attributes {stable_mosaic.version = 14 : i64} {
  func.func @_prep_body(%arg0: memref<10000x128xf32, #tpu.memory_space<vmem>>, %arg1: memref<128x128xf32, #tpu.memory_space<vmem>>, %arg2: memref<128x16xf32, #tpu.memory_space<vmem>>, %arg3: memref<128x16xf32, #tpu.memory_space<vmem>>, %arg4: memref<10000x80xi32, #tpu.memory_space<vmem>>, %arg5: memref<10000x16xf32, #tpu.memory_space<vmem>>) attributes {dimension_semantics = [], scalar_prefetch = 0 : i64, scratch_operands = 0 : i64, tpu.core_type = #tpu.core_type<tc>} {
    %get3A = arith.constant 0 : index
    %get3A_0 = arith.constant 0 : index
    %get3A_1 = vector.load %arg0[%get3A, %get3A_0] : memref<10000x128xf32, #tpu.memory_space<vmem>>, vector<10000x128xf32>
    %get3A_2 = arith.constant 0 : index
    %get3A_3 = arith.constant 0 : index
    %get3A_4 = vector.load %arg1[%get3A_2, %get3A_3] : memref<128x128xf32, #tpu.memory_space<vmem>>, vector<128x128xf32>
    %dot_general3A = arith.constant dense<0.000000e+00> : vector<10000x128xf32>
    %dot_general3A_5 = tpu.matmul %get3A_1, %get3A_4, %dot_general3A {dimension_numbers = #tpu.dot_dimension_numbers<[1], [0], [0], [1], [0, 0, 1, 1], [], []>, transpose_lhs_hint = false} : vector<10000x128xf32>, vector<128x128xf32>, vector<10000x128xf32> -> vector<10000x128xf32>
    %get3A_6 = arith.constant 0 : index
    %get3A_7 = arith.constant 0 : index
    %get3A_8 = vector.load %arg2[%get3A_6, %get3A_7] : memref<128x16xf32, #tpu.memory_space<vmem>>, vector<128x16xf32>
    %dot_general3A_9 = arith.constant dense<0.000000e+00> : vector<10000x16xf32>
    %dot_general3A_10 = tpu.matmul %dot_general3A_5, %get3A_8, %dot_general3A_9 {dimension_numbers = #tpu.dot_dimension_numbers<[1], [0], [0], [1], [0, 0, 1, 1], [], []>, transpose_lhs_hint = false} : vector<10000x128xf32>, vector<128x16xf32>, vector<10000x16xf32> -> vector<10000x16xf32>
    %get3A_11 = arith.constant 0 : index
    %get3A_12 = arith.constant 0 : index
    %get3A_13 = vector.load %arg3[%get3A_11, %get3A_12] : memref<128x16xf32, #tpu.memory_space<vmem>>, vector<128x16xf32>
    %dot_general3A_14 = arith.constant dense<0.000000e+00> : vector<10000x16xf32>
    %dot_general3A_15 = tpu.matmul %dot_general3A_5, %get3A_13, %dot_general3A_14 {dimension_numbers = #tpu.dot_dimension_numbers<[1], [0], [0], [1], [0, 0, 1, 1], [], []>, transpose_lhs_hint = false} : vector<10000x128xf32>, vector<128x16xf32>, vector<10000x16xf32> -> vector<10000x16xf32>
    %swap3A = arith.constant 0 : index
    %swap3A_16 = arith.constant 0 : index
    %swap3A_17 = vector.load %arg5[%swap3A, %swap3A_16] : memref<10000x16xf32, #tpu.memory_space<vmem>>, vector<10000x16xf32>
    tpu.vector_store %arg5[%swap3A, %swap3A_16], %dot_general3A_15 {strides = array<i32>} : memref<10000x16xf32, #tpu.memory_space<vmem>>, vector<10000x16xf32>,
    %bitcast_convert_type3A = tpu.bitcast %dot_general3A_5 : vector<10000x128xf32> -> vector<10000x128xi32>
    %add3A = arith.constant 32767 : i32
    %add3A_18 = vector.broadcast %add3A : i32 to vector<10000x128xi32>
    %add3A_19 = arith.addi %bitcast_convert_type3A, %add3A_18 : vector<10000x128xi32>
    %shift_right_logical3A = arith.constant 16 : i32
    %shift_right_logical3A_20 = vector.broadcast %shift_right_logical3A : i32 to vector<10000x128xi32>
    %shift_right_logical3A_21 = arith.shrui %bitcast_convert_type3A, %shift_right_logical3A_20 : vector<10000x128xi32>
    %and3A = arith.constant 1 : i32
    %and3A_22 = vector.broadcast %and3A : i32 to vector<10000x128xi32>
    %and3A_23 = arith.andi %shift_right_logical3A_21, %and3A_22 : vector<10000x128xi32>
    %add3A_24 = arith.addi %add3A_19, %and3A_23 : vector<10000x128xi32>
    %slice3A = vector.extract_strided_slice %add3A_24 {offsets = [0, 0], sizes = [10000, 16], strides = [1, 1]} : vector<10000x128xi32> to vector<10000x16xi32>
    %shift_right_logical3A_25 = arith.constant 16 : i32
    %shift_right_logical3A_26 = vector.broadcast %shift_right_logical3A_25 : i32 to vector<10000x16xi32>
    %shift_right_logical3A_27 = arith.shrui %slice3A, %shift_right_logical3A_26 : vector<10000x16xi32>
    %slice3A_28 = vector.extract_strided_slice %add3A_24 {offsets = [0, 16], sizes = [10000, 16], strides = [1, 1]} : vector<10000x128xi32> to vector<10000x16xi32>
    %and3A_29 = arith.constant -65536 : i32
    %and3A_30 = vector.broadcast %and3A_29 : i32 to vector<10000x16xi32>
    %and3A_31 = arith.andi %slice3A_28, %and3A_30 : vector<10000x16xi32>
    %or3A = arith.ori %shift_right_logical3A_27, %and3A_31 : vector<10000x16xi32>
    %swap3A_32 = arith.constant 0 : index
    %swap3A_33 = arith.constant 0 : index
    %swap3A_34 = vector.load %arg4[%swap3A_32, %swap3A_33] : memref<10000x80xi32, #tpu.memory_space<vmem>>, vector<10000x16xi32>
    tpu.vector_store %arg4[%swap3A_32, %swap3A_33], %or3A {strides = array<i32>} : memref<10000x80xi32, #tpu.memory_space<vmem>>, vector<10000x16xi32>,
    %slice3A_35 = vector.extract_strided_slice %add3A_24 {offsets = [0, 32], sizes = [10000, 16], strides = [1, 1]} : vector<10000x128xi32> to vector<10000x16xi32>
    %shift_right_logical3A_36 = arith.constant 16 : i32
    %shift_right_logical3A_37 = vector.broadcast %shift_right_logical3A_36 : i32 to vector<10000x16xi32>
    %shift_right_logical3A_38 = arith.shrui %slice3A_35, %shift_right_logical3A_37 : vector<10000x16xi32>
    %slice3A_39 = vector.extract_strided_slice %add3A_24 {offsets = [0, 48], sizes = [10000, 16], strides = [1, 1]} : vector<10000x128xi32> to vector<10000x16xi32>
    %and3A_40 = arith.constant -65536 : i32
    %and3A_41 = vector.broadcast %and3A_40 : i32 to vector<10000x16xi32>
    %and3A_42 = arith.andi %slice3A_39, %and3A_41 : vector<10000x16xi32>
    %or3A_43 = arith.ori %shift_right_logical3A_38, %and3A_42 : vector<10000x16xi32>
    %swap3A_44 = arith.constant 0 : index
    %swap3A_45 = arith.constant 16 : index
    %swap3A_46 = vector.load %arg4[%swap3A_44, %swap3A_45] : memref<10000x80xi32, #tpu.memory_space<vmem>>, vector<10000x16xi32>
    tpu.vector_store %arg4[%swap3A_44, %swap3A_45], %or3A_43 {strides = array<i32>} : memref<10000x80xi32, #tpu.memory_space<vmem>>, vector<10000x16xi32>,
    %slice3A_47 = vector.extract_strided_slice %add3A_24 {offsets = [0, 64], sizes = [10000, 16], strides = [1, 1]} : vector<10000x128xi32> to vector<10000x16xi32>
    %shift_right_logical3A_48 = arith.constant 16 : i32
    %shift_right_logical3A_49 = vector.broadcast %shift_right_logical3A_48 : i32 to vector<10000x16xi32>
    %shift_right_logical3A_50 = arith.shrui %slice3A_47, %shift_right_logical3A_49 : vector<10000x16xi32>
    %slice3A_51 = vector.extract_strided_slice %add3A_24 {offsets = [0, 80], sizes = [10000, 16], strides = [1, 1]} : vector<10000x128xi32> to vector<10000x16xi32>
    %and3A_52 = arith.constant -65536 : i32
    %and3A_53 = vector.broadcast %and3A_52 : i32 to vector<10000x16xi32>
    %and3A_54 = arith.andi %slice3A_51, %and3A_53 : vector<10000x16xi32>
    %or3A_55 = arith.ori %shift_right_logical3A_50, %and3A_54 : vector<10000x16xi32>
    %swap3A_56 = arith.constant 0 : index
    %swap3A_57 = arith.constant 32 : index
    %swap3A_58 = vector.load %arg4[%swap3A_56, %swap3A_57] : memref<10000x80xi32, #tpu.memory_space<vmem>>, vector<10000x16xi32>
    tpu.vector_store %arg4[%swap3A_56, %swap3A_57], %or3A_55 {strides = array<i32>} : memref<10000x80xi32, #tpu.memory_space<vmem>>, vector<10000x16xi32>,
    %slice3A_59 = vector.extract_strided_slice %add3A_24 {offsets = [0, 96], sizes = [10000, 16], strides = [1, 1]} : vector<10000x128xi32> to vector<10000x16xi32>
    %shift_right_logical3A_60 = arith.constant 16 : i32
    %shift_right_logical3A_61 = vector.broadcast %shift_right_logical3A_60 : i32 to vector<10000x16xi32>
    %shift_right_logical3A_62 = arith.shrui %slice3A_59, %shift_right_logical3A_61 : vector<10000x16xi32>
    %slice3A_63 = vector.extract_strided_slice %add3A_24 {offsets = [0, 112], sizes = [10000, 16], strides = [1, 1]} : vector<10000x128xi32> to vector<10000x16xi32>
    %and3A_64 = arith.constant -65536 : i32
    %and3A_65 = vector.broadcast %and3A_64 : i32 to vector<10000x16xi32>
    %and3A_66 = arith.andi %slice3A_63, %and3A_65 : vector<10000x16xi32>
    %or3A_67 = arith.ori %shift_right_logical3A_62, %and3A_66 : vector<10000x16xi32>
    %swap3A_68 = arith.constant 0 : index
    %swap3A_69 = arith.constant 48 : index
    %swap3A_70 = vector.load %arg4[%swap3A_68, %swap3A_69] : memref<10000x80xi32, #tpu.memory_space<vmem>>, vector<10000x16xi32>
    tpu.vector_store %arg4[%swap3A_68, %swap3A_69], %or3A_67 {strides = array<i32>} : memref<10000x80xi32, #tpu.memory_space<vmem>>, vector<10000x16xi32>,
    %bitcast_convert_type3A_71 = tpu.bitcast %dot_general3A_10 : vector<10000x16xf32> -> vector<10000x16xi32>
    %swap3A_72 = arith.constant 0 : index
    %swap3A_73 = arith.constant 64 : index
    %swap3A_74 = vector.load %arg4[%swap3A_72, %swap3A_73] : memref<10000x80xi32, #tpu.memory_space<vmem>>, vector<10000x16xi32>
    tpu.vector_store %arg4[%swap3A_72, %swap3A_73], %bitcast_convert_type3A_71 {strides = array<i32>} : memref<10000x80xi32, #tpu.memory_space<vmem>>, vector<10000x16xi32>,
    return
  }
}

module attributes {stable_mosaic.version = 14 : i64} {
  func.func @_combine_body(%arg0: i32, %arg1: memref<2x2000x128xf32, #tpu.memory_space<vmem>>, %arg2: memref<2x2000x16xf32, #tpu.memory_space<vmem>>, %arg3: memref<2000x16xf32, #tpu.memory_space<vmem>>) attributes {dimension_semantics = [#tpu.dimension_semantics<arbitrary>], iteration_bounds = array<i64: 5>, scalar_prefetch = 0 : i64, scratch_operands = 0 : i64, tpu.core_type = #tpu.core_type<tc>, window_params = [{transform_indices = @transform_0, window_bounds = array<i64: 2, 2000, 128>}, {transform_indices = @transform_1, window_bounds = array<i64: 2, 2000, 16>}, {transform_indices = @transform_2, window_bounds = array<i64: 2000, 16>}]} {
    %get3A = arith.constant 0 : index
    %get3A_0 = arith.constant 0 : index
    %get3A_1 = arith.constant 0 : index
    %get3A_2 = vector.load %arg1[%get3A, %get3A_0, %get3A_1] : memref<2x2000x128xf32, #tpu.memory_space<vmem>>, vector<1x2000x128xf32>
    %get3A_3 = vector.shape_cast %get3A_2 : vector<1x2000x128xf32> to vector<2000x128xf32>
    %get3A_4 = arith.constant 1 : index
    %get3A_5 = arith.constant 0 : index
    %get3A_6 = arith.constant 0 : index
    %get3A_7 = vector.load %arg1[%get3A_4, %get3A_5, %get3A_6] : memref<2x2000x128xf32, #tpu.memory_space<vmem>>, vector<1x2000x128xf32>
    %get3A_8 = vector.shape_cast %get3A_7 : vector<1x2000x128xf32> to vector<2000x128xf32>
    %add3A = arith.addf %get3A_3, %get3A_8 : vector<2000x128xf32>
    %get3A_9 = arith.constant 0 : index
    %get3A_10 = arith.constant 0 : index
    %get3A_11 = arith.constant 0 : index
    %get3A_12 = vector.load %arg2[%get3A_9, %get3A_10, %get3A_11] : memref<2x2000x16xf32, #tpu.memory_space<vmem>>, vector<1x2000x16xf32>
    %get3A_13 = vector.shape_cast %get3A_12 : vector<1x2000x16xf32> to vector<2000x16xf32>
    %get3A_14 = arith.constant 1 : index
    %get3A_15 = arith.constant 0 : index
    %get3A_16 = arith.constant 0 : index
    %get3A_17 = vector.load %arg2[%get3A_14, %get3A_15, %get3A_16] : memref<2x2000x16xf32, #tpu.memory_space<vmem>>, vector<1x2000x16xf32>
    %get3A_18 = vector.shape_cast %get3A_17 : vector<1x2000x16xf32> to vector<2000x16xf32>
    %add3A_19 = arith.addf %get3A_13, %get3A_18 : vector<2000x16xf32>
    %add3A_20 = arith.constant 1.000000e-16 : f32
    %add3A_21 = vector.broadcast %add3A_20 : f32 to vector<2000x16xf32>
    %add3A_22 = arith.addf %add3A_19, %add3A_21 : vector<2000x16xf32>
    %div3A = arith.constant 1.000000e+00 : f32
    %div3A_23 = vector.broadcast %div3A : f32 to vector<2000x16xf32>
    %div3A_24 = arith.divf %div3A_23, %add3A_22 : vector<2000x16xf32>
    %slice3A = vector.extract_strided_slice %add3A {offsets = [0, 0], sizes = [2000, 16], strides = [1, 1]} : vector<2000x128xf32> to vector<2000x16xf32>
    %slice3A_25 = vector.extract_strided_slice %div3A_24 {offsets = [0, 0], sizes = [2000, 1], strides = [1, 1]} : vector<2000x16xf32> to vector<2000x1xf32>
    %mul3A = vector.broadcast %slice3A_25 : vector<2000x1xf32> to vector<2000x16xf32>
    %mul3A_26 = arith.mulf %slice3A, %mul3A : vector<2000x16xf32>
    %slice3A_27 = vector.extract_strided_slice %add3A {offsets = [0, 16], sizes = [2000, 16], strides = [1, 1]} : vector<2000x128xf32> to vector<2000x16xf32>
    %slice3A_28 = vector.extract_strided_slice %div3A_24 {offsets = [0, 1], sizes = [2000, 1], strides = [1, 1]} : vector<2000x16xf32> to vector<2000x1xf32>
    %mul3A_29 = vector.broadcast %slice3A_28 : vector<2000x1xf32> to vector<2000x16xf32>
    %mul3A_30 = arith.mulf %slice3A_27, %mul3A_29 : vector<2000x16xf32>
    %add3A_31 = arith.addf %mul3A_26, %mul3A_30 : vector<2000x16xf32>
    %slice3A_32 = vector.extract_strided_slice %add3A {offsets = [0, 32], sizes = [2000, 16], strides = [1, 1]} : vector<2000x128xf32> to vector<2000x16xf32>
    %slice3A_33 = vector.extract_strided_slice %div3A_24 {offsets = [0, 2], sizes = [2000, 1], strides = [1, 1]} : vector<2000x16xf32> to vector<2000x1xf32>
    %mul3A_34 = vector.broadcast %slice3A_33 : vector<2000x1xf32> to vector<2000x16xf32>
    %mul3A_35 = arith.mulf %slice3A_32, %mul3A_34 : vector<2000x16xf32>
    %add3A_36 = arith.addf %add3A_31, %mul3A_35 : vector<2000x16xf32>
    %slice3A_37 = vector.extract_strided_slice %add3A {offsets = [0, 48], sizes = [2000, 16], strides = [1, 1]} : vector<2000x128xf32> to vector<2000x16xf32>
    %slice3A_38 = vector.extract_strided_slice %div3A_24 {offsets = [0, 3], sizes = [2000, 1], strides = [1, 1]} : vector<2000x16xf32> to vector<2000x1xf32>
    %mul3A_39 = vector.broadcast %slice3A_38 : vector<2000x1xf32> to vector<2000x16xf32>
    %mul3A_40 = arith.mulf %slice3A_37, %mul3A_39 : vector<2000x16xf32>
    %add3A_41 = arith.addf %add3A_36, %mul3A_40 : vector<2000x16xf32>
    %slice3A_42 = vector.extract_strided_slice %add3A {offsets = [0, 64], sizes = [2000, 16], strides = [1, 1]} : vector<2000x128xf32> to vector<2000x16xf32>
    %slice3A_43 = vector.extract_strided_slice %div3A_24 {offsets = [0, 4], sizes = [2000, 1], strides = [1, 1]} : vector<2000x16xf32> to vector<2000x1xf32>
    %mul3A_44 = vector.broadcast %slice3A_43 : vector<2000x1xf32> to vector<2000x16xf32>
    %mul3A_45 = arith.mulf %slice3A_42, %mul3A_44 : vector<2000x16xf32>
    %add3A_46 = arith.addf %add3A_41, %mul3A_45 : vector<2000x16xf32>
    %slice3A_47 = vector.extract_strided_slice %add3A {offsets = [0, 80], sizes = [2000, 16], strides = [1, 1]} : vector<2000x128xf32> to vector<2000x16xf32>
    %slice3A_48 = vector.extract_strided_slice %div3A_24 {offsets = [0, 5], sizes = [2000, 1], strides = [1, 1]} : vector<2000x16xf32> to vector<2000x1xf32>
    %mul3A_49 = vector.broadcast %slice3A_48 : vector<2000x1xf32> to vector<2000x16xf32>
    %mul3A_50 = arith.mulf %slice3A_47, %mul3A_49 : vector<2000x16xf32>
    %add3A_51 = arith.addf %add3A_46, %mul3A_50 : vector<2000x16xf32>
    %slice3A_52 = vector.extract_strided_slice %add3A {offsets = [0, 96], sizes = [2000, 16], strides = [1, 1]} : vector<2000x128xf32> to vector<2000x16xf32>
    %slice3A_53 = vector.extract_strided_slice %div3A_24 {offsets = [0, 6], sizes = [2000, 1], strides = [1, 1]} : vector<2000x16xf32> to vector<2000x1xf32>
    %mul3A_54 = vector.broadcast %slice3A_53 : vector<2000x1xf32> to vector<2000x16xf32>
    %mul3A_55 = arith.mulf %slice3A_52, %mul3A_54 : vector<2000x16xf32>
    %add3A_56 = arith.addf %add3A_51, %mul3A_55 : vector<2000x16xf32>
    %slice3A_57 = vector.extract_strided_slice %add3A {offsets = [0, 112], sizes = [2000, 16], strides = [1, 1]} : vector<2000x128xf32> to vector<2000x16xf32>
    %slice3A_58 = vector.extract_strided_slice %div3A_24 {offsets = [0, 7], sizes = [2000, 1], strides = [1, 1]} : vector<2000x16xf32> to vector<2000x1xf32>
    %mul3A_59 = vector.broadcast %slice3A_58 : vector<2000x1xf32> to vector<2000x16xf32>
    %mul3A_60 = arith.mulf %slice3A_57, %mul3A_59 : vector<2000x16xf32>
    %add3A_61 = arith.addf %add3A_56, %mul3A_60 : vector<2000x16xf32>
    %mul3A_62 = arith.constant 1.250000e-01 : f32
    %mul3A_63 = vector.broadcast %mul3A_62 : f32 to vector<2000x16xf32>
    %mul3A_64 = arith.mulf %add3A_61, %mul3A_63 : vector<2000x16xf32>
    %swap3A = arith.constant 0 : index
    %swap3A_65 = arith.constant 0 : index
    %swap3A_66 = vector.load %arg3[%swap3A, %swap3A_65] : memref<2000x16xf32, #tpu.memory_space<vmem>>, vector<2000x16xf32>
    tpu.vector_store %arg3[%swap3A, %swap3A_65], %mul3A_64 {strides = array<i32>} : memref<2000x16xf32, #tpu.memory_space<vmem>>, vector<2000x16xf32>,
    return
  }
  func.func @transform_0(%arg0: i32) -> (i32, i32, i32) {
    %c0_i32 = arith.constant 0 : i32
    %c0_i32_0 = arith.constant 0 : i32
    %c0_i32_1 = arith.constant 0 : i32
    return %c0_i32, %arg0, %c0_i32_0 : i32, i32, i32
  }
  func.func @transform_1(%arg0: i32) -> (i32, i32, i32) {
    %c0_i32 = arith.constant 0 : i32
    %c0_i32_0 = arith.constant 0 : i32
    %c0_i32_1 = arith.constant 0 : i32
    return %c0_i32, %arg0, %c0_i32_0 : i32, i32, i32
  }
  func.func @transform_2(%arg0: i32) -> (i32, i32) {
    %c0_i32 = arith.constant 0 : i32
    %c0_i32_0 = arith.constant 0 : i32
    return %arg0, %c0_i32 : i32, i32
  }
}

</mosaic_0001>

<sc_bundles>
// kernel: kernel.5.cloned.1.call-start
scs
__scs_entry_jumppad:
0x0: {  	(pc) =	sbr.rel $0x88, $3  }
0x1: {  	(tag) =	ssettag $0x0;
	lr =	simm.s32 $0x1  }
0x2: {  	[smem:$0x3F9C] =	sst lr;
	_ =	strace $0xD0000000  }
0x3: {  	_ = 	snop  }
0x4: {  	_ = 	snop  }
0x5: {  	_ = 	snop  }
0x6: {  	_ = 	snop  }
0x7: {  	_ = 	snop  }
__scs_overlays_trampoline_lowered:
0x8: {  	[smem:$0x3FAB] =	sst s0  }
0x9: {  	[smem:$0x3FAC] =	sst s1  }
0xa: {  	[smem:$0x3FAD] =	sst s2  }
0xb: {  	[smem:$0x3FAE] =	sst s3  }
0xc: {  	[smem:$0x3FAF] =	sst s4  }
0xd: {  	[smem:$0x3FB0] =	sst s5  }
0xe: {  	[smem:$0x3FB1] =	sst s6  }
0xf: {  	[smem:$0x3FB2] =	sst s7  }
0x10: {  	[smem:$0x3FB3] =	sst s8  }
0x11: {  	[smem:$0x3FB4] =	sst s9;
	s0 =	simm.s32 @!p0 $0x0  }
0x12: {  	s1 =	sld [smem:$0x3F9A];
	s0 =	simm.s32 @p0 $0x1  }
0x13: {  	[smem:$0x3FB5] =	sst s0;
	s0 =	simm.s32 @!p1 $0x0  }
0x14: {  	s2 =	sld [smem:$0x3F99];
	s0 =	simm.s32 @p1 $0x1  }
0x15: {  	[smem:$0x3FB6] =	sst s0;
	s0 =	simm.s32 @!p2 $0x0  }
0x16: {  	s3 =	sld [smem:$0x3FDB];
	s0 =	simm.s32 @p2 $0x1  }
0x17: {  	s4 =	simm.s32 $0x1BF5;
	[smem:$0x3FB8] =	sst s0  }
0x18: {  	s0 =	sld [smem:$0x3F9B];
	_ =	swait.ge [sflag:s4], $0x0  }
0x19: {  	s7 =	sld [smem:$0x3F9C]  }
0x1a: {  	s8 =	sadd.s32 $0xFFFFE003, lr  }
0x1b: {  	s9 =	sadd.s32 $0xFFFFFEF7, lr;
	s5 =	simm.s32 $0xFFFFFFFF;
	p2 =	slt.u32 s8, $0xFFFFF086  }
0x1c: {  	p1 =	slt.u32 s9, $0xF7A;
	s5 =	simm.s32 @!p2 $0x0  }
0x1d: {  	s5 =	simm.s32 @p1 $0x1;
	p0 =	seq.s32 s7, s2  }
0x1e: {  	s7 =	smul.u32 @!p0 $0xF7A, s2;
	p2 =	seq.s32 @!p0 s5, $0x0  }
0x1f: {  	s9 =	smul.u32 $0xF7A, s1;
	s8 =	simm.s32 @!p0 $0x1BF5;
	p2 =	por !p2, p0  }
0x20: {  	[sflag:s8] =	ssyncset.s32 @!p0 $0xFFFFF086;
	s6 =	sadd.s32 @!p0 s3, s7;
	s7 =	simm.s32 @!p0 $0x108  }
0x21: {  	s3 =	sadd.s32 s3, s9;
	s6 =	sadd.s32 @!p0 $0x88, s6;
	s7 =	simm.s32 @p2 $0x1082  }
0x22: {  	[simem:s7], [sflag:s8] =	dma.local @!p0 [hbm:s6], $0xF7A  }
0x23: {  	s9 =	sor.u32 $0xD0000000, s2;
	s6 =	simm.s32 $0x108;
	_ =	swait.ge @!p0 [sflag:s8], $0x0  }
0x24: {  	s3 =	sadd.s32 $0x88, s3;
	s6 =	simm.s32 @!p1 $0x1082;
	[sflag:s4] =	ssyncset.s32 $0xFFFFF086  }
0x25: {  	[simem:s6], [sflag:s4] =	dma.local [hbm:s3], $0xF7A  }
0x26: {  	[smem:$0x3F9C] =	sst s1;
	(tag) =	ssettag s2;
	_ =	strace s9  }
0x27: {  	s1 =	sld [smem:$0x3FAC]  }
0x28: {  	s2 =	sld [smem:$0x3FAD]  }
0x29: {  	s4 =	sld [smem:$0x3FAF]  }
0x2a: {  	p0 =	seq.s32 s5, $0x0;
	s5 =	sld [smem:$0x3FB0]  }
0x2b: {  	s6 =	sld [smem:$0x3FB1]  }
0x2c: {  	s7 =	sld [smem:$0x3FB2]  }
0x2d: {  	s3 =	simm.s32 $0x108;
	s8 =	sld [smem:$0x3FB3]  }
0x2e: {  	s3 =	simm.s32 @!p0 $0x1082;
	s9 =	sld [smem:$0x3FB4]  }
0x2f: {  	lr =	sadd.s32 s0, s3;
	s0 =	sld [smem:$0x3FAB]  }
0x30: {  	s3 =	sld [smem:$0x3FAE]  }
0x31: {  	[smem:$0x3FB7] =	sst s10  }
0x32: {  	s10 =	sld [smem:$0x3FB5];
	_ =	sdelay $0x3  }
0x33: {  	p0 =	seq.s32 s10, $0x1;
	s10 =	sld [smem:$0x3FB7];
	_ =	sdelay $0x3  }
0x34: {  	[smem:$0x3FB7] =	sst s10  }
0x35: {  	s10 =	sld [smem:$0x3FB6];
	_ =	sdelay $0x3  }
0x36: {  	p1 =	seq.s32 s10, $0x1;
	s10 =	sld [smem:$0x3FB7];
	_ =	sdelay $0x3  }
0x37: {  	[smem:$0x3FB7] =	sst s10  }
0x38: {  	s10 =	sld [smem:$0x3FB8]  }
0x39: {  	_ = 	snop;
	(pc) =	sbr.ind lr, $3  }
0x3a: {  	_ = 	snop  }
0x3b: {  	_ = 	snop  }
0x3c: {  	p2 =	seq.s32 s10, $0x1;
	s10 =	sld [smem:$0x3FB7]  }
0x3d: {  	_ =	shalt  }
0x3e: {  	_ =	shalt  }
0x3f: {  	_ =	shalt  }
0x40: {  	_ =	shalt  }
0x41: {  	_ =	shalt  }
0x42: {  	_ =	shalt  }
0x43: {  	_ =	shalt  }
0x44: {  	_ =	shalt  }
0x45: {  	_ =	shalt  }
0x46: {  	_ =	shalt  }
0x47: {  	_ =	shalt  }
0x48: {  	_ =	shalt  }
0x49: {  	_ =	shalt  }
0x4a: {  	_ =	shalt  }
0x4b: {  	_ =	shalt  }
0x4c: {  	_ =	shalt  }
0x4d: {  	_ =	shalt  }
0x4e: {  	_ =	shalt  }
0x4f: {  	_ =	shalt  }
0x50: {  	_ =	shalt  }
0x51: {  	_ =	shalt  }
0x52: {  	_ =	shalt  }
0x53: {  	_ =	shalt  }
0x54: {  	_ =	shalt  }
0x55: {  	_ =	shalt  }
0x56: {  	_ =	shalt  }
0x57: {  	_ =	shalt  }
0x58: {  	_ =	shalt  }
0x59: {  	_ =	shalt  }
0x5a: {  	_ =	shalt  }
0x5b: {  	_ =	shalt  }
0x5c: {  	_ =	shalt  }
0x5d: {  	_ =	shalt  }
0x5e: {  	_ =	shalt  }
0x5f: {  	_ =	shalt  }
0x60: {  	_ =	shalt  }
0x61: {  	_ =	shalt  }
0x62: {  	_ =	shalt  }
0x63: {  	_ =	shalt  }
0x64: {  	_ =	shalt  }
0x65: {  	_ =	shalt  }
0x66: {  	_ =	shalt  }
0x67: {  	_ =	shalt  }
0x68: {  	_ =	shalt  }
0x69: {  	_ =	shalt  }
0x6a: {  	_ =	shalt  }
0x6b: {  	_ =	shalt  }
0x6c: {  	_ =	shalt  }
0x6d: {  	_ =	shalt  }
0x6e: {  	_ =	shalt  }
0x6f: {  	_ =	shalt  }
0x70: {  	_ =	shalt  }
0x71: {  	_ =	shalt  }
0x72: {  	_ =	shalt  }
0x73: {  	_ =	shalt  }
0x74: {  	_ =	shalt  }
0x75: {  	_ =	shalt  }
0x76: {  	_ =	shalt  }
0x77: {  	_ =	shalt  }
0x78: {  	_ =	shalt  }
0x79: {  	_ =	shalt  }
0x7a: {  	_ =	shalt  }
0x7b: {  	_ =	shalt  }
0x7c: {  	_ =	shalt  }
0x7d: {  	_ =	shalt  }
0x7e: {  	_ =	shalt  }
0x7f: {  	_ =	shalt  }
0x80: {  	_ =	shalt  }
0x81: {  	_ =	shalt  }
0x82: {  	_ =	shalt  }
0x83: {  	_ =	shalt  }
0x84: {  	_ =	shalt  }
0x85: {  	_ =	shalt  }
0x86: {  	_ =	shalt  }
0x87: {  	_ =	shalt  }
.Lfunc_end0:
.L_simem_size_0:
called_computation_lowered:
.L_overlay_start_0:
0x88: {  	s2 =	sld [smem:$0x3FD9]  }
0x89: {  	s3 =	sld [smem:$0x3FFE];
	_ =	sdelay $0x1  }
0x8a: {  	s1 =	srdreg.scid  }
0x8b: {  	s0 =	sand.u32 $0x1, s1  }
0x8c: {  	s17 =	sshll.u32 s0, $0xA;
	s2 =	sadd.s32 s3, s2  }
0x8d: {  	s2 =	sadd.s32 s2, s17  }
0x8e: {  	[smem:$0x3FC3] =	sst s2  }
0x8f: {  	_ = 	snop  }
0x90: {  	s2 =	sld [smem:$0x3FD0];
	(tm) =	ssettm $0x1  }
0x91: {  	s18 =	sld [smem:$0x3FFB];
	_ =	sdelay $0x3  }
0x92: {  	_ =	strace s18  }
0x93: {  	s3 =	sld [smem:$0x3FFC];
	_ =	sdelay $0x3  }
0x94: {  	_ =	strace s3  }
0x95: {  	s3 =	sld [smem:$0x3FFD];
	_ =	sdelay $0x3  }
0x96: {  	_ =	strace s3  }
0x97: {  	_ =	strace $0x8FFFFFFF  }
0x98: {  	s19 =	sld [smem:$0x3FDB];
	_ =	sdelay $0x1  }
0x99: {  	s4 =	simm.s32 $_scs_section_size  }
0x9a: {  	s5 =	simm.s32 $_size__tile_overlayer_lowered;
	s6 =	simm.s32 $_tile_overlayer_lowered  }
0x9b: {  	s22 =	simm.s32 $0x1BFF;
	s21 =	sshll.u32 s6, $0x1;
	s3 =	sadd.s32 s4, s19  }
0x9c: {  	s7 =	simm.s32 $0x0;
	s20 =	sshll.u32 s5, $0x1;
	s5 =	sadd.s32 s21, s3  }
0x9d: {  	[timem:s7], [sflag:s22] =	dma.local [hbm:s5], s20  }
0x9e: {  	_ =	swait.ge [sflag:s22], s20  }
0x9f: {  	s4 =	ssub.s32 $0x0, s20;
	[sflag:s22] =	ssyncset.done $0x0  }
0xa0: {  	[sflag:s22] =	ssyncadd.s32 s4;
	_ =	sdelay $0x1  }
0xa1: {  	s23 =	simm.s32 $0x1B8B  }
0xa2: {  	_ =	swait.ge [sflag:s23], $0x1  }
0xa3: {  	[sflag:s23] =	ssyncset.done $0x0  }
0xa4: {  	s25 =	simm.s32 $0x1B8E;
	s24 =	sld [smem:$0x3FFE];
	[sflag:s23] =	ssyncadd.s32 $0xFFFFFFFF  }
0xa5: {  	s26 =	simm.s32 $execute0_lowered;
	[smem:$0x3FD2] =	sst s25  }
0xa6: {  	s5 =	sshll.u32 s26, $0x1;
	_ =	strace $0x80000046;
	[dreg:$0x1] =	wrdreg $0xFFFFFFFF  }
0xa7: {  	s28 =	simm.s32 $_size_execute0_lowered;
	s3 =	sadd.s32 s3, s5;
	[dreg:$0x0] =	wrdreg $0x0  }
0xa8: {  	s5 =	sshll.u32 s28, $0x1;
	[dreg:$0x2] =	wrdreg s3  }
0xa9: {  	[dreg:$0x3] =	wrdreg s5  }
0xaa: {  	[dreg:$0x4] =	wrdreg $0xC0  }
0xab: {  	_ =	task [dreg:s7], $0x5FFFF  }
0xac: {  	[dreg:$0x1] =	wrdreg $0xFFFFFFFF  }
0xad: {  	[dreg:$0x0] =	wrdreg $0x60  }
0xae: {  	[dreg:$0x2] =	wrdreg s24  }
0xaf: {  	[dreg:$0x3] =	wrdreg s2  }
0xb0: {  	[dreg:$0x4] =	wrdreg $0x9CC00  }
0xb1: {  	[dreg:$0x5] =	wrdreg $0x1D5800  }
0xb2: {  	[dreg:$0x6] =	wrdreg $0x9  }
0xb3: {  	_ =	task.clear_ibuf [dreg:s7], $0x7FFFF;
	_ =	strace $0x90000046  }
0xb4: {  	s29 =	simm.s32 $0x9;
	_ =	strace $0x80000048  }
0xb5: {  	_ =	swait.ge [sflag:s29], $0x1  }
0xb6: {  	[sflag:s29] =	ssyncadd.s32 $0xFFFFFFFF  }
0xb7: {  	_ =	strace $0x90000048  }
0xb8: {  	_ =	sfence  }
0xb9: {  	s30 =	sld [smem:$0x0];
	_ =	sdelay $0x2  }
0xba: {  	s31 =	sshll.u32 s1, $0xD;
	s1 =	sshrl.u32 s1, $0x2  }
0xbb: {  	s3 =	sand.u32 $0x4000, s31;
	s1 =	sadd.s32 s1, s30  }
0xbc: {  	s0 =	sor.u32 s3, s0;
	s1 =	sshll.u32 s1, $0x11  }
0xbd: {  	s0 =	sor.u32 s1, s0  }
0xbe: {  	s0 =	sadd.s32 $0x8F2B, s0  }
0xbf: {  	[sflag:s0] =	ssyncadd.remote.s32 $0x1  }
0xc0: {  	_ =	sfence.sel $0xFFFF  }
0xc1: {  	[dreg:$0x0] =	wrdreg $0xFFFFFFFF;
	(pc) =	sbr.abs _section_cstart, $3  }
0xc2: {  	[dreg:$0x1] =	wrdreg $0xFFFFFFFF  }
0xc3: {  	_ =	task.clear_ibuf [dreg:s7], $0x2FFFF;
	_ =	strace $0x9FFFFFFF  }
0xc4: {  	(tm) =	ssettm $0x7FFFFFFF  }
0xc5: {  	_ =	shalt  }
tec
execute0_lowered:
.L_overlay_start_1:
0x0: {  	(tag) =	ssettag $0x1  }
0x1: {  	s0 =	rddreg [dreg:$0x0]  }
0x2: {  	s1 =	rddreg [dreg:$0x1]  }
0x3: {  	s2 =	rddreg [dreg:$0x2]  }
0x4: {  	s3 =	rddreg [dreg:$0x3]  }
0x5: {  	s4 =	simm.s32 $0x0;
	s19 =	stileid.u32;
	s8 =	srdreg.scid  }
0x6: {  	s28 =	simm.s32 $0x160;
	s29 =	simm.s32 $0x1B8;
	s30 =	simm.s32 $0x268  }
0x7: {  	[smem:$0x7FF] =	sst s4;
	s6 =	sadd.s32 $0xA800, s0;
	s5 =	smul.u32 $0x13800, s19  }
0x8: {  	s7 =	sadd.s32 $0xA00, s0;
	s9 =	smul.u32 $0x2700, s19;
	s8 =	sand.u32 $0x1, s8  }
0x9: {  	s11 =	sshll.u32 s19, $0x1;
	s22 =	sadd.s32 $0x58E00, s0;
	p0 =	sne.s32 s19, $0x0  }
0xa: {  	p1 =	sne.s32 s19, $0x1;
	s19 =	simm.s32 $0x3F40;
	s10 =	smul.u32 $0x27100, s8  }
0xb: {  	_ =	strace $0x80000047;
	s13 =	smul.u32 $0x4E20, s8;
	s11 =	sor.u32 s8, s11  }
0xc: {  	s8 =	ssub.s32 $0x2, s8;
	[dreg:$0x11] =	wrdreg s22;
	s12 =	sshrl.u32 s5, $0x3  }
0xd: {  	s15 =	sshrl.u32 s9, $0x3;
	s14 =	smul.u32 $0x4E6, s11;
	s16 =	sshrl.u32 s8, $0x1  }
0xe: {  	s17 =	smul.u32 $0x2730, s11;
	s5 =	sadd.s32 s5, s2;
	[dreg:$0x5] =	wrdreg s12  }
0xf: {  	s12 =	sadd.s32 s12, s0;
	[dreg:$0x6] =	wrdreg s15;
	s15 =	sadd.s32 s15, s0  }
0x10: {  	s18 =	sadd.s32 s10, s0;
	s13 =	sadd.s32 s13, s0;
	s8 =	ssub.s32 s8, s16  }
0x11: {  	s10 =	smul.u32 $0x72, s11;
	[dreg:$0xd] =	wrdreg s5;
	s16 =	sadd.s32 s9, s3  }
0x12: {  	s23 =	sadd.s32 s6, s14;
	s24 =	sadd.s32 $0x58, s17;
	[dreg:$0xf] =	wrdreg s16  }
0x13: {  	s14 =	sadd.s32 s7, s14;
	s25 =	sshrl.u32 s17, $0x3;
	[dreg:$0x7] =	wrdreg s23  }
0x14: {  	s20 =	sadd.s32 $0x108, s17;
	s21 =	sadd.s32 $0x2CE00, s15;
	[dreg:$0x8] =	wrdreg s14  }
0x15: {  	s15 =	sadd.s32 $0x138000, s2;
	s16 =	sadd.s32 $0x27000, s3;
	[dreg:$0x10] =	wrdreg s21  }
0x16: {  	s17 =	simm.s32 $0x3;
	s11 =	sshrl.u32 s24, $0x3;
	[dreg:$0x18] =	wrdreg s15  }
0x17: {  	s21 =	sadd.s32 $0x14600, s0;
	s0 =	sadd.s32 $0x31C00, s0;
	[dreg:$0x19] =	wrdreg s16  }
0x18: {  	s31 =	sadd.s32 $0x16, s25;
	s25 =	sadd.s32 $0x62E00, s18;
	[dreg:$0x12] =	wrdreg s0  }
0x19: {  	s5 =	sshrl.u32 s20, $0x3;
	s26 =	sadd.s32 s6, s11;
	[dreg:$0x15] =	wrdreg s25  }
0x1a: {  	s20 =	simm.s32 $0x7;
	s11 =	sadd.s32 s7, s11;
	[dreg:$0x9] =	wrdreg s26  }
0x1b: {  	s18 =	simm.s32 $0x2;
	s14 =	sadd.s32 s6, s31;
	[dreg:$0xa] =	wrdreg s11  }
0x1c: {  	s23 =	sadd.s32 s6, s5;
	s24 =	sadd.s32 s7, s5;
	[dreg:$0xb] =	wrdreg s14  }
0x1d: {  	s0 =	sadd.s32 $0x4, s10;
	s25 =	simm.s32 $0x5;
	[dreg:$0x13] =	wrdreg s23  }
0x1e: {  	s11 =	sadd.s32 s7, s31;
	s14 =	sadd.s32 $0x31E00, s12;
	[dreg:$0x14] =	wrdreg s24  }
0x1f: {  	s26 =	sadd.s32 $0x59000, s13;
	s31 =	smax.u32 s8, $0x1;
	[dreg:$0xc] =	wrdreg s11  }
0x20: {  	s13 =	simm.s32 $0x1;
	s24 =	simm.s32 $0x4;
	[dreg:$0xe] =	wrdreg s14  }
0x21: {  	s8 =	simm.s32 $0x6;
	s12 =	simm.s32 $0x0;
	[dreg:$0x16] =	wrdreg s26  }
0x22: {  	[dreg:$0x17] =	wrdreg s31;
	s11 =	simm.s32 $0x58;
	s14 =	simm.s32 $0x39C0  }
.LBB2_1:
0x23: {  	[dreg:$0x1a] =	wrdreg s12  }
0x24: {  	s5 =	rddreg [dreg:$0x7]  }
0x25: {  	[tilespmem:s4], [sflag:$0x1] =	stream.linear.gather [hbm4b:s5+s4], $0x58, $0x38;
	[tilespmem:$0x1FC98] =	vst v63  }
0x26: {  	s31 =	rddreg [dreg:$0x8]  }
0x27: {  	[tilespmem:s28], [sflag:$0x1] =	stream.linear.gather [hbm4b:s31+s4], $0x58, $0x38;
	[tilespmem:$0x1FC98] =	vst v63  }
0x28: {  	s9 =	rddreg [dreg:$0x9]  }
0x29: {  	[tilespmem:s11], [sflag:$0x2] =	stream.linear.gather [hbm4b:s9+s4], $0x58, $0x38;
	[tilespmem:$0x1FC98] =	vst v63  }
0x2a: {  	s12 =	rddreg [dreg:$0xa]  }
0x2b: {  	[tilespmem:s29], [sflag:$0x2] =	stream.linear.gather [hbm4b:s12+s4], $0x58, $0x38;
	[tilespmem:$0x1FC98] =	vst v63  }
0x2c: {  	s22 =	rddreg [dreg:$0xb];
	s9 =	simm.s32 $0xB0  }
0x2d: {  	[tilespmem:s9], [sflag:$0x1] =	stream.linear.gather [hbm4b:s22+s4], $0x58, $0x38;
	[tilespmem:$0x1FC98] =	vst v63  }
0x2e: {  	s23 =	rddreg [dreg:$0xc];
	s26 =	simm.s32 $0x210  }
0x2f: {  	[tilespmem:s26], [sflag:$0x1] =	stream.linear.gather [hbm4b:s23+s4], $0x58, $0x38;
	[tilespmem:$0x1FC98] =	vst v63  }
0x30: {  	_ =	swait.ge [sflag:s13], $0x58  }
0x31: {  	[sflag:s13] =	ssyncset.done $0x0  }
0x32: {  	[sflag:s13] =	ssyncadd.s32 $0xFFFFFFA8  }
0x33: {  	s9 =	stileid.u32;
	_ =	swait.ge [sflag:s13], $0x58  }
0x34: {  	s5 =	sshll.u32 s9, $0x6;
	[sflag:s13] =	ssyncset.done $0x0;
	s12 =	rddreg [dreg:$0xd]  }
0x35: {  	s26 =	rddreg [dreg:$0xe];
	[sflag:s13] =	ssyncadd.s32 $0xFFFFFFA8;
	s23 =	sshrl.u32 s12, $0x3  }
0x36: {  	[tilespmem:s14], [sflag:$0x3] =	stream.indirect.gather [hbm4b:s1+s11], $0x10, s28, s11, $0xb8;
	[tilespmem:$0x1FC98] =	vst v63  }
0x37: {  	s31 =	simm.s32 $0x2C0;
	s22 =	sor.u32 $0x1C07, s5;
	[dreg:$0x1c] =	wrdreg s23  }
0x38: {  	[tilespmem:s31], [sflag:$0x3] =	stream.indirect.gather [hbm4b:s21+s11], $0x50, s4, s11, $0xb8;
	[tilespmem:$0x1FC98] =	vst v63  }
0x39: {  	[spmem:s23], [sflag:s22] =	dma.local [hbm:s26], $0x2700  }
0x3a: {  	_ =	swait.ge [sflag:s20], $0x2700  }
0x3b: {  	s31 =	rddreg [dreg:$0xf]  }
0x3c: {  	[sflag:s20] =	ssyncset.done $0x0;
	s12 =	rddreg [dreg:$0x10];
	s5 =	sshrl.u32 s31, $0x3  }
0x3d: {  	[sflag:s20] =	ssyncadd.s32 $0xFFFFD900;
	[dreg:$0x1d] =	wrdreg s5  }
0x3e: {  	[spmem:s5], [sflag:s22] =	dma.local [hbm:s12], $0x4E0  }
0x3f: {  	_ =	swait.ge [sflag:s20], $0x4E0  }
0x40: {  	[sflag:s20] =	ssyncset.done $0x0  }
0x41: {  	s5 =	sshrl.u32 @!p0 s15, $0x3;
	s9 =	rddreg [dreg:$0x11];
	[sflag:s20] =	ssyncadd.s32 $0xFFFFFB20  }
0x42: {  	[spmem:s5], [sflag:s22] =	dma.local @!p0 [hbm:s9], $0x180  }
0x43: {  	s5 =	simm.s32 @!p0 $0x7  }
0x44: {  	_ =	swait.ge @!p0 [sflag:s5], $0x180  }
0x45: {  	[dreg:$0x1b] =	wrdreg s22;
	[sflag:s5] =	ssyncset.done @!p0 $0x0  }
0x46: {  	s9 =	sshrl.u32 @!p0 s16, $0x3;
	s12 =	rddreg [dreg:$0x12];
	[sflag:s5] =	ssyncadd.s32 @!p0 $0xFFFFFE80  }
0x47: {  	[spmem:s9], [sflag:s22] =	dma.local @!p0 [hbm:s12], $0x30  }
0x48: {  	_ =	swait.ge @!p0 [sflag:s5], $0x30  }
0x49: {  	[sflag:s5] =	ssyncset.done @!p0 $0x0  }
0x4a: {  	[sflag:s5] =	ssyncadd.s32 @!p0 $0xFFFFFFD0  }
0x4b: {  	[bflag:$0x0] =	sbarrier.arrive $0xFFFF  }
0x4c: {  	_ =	swait.ge [sflag:s17], $0x580  }
0x4d: {  	[sflag:s17] =	ssyncset.done $0x0  }
0x4e: {  	[sflag:s17] =	ssyncadd.s32 $0xFFFFFA80  }
0x4f: {  	_ =	swait.ge [sflag:s17], $0x1B80  }
0x50: {  	[sflag:s17] =	ssyncset.done $0x0  }
0x51: {  	[sflag:s17] =	ssyncadd.s32 $0xFFFFE480  }
0x52: {  	_ =	swait.ge [sflag:s18], $0x58  }
0x53: {  	[sflag:s18] =	ssyncset.done $0x0  }
0x54: {  	[sflag:s18] =	ssyncadd.s32 $0xFFFFFFA8  }
0x55: {  	_ =	swait.ge [sflag:s18], $0x58  }
0x56: {  	[sflag:s18] =	ssyncset.done $0x0  }
0x57: {  	[sflag:s18] =	ssyncadd.s32 $0xFFFFFFA8  }
0x58: {  	[tilespmem:s19], [sflag:$0x4] =	stream.indirect.gather [hbm4b:s1+s11], $0x10, s29, s11, $0xb8;
	[tilespmem:$0x1FC98] =	vst v63  }
0x59: {  	s20 =	simm.s32 $0x1E40  }
0x5a: {  	[tilespmem:s20], [sflag:$0x4] =	stream.indirect.gather [hbm4b:s21+s11], $0x50, s11, s11, $0xb8;
	[tilespmem:$0x1FC98] =	vst v63  }
0x5b: {  	s23 =	simm.s32 $0x108;
	s22 =	rddreg [dreg:$0x13]  }
0x5c: {  	[tilespmem:s23], [sflag:$0x2] =	stream.linear.gather [hbm4b:s22+s4], $0x58, $0x38;
	[tilespmem:$0x1FC98] =	vst v63  }
0x5d: {  	s26 =	rddreg [dreg:$0x14];
	s29 =	simm.s32 $0x39E0  }
0x5e: {  	[tilespmem:s30], [sflag:$0x2] =	stream.linear.gather [hbm4b:s26+s4], $0x58, $0x38;
	[tilespmem:$0x1FC98] =	vst v63  }
0x5f: {  	s30 =	simm.s32 $0x360;
	v0 =	vld [tilespmem:s29+$0xFFFFFFF0]  }
0x60: {  	v1 =	vld [tilespmem:s30+$0xFFFFFFF0]  }
0x61: {  	v2 =	vld [tilespmem:s30+$0x90]  }
0x62: {  	v3 =	vld [tilespmem:s29+$0x10];
	_ =	sdelay $0x1  }
0x63: {  	v4 =	vld [tilespmem:s30+$0xFFFFFFA0]  }
0x64: {  	v5 =	vld [tilespmem:s29+$0xFFFFFFE0]  }
0x65: {  	v0 =	vadd.f32 v0, v1  }
0x66: {  	v6 =	vld [tilespmem:s30+$0x40];
	v1 =	vadd.f32 v3, v2  }
0x67: {  	v2 =	vld [tilespmem:s29+$0x0];
	v3 =	vmul.f32 $9.999999770e-03, v0  }
0x68: {  	vm0 =	vlt.f32 v0, $0.0e+00;
	v7 =	vmul.f32 $9.999999770e-03, v1  }
0x69: {  	v4 =	vadd.f32 v5, v4;
	vm5 =	vlt.f32 v1, $0.0e+00;
	v0 =	vsel vm0, v3, v0  }
0x6a: {  	v1 =	vsel vm5, v7, v1;
	v0 =	vmul.f32 $1.442695020e+00, v0  }
0x6b: {  	v3 =	vmul.f32 $9.999999770e-03, v4;
	v1 =	vmul.f32 $1.442695020e+00, v1  }
0x6c: {  	vm6 =	vlt.f32 v4, $0.0e+00;
	v2 =	vadd.f32 v2, v6;
	(erf) = vpow2.f32 v0  }
0x6d: {  	s12 =	simm.s32 $0x4A0;
	v0 =	vsel vm6, v3, v4;
	(erf) = vpow2.f32 v1  }
0x6e: {  	s31 =	simm.s32 $0x3A20;
	v17 =	vld [tilespmem:s12+$0x90];
	v0 =	vmul.f32 $1.442695020e+00, v0;
	v1 =	vmul.f32 $9.999999770e-03, v2  }
0x6f: {  	v20 =	vld [tilespmem:s31+$0x10];
	vm7 =	vlt.f32 v2, $0.0e+00  }
0x70: {  	v7 =	vld [tilespmem:s12+$0xFFFFFFF0];
	(erf) = vpow2.f32 v0;
	v0 =	vsel vm7, v1, v2  }
0x71: {  	v1 =	vld [tilespmem:s31+$0xFFFFFFF0];
	v0 =	vmul.f32 $1.442695020e+00, v0;
	_ =	sdelay $0x1  }
0x72: {  	(erf) = vpow2.f32 v0  }
0x73: {  	v21 =	vld [tilespmem:s31+$0xFFFFFFE0];
	v17 =	vadd.f32 v20, v17  }
0x74: {  	v2 =	vld [tilespmem:s12+$0xFFFFFFA0];
	v15 =	vpop (erf)  }
0x75: {  	v26 =	vmul.f32 $9.999999770e-03, v17;
	v1 =	vadd.f32 v1, v7;
	v5 =	vpop (erf)  }
0x76: {  	vm9 =	vlt.f32 v17, $0.0e+00;
	v10 =	vbroadcast v15, $0x7;
	v6 =	vbroadcast v15, $0x0;
	[tilespmem:s29+$0x10] =	vst v5  }
0x77: {  	v17 =	vsel vm9, v26, v17;
	v20 =	vmul.f32 $9.999999770e-03, v1;
	v26 =	vbroadcast v15, $0x3;
	v0 =	vld [tilespmem:s30+$0x50]  }
0x78: {  	v42 =	vbroadcast v15, $0x5;
	v13 =	vbroadcast v5, $0x5;
	v14 =	vpop (erf)  }
0x79: {  	v2 =	vadd.f32 v21, v2;
	v8 =	vbroadcast v5, $0x1;
	v9 =	vbroadcast v5, $0x0;
	[tilespmem:s29+$0xFFFFFFE0] =	vst v14  }
0x7a: {  	vm8 =	vlt.f32 v1, $0.0e+00;
	v28 =	vbroadcast v5, $0x2;
	v31 =	vbroadcast v5, $0x4;
	v4 =	vld [tilespmem:s30+$0xFFFFFF60]  }
0x7b: {  	[tilespmem:s29+$0xFFFFFFF0] =	vst v15;
	v1 =	vsel vm8, v20, v1;
	v16 =	vbroadcast v14, $0x4;
	v3 =	vbroadcast v14, $0x6;
	v11 =	vpop (erf)  }
0x7c: {  	v21 =	vld [tilespmem:s30+$0xFFFFFFB0];
	v1 =	vmul.f32 $1.442695020e+00, v1;
	[tilespmem:s29+$0x0] =	vst v11;
	v19 =	vshll.u32 v0, $0x10;
	v0 =	vand.u32 $0xFFFF0000, v0  }
0x7d: {  	v18 =	vbroadcast v14, $0x1;
	v22 =	vmul.f32 v0, v8;
	v8 =	vld [tilespmem:s30+$0x0]  }
0x7e: {  	(erf) = vpow2.f32 v1;
	v0 =	vbroadcast v14, $0x0  }
0x7f: {  	v12 =	vbroadcast v11, $0x7;
	v23 =	vbroadcast v11, $0x1;
	v25 =	vshll.u32 v4, $0x10  }
0x80: {  	v24 =	vbroadcast v11, $0x0;
	v4 =	vand.u32 $0xFFFF0000, v4;
	v0 =	vmul.f32 v25, v0  }
0x81: {  	s16 =	simm.s32 $0x45C0;
	v7 =	vbroadcast v11, $0x3;
	v1 =	vshll.u32 v21, $0x10;
	v4 =	vmul.f32 v4, v18  }
0x82: {  	v27 =	vld [tilespmem:s31+$0x0];
	v1 =	vmul.f32 v1, v6;
	v9 =	vmul.f32 v19, v9;
	[tilespmem:s16+$0xFFFFFF00] =	vst v0;
	v25 =	vshll.u32 v8, $0x10  }
0x83: {  	v20 =	vld [tilespmem:s12+$0x40];
	v0 =	vmul.f32 $9.999999770e-03, v2;
	[tilespmem:s16+$0xFFFFFF10] =	vst v4;
	v4 =	vand.u32 $0xFFFF0000, v8;
	v8 =	vmul.f32 v25, v24  }
0x84: {  	vm10 =	vlt.f32 v2, $0.0e+00;
	v19 =	vbroadcast v11, $0x4;
	v4 =	vmul.f32 v4, v23  }
0x85: {  	v18 =	vbroadcast v15, $0x1;
	v0 =	vsel vm10, v0, v2;
	v2 =	vmul.f32 $1.442695020e+00, v17;
	[tilespmem:s16+$0x0] =	vst v8  }
0x86: {  	v24 =	vld [tilespmem:s30+$0xFFFFFF70];
	v23 =	vbroadcast v14, $0x2;
	v25 =	vbroadcast v11, $0x5;
	[tilespmem:s16+$0x10] =	vst v4  }
0x87: {  	v0 =	vmul.f32 $1.442695020e+00, v0;
	v4 =	vand.u32 $0xFFFF0000, v21;
	(erf) = vpow2.f32 v2;
	v8 =	vld [tilespmem:s30+$0x10]  }
0x88: {  	v2 =	vadd.f32 v27, v20;
	v20 =	vbroadcast v14, $0x3;
	v4 =	vmul.f32 v4, v18  }
0x89: {  	[tilespmem:s16+$0xFFFFFF80] =	vst v1;
	v27 =	vbroadcast v5, $0x3;
	(erf) = vpow2.f32 v0  }
0x8a: {  	v0 =	vbroadcast v11, $0x2;
	v1 =	vmul.f32 $9.999999770e-03, v2;
	[tilespmem:s16+$0xFFFFFF90] =	vst v4  }
0x8b: {  	v18 =	vbroadcast v15, $0x2;
	vm11 =	vlt.f32 v2, $0.0e+00;
	v6 =	vshll.u32 v24, $0x10;
	v21 =	vld [tilespmem:s30+$0xFFFFFFC0]  }
0x8c: {  	v17 =	vmul.f32 v6, v23;
	v1 =	vsel vm11, v1, v2;
	v4 =	vand.u32 $0xFFFF0000, v8  }
0x8d: {  	v1 =	vmul.f32 $1.442695020e+00, v1;
	v2 =	vshll.u32 v8, $0x10;
	v4 =	vmul.f32 v4, v7  }
0x8e: {  	[tilespmem:s16+$0x90] =	vst v22;
	v23 =	vbroadcast v14, $0x5;
	v2 =	vmul.f32 v2, v0  }
0x8f: {  	v14 =	vbroadcast v14, $0x7;
	v8 =	vpop (erf);
	(erf) = vpow2.f32 v1;
	[tilespmem:s16+$0x30] =	vst v4  }
0x90: {  	v22 =	vbroadcast v8, $0x0;
	v0 =	vpop (erf);
	[tilespmem:s16+$0x20] =	vst v2;
	v2 =	vbroadcast v8, $0x7;
	v4 =	vshll.u32 v21, $0x10  }
0x91: {  	v21 =	vand.u32 $0xFFFF0000, v21;
	v6 =	vbroadcast v0, $0x5;
	v4 =	vmul.f32 v4, v18  }
0x92: {  	v7 =	vpop (erf);
	v26 =	vmul.f32 v21, v26;
	v33 =	vbroadcast v0, $0x1  }
0x93: {  	[tilespmem:s16+$0x80] =	vst v9;
	v29 =	vld [tilespmem:s30+$0x20];
	v18 =	vand.u32 $0xFFFF0000, v24;
	v9 =	vbroadcast v7, $0x4;
	v1 =	vbroadcast v7, $0x6  }
0x94: {  	v24 =	vld [tilespmem:s30+$0x60];
	v21 =	vmul.f32 v18, v20;
	v18 =	vbroadcast v15, $0x6  }
0x95: {  	[tilespmem:s31+$0x10] =	vst v0;
	v20 =	vbroadcast v5, $0x7;
	v36 =	vbroadcast v7, $0x1  }
0x96: {  	[tilespmem:s16+$0xFFFFFF20] =	vst v17;
	v30 =	vld [tilespmem:s12+$0x50];
	v44 =	vbroadcast v7, $0x0;
	v15 =	vbroadcast v15, $0x4  }
0x97: {  	s22 =	simm.s32 $0x3A60;
	[tilespmem:s31+$0xFFFFFFE0] =	vst v7;
	v52 =	vbroadcast v7, $0x2;
	v61 =	vbroadcast v7, $0x3  }
0x98: {  	s26 =	simm.s32 $0x5E0;
	v32 =	vld [tilespmem:s22+$0xFFFFFFF0];
	[tilespmem:s16+$0xFFFFFF30] =	vst v21;
	v21 =	vbroadcast v11, $0x6;
	v11 =	vbroadcast v0, $0x0;
	v17 =	vshll.u32 v29, $0x10  }
0x99: {  	v35 =	vld [tilespmem:s26+$0xFFFFFFA0];
	[tilespmem:s16+$0xFFFFFFB0] =	vst v26;
	v29 =	vand.u32 $0xFFFF0000, v29;
	v26 =	vshll.u32 v24, $0x10;
	v19 =	vmul.f32 v17, v19  }
0x9a: {  	[tilespmem:s16+$0xFFFFFFA0] =	vst v4;
	v39 =	vld [tilespmem:s12+$0xFFFFFF60];
	v24 =	vand.u32 $0xFFFF0000, v24;
	v17 =	vbroadcast v5, $0x6;
	v25 =	vmul.f32 v29, v25  }
0x9b: {  	v38 =	vld [tilespmem:s30+$0xFFFFFFD0];
	v4 =	vpop (erf);
	v37 =	vshll.u32 v30, $0x10;
	v26 =	vmul.f32 v26, v28;
	v24 =	vmul.f32 v24, v27  }
0x9c: {  	v43 =	vld [tilespmem:s22+$0xFFFFFFE0];
	v30 =	vand.u32 $0xFFFF0000, v30;
	v5 =	vbroadcast v4, $0x7;
	v37 =	vmul.f32 v37, v11  }
0x9d: {  	v34 =	vld [tilespmem:s30+$0xFFFFFF80];
	v11 =	vbroadcast v4, $0x4;
	v30 =	vmul.f32 v30, v33  }
0x9e: {  	v62 =	vld [tilespmem:s26+$0x90];
	[tilespmem:s31+$0xFFFFFFF0] =	vst v8;
	v28 =	vbroadcast v4, $0x1;
	v41 =	vbroadcast v4, $0x0  }
0x9f: {  	v63 =	vld [tilespmem:s12+$0xFFFFFFB0];
	v47 =	vshll.u32 v39, $0x10;
	v39 =	vand.u32 $0xFFFF0000, v39;
	v49 =	vbroadcast v4, $0x3;
	[tilespmem:s16+$0x50] =	vst v25  }
0xa0: {  	v29 =	vld [tilespmem:s26+$0xFFFFFFF0];
	v50 =	vbroadcast v4, $0x2;
	v25 =	vmul.f32 v39, v36;
	v51 =	vand.u32 $0xFFFF0000, v38;
	[tilespmem:s16+$0x40] =	vst v19  }
0xa1: {  	v27 =	vld [tilespmem:s22+$0x10];
	v19 =	vbroadcast v8, $0x1;
	v38 =	vshll.u32 v38, $0x10;
	[tilespmem:s16+$0xB0] =	vst v24;
	v24 =	vadd.f32 v43, v35  }
0xa2: {  	s5 =	simm.s32 $0x47C0;
	[tilespmem:s31+$0x0] =	vst v4;
	v40 =	vshll.u32 v34, $0x10;
	v15 =	vmul.f32 v38, v15;
	v39 =	vmul.f32 v51, v42  }
0xa3: {  	v48 =	vld [tilespmem:s12+$0x0];
	v34 =	vand.u32 $0xFFFF0000, v34;
	[tilespmem:s5+$0x90] =	vst v30;
	v30 =	vbroadcast v8, $0x3;
	v16 =	vmul.f32 v40, v16  }
0xa4: {  	v23 =	vmul.f32 v34, v23;
	v34 =	vmul.f32 v47, v44  }
0xa5: {  	v55 =	vmul.f32 $9.999999770e-03, v24;
	[tilespmem:s5+$0xFFFFFF10] =	vst v25;
	vm12 =	vlt.f32 v24, $0.0e+00;
	v25 =	vand.u32 $0xFFFF0000, v63  }
0xa6: {  	[tilespmem:s16+$0xA0] =	vst v26;
	v29 =	vadd.f32 v32, v29;
	v26 =	vadd.f32 v27, v62;
	v27 =	vshll.u32 v63, $0x10  }
0xa7: {  	v54 =	vld [tilespmem:s30+$0x70];
	v25 =	vmul.f32 v25, v19;
	v19 =	vbroadcast v7, $0x5;
	[tilespmem:s16+$0xFFFFFF50] =	vst v23;
	v23 =	vsel vm12, v55, v24  }
0xa8: {  	v56 =	vld [tilespmem:s22+$0x0];
	v22 =	vmul.f32 v27, v22;
	v53 =	vshll.u32 v48, $0x10;
	v32 =	vand.u32 $0xFFFF0000, v48  }
0xa9: {  	v59 =	vld [tilespmem:s30+$0x30];
	[tilespmem:s5+$0xFFFFFF00] =	vst v34;
	v24 =	vmul.f32 $9.999999770e-03, v29;
	v23 =	vmul.f32 $1.442695020e+00, v23;
	vm13 =	vlt.f32 v29, $0.0e+00  }
0xaa: {  	v27 =	vld [tilespmem:s26+$0x40];
	v58 =	vmul.f32 $9.999999770e-03, v26;
	vm14 =	vlt.f32 v26, $0.0e+00;
	[tilespmem:s5+$0xFFFFFF90] =	vst v25;
	v25 =	vbroadcast v0, $0x3  }
0xab: {  	[tilespmem:s16+$0xFFFFFFC0] =	vst v15;
	v57 =	vld [tilespmem:s12+$0xFFFFFF70];
	v33 =	vmul.f32 v53, v41;
	v15 =	vmul.f32 v32, v28;
	v24 =	vsel vm13, v24, v29  }
0xac: {  	[tilespmem:s16+$0xFFFFFF40] =	vst v16;
	v26 =	vsel vm14, v58, v26;
	v29 =	vand.u32 $0xFFFF0000, v54;
	v16 =	vmul.f32 $1.442695020e+00, v24  }
0xad: {  	[tilespmem:s16+$0xFFFFFFD0] =	vst v39;
	v28 =	vld [tilespmem:s30+$0xFFFFFF90];
	v24 =	vshll.u32 v54, $0x10;
	v26 =	vmul.f32 $1.442695020e+00, v26;
	v13 =	vmul.f32 v29, v13  }
0xae: {  	[tilespmem:s5+$0x0] =	vst v33;
	v29 =	vbroadcast v8, $0x2;
	v24 =	vmul.f32 v24, v31;
	v31 =	vld [tilespmem:s30+$0xFFFFFFE0]  }
0xaf: {  	[tilespmem:s5+$0x10] =	vst v15;
	v15 =	vadd.f32 v56, v27;
	v27 =	vshll.u32 v59, $0x10;
	(erf) = vpow2.f32 v16  }
0xb0: {  	[tilespmem:s5+$0xFFFFFF80] =	vst v22;
	v22 =	vld [tilespmem:s12+$0x10];
	v60 =	vshll.u32 v57, $0x10;
	v21 =	vmul.f32 v27, v21;
	v63 =	vand.u32 $0xFFFF0000, v57  }
0xb1: {  	[tilespmem:s16+$0xD0] =	vst v13;
	v16 =	vmul.f32 v60, v52;
	(erf) = vpow2.f32 v26;
	vm15 =	vlt.f32 v15, $0.0e+00  }
0xb2: {  	[tilespmem:s16+$0xC0] =	vst v24;
	v24 =	vbroadcast v4, $0x5;
	(erf) = vpow2.f32 v23;
	v23 =	vand.u32 $0xFFFF0000, v28  }
0xb3: {  	v26 =	vmul.f32 $9.999999770e-03, v15;
	[tilespmem:s16+$0x60] =	vst v21;
	v14 =	vmul.f32 v23, v14;
	v23 =	vld [tilespmem:s30+$0x80];
	v13 =	vand.u32 $0xFFFF0000, v31  }
0xb4: {  	v33 =	vmul.f32 v63, v61;
	[tilespmem:s5+$0xFFFFFF20] =	vst v16;
	v31 =	vshll.u32 v31, $0x10;
	v10 =	vmul.f32 v13, v10  }
0xb5: {  	v13 =	vand.u32 $0xFFFF0000, v22;
	v16 =	vmul.f32 v31, v18;
	v31 =	vld [tilespmem:s12+$0xFFFFFFC0];
	[tilespmem:s16+$0xFFFFFF70] =	vst v14;
	v14 =	vsel vm15, v26, v15  }
0xb6: {  	v18 =	vshll.u32 v22, $0x10;
	v15 =	vmul.f32 v13, v49;
	v14 =	vmul.f32 $1.442695020e+00, v14;
	[tilespmem:s16+$0xFFFFFFF0] =	vst v10  }
0xb7: {  	v26 =	vbroadcast v0, $0x2;
	v22 =	vand.u32 $0xFFFF0000, v59;
	v18 =	vmul.f32 v18, v50;
	[tilespmem:s16+$0xFFFFFFE0] =	vst v16  }
0xb8: {  	v27 =	vshll.u32 v23, $0x10;
	[tilespmem:s5+$0x30] =	vst v15;
	v15 =	vmul.f32 v22, v12;
	v13 =	vpop (erf);
	(erf) = vpow2.f32 v14  }
0xb9: {  	v62 =	vand.u32 $0xFFFF0000, v23;
	[tilespmem:s5+$0x20] =	vst v18;
	v27 =	vmul.f32 v27, v17;
	v10 =	vbroadcast v13, $0x7  }
0xba: {  	v22 =	vld [tilespmem:s12+$0x20];
	v16 =	vpop (erf);
	v23 =	vshll.u32 v31, $0x10;
	v21 =	vbroadcast v13, $0x0;
	[tilespmem:s16+$0x70] =	vst v15;
	v15 =	vbroadcast v8, $0x6  }
0xbb: {  	[tilespmem:s5+$0x80] =	vst v37;
	v31 =	vand.u32 $0xFFFF0000, v31;
	v12 =	vbroadcast v16, $0x5;
	v23 =	vmul.f32 v23, v29  }
0xbc: {  	s15 =	simm.s32 $0x8;
	v14 =	vpop (erf);
	[tilespmem:s22+$0x10] =	vst v16;
	v32 =	vmul.f32 v31, v30;
	v30 =	vld [tilespmem:s12+$0x60];
	v31 =	vmul.f32 v62, v20  }
0xbd: {  	s9 =	simm.s32 $0x49C0;
	s20 =	simm.s32 $0x720;
	s23 =	simm.s32 $0x3AA0;
	v29 =	vshll.u32 v28, $0x10;
	[tilespmem:s16+$0xE0] =	vst v27;
	v18 =	vbroadcast v14, $0x4;
	v17 =	vbroadcast v14, $0x6;
	v28 =	vld [tilespmem:s26+$0x50]  }
.LBB2_2:
0xbe: {  	s15 =	sadd.s32 $0x4, s15;
	v27 =	vbroadcast v0, $0x4;
	v20 =	vbroadcast v0, $0x7  }
0xbf: {  	v35 =	vbroadcast v16, $0x1;
	v29 =	vmul.f32 v29, v3;
	v3 =	vmovc v1;
	v1 =	vmovc v17;
	v34 =	vld [tilespmem:s23+$0xFFFFFFF0];
	p2 =	slt.u32 s15, $0x54;
	[tilespmem:s5+$0xFFFFFF30] =	vst v33;
	v33 =	vshll.u32 v22, $0x10  }
0xc0: {  	v37 =	vand.u32 $0xFFFF0000, v22;
	v36 =	vld [tilespmem:s12+$0xFFFFFF80];
	[tilespmem:s5+$0xFFFFFFA0] =	vst v23;
	v33 =	vmul.f32 v33, v11;
	v23 =	vbroadcast v4, $0x6  }
0xc1: {  	v22 =	vbroadcast v0, $0x6;
	v11 =	vbroadcast v16, $0x0;
	v38 =	vld [tilespmem:s20+$0xFFFFFFA0];
	v4 =	vpop (erf);
	[tilespmem:s5+$0xFFFFFFB0] =	vst v32;
	v32 =	vshll.u32 v30, $0x10  }
0xc2: {  	v39 =	vbroadcast v14, $0x1;
	v0 =	vmovc v16;
	[tilespmem:s22+$0xFFFFFFE0] =	vst v14;
	v17 =	vbroadcast v4, $0x7;
	v40 =	vshll.u32 v28, $0x10;
	v41 =	vld [tilespmem:s12+$0xFFFFFFD0]  }
0xc3: {  	v24 =	vmul.f32 v37, v24;
	v28 =	vand.u32 $0xFFFF0000, v28;
	v16 =	vld [tilespmem:s26+$0xFFFFFF60];
	v40 =	vmul.f32 v40, v11;
	[tilespmem:s16+$0xFFFFFF60] =	vst v29  }
0xc4: {  	v30 =	vand.u32 $0xFFFF0000, v30;
	v11 =	vbroadcast v4, $0x4;
	v28 =	vmul.f32 v28, v35;
	v29 =	vld [tilespmem:s20+$0xFFFFFFF0];
	[tilespmem:s16+$0xF0] =	vst v31;
	s16 =	smov.u32 s5;
	s5 =	smov.u32 s9  }
0xc5: {  	v26 =	vmul.f32 v32, v26;
	v25 =	vmul.f32 v30, v25;
	v31 =	vld [tilespmem:s20+$0x90];
	[tilespmem:s22+$0xFFFFFFF0] =	vst v13;
	v35 =	vshll.u32 v36, $0x10  }
0xc6: {  	v32 =	vbroadcast v4, $0x1;
	v36 =	vand.u32 $0xFFFF0000, v36;
	v30 =	vld [tilespmem:s23+$0x10];
	v35 =	vmul.f32 v35, v9;
	[tilespmem:s16+$0x50] =	vst v24;
	v9 =	vmovc v18  }
0xc7: {  	v37 =	vbroadcast v8, $0x5;
	v24 =	vbroadcast v4, $0x0;
	v18 =	vld [tilespmem:s26+$0xFFFFFFB0];
	[tilespmem:s16+$0x40] =	vst v33  }
0xc8: {  	v42 =	vbroadcast v14, $0x0;
	v43 =	vbroadcast v8, $0x4;
	v8 =	vmov v13;
	v33 =	vld [tilespmem:s23+$0xFFFFFFE0];
	[tilespmem:s22+$0x0] =	vst v4;
	s22 =	smov.u32 s23  }
0xc9: {  	v19 =	vmul.f32 v36, v19;
	v13 =	vshll.u32 v16, $0x10;
	v16 =	vand.u32 $0xFFFF0000, v16;
	v44 =	vld [tilespmem:s26+$0x0];
	[tilespmem:s16+$0xB0] =	vst v25  }
0xca: {  	v25 =	vadd.f32 v34, v29;
	v13 =	vmul.f32 v13, v42;
	v34 =	vbroadcast v4, $0x3;
	v36 =	vld [tilespmem:s12+$0x30];
	[tilespmem:s16+$0xA0] =	vst v26  }
0xcb: {  	v16 =	vmul.f32 v16, v39;
	v39 =	vbroadcast v4, $0x2;
	[tilespmem:s16+$0xFFFFFF50] =	vst v19;
	v19 =	vand.u32 $0xFFFF0000, v41;
	v26 =	vld [tilespmem:s12+$0x70]  }
0xcc: {  	v42 =	vbroadcast v8, $0x1;
	v41 =	vshll.u32 v41, $0x10;
	v29 =	vld [tilespmem:s23+$0x0];
	[tilespmem:s9+$0x80] =	vst v40;
	v40 =	vbroadcast v7, $0x7;
	v7 =	vmovc v14  }
0xcd: {  	v14 =	vadd.f32 v33, v38;
	[tilespmem:s9+$0xFFFFFF00] =	vst v13;
	v13 =	vbroadcast v7, $0x2;
	v33 =	vmul.f32 v41, v43  }
0xce: {  	v30 =	vadd.f32 v30, v31;
	[tilespmem:s9+$0xFFFFFF10] =	vst v16;
	v16 =	vshll.u32 v18, $0x10;
	v31 =	vshll.u32 v44, $0x10  }
0xcf: {  	v19 =	vmul.f32 v19, v37;
	v41 =	vand.u32 $0xFFFF0000, v44;
	v38 =	vmul.f32 $9.999999770e-03, v14;
	[tilespmem:s16+$0xFFFFFFC0] =	vst v33  }
0xd0: {  	v18 =	vand.u32 $0xFFFF0000, v18;
	vm0 =	vlt.f32 v14, $0.0e+00;
	v24 =	vmul.f32 v31, v24;
	v33 =	vld [tilespmem:s26+$0xFFFFFF70];
	[tilespmem:s16+$0xFFFFFF40] =	vst v35  }
0xd1: {  	v31 =	vmul.f32 $9.999999770e-03, v25;
	v16 =	vmul.f32 v16, v21;
	v14 =	vsel vm0, v38, v14;
	v35 =	vld [tilespmem:s20+$0x40];
	[tilespmem:s16+$0xFFFFFFD0] =	vst v19  }
0xd2: {  	vm0 =	vlt.f32 v25, $0.0e+00;
	v19 =	vmul.f32 v41, v32;
	v14 =	vmul.f32 $1.442695020e+00, v14;
	[tilespmem:s9+$0x0] =	vst v24;
	v21 =	vld [tilespmem:s12+$0xFFFFFF90]  }
0xd3: {  	v24 =	vsel vm0, v31, v25;
	v25 =	vmul.f32 $9.999999770e-03, v30;
	v31 =	vand.u32 $0xFFFF0000, v26;
	[tilespmem:s9+$0xFFFFFF80] =	vst v16;
	v16 =	vld [tilespmem:s12+$0xFFFFFFE0]  }
0xd4: {  	vm0 =	vlt.f32 v30, $0.0e+00;
	v24 =	vmul.f32 $1.442695020e+00, v24;
	[tilespmem:s9+$0x10] =	vst v19;
	v19 =	vshll.u32 v26, $0x10  }
0xd5: {  	v25 =	vsel vm0, v25, v30;
	v26 =	vld [tilespmem:s26+$0x10];
	[tilespmem:s9+$0x90] =	vst v28;
	v28 =	vshll.u32 v36, $0x10;
	v19 =	vmul.f32 v19, v27  }
0xd6: {  	v25 =	vmul.f32 $1.442695020e+00, v25;
	v30 =	vshll.u32 v33, $0x10;
	v27 =	vadd.f32 v29, v35  }
0xd7: {  	(erf) = vpow2.f32 v24;
	v29 =	vshll.u32 v21, $0x10;
	v24 =	vmul.f32 v31, v6;
	v6 =	vmovc v12  }
0xd8: {  	v12 =	vmul.f32 v30, v13;
	v13 =	vmul.f32 v18, v42;
	vm0 =	vlt.f32 v27, $0.0e+00;
	[tilespmem:s16+$0xC0] =	vst v19  }
0xd9: {  	v30 =	vbroadcast v8, $0x2;
	v18 =	vand.u32 $0xFFFF0000, v21;
	(erf) = vpow2.f32 v25;
	[tilespmem:s16+$0xD0] =	vst v24  }
0xda: {  	v19 =	vbroadcast v7, $0x5;
	(erf) = vpow2.f32 v14;
	[tilespmem:s9+$0xFFFFFF90] =	vst v13;
	v13 =	vand.u32 $0xFFFF0000, v26;
	v14 =	vld [tilespmem:s12+$0x80];
	s12 =	smov.u32 s26;
	s26 =	smov.u32 s20  }
0xdb: {  	v31 =	vbroadcast v7, $0x3;
	v24 =	vbroadcast v4, $0x5;
	[tilespmem:s9+$0xFFFFFF20] =	vst v12;
	v12 =	vand.u32 $0xFFFF0000, v16  }
0xdc: {  	v32 =	vbroadcast v8, $0x3;
	v18 =	vmul.f32 v18, v40;
	v21 =	vshll.u32 v26, $0x10;
	s9 =	sadd.s32 $0x200, s9  }
0xdd: {  	v26 =	vmul.f32 $9.999999770e-03, v27;
	v16 =	vshll.u32 v16, $0x10;
	v12 =	vmul.f32 v12, v2;
	v2 =	vmovc v10;
	v35 =	vld [tilespmem:s12+$0xFFFFFFC0]  }
0xde: {  	v25 =	vbroadcast v0, $0x3;
	v10 =	vmul.f32 v16, v15;
	v15 =	vand.u32 $0xFFFF0000, v36;
	[tilespmem:s16+$0xFFFFFF70] =	vst v18  }
0xdf: {  	v16 =	vsel vm0, v26, v27;
	v26 =	vbroadcast v0, $0x2;
	v18 =	vmul.f32 v13, v34;
	[tilespmem:s16+$0xFFFFFFF0] =	vst v12  }
0xe0: {  	v23 =	vmul.f32 v28, v23;
	v12 =	vmul.f32 $1.442695020e+00, v16;
	v27 =	vshll.u32 v14, $0x10;
	v13 =	vpop (erf);
	[tilespmem:s16+$0xFFFFFFE0] =	vst v10  }
0xe1: {  	v21 =	vmul.f32 v21, v39;
	v34 =	vand.u32 $0xFFFF0000, v14;
	v10 =	vbroadcast v13, $0x7;
	[tilespmem:s5+$0x30] =	vst v18  }
0xe2: {  	(erf) = vpow2.f32 v12;
	v16 =	vpop (erf);
	v28 =	vshll.u32 v35, $0x10;
	[tilespmem:s16+$0x60] =	vst v23;
	v23 =	vmul.f32 v15, v5  }
.Ltmp0:
0xe3: {  	v27 =	vmul.f32 v27, v22;
	v15 =	vand.u32 $0xFFFF0000, v35;
	v12 =	vbroadcast v16, $0x5;
	v14 =	vpop (erf);
	[tilespmem:s5+$0x20] =	vst v21;
	(pc) =	sbr.rel @p2 .LBB2_2-.Ltmp0, $4  }
0xe4: {  	v5 =	vmov v17;
	v21 =	vbroadcast v13, $0x0;
	v18 =	vbroadcast v14, $0x4;
	v22 =	vld [tilespmem:s12+$0x20];
	[tilespmem:s16+$0x70] =	vst v23  }
0xe5: {  	v17 =	vbroadcast v14, $0x6;
	v23 =	vmul.f32 v28, v30;
	[tilespmem:s23+$0x10] =	vst v16  }
0xe6: {  	v33 =	vand.u32 $0xFFFF0000, v33;
	v32 =	vmul.f32 v15, v32;
	v15 =	vbroadcast v8, $0x6;
	v30 =	vld [tilespmem:s12+$0x60];
	[tilespmem:s16+$0xE0] =	vst v27  }
0xe7: {  	v33 =	vmul.f32 v33, v31;
	s20 =	sadd.s32 $0x140, s20;
	v31 =	vmul.f32 v34, v20;
	s23 =	sadd.s32 $0x40, s23;
	v28 =	vld [tilespmem:s26+$0x50]  }
0xe8: {  	[tilespmem:s5+$0xFFFFFFA0] =	vst v23  }
0xe9: {  	[tilespmem:s5+$0xFFFFFFB0] =	vst v32  }
0xea: {  	[tilespmem:s22+$0xFFFFFFE0] =	vst v14  }
0xeb: {  	[tilespmem:s22+$0xFFFFFFF0] =	vst v13  }
0xec: {  	v3 =	vmul.f32 v29, v3;
	[tilespmem:s5+$0xFFFFFF30] =	vst v33;
	v41 =	vand.u32 $0xFFFF0000, v22  }
0xed: {  	v42 =	vshll.u32 v22, $0x10;
	[tilespmem:s16+$0xF0] =	vst v31;
	v44 =	vld [tilespmem:s26+$0xFFFFFF60];
	v43 =	vmul.f32 v41, v24  }
0xee: {  	[tilespmem:s16+$0xFFFFFF60] =	vst v3;
	v11 =	vmul.f32 v42, v11  }
0xef: {  	v27 =	vld [tilespmem:s12+$0xFFFFFFD0];
	v45 =	vand.u32 $0xFFFF0000, v30;
	[tilespmem:s5+$0x50] =	vst v43  }
0xf0: {  	v47 =	vbroadcast v16, $0x0;
	v46 =	vshll.u32 v30, $0x10;
	v3 =	vpop (erf);
	v24 =	vmul.f32 v45, v25;
	[tilespmem:s5+$0x40] =	vst v11  }
0xf1: {  	v50 =	vbroadcast v14, $0x0;
	v54 =	vld [tilespmem:s26+$0xFFFFFFB0];
	v22 =	vmul.f32 v46, v26;
	v49 =	vshll.u32 v28, $0x10;
	[tilespmem:s22+$0x0] =	vst v3  }
0xf2: {  	v51 =	vbroadcast v14, $0x1;
	v20 =	vld [tilespmem:s12+$0xFFFFFF80];
	v11 =	vmul.f32 v49, v47;
	[tilespmem:s5+$0xB0] =	vst v24;
	v52 =	vshll.u32 v44, $0x10  }
0xf3: {  	v55 =	vbroadcast v8, $0x4;
	[tilespmem:s5+$0xA0] =	vst v22;
	v23 =	vand.u32 $0xFFFF0000, v44;
	v25 =	vmul.f32 v52, v50  }
0xf4: {  	v58 =	vbroadcast v8, $0x5;
	v57 =	vshll.u32 v27, $0x10;
	v56 =	vmul.f32 v23, v51;
	[tilespmem:s9+$0x80] =	vst v11  }
0xf5: {  	v60 =	vand.u32 $0xFFFF0000, v27;
	v11 =	vmul.f32 v57, v55;
	[tilespmem:s9+$0xFFFFFF00] =	vst v25  }
0xf6: {  	v53 =	vld [tilespmem:s26+$0x0];
	v29 =	vshll.u32 v54, $0x10;
	v8 =	vmul.f32 v60, v58;
	[tilespmem:s9+$0xFFFFFF10] =	vst v56  }
0xf7: {  	v48 =	vand.u32 $0xFFFF0000, v20;
	v21 =	vmul.f32 v29, v21;
	[tilespmem:s5+$0xFFFFFFC0] =	vst v11  }
0xf8: {  	v63 =	vbroadcast v13, $0x1;
	v20 =	vshll.u32 v20, $0x10;
	v61 =	vld [tilespmem:s12+$0x70];
	v19 =	vmul.f32 v48, v19;
	[tilespmem:s5+$0xFFFFFFD0] =	vst v8  }
0xf9: {  	v32 =	vbroadcast v16, $0x1;
	v22 =	vand.u32 $0xFFFF0000, v54;
	v9 =	vmul.f32 v20, v9;
	[tilespmem:s9+$0xFFFFFF80] =	vst v21  }
0xfa: {  	v35 =	vand.u32 $0xFFFF0000, v28;
	v59 =	vbroadcast v3, $0x0;
	v11 =	vmul.f32 v22, v63;
	[tilespmem:s5+$0xFFFFFF50] =	vst v19;
	v31 =	vld [tilespmem:s26+$0xFFFFFF70]  }
0xfb: {  	v30 =	vbroadcast v3, $0x1;
	v8 =	vmul.f32 v35, v32;
	[tilespmem:s5+$0xFFFFFF40] =	vst v9;
	v36 =	vld [tilespmem:s12+$0xFFFFFFE0];
	v62 =	vshll.u32 v53, $0x10  }
0xfc: {  	v34 =	vbroadcast v0, $0x4;
	v33 =	vand.u32 $0xFFFF0000, v53;
	[tilespmem:s9+$0xFFFFFF90] =	vst v11;
	v20 =	vmul.f32 v62, v59  }
0xfd: {  	[tilespmem:s9+$0x90] =	vst v8;
	v9 =	vmul.f32 v33, v30;
	v37 =	vshll.u32 v61, $0x10  }
0xfe: {  	v38 =	vbroadcast v14, $0x2;
	v53 =	vld [tilespmem:s12+$0x30];
	v19 =	vand.u32 $0xFFFF0000, v61;
	v39 =	vmul.f32 v37, v34;
	[tilespmem:s9+$0x0] =	vst v20  }
0xff: {  	v6 =	vmul.f32 v19, v6;
	v20 =	vld [tilespmem:s12+$0xFFFFFF90];
	[tilespmem:s9+$0x10] =	vst v9;
	v41 =	vshll.u32 v31, $0x10  }
0x100: {  	v44 =	vbroadcast v14, $0x3;
	[tilespmem:s5+$0xC0] =	vst v39;
	v43 =	vld [tilespmem:s26+$0x10];
	v45 =	vand.u32 $0xFFFF0000, v36;
	v8 =	vmul.f32 v41, v38  }
0x101: {  	[tilespmem:s5+$0xD0] =	vst v6;
	v47 =	vand.u32 $0xFFFF0000, v31;
	v2 =	vmul.f32 v45, v2  }
0x102: {  	v4 =	vbroadcast v4, $0x6;
	v40 =	vld [tilespmem:s26+$0xFFFFFFC0];
	v21 =	vshll.u32 v36, $0x10;
	v6 =	vmul.f32 v47, v44;
	[tilespmem:s9+$0xFFFFFF20] =	vst v8  }
0x103: {  	v7 =	vbroadcast v7, $0x7;
	v15 =	vmul.f32 v21, v15;
	v63 =	vshll.u32 v53, $0x10;
	[tilespmem:s5+$0xFFFFFFF0] =	vst v2  }
0x104: {  	v52 =	vbroadcast v3, $0x3;
	v50 =	vld [tilespmem:s26+$0x60];
	v4 =	vmul.f32 v63, v4;
	[tilespmem:s9+$0xFFFFFF30] =	vst v6;
	v42 =	vand.u32 $0xFFFF0000, v20  }
0x105: {  	v54 =	vbroadcast v3, $0x2;
	[tilespmem:s5+$0xFFFFFFE0] =	vst v15;
	v7 =	vmul.f32 v42, v7;
	v55 =	vand.u32 $0xFFFF0000, v43  }
0x106: {  	v48 =	vbroadcast v13, $0x3;
	[tilespmem:s5+$0x60] =	vst v4;
	v56 =	vshll.u32 v43, $0x10;
	v8 =	vmul.f32 v55, v52  }
0x107: {  	v46 =	vbroadcast v13, $0x2;
	v31 =	vld [tilespmem:s12+$0x80];
	v51 =	vand.u32 $0xFFFF0000, v40;
	v6 =	vmul.f32 v56, v54;
	[tilespmem:s5+$0xFFFFFF70] =	vst v7  }
0x108: {  	v57 =	vbroadcast v16, $0x3;
	v49 =	vshll.u32 v40, $0x10;
	v2 =	vmul.f32 v51, v48;
	v58 =	vld [tilespmem:s26+$0xFFFFFF80];
	[tilespmem:s9+$0x30] =	vst v8  }
0x109: {  	v59 =	vbroadcast v16, $0x2;
	v61 =	vand.u32 $0xFFFF0000, v50;
	v7 =	vmul.f32 v49, v46;
	[tilespmem:s9+$0x20] =	vst v6  }
0x10a: {  	v62 =	vshll.u32 v50, $0x10;
	v11 =	vmul.f32 v61, v57;
	[tilespmem:s9+$0xFFFFFFB0] =	vst v2;
	v23 =	vld [tilespmem:s26+$0x20]  }
0x10b: {  	v22 =	vand.u32 $0xFFFF0000, v53;
	v45 =	vbroadcast v0, $0x7;
	v2 =	vmul.f32 v62, v59;
	[tilespmem:s9+$0xFFFFFFA0] =	vst v7  }
0x10c: {  	v21 =	vbroadcast v14, $0x5;
	v5 =	vmul.f32 v22, v5;
	[tilespmem:s9+$0xB0] =	vst v11;
	v48 =	vand.u32 $0xFFFF0000, v31;
	v60 =	vld [tilespmem:s26+$0xFFFFFFD0]  }
0x10d: {  	v42 =	vbroadcast v0, $0x6;
	[tilespmem:s9+$0xA0] =	vst v2;
	v0 =	vmul.f32 v48, v45;
	v24 =	vand.u32 $0xFFFF0000, v58  }
0x10e: {  	v32 =	vbroadcast v3, $0x5;
	[tilespmem:s5+$0x70] =	vst v5;
	v27 =	vld [tilespmem:s26+$0x70];
	v29 =	vshll.u32 v58, $0x10;
	v26 =	vmul.f32 v24, v21  }
0x10f: {  	v34 =	vbroadcast v3, $0x4;
	[tilespmem:s5+$0xF0] =	vst v0;
	v5 =	vmul.f32 v29, v18;
	v35 =	vand.u32 $0xFFFF0000, v23  }
0x110: {  	v25 =	vbroadcast v13, $0x4;
	[tilespmem:s9+$0xFFFFFF50] =	vst v26;
	v37 =	vshll.u32 v23, $0x10;
	v38 =	vmul.f32 v35, v32  }
0x111: {  	v30 =	vbroadcast v13, $0x5;
	[tilespmem:s9+$0xFFFFFF40] =	vst v5;
	v28 =	vshll.u32 v60, $0x10;
	v39 =	vmul.f32 v37, v34  }
0x112: {  	v40 =	vld [tilespmem:s26+$0xFFFFFF90];
	v33 =	vand.u32 $0xFFFF0000, v60;
	v6 =	vmul.f32 v28, v25;
	[tilespmem:s9+$0x50] =	vst v38  }
0x113: {  	v36 =	vbroadcast v16, $0x4;
	v4 =	vand.u32 $0xFFFF0000, v27;
	v2 =	vmul.f32 v33, v30;
	[tilespmem:s9+$0x40] =	vst v39  }
0x114: {  	v41 =	vshll.u32 v27, $0x10;
	v4 =	vmul.f32 v4, v12;
	[tilespmem:s9+$0xFFFFFFC0] =	vst v6;
	v47 =	vld [tilespmem:s26+$0x30]  }
0x115: {  	v46 =	vshll.u32 v20, $0x10;
	[tilespmem:s9+$0xFFFFFFD0] =	vst v2;
	v6 =	vmul.f32 v41, v36  }
0x116: {  	v44 =	vshll.u32 v31, $0x10;
	v49 =	vbroadcast v14, $0x7;
	v1 =	vmul.f32 v46, v1;
	[tilespmem:s9+$0xD0] =	vst v4;
	v43 =	vld [tilespmem:s26+$0xFFFFFFE0]  }
0x117: {  	v7 =	vmul.f32 v44, v42;
	v50 =	vand.u32 $0xFFFF0000, v40;
	[tilespmem:s9+$0xC0] =	vst v6  }
0x118: {  	v54 =	vbroadcast v3, $0x6;
	[tilespmem:s5+$0xFFFFFF60] =	vst v1;
	v2 =	vshll.u32 v40, $0x10;
	v4 =	vmul.f32 v50, v49;
	v51 =	vld [tilespmem:s26+$0x80]  }
0x119: {  	v3 =	vbroadcast v3, $0x7;
	[tilespmem:s5+$0xE0] =	vst v7;
	v2 =	vmul.f32 v2, v17;
	v56 =	vshll.u32 v47, $0x10  }
0x11a: {  	v52 =	vbroadcast v13, $0x6;
	[tilespmem:s9+$0xFFFFFF70] =	vst v4;
	v58 =	vand.u32 $0xFFFF0000, v47;
	v59 =	vmul.f32 v56, v54  }
0x11b: {  	[tilespmem:s9+$0xFFFFFF60] =	vst v2;
	v55 =	vshll.u32 v43, $0x10;
	v3 =	vmul.f32 v58, v3  }
0x11c: {  	v57 =	vbroadcast v16, $0x6;
	v53 =	vand.u32 $0xFFFF0000, v43;
	v0 =	vmul.f32 v55, v52;
	[tilespmem:s9+$0x60] =	vst v59  }
0x11d: {  	v61 =	vbroadcast v16, $0x7;
	v1 =	vmul.f32 v53, v10;
	v60 =	vshll.u32 v51, $0x10;
	[tilespmem:s9+$0x70] =	vst v3  }
0x11e: {  	v62 =	vand.u32 $0xFFFF0000, v51;
	[tilespmem:s9+$0xFFFFFFE0] =	vst v0;
	v0 =	vmul.f32 v60, v57  }
0x11f: {  	[tilespmem:s9+$0xFFFFFFF0] =	vst v1;
	v63 =	vmul.f32 v62, v61  }
0x120: {  	[tilespmem:s9+$0xE0] =	vst v0  }
0x121: {  	[tilespmem:s9+$0xF0] =	vst v63  }
0x122: {  	[spmem:s3] =	stream.indirect.scatter.add.f32 [tilespmem:s14], [sflag:$0x5], $0x10, s28, s11, $0xb8;
	[tilespmem:$0x1FC98] =	vst v63  }
0x123: {  	s31 =	simm.s32 $0x44C0;
	s30 =	simm.s32 $0x0  }
0x124: {  	[spmem:s2] =	stream.indirect.scatter.add.f32 [tilespmem:s31], [sflag:$0x5], $0x80, s28, s11, $0xb8;
	[tilespmem:$0x1FC98] =	vst v63  }
.LBB2_4:
0x125: {  	_ =	swait.ge [sflag:s24], $0x580  }
0x126: {  	[sflag:s24] =	ssyncset.done $0x0  }
0x127: {  	[sflag:s24] =	ssyncadd.s32 $0xFFFFFA80  }
0x128: {  	_ =	swait.ge [sflag:s24], $0x1B80  }
0x129: {  	[sflag:s24] =	ssyncset.done $0x0  }
0x12a: {  	[sflag:s24] =	ssyncadd.s32 $0xFFFFE480  }
0x12b: {  	_ =	swait.ge [sflag:s25], $0x580  }
0x12c: {  	[sflag:s25] =	ssyncset.done $0x0  }
0x12d: {  	[sflag:s25] =	ssyncadd.s32 $0xFFFFFA80  }
0x12e: {  	_ =	swait.ge [sflag:s25], $0x2C00  }
0x12f: {  	[sflag:s25] =	ssyncset.done $0x0  }
0x130: {  	[sflag:s25] =	ssyncadd.s32 $0xFFFFD400  }
0x131: {  	s12 =	sshll.u32 s30, $0x1;
	_ =	swait.ge [sflag:s13], $0x58  }
0x132: {  	s26 =	sand.u32 $0x2, s12;
	[sflag:s13] =	ssyncset.done $0x0  }
0x133: {  	s5 =	sxor.u32 $0x2, s26;
	[sflag:s13] =	ssyncadd.s32 $0xFFFFFFA8  }
0x134: {  	s5 =	smul.u32 $0x58, s5;
	_ =	swait.ge [sflag:s13], $0x58  }
0x135: {  	[sflag:s13] =	ssyncset.done $0x0  }
0x136: {  	s31 =	sadd.s32 $0x160, s5;
	[sflag:s13] =	ssyncadd.s32 $0xFFFFFFA8  }
0x137: {  	[tilespmem:s14], [sflag:$0x3] =	stream.indirect.gather [hbm4b:s1+s11], $0x10, s31, s11, $0xb8;
	[tilespmem:$0x1FC98] =	vst v63  }
0x138: {  	s9 =	simm.s32 $0x2C0;
	s20 =	sadd.s32 s12, s0  }
0x139: {  	[tilespmem:s9], [sflag:$0x3] =	stream.indirect.gather [hbm4b:s21+s11], $0x50, s5, s11, $0xb8;
	[tilespmem:$0x1FC98] =	vst v63  }
0x13a: {  	s5 =	smul.u32 $0xB, s20  }
0x13b: {  	s22 =	smul.u32 $0x58, s26  }
0x13c: {  	s15 =	sadd.s32 s6, s5  }
0x13d: {  	[tilespmem:s22], [sflag:$0x1] =	stream.linear.gather [hbm4b:s15+s4], $0x58, $0x38;
	[tilespmem:$0x1FC98] =	vst v63  }
0x13e: {  	s23 =	simm.s32 $0x3F70;
	s9 =	sadd.s32 $0x160, s22;
	s5 =	sadd.s32 s7, s5  }
0x13f: {  	[tilespmem:s9], [sflag:$0x1] =	stream.linear.gather [hbm4b:s5+s4], $0x58, $0x38;
	[tilespmem:$0x1FC98] =	vst v63  }
0x140: {  	s22 =	simm.s32 $0x1F70;
	v0 =	vld [tilespmem:s23+$0xFFFFFFE0]  }
0x141: {  	v1 =	vld [tilespmem:s22+$0xFFFFFF60]  }
0x142: {  	v2 =	vld [tilespmem:s22+$0x0]  }
0x143: {  	v3 =	vld [tilespmem:s23+$0x0];
	_ =	sdelay $0x1  }
0x144: {  	v4 =	vld [tilespmem:s22+$0xFFFFFF10]  }
0x145: {  	v5 =	vld [tilespmem:s23+$0xFFFFFFD0]  }
0x146: {  	v0 =	vadd.f32 v0, v1  }
0x147: {  	v6 =	vld [tilespmem:s22+$0xFFFFFFB0];
	v1 =	vadd.f32 v3, v2  }
0x148: {  	v2 =	vld [tilespmem:s23+$0xFFFFFFF0];
	v3 =	vmul.f32 $9.999999770e-03, v0  }
0x149: {  	vm0 =	vlt.f32 v0, $0.0e+00;
	v7 =	vmul.f32 $9.999999770e-03, v1  }
0x14a: {  	v4 =	vadd.f32 v5, v4;
	vm5 =	vlt.f32 v1, $0.0e+00;
	v0 =	vsel vm0, v3, v0  }
0x14b: {  	v1 =	vsel vm5, v7, v1;
	v0 =	vmul.f32 $1.442695020e+00, v0  }
0x14c: {  	v3 =	vmul.f32 $9.999999770e-03, v4;
	v1 =	vmul.f32 $1.442695020e+00, v1  }
0x14d: {  	vm6 =	vlt.f32 v4, $0.0e+00;
	v2 =	vadd.f32 v2, v6;
	(erf) = vpow2.f32 v0  }
0x14e: {  	s28 =	simm.s32 $0x20B0;
	v0 =	vsel vm6, v3, v4;
	(erf) = vpow2.f32 v1  }
0x14f: {  	s16 =	simm.s32 $0x3FB0;
	v17 =	vld [tilespmem:s28+$0x0];
	v0 =	vmul.f32 $1.442695020e+00, v0;
	v1 =	vmul.f32 $9.999999770e-03, v2  }
0x150: {  	v20 =	vld [tilespmem:s16+$0x0];
	vm7 =	vlt.f32 v2, $0.0e+00  }
0x151: {  	v7 =	vld [tilespmem:s28+$0xFFFFFF60];
	(erf) = vpow2.f32 v0;
	v0 =	vsel vm7, v1, v2  }
0x152: {  	v1 =	vld [tilespmem:s16+$0xFFFFFFE0];
	v0 =	vmul.f32 $1.442695020e+00, v0;
	_ =	sdelay $0x1  }
0x153: {  	(erf) = vpow2.f32 v0  }
0x154: {  	v21 =	vld [tilespmem:s16+$0xFFFFFFD0];
	v17 =	vadd.f32 v20, v17  }
0x155: {  	v2 =	vld [tilespmem:s28+$0xFFFFFF10];
	v15 =	vpop (erf)  }
0x156: {  	v26 =	vmul.f32 $9.999999770e-03, v17;
	v1 =	vadd.f32 v1, v7;
	v5 =	vpop (erf)  }
0x157: {  	vm9 =	vlt.f32 v17, $0.0e+00;
	v10 =	vbroadcast v15, $0x7;
	v6 =	vbroadcast v15, $0x0;
	[tilespmem:s23+$0x0] =	vst v5  }
0x158: {  	v17 =	vsel vm9, v26, v17;
	v20 =	vmul.f32 $9.999999770e-03, v1;
	v26 =	vbroadcast v15, $0x3;
	v0 =	vld [tilespmem:s22+$0xFFFFFFC0]  }
0x159: {  	v42 =	vbroadcast v15, $0x5;
	v13 =	vbroadcast v5, $0x5;
	v14 =	vpop (erf)  }
0x15a: {  	v2 =	vadd.f32 v21, v2;
	v8 =	vbroadcast v5, $0x1;
	v9 =	vbroadcast v5, $0x0;
	[tilespmem:s23+$0xFFFFFFD0] =	vst v14  }
0x15b: {  	vm8 =	vlt.f32 v1, $0.0e+00;
	v28 =	vbroadcast v5, $0x2;
	v31 =	vbroadcast v5, $0x4;
	v4 =	vld [tilespmem:s22+$0xFFFFFED0]  }
0x15c: {  	[tilespmem:s23+$0xFFFFFFE0] =	vst v15;
	v1 =	vsel vm8, v20, v1;
	v16 =	vbroadcast v14, $0x4;
	v3 =	vbroadcast v14, $0x6;
	v11 =	vpop (erf)  }
0x15d: {  	v21 =	vld [tilespmem:s22+$0xFFFFFF20];
	v1 =	vmul.f32 $1.442695020e+00, v1;
	[tilespmem:s23+$0xFFFFFFF0] =	vst v11;
	v19 =	vshll.u32 v0, $0x10;
	v0 =	vand.u32 $0xFFFF0000, v0  }
0x15e: {  	v18 =	vbroadcast v14, $0x1;
	v22 =	vmul.f32 v0, v8;
	v8 =	vld [tilespmem:s22+$0xFFFFFF70]  }
0x15f: {  	(erf) = vpow2.f32 v1;
	v0 =	vbroadcast v14, $0x0  }
0x160: {  	v12 =	vbroadcast v11, $0x7;
	v23 =	vbroadcast v11, $0x1;
	v25 =	vshll.u32 v4, $0x10  }
0x161: {  	v24 =	vbroadcast v11, $0x0;
	v4 =	vand.u32 $0xFFFF0000, v4;
	v0 =	vmul.f32 v25, v0  }
0x162: {  	s9 =	simm.s32 $0x72B0;
	v7 =	vbroadcast v11, $0x3;
	v1 =	vshll.u32 v21, $0x10;
	v4 =	vmul.f32 v4, v18  }
0x163: {  	v27 =	vld [tilespmem:s16+$0xFFFFFFF0];
	v1 =	vmul.f32 v1, v6;
	v9 =	vmul.f32 v19, v9;
	[tilespmem:s9+$0xFFFFFE10] =	vst v0;
	v25 =	vshll.u32 v8, $0x10  }
0x164: {  	v20 =	vld [tilespmem:s28+$0xFFFFFFB0];
	v0 =	vmul.f32 $9.999999770e-03, v2;
	[tilespmem:s9+$0xFFFFFE20] =	vst v4;
	v4 =	vand.u32 $0xFFFF0000, v8;
	v8 =	vmul.f32 v25, v24  }
0x165: {  	vm10 =	vlt.f32 v2, $0.0e+00;
	v19 =	vbroadcast v11, $0x4;
	v4 =	vmul.f32 v4, v23  }
0x166: {  	v18 =	vbroadcast v15, $0x1;
	v0 =	vsel vm10, v0, v2;
	v2 =	vmul.f32 $1.442695020e+00, v17;
	[tilespmem:s9+$0xFFFFFF10] =	vst v8  }
0x167: {  	v24 =	vld [tilespmem:s22+$0xFFFFFEE0];
	v23 =	vbroadcast v14, $0x2;
	v25 =	vbroadcast v11, $0x5;
	[tilespmem:s9+$0xFFFFFF20] =	vst v4  }
0x168: {  	v0 =	vmul.f32 $1.442695020e+00, v0;
	v4 =	vand.u32 $0xFFFF0000, v21;
	(erf) = vpow2.f32 v2;
	v8 =	vld [tilespmem:s22+$0xFFFFFF80]  }
0x169: {  	v2 =	vadd.f32 v27, v20;
	v20 =	vbroadcast v14, $0x3;
	v4 =	vmul.f32 v4, v18  }
0x16a: {  	[tilespmem:s9+$0xFFFFFE90] =	vst v1;
	v27 =	vbroadcast v5, $0x3;
	(erf) = vpow2.f32 v0  }
0x16b: {  	v0 =	vbroadcast v11, $0x2;
	v1 =	vmul.f32 $9.999999770e-03, v2;
	[tilespmem:s9+$0xFFFFFEA0] =	vst v4  }
0x16c: {  	v18 =	vbroadcast v15, $0x2;
	vm11 =	vlt.f32 v2, $0.0e+00;
	v6 =	vshll.u32 v24, $0x10;
	v21 =	vld [tilespmem:s22+$0xFFFFFF30]  }
0x16d: {  	v17 =	vmul.f32 v6, v23;
	v1 =	vsel vm11, v1, v2;
	v4 =	vand.u32 $0xFFFF0000, v8  }
0x16e: {  	v1 =	vmul.f32 $1.442695020e+00, v1;
	v2 =	vshll.u32 v8, $0x10;
	v4 =	vmul.f32 v4, v7  }
0x16f: {  	[tilespmem:s9+$0xFFFFFFA0] =	vst v22;
	v23 =	vbroadcast v14, $0x5;
	v2 =	vmul.f32 v2, v0  }
0x170: {  	v14 =	vbroadcast v14, $0x7;
	v8 =	vpop (erf);
	(erf) = vpow2.f32 v1;
	[tilespmem:s9+$0xFFFFFF40] =	vst v4  }
0x171: {  	v22 =	vbroadcast v8, $0x0;
	v0 =	vpop (erf);
	[tilespmem:s9+$0xFFFFFF30] =	vst v2;
	v2 =	vbroadcast v8, $0x7;
	v4 =	vshll.u32 v21, $0x10  }
0x172: {  	v21 =	vand.u32 $0xFFFF0000, v21;
	v6 =	vbroadcast v0, $0x5;
	v4 =	vmul.f32 v4, v18  }
0x173: {  	v7 =	vpop (erf);
	v26 =	vmul.f32 v21, v26;
	v33 =	vbroadcast v0, $0x1  }
0x174: {  	[tilespmem:s9+$0xFFFFFF90] =	vst v9;
	v29 =	vld [tilespmem:s22+$0xFFFFFF90];
	v18 =	vand.u32 $0xFFFF0000, v24;
	v9 =	vbroadcast v7, $0x4;
	v1 =	vbroadcast v7, $0x6  }
0x175: {  	v24 =	vld [tilespmem:s22+$0xFFFFFFD0];
	v21 =	vmul.f32 v18, v20;
	v18 =	vbroadcast v15, $0x6  }
0x176: {  	[tilespmem:s16+$0x0] =	vst v0;
	v20 =	vbroadcast v5, $0x7;
	v36 =	vbroadcast v7, $0x1  }
0x177: {  	[tilespmem:s9+$0xFFFFFE30] =	vst v17;
	v30 =	vld [tilespmem:s28+$0xFFFFFFC0];
	v44 =	vbroadcast v7, $0x0;
	v15 =	vbroadcast v15, $0x4  }
0x178: {  	s15 =	simm.s32 $0x3FF0;
	[tilespmem:s16+$0xFFFFFFD0] =	vst v7;
	v52 =	vbroadcast v7, $0x2;
	v61 =	vbroadcast v7, $0x3  }
0x179: {  	s5 =	simm.s32 $0x21F0;
	v32 =	vld [tilespmem:s15+$0xFFFFFFE0];
	[tilespmem:s9+$0xFFFFFE40] =	vst v21;
	v21 =	vbroadcast v11, $0x6;
	v11 =	vbroadcast v0, $0x0;
	v17 =	vshll.u32 v29, $0x10  }
0x17a: {  	v35 =	vld [tilespmem:s5+$0xFFFFFF10];
	[tilespmem:s9+$0xFFFFFEC0] =	vst v26;
	v29 =	vand.u32 $0xFFFF0000, v29;
	v26 =	vshll.u32 v24, $0x10;
	v19 =	vmul.f32 v17, v19  }
0x17b: {  	[tilespmem:s9+$0xFFFFFEB0] =	vst v4;
	v39 =	vld [tilespmem:s28+$0xFFFFFED0];
	v24 =	vand.u32 $0xFFFF0000, v24;
	v17 =	vbroadcast v5, $0x6;
	v25 =	vmul.f32 v29, v25  }
0x17c: {  	v38 =	vld [tilespmem:s22+$0xFFFFFF40];
	v4 =	vpop (erf);
	v37 =	vshll.u32 v30, $0x10;
	v26 =	vmul.f32 v26, v28;
	v24 =	vmul.f32 v24, v27  }
0x17d: {  	v43 =	vld [tilespmem:s15+$0xFFFFFFD0];
	v30 =	vand.u32 $0xFFFF0000, v30;
	v5 =	vbroadcast v4, $0x7;
	v37 =	vmul.f32 v37, v11  }
0x17e: {  	v34 =	vld [tilespmem:s22+$0xFFFFFEF0];
	v11 =	vbroadcast v4, $0x4;
	v30 =	vmul.f32 v30, v33  }
0x17f: {  	v62 =	vld [tilespmem:s5+$0x0];
	[tilespmem:s16+$0xFFFFFFE0] =	vst v8;
	v28 =	vbroadcast v4, $0x1;
	v41 =	vbroadcast v4, $0x0  }
0x180: {  	v63 =	vld [tilespmem:s28+$0xFFFFFF20];
	v47 =	vshll.u32 v39, $0x10;
	v39 =	vand.u32 $0xFFFF0000, v39;
	v49 =	vbroadcast v4, $0x3;
	[tilespmem:s9+$0xFFFFFF60] =	vst v25  }
0x181: {  	v29 =	vld [tilespmem:s5+$0xFFFFFF60];
	v50 =	vbroadcast v4, $0x2;
	v25 =	vmul.f32 v39, v36;
	v51 =	vand.u32 $0xFFFF0000, v38;
	[tilespmem:s9+$0xFFFFFF50] =	vst v19  }
0x182: {  	v27 =	vld [tilespmem:s15+$0x0];
	v19 =	vbroadcast v8, $0x1;
	v38 =	vshll.u32 v38, $0x10;
	[tilespmem:s9+$0xFFFFFFC0] =	vst v24;
	v24 =	vadd.f32 v43, v35  }
0x183: {  	[tilespmem:s16+$0xFFFFFFF0] =	vst v4;
	s16 =	simm.s32 $0x74B0;
	v40 =	vshll.u32 v34, $0x10;
	v15 =	vmul.f32 v38, v15;
	v39 =	vmul.f32 v51, v42  }
0x184: {  	v48 =	vld [tilespmem:s28+$0xFFFFFF70];
	v34 =	vand.u32 $0xFFFF0000, v34;
	[tilespmem:s16+$0xFFFFFFA0] =	vst v30;
	v30 =	vbroadcast v8, $0x3;
	v16 =	vmul.f32 v40, v16  }
0x185: {  	v23 =	vmul.f32 v34, v23;
	v34 =	vmul.f32 v47, v44  }
0x186: {  	v55 =	vmul.f32 $9.999999770e-03, v24;
	[tilespmem:s16+$0xFFFFFE20] =	vst v25;
	vm12 =	vlt.f32 v24, $0.0e+00;
	v25 =	vand.u32 $0xFFFF0000, v63  }
0x187: {  	[tilespmem:s9+$0xFFFFFFB0] =	vst v26;
	v29 =	vadd.f32 v32, v29;
	v26 =	vadd.f32 v27, v62;
	v27 =	vshll.u32 v63, $0x10  }
0x188: {  	v54 =	vld [tilespmem:s22+$0xFFFFFFE0];
	v25 =	vmul.f32 v25, v19;
	v19 =	vbroadcast v7, $0x5;
	[tilespmem:s9+$0xFFFFFE60] =	vst v23;
	v23 =	vsel vm12, v55, v24  }
0x189: {  	v56 =	vld [tilespmem:s15+$0xFFFFFFF0];
	v22 =	vmul.f32 v27, v22;
	v53 =	vshll.u32 v48, $0x10;
	v32 =	vand.u32 $0xFFFF0000, v48  }
0x18a: {  	v59 =	vld [tilespmem:s22+$0xFFFFFFA0];
	[tilespmem:s16+$0xFFFFFE10] =	vst v34;
	v24 =	vmul.f32 $9.999999770e-03, v29;
	v23 =	vmul.f32 $1.442695020e+00, v23;
	vm13 =	vlt.f32 v29, $0.0e+00  }
0x18b: {  	v27 =	vld [tilespmem:s5+$0xFFFFFFB0];
	v58 =	vmul.f32 $9.999999770e-03, v26;
	vm14 =	vlt.f32 v26, $0.0e+00;
	[tilespmem:s16+$0xFFFFFEA0] =	vst v25;
	v25 =	vbroadcast v0, $0x3  }
0x18c: {  	[tilespmem:s9+$0xFFFFFED0] =	vst v15;
	v57 =	vld [tilespmem:s28+$0xFFFFFEE0];
	v33 =	vmul.f32 v53, v41;
	v15 =	vmul.f32 v32, v28;
	v24 =	vsel vm13, v24, v29  }
0x18d: {  	[tilespmem:s9+$0xFFFFFE50] =	vst v16;
	v26 =	vsel vm14, v58, v26;
	v29 =	vand.u32 $0xFFFF0000, v54;
	v16 =	vmul.f32 $1.442695020e+00, v24  }
0x18e: {  	[tilespmem:s9+$0xFFFFFEE0] =	vst v39;
	v28 =	vld [tilespmem:s22+$0xFFFFFF00];
	v24 =	vshll.u32 v54, $0x10;
	v26 =	vmul.f32 $1.442695020e+00, v26;
	v13 =	vmul.f32 v29, v13  }
0x18f: {  	[tilespmem:s16+$0xFFFFFF10] =	vst v33;
	v29 =	vbroadcast v8, $0x2;
	v24 =	vmul.f32 v24, v31;
	v31 =	vld [tilespmem:s22+$0xFFFFFF50]  }
0x190: {  	[tilespmem:s16+$0xFFFFFF20] =	vst v15;
	v15 =	vadd.f32 v56, v27;
	v27 =	vshll.u32 v59, $0x10;
	(erf) = vpow2.f32 v16  }
0x191: {  	[tilespmem:s16+$0xFFFFFE90] =	vst v22;
	v22 =	vld [tilespmem:s28+$0xFFFFFF80];
	v60 =	vshll.u32 v57, $0x10;
	v21 =	vmul.f32 v27, v21;
	v63 =	vand.u32 $0xFFFF0000, v57  }
0x192: {  	[tilespmem:s9+$0xFFFFFFE0] =	vst v13;
	v16 =	vmul.f32 v60, v52;
	(erf) = vpow2.f32 v26;
	vm15 =	vlt.f32 v15, $0.0e+00  }
0x193: {  	[tilespmem:s9+$0xFFFFFFD0] =	vst v24;
	v24 =	vbroadcast v4, $0x5;
	(erf) = vpow2.f32 v23;
	v23 =	vand.u32 $0xFFFF0000, v28  }
0x194: {  	v26 =	vmul.f32 $9.999999770e-03, v15;
	[tilespmem:s9+$0xFFFFFF70] =	vst v21;
	v14 =	vmul.f32 v23, v14;
	v23 =	vld [tilespmem:s22+$0xFFFFFFF0];
	v13 =	vand.u32 $0xFFFF0000, v31  }
0x195: {  	v33 =	vmul.f32 v63, v61;
	[tilespmem:s16+$0xFFFFFE30] =	vst v16;
	v31 =	vshll.u32 v31, $0x10;
	v10 =	vmul.f32 v13, v10  }
0x196: {  	v13 =	vand.u32 $0xFFFF0000, v22;
	v16 =	vmul.f32 v31, v18;
	v31 =	vld [tilespmem:s28+$0xFFFFFF30];
	[tilespmem:s9+$0xFFFFFE80] =	vst v14;
	v14 =	vsel vm15, v26, v15  }
0x197: {  	v18 =	vshll.u32 v22, $0x10;
	v15 =	vmul.f32 v13, v49;
	v14 =	vmul.f32 $1.442695020e+00, v14;
	[tilespmem:s9+$0xFFFFFF00] =	vst v10  }
0x198: {  	v26 =	vbroadcast v0, $0x2;
	v22 =	vand.u32 $0xFFFF0000, v59;
	v18 =	vmul.f32 v18, v50;
	[tilespmem:s9+$0xFFFFFEF0] =	vst v16  }
0x199: {  	v27 =	vshll.u32 v23, $0x10;
	[tilespmem:s16+$0xFFFFFF40] =	vst v15;
	v15 =	vmul.f32 v22, v12;
	v13 =	vpop (erf);
	(erf) = vpow2.f32 v14  }
0x19a: {  	v62 =	vand.u32 $0xFFFF0000, v23;
	[tilespmem:s16+$0xFFFFFF30] =	vst v18;
	v27 =	vmul.f32 v27, v17;
	v10 =	vbroadcast v13, $0x7  }
0x19b: {  	v22 =	vld [tilespmem:s28+$0xFFFFFF90];
	v16 =	vpop (erf);
	v23 =	vshll.u32 v31, $0x10;
	v21 =	vbroadcast v13, $0x0;
	[tilespmem:s9+$0xFFFFFF80] =	vst v15;
	v15 =	vbroadcast v8, $0x6  }
0x19c: {  	[tilespmem:s16+$0xFFFFFF90] =	vst v37;
	v31 =	vand.u32 $0xFFFF0000, v31;
	v12 =	vbroadcast v16, $0x5;
	v23 =	vmul.f32 v23, v29  }
0x19d: {  	s29 =	simm.s32 $0x4030;
	v14 =	vpop (erf);
	[tilespmem:s15+$0x0] =	vst v16;
	v32 =	vmul.f32 v31, v30;
	v30 =	vld [tilespmem:s28+$0xFFFFFFD0];
	v31 =	vmul.f32 v62, v20  }
0x19e: {  	s20 =	simm.s32 $0x8;
	s23 =	simm.s32 $0x2330;
	s22 =	simm.s32 $0x76B0;
	v29 =	vshll.u32 v28, $0x10;
	[tilespmem:s9+$0xFFFFFFF0] =	vst v27;
	v18 =	vbroadcast v14, $0x4;
	v17 =	vbroadcast v14, $0x6;
	v28 =	vld [tilespmem:s5+$0xFFFFFFC0]  }
.LBB2_5:
0x19f: {  	s20 =	sadd.s32 $0x4, s20;
	v27 =	vbroadcast v0, $0x4;
	v20 =	vbroadcast v0, $0x7  }
0x1a0: {  	v35 =	vbroadcast v16, $0x1;
	v29 =	vmul.f32 v29, v3;
	v3 =	vmovc v1;
	v1 =	vmovc v17;
	v34 =	vld [tilespmem:s29+$0xFFFFFFE0];
	p2 =	slt.u32 s20, $0x54;
	[tilespmem:s16+$0xFFFFFE40] =	vst v33;
	v33 =	vshll.u32 v22, $0x10  }
0x1a1: {  	v37 =	vand.u32 $0xFFFF0000, v22;
	v36 =	vld [tilespmem:s28+$0xFFFFFEF0];
	[tilespmem:s16+$0xFFFFFEB0] =	vst v23;
	v33 =	vmul.f32 v33, v11;
	v23 =	vbroadcast v4, $0x6  }
0x1a2: {  	v22 =	vbroadcast v0, $0x6;
	v11 =	vbroadcast v16, $0x0;
	v38 =	vld [tilespmem:s23+$0xFFFFFF10];
	v4 =	vpop (erf);
	[tilespmem:s16+$0xFFFFFEC0] =	vst v32;
	v32 =	vshll.u32 v30, $0x10  }
0x1a3: {  	v39 =	vbroadcast v14, $0x1;
	v0 =	vmovc v16;
	[tilespmem:s15+$0xFFFFFFD0] =	vst v14;
	v17 =	vbroadcast v4, $0x7;
	v40 =	vshll.u32 v28, $0x10;
	v41 =	vld [tilespmem:s28+$0xFFFFFF40]  }
0x1a4: {  	v24 =	vmul.f32 v37, v24;
	v28 =	vand.u32 $0xFFFF0000, v28;
	v16 =	vld [tilespmem:s5+$0xFFFFFED0];
	v40 =	vmul.f32 v40, v11;
	[tilespmem:s9+$0xFFFFFE70] =	vst v29  }
0x1a5: {  	v30 =	vand.u32 $0xFFFF0000, v30;
	v11 =	vbroadcast v4, $0x4;
	v28 =	vmul.f32 v28, v35;
	v29 =	vld [tilespmem:s23+$0xFFFFFF60];
	[tilespmem:s9+$0x0] =	vst v31;
	s9 =	smov.u32 s16;
	s16 =	smov.u32 s22  }
0x1a6: {  	v26 =	vmul.f32 v32, v26;
	v25 =	vmul.f32 v30, v25;
	v31 =	vld [tilespmem:s23+$0x0];
	[tilespmem:s15+$0xFFFFFFE0] =	vst v13;
	v35 =	vshll.u32 v36, $0x10  }
0x1a7: {  	v32 =	vbroadcast v4, $0x1;
	v36 =	vand.u32 $0xFFFF0000, v36;
	v30 =	vld [tilespmem:s29+$0x0];
	v35 =	vmul.f32 v35, v9;
	[tilespmem:s9+$0xFFFFFF60] =	vst v24;
	v9 =	vmovc v18  }
0x1a8: {  	v37 =	vbroadcast v8, $0x5;
	v24 =	vbroadcast v4, $0x0;
	v18 =	vld [tilespmem:s5+$0xFFFFFF20];
	[tilespmem:s9+$0xFFFFFF50] =	vst v33  }
0x1a9: {  	v42 =	vbroadcast v14, $0x0;
	v43 =	vbroadcast v8, $0x4;
	v8 =	vmov v13;
	v33 =	vld [tilespmem:s29+$0xFFFFFFD0];
	[tilespmem:s15+$0xFFFFFFF0] =	vst v4;
	s15 =	smov.u32 s29  }
0x1aa: {  	v19 =	vmul.f32 v36, v19;
	v13 =	vshll.u32 v16, $0x10;
	v16 =	vand.u32 $0xFFFF0000, v16;
	v44 =	vld [tilespmem:s5+$0xFFFFFF70];
	[tilespmem:s9+$0xFFFFFFC0] =	vst v25  }
0x1ab: {  	v25 =	vadd.f32 v34, v29;
	v13 =	vmul.f32 v13, v42;
	v34 =	vbroadcast v4, $0x3;
	v36 =	vld [tilespmem:s28+$0xFFFFFFA0];
	[tilespmem:s9+$0xFFFFFFB0] =	vst v26  }
0x1ac: {  	v16 =	vmul.f32 v16, v39;
	v39 =	vbroadcast v4, $0x2;
	[tilespmem:s9+$0xFFFFFE60] =	vst v19;
	v19 =	vand.u32 $0xFFFF0000, v41;
	v26 =	vld [tilespmem:s28+$0xFFFFFFE0]  }
0x1ad: {  	v42 =	vbroadcast v8, $0x1;
	v41 =	vshll.u32 v41, $0x10;
	v29 =	vld [tilespmem:s29+$0xFFFFFFF0];
	[tilespmem:s22+$0xFFFFFF90] =	vst v40;
	v40 =	vbroadcast v7, $0x7;
	v7 =	vmovc v14  }
0x1ae: {  	v14 =	vadd.f32 v33, v38;
	[tilespmem:s22+$0xFFFFFE10] =	vst v13;
	v13 =	vbroadcast v7, $0x2;
	v33 =	vmul.f32 v41, v43  }
0x1af: {  	v30 =	vadd.f32 v30, v31;
	[tilespmem:s22+$0xFFFFFE20] =	vst v16;
	v16 =	vshll.u32 v18, $0x10;
	v31 =	vshll.u32 v44, $0x10  }
0x1b0: {  	v19 =	vmul.f32 v19, v37;
	v41 =	vand.u32 $0xFFFF0000, v44;
	v38 =	vmul.f32 $9.999999770e-03, v14;
	[tilespmem:s9+$0xFFFFFED0] =	vst v33  }
0x1b1: {  	v18 =	vand.u32 $0xFFFF0000, v18;
	vm0 =	vlt.f32 v14, $0.0e+00;
	v24 =	vmul.f32 v31, v24;
	v33 =	vld [tilespmem:s5+$0xFFFFFEE0];
	[tilespmem:s9+$0xFFFFFE50] =	vst v35  }
0x1b2: {  	v31 =	vmul.f32 $9.999999770e-03, v25;
	v16 =	vmul.f32 v16, v21;
	v14 =	vsel vm0, v38, v14;
	v35 =	vld [tilespmem:s23+$0xFFFFFFB0];
	[tilespmem:s9+$0xFFFFFEE0] =	vst v19  }
0x1b3: {  	vm0 =	vlt.f32 v25, $0.0e+00;
	v19 =	vmul.f32 v41, v32;
	v14 =	vmul.f32 $1.442695020e+00, v14;
	[tilespmem:s22+$0xFFFFFF10] =	vst v24;
	v21 =	vld [tilespmem:s28+$0xFFFFFF00]  }
0x1b4: {  	v24 =	vsel vm0, v31, v25;
	v25 =	vmul.f32 $9.999999770e-03, v30;
	v31 =	vand.u32 $0xFFFF0000, v26;
	[tilespmem:s22+$0xFFFFFE90] =	vst v16;
	v16 =	vld [tilespmem:s28+$0xFFFFFF50]  }
0x1b5: {  	vm0 =	vlt.f32 v30, $0.0e+00;
	v24 =	vmul.f32 $1.442695020e+00, v24;
	[tilespmem:s22+$0xFFFFFF20] =	vst v19;
	v19 =	vshll.u32 v26, $0x10  }
0x1b6: {  	v25 =	vsel vm0, v25, v30;
	v26 =	vld [tilespmem:s5+$0xFFFFFF80];
	[tilespmem:s22+$0xFFFFFFA0] =	vst v28;
	v28 =	vshll.u32 v36, $0x10;
	v19 =	vmul.f32 v19, v27  }
0x1b7: {  	v25 =	vmul.f32 $1.442695020e+00, v25;
	v30 =	vshll.u32 v33, $0x10;
	v27 =	vadd.f32 v29, v35  }
0x1b8: {  	(erf) = vpow2.f32 v24;
	v29 =	vshll.u32 v21, $0x10;
	v24 =	vmul.f32 v31, v6;
	v6 =	vmovc v12  }
0x1b9: {  	v12 =	vmul.f32 v30, v13;
	v13 =	vmul.f32 v18, v42;
	vm0 =	vlt.f32 v27, $0.0e+00;
	[tilespmem:s9+$0xFFFFFFD0] =	vst v19  }
0x1ba: {  	v30 =	vbroadcast v8, $0x2;
	v18 =	vand.u32 $0xFFFF0000, v21;
	(erf) = vpow2.f32 v25;
	[tilespmem:s9+$0xFFFFFFE0] =	vst v24  }
0x1bb: {  	v19 =	vbroadcast v7, $0x5;
	(erf) = vpow2.f32 v14;
	[tilespmem:s22+$0xFFFFFEA0] =	vst v13;
	v13 =	vand.u32 $0xFFFF0000, v26;
	v14 =	vld [tilespmem:s28+$0xFFFFFFF0];
	s28 =	smov.u32 s5;
	s5 =	smov.u32 s23  }
0x1bc: {  	v31 =	vbroadcast v7, $0x3;
	v24 =	vbroadcast v4, $0x5;
	[tilespmem:s22+$0xFFFFFE30] =	vst v12;
	v12 =	vand.u32 $0xFFFF0000, v16  }
0x1bd: {  	v32 =	vbroadcast v8, $0x3;
	v18 =	vmul.f32 v18, v40;
	v21 =	vshll.u32 v26, $0x10;
	s22 =	sadd.s32 $0x200, s22  }
0x1be: {  	v26 =	vmul.f32 $9.999999770e-03, v27;
	v16 =	vshll.u32 v16, $0x10;
	v12 =	vmul.f32 v12, v2;
	v2 =	vmovc v10;
	v35 =	vld [tilespmem:s28+$0xFFFFFF30]  }
0x1bf: {  	v25 =	vbroadcast v0, $0x3;
	v10 =	vmul.f32 v16, v15;
	v15 =	vand.u32 $0xFFFF0000, v36;
	[tilespmem:s9+$0xFFFFFE80] =	vst v18  }
0x1c0: {  	v16 =	vsel vm0, v26, v27;
	v26 =	vbroadcast v0, $0x2;
	v18 =	vmul.f32 v13, v34;
	[tilespmem:s9+$0xFFFFFF00] =	vst v12  }
0x1c1: {  	v23 =	vmul.f32 v28, v23;
	v12 =	vmul.f32 $1.442695020e+00, v16;
	v27 =	vshll.u32 v14, $0x10;
	v13 =	vpop (erf);
	[tilespmem:s9+$0xFFFFFEF0] =	vst v10  }
0x1c2: {  	v21 =	vmul.f32 v21, v39;
	v34 =	vand.u32 $0xFFFF0000, v14;
	v10 =	vbroadcast v13, $0x7;
	[tilespmem:s16+$0xFFFFFF40] =	vst v18  }
0x1c3: {  	(erf) = vpow2.f32 v12;
	v16 =	vpop (erf);
	v28 =	vshll.u32 v35, $0x10;
	[tilespmem:s9+$0xFFFFFF70] =	vst v23;
	v23 =	vmul.f32 v15, v5  }
.Ltmp1:
0x1c4: {  	v27 =	vmul.f32 v27, v22;
	v15 =	vand.u32 $0xFFFF0000, v35;
	v12 =	vbroadcast v16, $0x5;
	v14 =	vpop (erf);
	[tilespmem:s16+$0xFFFFFF30] =	vst v21;
	(pc) =	sbr.rel @p2 .LBB2_5-.Ltmp1, $4  }
0x1c5: {  	v5 =	vmov v17;
	v21 =	vbroadcast v13, $0x0;
	v18 =	vbroadcast v14, $0x4;
	v22 =	vld [tilespmem:s28+$0xFFFFFF90];
	[tilespmem:s9+$0xFFFFFF80] =	vst v23  }
0x1c6: {  	v17 =	vbroadcast v14, $0x6;
	v23 =	vmul.f32 v28, v30;
	[tilespmem:s29+$0x0] =	vst v16  }
0x1c7: {  	v33 =	vand.u32 $0xFFFF0000, v33;
	v32 =	vmul.f32 v15, v32;
	v15 =	vbroadcast v8, $0x6;
	v30 =	vld [tilespmem:s28+$0xFFFFFFD0];
	[tilespmem:s9+$0xFFFFFFF0] =	vst v27  }
0x1c8: {  	v33 =	vmul.f32 v33, v31;
	s23 =	sadd.s32 $0x140, s23;
	v31 =	vmul.f32 v34, v20;
	s29 =	sadd.s32 $0x40, s29;
	v28 =	vld [tilespmem:s5+$0xFFFFFFC0]  }
0x1c9: {  	[tilespmem:s16+$0xFFFFFEB0] =	vst v23  }
0x1ca: {  	[tilespmem:s16+$0xFFFFFEC0] =	vst v32  }
0x1cb: {  	[tilespmem:s15+$0xFFFFFFD0] =	vst v14  }
0x1cc: {  	v3 =	vmul.f32 v29, v3;
	[tilespmem:s15+$0xFFFFFFE0] =	vst v13  }
0x1cd: {  	[tilespmem:s16+$0xFFFFFE40] =	vst v33;
	v23 =	vand.u32 $0xFFFF0000, v22  }
0x1ce: {  	v20 =	vld [tilespmem:s28+$0xFFFFFEF0];
	[tilespmem:s9+$0xFFFFFE70] =	vst v3;
	v3 =	vshll.u32 v22, $0x10;
	v22 =	vmul.f32 v23, v24  }
0x1cf: {  	[tilespmem:s9+$0x0] =	vst v31;
	v11 =	vmul.f32 v3, v11  }
0x1d0: {  	v23 =	vld [tilespmem:s5+$0xFFFFFED0];
	v24 =	vand.u32 $0xFFFF0000, v30;
	[tilespmem:s16+$0xFFFFFF60] =	vst v22  }
0x1d1: {  	v22 =	vshll.u32 v30, $0x10;
	v24 =	vmul.f32 v24, v25;
	v3 =	vpop (erf);
	[tilespmem:s16+$0xFFFFFF50] =	vst v11;
	v11 =	vbroadcast v16, $0x0  }
0x1d2: {  	v27 =	vld [tilespmem:s28+$0xFFFFFF40];
	v22 =	vmul.f32 v22, v26;
	v26 =	vshll.u32 v28, $0x10;
	[tilespmem:s15+$0xFFFFFFF0] =	vst v3  }
0x1d3: {  	[tilespmem:s16+$0xFFFFFFC0] =	vst v24;
	v25 =	vand.u32 $0xFFFF0000, v20;
	v11 =	vmul.f32 v26, v11  }
0x1d4: {  	v29 =	vbroadcast v14, $0x0;
	v26 =	vld [tilespmem:s5+$0xFFFFFF70];
	[tilespmem:s16+$0xFFFFFFB0] =	vst v22;
	v20 =	vshll.u32 v20, $0x10;
	v19 =	vmul.f32 v25, v19  }
0x1d5: {  	v24 =	vbroadcast v14, $0x1;
	v22 =	vld [tilespmem:s5+$0xFFFFFF20];
	v25 =	vshll.u32 v23, $0x10;
	v9 =	vmul.f32 v20, v9;
	[tilespmem:s22+$0xFFFFFF90] =	vst v11  }
0x1d6: {  	v30 =	vbroadcast v8, $0x4;
	v23 =	vand.u32 $0xFFFF0000, v23;
	v25 =	vmul.f32 v25, v29;
	[tilespmem:s16+$0xFFFFFE60] =	vst v19  }
0x1d7: {  	v8 =	vbroadcast v8, $0x5;
	v11 =	vshll.u32 v27, $0x10;
	v19 =	vmul.f32 v23, v24;
	[tilespmem:s16+$0xFFFFFE50] =	vst v9  }
0x1d8: {  	v20 =	vbroadcast v3, $0x0;
	v11 =	vmul.f32 v11, v30;
	v23 =	vand.u32 $0xFFFF0000, v27;
	[tilespmem:s22+$0xFFFFFE10] =	vst v25  }
0x1d9: {  	v8 =	vmul.f32 v23, v8;
	[tilespmem:s22+$0xFFFFFE20] =	vst v19;
	v19 =	vld [tilespmem:s28+$0xFFFFFFE0];
	v24 =	vshll.u32 v26, $0x10  }
0x1da: {  	[tilespmem:s16+$0xFFFFFED0] =	vst v11;
	v11 =	vbroadcast v13, $0x1;
	v23 =	vshll.u32 v22, $0x10;
	v20 =	vmul.f32 v24, v20  }
0x1db: {  	v9 =	vbroadcast v3, $0x1;
	v22 =	vand.u32 $0xFFFF0000, v22;
	v24 =	vld [tilespmem:s5+$0xFFFFFEE0];
	v21 =	vmul.f32 v23, v21;
	[tilespmem:s16+$0xFFFFFEE0] =	vst v8  }
0x1dc: {  	v8 =	vbroadcast v16, $0x1;
	v23 =	vand.u32 $0xFFFF0000, v26;
	v11 =	vmul.f32 v22, v11;
	[tilespmem:s22+$0xFFFFFF10] =	vst v20;
	v20 =	vld [tilespmem:s28+$0xFFFFFF00]  }
0x1dd: {  	v25 =	vand.u32 $0xFFFF0000, v28;
	v22 =	vbroadcast v0, $0x4;
	v9 =	vmul.f32 v23, v9;
	[tilespmem:s22+$0xFFFFFE90] =	vst v21;
	v21 =	vld [tilespmem:s28+$0xFFFFFF50]  }
0x1de: {  	v8 =	vmul.f32 v25, v8;
	[tilespmem:s22+$0xFFFFFEA0] =	vst v11;
	v23 =	vshll.u32 v19, $0x10  }
0x1df: {  	v11 =	vbroadcast v14, $0x2;
	[tilespmem:s22+$0xFFFFFF20] =	vst v9;
	v19 =	vand.u32 $0xFFFF0000, v19;
	v9 =	vmul.f32 v23, v22;
	v22 =	vld [tilespmem:s5+$0xFFFFFF30]  }
0x1e0: {  	v7 =	vbroadcast v7, $0x7;
	[tilespmem:s22+$0xFFFFFFA0] =	vst v8;
	v8 =	vshll.u32 v24, $0x10;
	v6 =	vmul.f32 v19, v6  }
0x1e1: {  	v8 =	vmul.f32 v8, v11;
	[tilespmem:s16+$0xFFFFFFD0] =	vst v9;
	v9 =	vand.u32 $0xFFFF0000, v20  }
0x1e2: {  	v11 =	vld [tilespmem:s5+$0xFFFFFF80];
	[tilespmem:s16+$0xFFFFFFE0] =	vst v6;
	v6 =	vbroadcast v14, $0x3;
	v19 =	vand.u32 $0xFFFF0000, v21;
	v7 =	vmul.f32 v9, v7  }
0x1e3: {  	v9 =	vbroadcast v13, $0x2;
	[tilespmem:s22+$0xFFFFFE30] =	vst v8;
	v2 =	vmul.f32 v19, v2;
	v8 =	vand.u32 $0xFFFF0000, v24  }
0x1e4: {  	v23 =	vld [tilespmem:s5+$0xFFFFFFD0];
	v19 =	vbroadcast v13, $0x3;
	v6 =	vmul.f32 v8, v6;
	[tilespmem:s16+$0xFFFFFE80] =	vst v7;
	v7 =	vshll.u32 v22, $0x10  }
0x1e5: {  	[tilespmem:s16+$0xFFFFFF00] =	vst v2;
	v2 =	vand.u32 $0xFFFF0000, v22;
	v7 =	vmul.f32 v7, v9  }
0x1e6: {  	v21 =	vshll.u32 v21, $0x10;
	v8 =	vbroadcast v3, $0x3;
	v9 =	vld [tilespmem:s28+$0xFFFFFFA0];
	v2 =	vmul.f32 v2, v19;
	[tilespmem:s22+$0xFFFFFE40] =	vst v6  }
0x1e7: {  	v15 =	vmul.f32 v21, v15;
	v6 =	vbroadcast v3, $0x2;
	v19 =	vand.u32 $0xFFFF0000, v11;
	[tilespmem:s22+$0xFFFFFEB0] =	vst v7  }
0x1e8: {  	v8 =	vmul.f32 v19, v8;
	v19 =	vld [tilespmem:s5+$0xFFFFFEF0];
	v7 =	vshll.u32 v11, $0x10;
	v11 =	vbroadcast v16, $0x3;
	[tilespmem:s22+$0xFFFFFEC0] =	vst v2  }
0x1e9: {  	[tilespmem:s16+$0xFFFFFEF0] =	vst v15;
	v15 =	vand.u32 $0xFFFF0000, v23;
	v2 =	vbroadcast v16, $0x2;
	v6 =	vmul.f32 v7, v6;
	v7 =	vld [tilespmem:s5+$0xFFFFFF40]  }
0x1ea: {  	v4 =	vbroadcast v4, $0x6;
	[tilespmem:s22+$0xFFFFFF40] =	vst v8;
	v8 =	vshll.u32 v23, $0x10;
	v11 =	vmul.f32 v15, v11  }
0x1eb: {  	v2 =	vmul.f32 v8, v2;
	v15 =	vshll.u32 v9, $0x10;
	[tilespmem:s22+$0xFFFFFF30] =	vst v6  }
0x1ec: {  	v6 =	vbroadcast v14, $0x5;
	v8 =	vand.u32 $0xFFFF0000, v9;
	v4 =	vmul.f32 v15, v4;
	v9 =	vld [tilespmem:s5+$0xFFFFFF90];
	[tilespmem:s22+$0xFFFFFFC0] =	vst v11  }
0x1ed: {  	v5 =	vmul.f32 v8, v5;
	v8 =	vand.u32 $0xFFFF0000, v19;
	v11 =	vbroadcast v13, $0x4;
	[tilespmem:s22+$0xFFFFFFB0] =	vst v2  }
0x1ee: {  	v2 =	vmul.f32 v8, v6;
	[tilespmem:s16+$0xFFFFFF70] =	vst v4;
	v4 =	vld [tilespmem:s5+$0xFFFFFFE0];
	v6 =	vshll.u32 v7, $0x10  }
0x1ef: {  	v8 =	vbroadcast v13, $0x5;
	[tilespmem:s16+$0xFFFFFF80] =	vst v5;
	v5 =	vshll.u32 v19, $0x10;
	v6 =	vmul.f32 v6, v11  }
0x1f0: {  	v15 =	vbroadcast v3, $0x5;
	v11 =	vld [tilespmem:s28+$0xFFFFFFF0];
	v5 =	vmul.f32 v5, v18;
	[tilespmem:s22+$0xFFFFFE60] =	vst v2;
	v2 =	vand.u32 $0xFFFF0000, v7  }
0x1f1: {  	v7 =	vbroadcast v3, $0x4;
	v2 =	vmul.f32 v2, v8;
	v18 =	vand.u32 $0xFFFF0000, v9;
	[tilespmem:s22+$0xFFFFFED0] =	vst v6  }
0x1f2: {  	v6 =	vbroadcast v16, $0x4;
	v8 =	vshll.u32 v9, $0x10;
	[tilespmem:s22+$0xFFFFFE50] =	vst v5;
	v9 =	vmul.f32 v18, v15  }
0x1f3: {  	v5 =	vmul.f32 v8, v7;
	[tilespmem:s22+$0xFFFFFEE0] =	vst v2;
	v2 =	vld [tilespmem:s5+$0xFFFFFF00];
	v7 =	vshll.u32 v4, $0x10  }
0x1f4: {  	v8 =	vbroadcast v0, $0x6;
	v4 =	vand.u32 $0xFFFF0000, v4;
	[tilespmem:s22+$0xFFFFFF60] =	vst v9;
	v9 =	vld [tilespmem:s5+$0xFFFFFF50];
	v6 =	vmul.f32 v7, v6  }
0x1f5: {  	v7 =	vshll.u32 v11, $0x10;
	[tilespmem:s22+$0xFFFFFF50] =	vst v5;
	v4 =	vmul.f32 v4, v12  }
0x1f6: {  	v0 =	vbroadcast v0, $0x7;
	v5 =	vshll.u32 v20, $0x10;
	v7 =	vmul.f32 v7, v8;
	[tilespmem:s22+$0xFFFFFFD0] =	vst v6  }
0x1f7: {  	v8 =	vld [tilespmem:s5+$0xFFFFFFA0];
	v1 =	vmul.f32 v5, v1;
	v5 =	vbroadcast v14, $0x7;
	v6 =	vand.u32 $0xFFFF0000, v11;
	[tilespmem:s22+$0xFFFFFFE0] =	vst v4  }
0x1f8: {  	[tilespmem:s16+$0xFFFFFFF0] =	vst v7;
	v0 =	vmul.f32 v6, v0;
	v4 =	vand.u32 $0xFFFF0000, v2;
	v6 =	vld [tilespmem:s5+$0xFFFFFFF0]  }
0x1f9: {  	v7 =	vbroadcast v13, $0x6;
	[tilespmem:s16+$0xFFFFFE70] =	vst v1;
	v4 =	vmul.f32 v4, v5;
	v1 =	vand.u32 $0xFFFF0000, v9  }
0x1fa: {  	[tilespmem:s16+$0x0] =	vst v0;
	v0 =	vshll.u32 v9, $0x10;
	v1 =	vmul.f32 v1, v10  }
0x1fb: {  	v2 =	vshll.u32 v2, $0x10;
	v5 =	vbroadcast v3, $0x6;
	[tilespmem:s22+$0xFFFFFE80] =	vst v4;
	v0 =	vmul.f32 v0, v7  }
0x1fc: {  	v2 =	vmul.f32 v2, v17;
	v9 =	vshll.u32 v8, $0x10;
	v4 =	vbroadcast v16, $0x6;
	[tilespmem:s22+$0xFFFFFF00] =	vst v1  }
0x1fd: {  	v3 =	vbroadcast v3, $0x7;
	v1 =	vmul.f32 v9, v5;
	[tilespmem:s22+$0xFFFFFEF0] =	vst v0;
	v0 =	vshll.u32 v6, $0x10  }
0x1fe: {  	v7 =	vand.u32 $0xFFFF0000, v8;
	[tilespmem:s22+$0xFFFFFE70] =	vst v2;
	v5 =	vbroadcast v16, $0x7;
	v0 =	vmul.f32 v0, v4  }
0x1ff: {  	s28 =	smul.u32 $0x160, s26;
	v3 =	vmul.f32 v7, v3;
	[tilespmem:s22+$0xFFFFFF70] =	vst v1;
	v1 =	vand.u32 $0xFFFF0000, v6  }
0x200: {  	[tilespmem:s22+$0xFFFFFFF0] =	vst v0;
	v0 =	vmul.f32 v1, v5  }
0x201: {  	s5 =	sshrl.u32 s28, $0x2;
	[tilespmem:s22+$0xFFFFFF80] =	vst v3  }
0x202: {  	s5 =	sadd.s32 $0x1B8, s5;
	[tilespmem:s22+$0x0] =	vst v0  }
0x203: {  	[spmem:s3] =	stream.indirect.scatter.add.f32 [tilespmem:s19], [sflag:$0x6], $0x10, s5, s11, $0xb8;
	[tilespmem:$0x1FC98] =	vst v63  }
0x204: {  	s29 =	simm.s32 $0x70C0  }
0x205: {  	[spmem:s2] =	stream.indirect.scatter.add.f32 [tilespmem:s29], [sflag:$0x6], $0x80, s5, s11, $0xb8;
	[tilespmem:$0x1FC98] =	vst v63  }
0x206: {  	_ =	swait.ge [sflag:s17], $0x580  }
0x207: {  	[sflag:s17] =	ssyncset.done $0x0  }
0x208: {  	[sflag:s17] =	ssyncadd.s32 $0xFFFFFA80  }
0x209: {  	_ =	swait.ge [sflag:s17], $0x1B80  }
0x20a: {  	[sflag:s17] =	ssyncset.done $0x0  }
0x20b: {  	[sflag:s17] =	ssyncadd.s32 $0xFFFFE480  }
0x20c: {  	_ =	swait.ge [sflag:s8], $0x580  }
0x20d: {  	[sflag:s8] =	ssyncset.done $0x0  }
0x20e: {  	[sflag:s8] =	ssyncadd.s32 $0xFFFFFA80  }
0x20f: {  	_ =	swait.ge [sflag:s8], $0x2C00  }
0x210: {  	[sflag:s8] =	ssyncset.done $0x0  }
0x211: {  	[sflag:s8] =	ssyncadd.s32 $0xFFFFD400  }
0x212: {  	_ =	swait.ge [sflag:s18], $0x58  }
0x213: {  	s9 =	sadd.s32 $0xFFFFFFFF, s12;
	[sflag:s18] =	ssyncset.done $0x0  }
0x214: {  	s5 =	sand.u32 $0x3, s9;
	[sflag:s18] =	ssyncadd.s32 $0xFFFFFFA8  }
0x215: {  	s5 =	smul.u32 $0x58, s5;
	_ =	swait.ge [sflag:s18], $0x58  }
0x216: {  	[sflag:s18] =	ssyncset.done $0x0  }
0x217: {  	s20 =	sadd.s32 $0x5, s12;
	s15 =	sadd.s32 $0x160, s5;
	[sflag:s18] =	ssyncadd.s32 $0xFFFFFFA8  }
0x218: {  	[tilespmem:s19], [sflag:$0x4] =	stream.indirect.gather [hbm4b:s1+s11], $0x10, s15, s11, $0xb8;
	[tilespmem:$0x1FC98] =	vst v63  }
0x219: {  	s16 =	simm.s32 $0x1E40;
	s22 =	sadd.s32 s10, s20  }
0x21a: {  	[tilespmem:s16], [sflag:$0x4] =	stream.indirect.gather [hbm4b:s21+s11], $0x50, s5, s11, $0xb8;
	[tilespmem:$0x1FC98] =	vst v63  }
0x21b: {  	s9 =	smul.u32 $0xB, s22;
	s5 =	sand.u32 $0x3, s20  }
0x21c: {  	s5 =	smul.u32 $0x58, s5  }
0x21d: {  	s23 =	sadd.s32 s6, s9  }
0x21e: {  	[tilespmem:s5], [sflag:$0x2] =	stream.linear.gather [hbm4b:s23+s4], $0x58, $0x38;
	[tilespmem:$0x1FC98] =	vst v63  }
0x21f: {  	s26 =	simm.s32 $0x39E0;
	s9 =	sadd.s32 s7, s9;
	s5 =	sadd.s32 $0x160, s5  }
0x220: {  	[tilespmem:s5], [sflag:$0x2] =	stream.linear.gather [hbm4b:s9+s4], $0x58, $0x38;
	[tilespmem:$0x1FC98] =	vst v63  }
0x221: {  	s28 =	simm.s32 $0x360;
	v0 =	vld [tilespmem:s26+$0xFFFFFFF0]  }
0x222: {  	v1 =	vld [tilespmem:s28+$0xFFFFFFF0]  }
0x223: {  	v2 =	vld [tilespmem:s28+$0x90]  }
0x224: {  	v3 =	vld [tilespmem:s26+$0x10];
	_ =	sdelay $0x1  }
0x225: {  	v4 =	vld [tilespmem:s28+$0xFFFFFFA0]  }
0x226: {  	v5 =	vld [tilespmem:s26+$0xFFFFFFE0]  }
0x227: {  	v0 =	vadd.f32 v0, v1  }
0x228: {  	v6 =	vld [tilespmem:s28+$0x40];
	v1 =	vadd.f32 v3, v2  }
0x229: {  	v2 =	vld [tilespmem:s26+$0x0];
	v3 =	vmul.f32 $9.999999770e-03, v0  }
0x22a: {  	vm0 =	vlt.f32 v0, $0.0e+00;
	v7 =	vmul.f32 $9.999999770e-03, v1  }
0x22b: {  	v4 =	vadd.f32 v5, v4;
	vm5 =	vlt.f32 v1, $0.0e+00;
	v0 =	vsel vm0, v3, v0  }
0x22c: {  	v1 =	vsel vm5, v7, v1;
	v0 =	vmul.f32 $1.442695020e+00, v0  }
0x22d: {  	v3 =	vmul.f32 $9.999999770e-03, v4;
	v1 =	vmul.f32 $1.442695020e+00, v1  }
0x22e: {  	s12 =	simm.s32 $0x4A0;
	vm6 =	vlt.f32 v4, $0.0e+00;
	v2 =	vadd.f32 v2, v6;
	(erf) = vpow2.f32 v0  }
0x22f: {  	s29 =	simm.s32 $0x3A20;
	v17 =	vld [tilespmem:s12+$0x90];
	v0 =	vsel vm6, v3, v4;
	(erf) = vpow2.f32 v1  }
0x230: {  	v20 =	vld [tilespmem:s29+$0x10];
	v0 =	vmul.f32 $1.442695020e+00, v0;
	v1 =	vmul.f32 $9.999999770e-03, v2  }
0x231: {  	v7 =	vld [tilespmem:s12+$0xFFFFFFF0];
	vm7 =	vlt.f32 v2, $0.0e+00  }
0x232: {  	(erf) = vpow2.f32 v0;
	v0 =	vsel vm7, v1, v2;
	v1 =	vld [tilespmem:s29+$0xFFFFFFF0];
	_ =	sdelay $0x1  }
0x233: {  	v0 =	vmul.f32 $1.442695020e+00, v0;
	_ =	sdelay $0x1  }
0x234: {  	v17 =	vadd.f32 v20, v17;
	(erf) = vpow2.f32 v0  }
0x235: {  	v21 =	vld [tilespmem:s29+$0xFFFFFFE0];
	v1 =	vadd.f32 v1, v7;
	v15 =	vpop (erf)  }
0x236: {  	v26 =	vmul.f32 $9.999999770e-03, v17;
	v2 =	vld [tilespmem:s12+$0xFFFFFFA0];
	v10 =	vbroadcast v15, $0x7  }
0x237: {  	vm9 =	vlt.f32 v17, $0.0e+00;
	v5 =	vpop (erf);
	v6 =	vbroadcast v15, $0x0;
	v20 =	vmul.f32 $9.999999770e-03, v1  }
0x238: {  	v17 =	vsel vm9, v26, v17;
	v26 =	vbroadcast v15, $0x3;
	v42 =	vbroadcast v15, $0x5;
	[tilespmem:s26+$0x10] =	vst v5  }
0x239: {  	vm8 =	vlt.f32 v1, $0.0e+00;
	v13 =	vbroadcast v5, $0x5;
	v8 =	vbroadcast v5, $0x1;
	v0 =	vld [tilespmem:s28+$0x50]  }
0x23a: {  	[tilespmem:s26+$0xFFFFFFF0] =	vst v15;
	v9 =	vbroadcast v5, $0x0;
	v28 =	vbroadcast v5, $0x2;
	v14 =	vpop (erf);
	v1 =	vsel vm8, v20, v1  }
0x23b: {  	v2 =	vadd.f32 v21, v2;
	v21 =	vld [tilespmem:s28+$0xFFFFFFB0];
	v31 =	vbroadcast v5, $0x4;
	[tilespmem:s26+$0xFFFFFFE0] =	vst v14;
	v1 =	vmul.f32 $1.442695020e+00, v1  }
0x23c: {  	v16 =	vbroadcast v14, $0x4;
	v3 =	vbroadcast v14, $0x6;
	v4 =	vld [tilespmem:s28+$0xFFFFFF60]  }
0x23d: {  	v18 =	vbroadcast v14, $0x1;
	v11 =	vpop (erf);
	(erf) = vpow2.f32 v1  }
0x23e: {  	v12 =	vbroadcast v11, $0x7;
	[tilespmem:s26+$0x0] =	vst v11;
	v19 =	vshll.u32 v0, $0x10;
	v0 =	vand.u32 $0xFFFF0000, v0  }
0x23f: {  	v23 =	vbroadcast v11, $0x1;
	v22 =	vmul.f32 v0, v8;
	v8 =	vld [tilespmem:s28+$0x0]  }
0x240: {  	v24 =	vbroadcast v11, $0x0;
	v0 =	vbroadcast v14, $0x0  }
0x241: {  	v7 =	vbroadcast v11, $0x3;
	v1 =	vshll.u32 v21, $0x10;
	v25 =	vshll.u32 v4, $0x10  }
0x242: {  	v1 =	vmul.f32 v1, v6;
	v4 =	vand.u32 $0xFFFF0000, v4;
	v0 =	vmul.f32 v25, v0  }
0x243: {  	s9 =	simm.s32 $0x45C0;
	v27 =	vld [tilespmem:s29+$0x0];
	vm10 =	vlt.f32 v2, $0.0e+00;
	v9 =	vmul.f32 v19, v9;
	v4 =	vmul.f32 v4, v18  }
0x244: {  	v20 =	vld [tilespmem:s12+$0x40];
	v19 =	vbroadcast v11, $0x4;
	[tilespmem:s9+$0xFFFFFF00] =	vst v0;
	v0 =	vmul.f32 $9.999999770e-03, v2;
	v25 =	vshll.u32 v8, $0x10  }
0x245: {  	v18 =	vbroadcast v15, $0x1;
	[tilespmem:s9+$0xFFFFFF10] =	vst v4;
	v4 =	vand.u32 $0xFFFF0000, v8;
	v8 =	vmul.f32 v25, v24  }
0x246: {  	v4 =	vmul.f32 v4, v23;
	v0 =	vsel vm10, v0, v2;
	v2 =	vmul.f32 $1.442695020e+00, v17  }
0x247: {  	v24 =	vld [tilespmem:s28+$0xFFFFFF70];
	v23 =	vbroadcast v14, $0x2;
	v25 =	vbroadcast v11, $0x5;
	[tilespmem:s9+$0x0] =	vst v8  }
0x248: {  	v0 =	vmul.f32 $1.442695020e+00, v0;
	[tilespmem:s9+$0x10] =	vst v4;
	(erf) = vpow2.f32 v2  }
0x249: {  	v4 =	vand.u32 $0xFFFF0000, v21;
	v2 =	vadd.f32 v27, v20;
	v20 =	vbroadcast v14, $0x3;
	v8 =	vld [tilespmem:s28+$0x10]  }
0x24a: {  	(erf) = vpow2.f32 v0;
	v4 =	vmul.f32 v4, v18  }
0x24b: {  	[tilespmem:s9+$0xFFFFFF80] =	vst v1;
	v27 =	vbroadcast v5, $0x3;
	v1 =	vmul.f32 $9.999999770e-03, v2  }
0x24c: {  	v0 =	vbroadcast v11, $0x2;
	vm11 =	vlt.f32 v2, $0.0e+00;
	v6 =	vshll.u32 v24, $0x10;
	[tilespmem:s9+$0xFFFFFF90] =	vst v4  }
0x24d: {  	v18 =	vbroadcast v15, $0x2;
	v17 =	vmul.f32 v6, v23;
	v21 =	vld [tilespmem:s28+$0xFFFFFFC0];
	v1 =	vsel vm11, v1, v2  }
0x24e: {  	v23 =	vbroadcast v14, $0x5;
	v1 =	vmul.f32 $1.442695020e+00, v1;
	v2 =	vshll.u32 v8, $0x10  }
0x24f: {  	v14 =	vbroadcast v14, $0x7;
	v4 =	vand.u32 $0xFFFF0000, v8;
	v2 =	vmul.f32 v2, v0  }
0x250: {  	[tilespmem:s9+$0x90] =	vst v22;
	v8 =	vpop (erf);
	v4 =	vmul.f32 v4, v7;
	(erf) = vpow2.f32 v1  }
0x251: {  	v22 =	vbroadcast v8, $0x0;
	v0 =	vpop (erf);
	[tilespmem:s9+$0x20] =	vst v2;
	v2 =	vbroadcast v8, $0x7  }
0x252: {  	[tilespmem:s9+$0x30] =	vst v4;
	v4 =	vshll.u32 v21, $0x10;
	v21 =	vand.u32 $0xFFFF0000, v21;
	v6 =	vbroadcast v0, $0x5  }
0x253: {  	v7 =	vpop (erf);
	v4 =	vmul.f32 v4, v18;
	v26 =	vmul.f32 v21, v26  }
0x254: {  	[tilespmem:s9+$0x80] =	vst v9;
	v29 =	vld [tilespmem:s28+$0x20];
	v18 =	vand.u32 $0xFFFF0000, v24;
	v61 =	vbroadcast v0, $0x1;
	v9 =	vbroadcast v7, $0x4  }
0x255: {  	v24 =	vld [tilespmem:s28+$0x60];
	v1 =	vbroadcast v7, $0x6;
	v21 =	vmul.f32 v18, v20  }
0x256: {  	[tilespmem:s29+$0x10] =	vst v0;
	v18 =	vbroadcast v15, $0x6;
	v20 =	vbroadcast v5, $0x7  }
0x257: {  	[tilespmem:s9+$0xFFFFFF20] =	vst v17;
	v30 =	vld [tilespmem:s12+$0x50];
	v36 =	vbroadcast v7, $0x1;
	v44 =	vbroadcast v7, $0x0  }
0x258: {  	s15 =	simm.s32 $0x3A60;
	[tilespmem:s29+$0xFFFFFFE0] =	vst v7;
	v15 =	vbroadcast v15, $0x4;
	v52 =	vbroadcast v7, $0x2  }
0x259: {  	v60 =	vld [tilespmem:s15+$0xFFFFFFF0];
	[tilespmem:s9+$0xFFFFFF30] =	vst v21;
	v21 =	vbroadcast v11, $0x6;
	v11 =	vbroadcast v0, $0x0;
	v17 =	vshll.u32 v29, $0x10  }
0x25a: {  	s5 =	simm.s32 $0x5E0;
	[tilespmem:s9+$0xFFFFFFB0] =	vst v26;
	v39 =	vld [tilespmem:s12+$0xFFFFFF60];
	v29 =	vand.u32 $0xFFFF0000, v29;
	v26 =	vshll.u32 v24, $0x10;
	v19 =	vmul.f32 v17, v19  }
0x25b: {  	v35 =	vld [tilespmem:s5+$0xFFFFFFA0];
	[tilespmem:s9+$0xFFFFFFA0] =	vst v4;
	v24 =	vand.u32 $0xFFFF0000, v24;
	v17 =	vbroadcast v5, $0x6;
	v25 =	vmul.f32 v29, v25  }
0x25c: {  	v38 =	vld [tilespmem:s28+$0xFFFFFFD0];
	v4 =	vpop (erf);
	v37 =	vshll.u32 v30, $0x10;
	v26 =	vmul.f32 v26, v28;
	v24 =	vmul.f32 v24, v27  }
0x25d: {  	v43 =	vld [tilespmem:s15+$0xFFFFFFE0];
	v30 =	vand.u32 $0xFFFF0000, v30;
	v5 =	vbroadcast v4, $0x7;
	v37 =	vmul.f32 v37, v11  }
0x25e: {  	v34 =	vld [tilespmem:s28+$0xFFFFFF80];
	v11 =	vbroadcast v4, $0x4;
	v30 =	vmul.f32 v30, v61  }
0x25f: {  	v62 =	vld [tilespmem:s5+$0x90];
	[tilespmem:s29+$0xFFFFFFF0] =	vst v8;
	v28 =	vbroadcast v4, $0x1;
	v41 =	vbroadcast v4, $0x0;
	v47 =	vshll.u32 v39, $0x10  }
0x260: {  	v63 =	vld [tilespmem:s12+$0xFFFFFFB0];
	v39 =	vand.u32 $0xFFFF0000, v39;
	v49 =	vbroadcast v4, $0x3;
	v50 =	vbroadcast v4, $0x2;
	[tilespmem:s9+$0x50] =	vst v25  }
0x261: {  	v29 =	vld [tilespmem:s5+$0xFFFFFFF0];
	v61 =	vbroadcast v7, $0x3;
	v25 =	vmul.f32 v39, v36;
	v51 =	vand.u32 $0xFFFF0000, v38;
	[tilespmem:s9+$0x40] =	vst v19  }
0x262: {  	v27 =	vld [tilespmem:s15+$0x10];
	v19 =	vbroadcast v8, $0x1;
	v38 =	vshll.u32 v38, $0x10;
	[tilespmem:s9+$0xB0] =	vst v24;
	v24 =	vadd.f32 v43, v35  }
0x263: {  	s16 =	simm.s32 $0x47C0;
	[tilespmem:s29+$0x0] =	vst v4;
	v40 =	vshll.u32 v34, $0x10;
	v15 =	vmul.f32 v38, v15;
	v39 =	vmul.f32 v51, v42  }
0x264: {  	v48 =	vld [tilespmem:s12+$0x0];
	v34 =	vand.u32 $0xFFFF0000, v34;
	[tilespmem:s16+$0x90] =	vst v30;
	v30 =	vbroadcast v8, $0x3;
	v16 =	vmul.f32 v40, v16  }
0x265: {  	v23 =	vmul.f32 v34, v23;
	v34 =	vmul.f32 v47, v44  }
0x266: {  	v55 =	vmul.f32 $9.999999770e-03, v24;
	[tilespmem:s16+$0xFFFFFF10] =	vst v25;
	vm12 =	vlt.f32 v24, $0.0e+00;
	v25 =	vand.u32 $0xFFFF0000, v63  }
0x267: {  	[tilespmem:s9+$0xA0] =	vst v26;
	v29 =	vadd.f32 v60, v29;
	v26 =	vadd.f32 v27, v62;
	v27 =	vshll.u32 v63, $0x10  }
0x268: {  	v54 =	vld [tilespmem:s28+$0x70];
	v25 =	vmul.f32 v25, v19;
	v19 =	vbroadcast v7, $0x5;
	[tilespmem:s9+$0xFFFFFF50] =	vst v23;
	v23 =	vsel vm12, v55, v24  }
0x269: {  	v56 =	vld [tilespmem:s15+$0x0];
	v22 =	vmul.f32 v27, v22;
	v53 =	vshll.u32 v48, $0x10;
	v32 =	vand.u32 $0xFFFF0000, v48  }
0x26a: {  	v59 =	vld [tilespmem:s28+$0x30];
	[tilespmem:s16+$0xFFFFFF00] =	vst v34;
	v24 =	vmul.f32 $9.999999770e-03, v29;
	v23 =	vmul.f32 $1.442695020e+00, v23;
	vm13 =	vlt.f32 v29, $0.0e+00  }
0x26b: {  	v27 =	vld [tilespmem:s5+$0x40];
	v58 =	vmul.f32 $9.999999770e-03, v26;
	vm14 =	vlt.f32 v26, $0.0e+00;
	[tilespmem:s16+$0xFFFFFF90] =	vst v25;
	v25 =	vbroadcast v0, $0x3  }
0x26c: {  	[tilespmem:s9+$0xFFFFFFC0] =	vst v15;
	v57 =	vld [tilespmem:s12+$0xFFFFFF70];
	v33 =	vmul.f32 v53, v41;
	v15 =	vmul.f32 v32, v28;
	v24 =	vsel vm13, v24, v29  }
0x26d: {  	[tilespmem:s9+$0xFFFFFF40] =	vst v16;
	v26 =	vsel vm14, v58, v26;
	v29 =	vand.u32 $0xFFFF0000, v54;
	v16 =	vmul.f32 $1.442695020e+00, v24  }
0x26e: {  	[tilespmem:s9+$0xFFFFFFD0] =	vst v39;
	v28 =	vld [tilespmem:s28+$0xFFFFFF90];
	v24 =	vshll.u32 v54, $0x10;
	v26 =	vmul.f32 $1.442695020e+00, v26;
	v13 =	vmul.f32 v29, v13  }
0x26f: {  	[tilespmem:s16+$0x0] =	vst v33;
	v29 =	vbroadcast v8, $0x2;
	v24 =	vmul.f32 v24, v31;
	v31 =	vld [tilespmem:s28+$0xFFFFFFE0]  }
0x270: {  	[tilespmem:s16+$0x10] =	vst v15;
	v15 =	vadd.f32 v56, v27;
	v27 =	vshll.u32 v59, $0x10;
	(erf) = vpow2.f32 v16  }
0x271: {  	[tilespmem:s16+$0xFFFFFF80] =	vst v22;
	v22 =	vld [tilespmem:s12+$0x10];
	v60 =	vshll.u32 v57, $0x10;
	v21 =	vmul.f32 v27, v21;
	v63 =	vand.u32 $0xFFFF0000, v57  }
0x272: {  	[tilespmem:s9+$0xD0] =	vst v13;
	v16 =	vmul.f32 v60, v52;
	(erf) = vpow2.f32 v26;
	vm15 =	vlt.f32 v15, $0.0e+00  }
0x273: {  	[tilespmem:s9+$0xC0] =	vst v24;
	v24 =	vbroadcast v4, $0x5;
	(erf) = vpow2.f32 v23;
	v23 =	vand.u32 $0xFFFF0000, v28  }
0x274: {  	v26 =	vmul.f32 $9.999999770e-03, v15;
	[tilespmem:s9+$0x60] =	vst v21;
	v14 =	vmul.f32 v23, v14;
	v23 =	vld [tilespmem:s28+$0x80];
	v13 =	vand.u32 $0xFFFF0000, v31  }
0x275: {  	v33 =	vmul.f32 v63, v61;
	[tilespmem:s16+$0xFFFFFF20] =	vst v16;
	v31 =	vshll.u32 v31, $0x10;
	v10 =	vmul.f32 v13, v10  }
0x276: {  	v13 =	vand.u32 $0xFFFF0000, v22;
	v16 =	vmul.f32 v31, v18;
	v31 =	vld [tilespmem:s12+$0xFFFFFFC0];
	[tilespmem:s9+$0xFFFFFF70] =	vst v14;
	v14 =	vsel vm15, v26, v15  }
0x277: {  	v18 =	vshll.u32 v22, $0x10;
	v15 =	vmul.f32 v13, v49;
	v14 =	vmul.f32 $1.442695020e+00, v14;
	[tilespmem:s9+$0xFFFFFFF0] =	vst v10  }
0x278: {  	v26 =	vbroadcast v0, $0x2;
	v22 =	vand.u32 $0xFFFF0000, v59;
	v18 =	vmul.f32 v18, v50;
	[tilespmem:s9+$0xFFFFFFE0] =	vst v16  }
0x279: {  	v27 =	vshll.u32 v23, $0x10;
	[tilespmem:s16+$0x30] =	vst v15;
	v15 =	vmul.f32 v22, v12;
	v13 =	vpop (erf);
	(erf) = vpow2.f32 v14  }
0x27a: {  	v62 =	vand.u32 $0xFFFF0000, v23;
	[tilespmem:s16+$0x20] =	vst v18;
	v27 =	vmul.f32 v27, v17;
	v10 =	vbroadcast v13, $0x7  }
0x27b: {  	v22 =	vld [tilespmem:s12+$0x20];
	v16 =	vpop (erf);
	v23 =	vshll.u32 v31, $0x10;
	v21 =	vbroadcast v13, $0x0;
	[tilespmem:s9+$0x70] =	vst v15;
	v15 =	vbroadcast v8, $0x6  }
0x27c: {  	[tilespmem:s16+$0x80] =	vst v37;
	v31 =	vand.u32 $0xFFFF0000, v31;
	v12 =	vbroadcast v16, $0x5;
	v23 =	vmul.f32 v23, v29  }
0x27d: {  	s22 =	simm.s32 $0x49C0;
	v14 =	vpop (erf);
	[tilespmem:s15+$0x10] =	vst v16;
	v32 =	vmul.f32 v31, v30;
	v30 =	vld [tilespmem:s12+$0x60];
	v31 =	vmul.f32 v62, v20  }
0x27e: {  	s20 =	simm.s32 $0x8;
	s23 =	simm.s32 $0x720;
	s26 =	simm.s32 $0x3AA0;
	v29 =	vshll.u32 v28, $0x10;
	[tilespmem:s9+$0xE0] =	vst v27;
	v18 =	vbroadcast v14, $0x4;
	v17 =	vbroadcast v14, $0x6;
	v28 =	vld [tilespmem:s5+$0x50]  }
.LBB2_7:
0x27f: {  	s20 =	sadd.s32 $0x4, s20;
	v27 =	vbroadcast v0, $0x4;
	v20 =	vbroadcast v0, $0x7  }
0x280: {  	v35 =	vbroadcast v16, $0x1;
	v29 =	vmul.f32 v29, v3;
	v3 =	vmovc v1;
	v1 =	vmovc v17;
	v34 =	vld [tilespmem:s26+$0xFFFFFFF0];
	p2 =	slt.u32 s20, $0x54;
	[tilespmem:s16+$0xFFFFFF30] =	vst v33;
	v33 =	vshll.u32 v22, $0x10  }
0x281: {  	v37 =	vand.u32 $0xFFFF0000, v22;
	v36 =	vld [tilespmem:s12+$0xFFFFFF80];
	[tilespmem:s16+$0xFFFFFFA0] =	vst v23;
	v33 =	vmul.f32 v33, v11;
	v23 =	vbroadcast v4, $0x6  }
0x282: {  	v22 =	vbroadcast v0, $0x6;
	v11 =	vbroadcast v16, $0x0;
	v38 =	vld [tilespmem:s23+$0xFFFFFFA0];
	v4 =	vpop (erf);
	[tilespmem:s16+$0xFFFFFFB0] =	vst v32;
	v32 =	vshll.u32 v30, $0x10  }
0x283: {  	v39 =	vbroadcast v14, $0x1;
	v0 =	vmovc v16;
	[tilespmem:s15+$0xFFFFFFE0] =	vst v14;
	v17 =	vbroadcast v4, $0x7;
	v40 =	vshll.u32 v28, $0x10;
	v41 =	vld [tilespmem:s12+$0xFFFFFFD0]  }
0x284: {  	v24 =	vmul.f32 v37, v24;
	v28 =	vand.u32 $0xFFFF0000, v28;
	v16 =	vld [tilespmem:s5+$0xFFFFFF60];
	v40 =	vmul.f32 v40, v11;
	[tilespmem:s9+$0xFFFFFF60] =	vst v29  }
0x285: {  	v30 =	vand.u32 $0xFFFF0000, v30;
	v11 =	vbroadcast v4, $0x4;
	v28 =	vmul.f32 v28, v35;
	v29 =	vld [tilespmem:s23+$0xFFFFFFF0];
	[tilespmem:s9+$0xF0] =	vst v31;
	s9 =	smov.u32 s16;
	s16 =	smov.u32 s22  }
0x286: {  	v26 =	vmul.f32 v32, v26;
	v25 =	vmul.f32 v30, v25;
	v31 =	vld [tilespmem:s23+$0x90];
	[tilespmem:s15+$0xFFFFFFF0] =	vst v13;
	v35 =	vshll.u32 v36, $0x10  }
0x287: {  	v32 =	vbroadcast v4, $0x1;
	v36 =	vand.u32 $0xFFFF0000, v36;
	v30 =	vld [tilespmem:s26+$0x10];
	v35 =	vmul.f32 v35, v9;
	[tilespmem:s9+$0x50] =	vst v24;
	v9 =	vmovc v18  }
0x288: {  	v37 =	vbroadcast v8, $0x5;
	v24 =	vbroadcast v4, $0x0;
	v18 =	vld [tilespmem:s5+$0xFFFFFFB0];
	[tilespmem:s9+$0x40] =	vst v33  }
0x289: {  	v42 =	vbroadcast v14, $0x0;
	v43 =	vbroadcast v8, $0x4;
	v8 =	vmov v13;
	v33 =	vld [tilespmem:s26+$0xFFFFFFE0];
	[tilespmem:s15+$0x0] =	vst v4;
	s15 =	smov.u32 s26  }
0x28a: {  	v19 =	vmul.f32 v36, v19;
	v13 =	vshll.u32 v16, $0x10;
	v16 =	vand.u32 $0xFFFF0000, v16;
	v44 =	vld [tilespmem:s5+$0x0];
	[tilespmem:s9+$0xB0] =	vst v25  }
0x28b: {  	v25 =	vadd.f32 v34, v29;
	v13 =	vmul.f32 v13, v42;
	v34 =	vbroadcast v4, $0x3;
	v36 =	vld [tilespmem:s12+$0x30];
	[tilespmem:s9+$0xA0] =	vst v26  }
0x28c: {  	v16 =	vmul.f32 v16, v39;
	v39 =	vbroadcast v4, $0x2;
	[tilespmem:s9+$0xFFFFFF50] =	vst v19;
	v19 =	vand.u32 $0xFFFF0000, v41;
	v26 =	vld [tilespmem:s12+$0x70]  }
0x28d: {  	v42 =	vbroadcast v8, $0x1;
	v41 =	vshll.u32 v41, $0x10;
	v29 =	vld [tilespmem:s26+$0x0];
	[tilespmem:s22+$0x80] =	vst v40;
	v40 =	vbroadcast v7, $0x7;
	v7 =	vmovc v14  }
0x28e: {  	v14 =	vadd.f32 v33, v38;
	[tilespmem:s22+$0xFFFFFF00] =	vst v13;
	v13 =	vbroadcast v7, $0x2;
	v33 =	vmul.f32 v41, v43  }
0x28f: {  	v30 =	vadd.f32 v30, v31;
	[tilespmem:s22+$0xFFFFFF10] =	vst v16;
	v16 =	vshll.u32 v18, $0x10;
	v31 =	vshll.u32 v44, $0x10  }
0x290: {  	v19 =	vmul.f32 v19, v37;
	v41 =	vand.u32 $0xFFFF0000, v44;
	v38 =	vmul.f32 $9.999999770e-03, v14;
	[tilespmem:s9+$0xFFFFFFC0] =	vst v33  }
0x291: {  	v18 =	vand.u32 $0xFFFF0000, v18;
	vm0 =	vlt.f32 v14, $0.0e+00;
	v24 =	vmul.f32 v31, v24;
	v33 =	vld [tilespmem:s5+$0xFFFFFF70];
	[tilespmem:s9+$0xFFFFFF40] =	vst v35  }
0x292: {  	v31 =	vmul.f32 $9.999999770e-03, v25;
	v16 =	vmul.f32 v16, v21;
	v14 =	vsel vm0, v38, v14;
	v35 =	vld [tilespmem:s23+$0x40];
	[tilespmem:s9+$0xFFFFFFD0] =	vst v19  }
0x293: {  	vm0 =	vlt.f32 v25, $0.0e+00;
	v19 =	vmul.f32 v41, v32;
	v14 =	vmul.f32 $1.442695020e+00, v14;
	[tilespmem:s22+$0x0] =	vst v24;
	v21 =	vld [tilespmem:s12+$0xFFFFFF90]  }
0x294: {  	v24 =	vsel vm0, v31, v25;
	v25 =	vmul.f32 $9.999999770e-03, v30;
	v31 =	vand.u32 $0xFFFF0000, v26;
	[tilespmem:s22+$0xFFFFFF80] =	vst v16;
	v16 =	vld [tilespmem:s12+$0xFFFFFFE0]  }
0x295: {  	vm0 =	vlt.f32 v30, $0.0e+00;
	v24 =	vmul.f32 $1.442695020e+00, v24;
	[tilespmem:s22+$0x10] =	vst v19;
	v19 =	vshll.u32 v26, $0x10  }
0x296: {  	v25 =	vsel vm0, v25, v30;
	v26 =	vld [tilespmem:s5+$0x10];
	[tilespmem:s22+$0x90] =	vst v28;
	v28 =	vshll.u32 v36, $0x10;
	v19 =	vmul.f32 v19, v27  }
0x297: {  	v25 =	vmul.f32 $1.442695020e+00, v25;
	v30 =	vshll.u32 v33, $0x10;
	v27 =	vadd.f32 v29, v35  }
0x298: {  	(erf) = vpow2.f32 v24;
	v29 =	vshll.u32 v21, $0x10;
	v24 =	vmul.f32 v31, v6;
	v6 =	vmovc v12  }
0x299: {  	v12 =	vmul.f32 v30, v13;
	v13 =	vmul.f32 v18, v42;
	vm0 =	vlt.f32 v27, $0.0e+00;
	[tilespmem:s9+$0xC0] =	vst v19  }
0x29a: {  	v30 =	vbroadcast v8, $0x2;
	v18 =	vand.u32 $0xFFFF0000, v21;
	(erf) = vpow2.f32 v25;
	[tilespmem:s9+$0xD0] =	vst v24  }
0x29b: {  	v19 =	vbroadcast v7, $0x5;
	(erf) = vpow2.f32 v14;
	[tilespmem:s22+$0xFFFFFF90] =	vst v13;
	v13 =	vand.u32 $0xFFFF0000, v26;
	v14 =	vld [tilespmem:s12+$0x80];
	s12 =	smov.u32 s5;
	s5 =	smov.u32 s23  }
0x29c: {  	v31 =	vbroadcast v7, $0x3;
	v24 =	vbroadcast v4, $0x5;
	[tilespmem:s22+$0xFFFFFF20] =	vst v12;
	v12 =	vand.u32 $0xFFFF0000, v16  }
0x29d: {  	v32 =	vbroadcast v8, $0x3;
	v18 =	vmul.f32 v18, v40;
	v21 =	vshll.u32 v26, $0x10;
	s22 =	sadd.s32 $0x200, s22  }
0x29e: {  	v26 =	vmul.f32 $9.999999770e-03, v27;
	v16 =	vshll.u32 v16, $0x10;
	v12 =	vmul.f32 v12, v2;
	v2 =	vmovc v10;
	v35 =	vld [tilespmem:s12+$0xFFFFFFC0]  }
0x29f: {  	v25 =	vbroadcast v0, $0x3;
	v10 =	vmul.f32 v16, v15;
	v15 =	vand.u32 $0xFFFF0000, v36;
	[tilespmem:s9+$0xFFFFFF70] =	vst v18  }
0x2a0: {  	v16 =	vsel vm0, v26, v27;
	v26 =	vbroadcast v0, $0x2;
	v18 =	vmul.f32 v13, v34;
	[tilespmem:s9+$0xFFFFFFF0] =	vst v12  }
0x2a1: {  	v23 =	vmul.f32 v28, v23;
	v12 =	vmul.f32 $1.442695020e+00, v16;
	v27 =	vshll.u32 v14, $0x10;
	v13 =	vpop (erf);
	[tilespmem:s9+$0xFFFFFFE0] =	vst v10  }
0x2a2: {  	v21 =	vmul.f32 v21, v39;
	v34 =	vand.u32 $0xFFFF0000, v14;
	v10 =	vbroadcast v13, $0x7;
	[tilespmem:s16+$0x30] =	vst v18  }
0x2a3: {  	(erf) = vpow2.f32 v12;
	v16 =	vpop (erf);
	v28 =	vshll.u32 v35, $0x10;
	[tilespmem:s9+$0x60] =	vst v23;
	v23 =	vmul.f32 v15, v5  }
.Ltmp2:
0x2a4: {  	v27 =	vmul.f32 v27, v22;
	v15 =	vand.u32 $0xFFFF0000, v35;
	v12 =	vbroadcast v16, $0x5;
	v14 =	vpop (erf);
	[tilespmem:s16+$0x20] =	vst v21;
	(pc) =	sbr.rel @p2 .LBB2_7-.Ltmp2, $4  }
0x2a5: {  	v5 =	vmov v17;
	v21 =	vbroadcast v13, $0x0;
	v18 =	vbroadcast v14, $0x4;
	v22 =	vld [tilespmem:s12+$0x20];
	[tilespmem:s9+$0x70] =	vst v23  }
0x2a6: {  	v17 =	vbroadcast v14, $0x6;
	v23 =	vmul.f32 v28, v30;
	[tilespmem:s26+$0x10] =	vst v16  }
0x2a7: {  	v33 =	vand.u32 $0xFFFF0000, v33;
	v32 =	vmul.f32 v15, v32;
	v15 =	vbroadcast v8, $0x6;
	v30 =	vld [tilespmem:s12+$0x60];
	[tilespmem:s9+$0xE0] =	vst v27  }
0x2a8: {  	v33 =	vmul.f32 v33, v31;
	s23 =	sadd.s32 $0x140, s23;
	v31 =	vmul.f32 v34, v20;
	s26 =	sadd.s32 $0x40, s26;
	v28 =	vld [tilespmem:s5+$0x50]  }
0x2a9: {  	[tilespmem:s16+$0xFFFFFFA0] =	vst v23  }
0x2aa: {  	[tilespmem:s16+$0xFFFFFFB0] =	vst v32  }
0x2ab: {  	[tilespmem:s15+$0xFFFFFFE0] =	vst v14  }
0x2ac: {  	[tilespmem:s15+$0xFFFFFFF0] =	vst v13  }
0x2ad: {  	v3 =	vmul.f32 v29, v3;
	[tilespmem:s16+$0xFFFFFF30] =	vst v33;
	v41 =	vand.u32 $0xFFFF0000, v22  }
0x2ae: {  	v42 =	vshll.u32 v22, $0x10;
	[tilespmem:s9+$0xF0] =	vst v31;
	v44 =	vld [tilespmem:s5+$0xFFFFFF60];
	v43 =	vmul.f32 v41, v24  }
0x2af: {  	[tilespmem:s9+$0xFFFFFF60] =	vst v3;
	v11 =	vmul.f32 v42, v11  }
0x2b0: {  	v27 =	vld [tilespmem:s12+$0xFFFFFFD0];
	v45 =	vand.u32 $0xFFFF0000, v30;
	[tilespmem:s16+$0x50] =	vst v43  }
0x2b1: {  	v47 =	vbroadcast v16, $0x0;
	v46 =	vshll.u32 v30, $0x10;
	v3 =	vpop (erf);
	v24 =	vmul.f32 v45, v25;
	[tilespmem:s16+$0x40] =	vst v11  }
0x2b2: {  	v50 =	vbroadcast v14, $0x0;
	v54 =	vld [tilespmem:s5+$0xFFFFFFB0];
	v22 =	vmul.f32 v46, v26;
	v49 =	vshll.u32 v28, $0x10;
	[tilespmem:s15+$0x0] =	vst v3  }
0x2b3: {  	v51 =	vbroadcast v14, $0x1;
	v20 =	vld [tilespmem:s12+$0xFFFFFF80];
	v11 =	vmul.f32 v49, v47;
	[tilespmem:s16+$0xB0] =	vst v24;
	v52 =	vshll.u32 v44, $0x10  }
0x2b4: {  	v55 =	vbroadcast v8, $0x4;
	[tilespmem:s16+$0xA0] =	vst v22;
	v23 =	vand.u32 $0xFFFF0000, v44;
	v25 =	vmul.f32 v52, v50  }
0x2b5: {  	v58 =	vbroadcast v8, $0x5;
	v57 =	vshll.u32 v27, $0x10;
	v56 =	vmul.f32 v23, v51;
	[tilespmem:s22+$0x80] =	vst v11  }
0x2b6: {  	v60 =	vand.u32 $0xFFFF0000, v27;
	v11 =	vmul.f32 v57, v55;
	[tilespmem:s22+$0xFFFFFF00] =	vst v25  }
0x2b7: {  	v53 =	vld [tilespmem:s5+$0x0];
	v29 =	vshll.u32 v54, $0x10;
	v8 =	vmul.f32 v60, v58;
	[tilespmem:s22+$0xFFFFFF10] =	vst v56  }
0x2b8: {  	v48 =	vand.u32 $0xFFFF0000, v20;
	v21 =	vmul.f32 v29, v21;
	[tilespmem:s16+$0xFFFFFFC0] =	vst v11  }
0x2b9: {  	v63 =	vbroadcast v13, $0x1;
	v20 =	vshll.u32 v20, $0x10;
	v61 =	vld [tilespmem:s12+$0x70];
	v19 =	vmul.f32 v48, v19;
	[tilespmem:s16+$0xFFFFFFD0] =	vst v8  }
0x2ba: {  	v32 =	vbroadcast v16, $0x1;
	v22 =	vand.u32 $0xFFFF0000, v54;
	v9 =	vmul.f32 v20, v9;
	[tilespmem:s22+$0xFFFFFF80] =	vst v21  }
0x2bb: {  	v35 =	vand.u32 $0xFFFF0000, v28;
	v59 =	vbroadcast v3, $0x0;
	v11 =	vmul.f32 v22, v63;
	[tilespmem:s16+$0xFFFFFF50] =	vst v19;
	v31 =	vld [tilespmem:s5+$0xFFFFFF70]  }
0x2bc: {  	v30 =	vbroadcast v3, $0x1;
	v8 =	vmul.f32 v35, v32;
	[tilespmem:s16+$0xFFFFFF40] =	vst v9;
	v36 =	vld [tilespmem:s12+$0xFFFFFFE0];
	v62 =	vshll.u32 v53, $0x10  }
0x2bd: {  	v34 =	vbroadcast v0, $0x4;
	v33 =	vand.u32 $0xFFFF0000, v53;
	[tilespmem:s22+$0xFFFFFF90] =	vst v11;
	v20 =	vmul.f32 v62, v59  }
0x2be: {  	[tilespmem:s22+$0x90] =	vst v8;
	v9 =	vmul.f32 v33, v30;
	v37 =	vshll.u32 v61, $0x10  }
0x2bf: {  	v38 =	vbroadcast v14, $0x2;
	v53 =	vld [tilespmem:s12+$0x30];
	v19 =	vand.u32 $0xFFFF0000, v61;
	v39 =	vmul.f32 v37, v34;
	[tilespmem:s22+$0x0] =	vst v20  }
0x2c0: {  	v6 =	vmul.f32 v19, v6;
	v20 =	vld [tilespmem:s12+$0xFFFFFF90];
	[tilespmem:s22+$0x10] =	vst v9;
	v41 =	vshll.u32 v31, $0x10  }
0x2c1: {  	v44 =	vbroadcast v14, $0x3;
	[tilespmem:s16+$0xC0] =	vst v39;
	v43 =	vld [tilespmem:s5+$0x10];
	v45 =	vand.u32 $0xFFFF0000, v36;
	v8 =	vmul.f32 v41, v38  }
0x2c2: {  	[tilespmem:s16+$0xD0] =	vst v6;
	v47 =	vand.u32 $0xFFFF0000, v31;
	v2 =	vmul.f32 v45, v2  }
0x2c3: {  	v4 =	vbroadcast v4, $0x6;
	v40 =	vld [tilespmem:s5+$0xFFFFFFC0];
	v21 =	vshll.u32 v36, $0x10;
	v6 =	vmul.f32 v47, v44;
	[tilespmem:s22+$0xFFFFFF20] =	vst v8  }
0x2c4: {  	v7 =	vbroadcast v7, $0x7;
	v15 =	vmul.f32 v21, v15;
	v63 =	vshll.u32 v53, $0x10;
	[tilespmem:s16+$0xFFFFFFF0] =	vst v2  }
0x2c5: {  	v52 =	vbroadcast v3, $0x3;
	v50 =	vld [tilespmem:s5+$0x60];
	v4 =	vmul.f32 v63, v4;
	[tilespmem:s22+$0xFFFFFF30] =	vst v6;
	v42 =	vand.u32 $0xFFFF0000, v20  }
0x2c6: {  	v54 =	vbroadcast v3, $0x2;
	[tilespmem:s16+$0xFFFFFFE0] =	vst v15;
	v7 =	vmul.f32 v42, v7;
	v55 =	vand.u32 $0xFFFF0000, v43  }
0x2c7: {  	v48 =	vbroadcast v13, $0x3;
	[tilespmem:s16+$0x60] =	vst v4;
	v56 =	vshll.u32 v43, $0x10;
	v8 =	vmul.f32 v55, v52  }
0x2c8: {  	v46 =	vbroadcast v13, $0x2;
	v31 =	vld [tilespmem:s12+$0x80];
	v51 =	vand.u32 $0xFFFF0000, v40;
	v6 =	vmul.f32 v56, v54;
	[tilespmem:s16+$0xFFFFFF70] =	vst v7  }
0x2c9: {  	v57 =	vbroadcast v16, $0x3;
	v49 =	vshll.u32 v40, $0x10;
	v2 =	vmul.f32 v51, v48;
	v58 =	vld [tilespmem:s5+$0xFFFFFF80];
	[tilespmem:s22+$0x30] =	vst v8  }
0x2ca: {  	v59 =	vbroadcast v16, $0x2;
	v61 =	vand.u32 $0xFFFF0000, v50;
	v7 =	vmul.f32 v49, v46;
	[tilespmem:s22+$0x20] =	vst v6  }
0x2cb: {  	v62 =	vshll.u32 v50, $0x10;
	v11 =	vmul.f32 v61, v57;
	[tilespmem:s22+$0xFFFFFFB0] =	vst v2;
	v23 =	vld [tilespmem:s5+$0x20]  }
0x2cc: {  	v22 =	vand.u32 $0xFFFF0000, v53;
	v45 =	vbroadcast v0, $0x7;
	v2 =	vmul.f32 v62, v59;
	[tilespmem:s22+$0xFFFFFFA0] =	vst v7  }
0x2cd: {  	v21 =	vbroadcast v14, $0x5;
	v5 =	vmul.f32 v22, v5;
	[tilespmem:s22+$0xB0] =	vst v11;
	v48 =	vand.u32 $0xFFFF0000, v31;
	v60 =	vld [tilespmem:s5+$0xFFFFFFD0]  }
0x2ce: {  	v42 =	vbroadcast v0, $0x6;
	[tilespmem:s22+$0xA0] =	vst v2;
	v0 =	vmul.f32 v48, v45;
	v24 =	vand.u32 $0xFFFF0000, v58  }
0x2cf: {  	v32 =	vbroadcast v3, $0x5;
	[tilespmem:s16+$0x70] =	vst v5;
	v27 =	vld [tilespmem:s5+$0x70];
	v29 =	vshll.u32 v58, $0x10;
	v26 =	vmul.f32 v24, v21  }
0x2d0: {  	v34 =	vbroadcast v3, $0x4;
	[tilespmem:s16+$0xF0] =	vst v0;
	v5 =	vmul.f32 v29, v18;
	v35 =	vand.u32 $0xFFFF0000, v23  }
0x2d1: {  	v25 =	vbroadcast v13, $0x4;
	[tilespmem:s22+$0xFFFFFF50] =	vst v26;
	v37 =	vshll.u32 v23, $0x10;
	v38 =	vmul.f32 v35, v32  }
0x2d2: {  	v30 =	vbroadcast v13, $0x5;
	[tilespmem:s22+$0xFFFFFF40] =	vst v5;
	v28 =	vshll.u32 v60, $0x10;
	v39 =	vmul.f32 v37, v34  }
0x2d3: {  	v40 =	vld [tilespmem:s5+$0xFFFFFF90];
	v33 =	vand.u32 $0xFFFF0000, v60;
	v6 =	vmul.f32 v28, v25;
	[tilespmem:s22+$0x50] =	vst v38  }
0x2d4: {  	v36 =	vbroadcast v16, $0x4;
	v4 =	vand.u32 $0xFFFF0000, v27;
	v2 =	vmul.f32 v33, v30;
	[tilespmem:s22+$0x40] =	vst v39  }
0x2d5: {  	v41 =	vshll.u32 v27, $0x10;
	v4 =	vmul.f32 v4, v12;
	[tilespmem:s22+$0xFFFFFFC0] =	vst v6;
	v47 =	vld [tilespmem:s5+$0x30]  }
0x2d6: {  	v46 =	vshll.u32 v20, $0x10;
	[tilespmem:s22+$0xFFFFFFD0] =	vst v2;
	v6 =	vmul.f32 v41, v36  }
0x2d7: {  	v44 =	vshll.u32 v31, $0x10;
	v49 =	vbroadcast v14, $0x7;
	v1 =	vmul.f32 v46, v1;
	[tilespmem:s22+$0xD0] =	vst v4;
	v43 =	vld [tilespmem:s5+$0xFFFFFFE0]  }
0x2d8: {  	v7 =	vmul.f32 v44, v42;
	v50 =	vand.u32 $0xFFFF0000, v40;
	[tilespmem:s22+$0xC0] =	vst v6  }
0x2d9: {  	v54 =	vbroadcast v3, $0x6;
	[tilespmem:s16+$0xFFFFFF60] =	vst v1;
	v2 =	vshll.u32 v40, $0x10;
	v4 =	vmul.f32 v50, v49;
	v51 =	vld [tilespmem:s5+$0x80]  }
0x2da: {  	v3 =	vbroadcast v3, $0x7;
	[tilespmem:s16+$0xE0] =	vst v7;
	v2 =	vmul.f32 v2, v17;
	v56 =	vshll.u32 v47, $0x10  }
0x2db: {  	v52 =	vbroadcast v13, $0x6;
	[tilespmem:s22+$0xFFFFFF70] =	vst v4;
	v58 =	vand.u32 $0xFFFF0000, v47;
	v59 =	vmul.f32 v56, v54  }
0x2dc: {  	[tilespmem:s22+$0xFFFFFF60] =	vst v2;
	v55 =	vshll.u32 v43, $0x10;
	v3 =	vmul.f32 v58, v3  }
0x2dd: {  	v57 =	vbroadcast v16, $0x6;
	v53 =	vand.u32 $0xFFFF0000, v43;
	v0 =	vmul.f32 v55, v52;
	[tilespmem:s22+$0x60] =	vst v59  }
0x2de: {  	v61 =	vbroadcast v16, $0x7;
	v1 =	vmul.f32 v53, v10;
	v60 =	vshll.u32 v51, $0x10;
	[tilespmem:s22+$0x70] =	vst v3  }
0x2df: {  	s30 =	sadd.s32 $0x1, s30;
	v62 =	vand.u32 $0xFFFF0000, v51;
	[tilespmem:s22+$0xFFFFFFE0] =	vst v0;
	v0 =	vmul.f32 v60, v57  }
0x2e0: {  	p2 =	sne.s32 s30, $0x37;
	[tilespmem:s22+$0xFFFFFFF0] =	vst v1;
	v63 =	vmul.f32 v62, v61  }
.Ltmp3:
0x2e1: {  	[tilespmem:s22+$0xE0] =	vst v0;
	(pc) =	sbr.rel @p2 .LBB2_4-.Ltmp3, $4  }
0x2e2: {  	[tilespmem:s22+$0xF0] =	vst v63  }
0x2e3: {  	[spmem:s3] =	stream.indirect.scatter.add.f32 [tilespmem:s14], [sflag:$0x5], $0x10, s31, s11, $0xb8;
	[tilespmem:$0x1FC98] =	vst v63  }
0x2e4: {  	s29 =	simm.s32 $0x44C0  }
0x2e5: {  	[spmem:s2] =	stream.indirect.scatter.add.f32 [tilespmem:s29], [sflag:$0x5], $0x80, s31, s11, $0xb8;
	[tilespmem:$0x1FC98] =	vst v63  }
0x2e6: {  	_ =	swait.ge [sflag:s24], $0x580  }
0x2e7: {  	[sflag:s24] =	ssyncset.done $0x0  }
0x2e8: {  	[sflag:s24] =	ssyncadd.s32 $0xFFFFFA80  }
0x2e9: {  	_ =	swait.ge [sflag:s24], $0x1B80  }
0x2ea: {  	[sflag:s24] =	ssyncset.done $0x0  }
0x2eb: {  	[sflag:s24] =	ssyncadd.s32 $0xFFFFE480  }
0x2ec: {  	_ =	swait.ge [sflag:s25], $0x580  }
0x2ed: {  	[sflag:s25] =	ssyncset.done $0x0  }
0x2ee: {  	[sflag:s25] =	ssyncadd.s32 $0xFFFFFA80  }
0x2ef: {  	_ =	swait.ge [sflag:s25], $0x2C00  }
0x2f0: {  	[sflag:s25] =	ssyncset.done $0x0  }
0x2f1: {  	[sflag:s25] =	ssyncadd.s32 $0xFFFFD400  }
0x2f2: {  	_ =	swait.ge [sflag:s13], $0x58  }
0x2f3: {  	[sflag:s13] =	ssyncset.done $0x0  }
0x2f4: {  	[sflag:s13] =	ssyncadd.s32 $0xFFFFFFA8  }
0x2f5: {  	_ =	swait.ge [sflag:s13], $0x58  }
0x2f6: {  	[sflag:s13] =	ssyncset.done $0x0  }
0x2f7: {  	s28 =	simm.s32 $0x160;
	[sflag:s13] =	ssyncadd.s32 $0xFFFFFFA8  }
0x2f8: {  	[tilespmem:s14], [sflag:$0x3] =	stream.indirect.gather [hbm4b:s1+s11], $0x10, s28, s11, $0xb8;
	[tilespmem:$0x1FC98] =	vst v63  }
0x2f9: {  	s5 =	simm.s32 $0x2C0;
	s31 =	simm.s32 $0x3F70  }
0x2fa: {  	[tilespmem:s5], [sflag:$0x3] =	stream.indirect.gather [hbm4b:s21+s11], $0x50, s4, s11, $0xb8;
	[tilespmem:$0x1FC98] =	vst v63  }
0x2fb: {  	s22 =	simm.s32 $0x1F70;
	v0 =	vld [tilespmem:s31+$0xFFFFFFE0]  }
0x2fc: {  	v1 =	vld [tilespmem:s22+$0xFFFFFF60]  }
0x2fd: {  	v2 =	vld [tilespmem:s22+$0x0]  }
0x2fe: {  	v3 =	vld [tilespmem:s31+$0x0];
	_ =	sdelay $0x1  }
0x2ff: {  	v4 =	vld [tilespmem:s22+$0xFFFFFF10]  }
0x300: {  	v5 =	vld [tilespmem:s31+$0xFFFFFFD0]  }
0x301: {  	v0 =	vadd.f32 v0, v1  }
0x302: {  	v6 =	vld [tilespmem:s22+$0xFFFFFFB0];
	v1 =	vadd.f32 v3, v2  }
0x303: {  	v2 =	vld [tilespmem:s31+$0xFFFFFFF0];
	v3 =	vmul.f32 $9.999999770e-03, v0  }
0x304: {  	vm0 =	vlt.f32 v0, $0.0e+00;
	v7 =	vmul.f32 $9.999999770e-03, v1  }
0x305: {  	v4 =	vadd.f32 v5, v4;
	vm5 =	vlt.f32 v1, $0.0e+00;
	v0 =	vsel vm0, v3, v0  }
0x306: {  	v1 =	vsel vm5, v7, v1;
	v0 =	vmul.f32 $1.442695020e+00, v0  }
0x307: {  	v3 =	vmul.f32 $9.999999770e-03, v4;
	v1 =	vmul.f32 $1.442695020e+00, v1  }
0x308: {  	vm6 =	vlt.f32 v4, $0.0e+00;
	v2 =	vadd.f32 v2, v6;
	(erf) = vpow2.f32 v0  }
0x309: {  	s12 =	simm.s32 $0x20B0;
	v0 =	vsel vm6, v3, v4;
	(erf) = vpow2.f32 v1  }
0x30a: {  	s16 =	simm.s32 $0x3FB0;
	v17 =	vld [tilespmem:s12+$0x0];
	v0 =	vmul.f32 $1.442695020e+00, v0;
	v1 =	vmul.f32 $9.999999770e-03, v2  }
0x30b: {  	v20 =	vld [tilespmem:s16+$0x0];
	vm7 =	vlt.f32 v2, $0.0e+00  }
0x30c: {  	v7 =	vld [tilespmem:s12+$0xFFFFFF60];
	(erf) = vpow2.f32 v0;
	v0 =	vsel vm7, v1, v2  }
0x30d: {  	v1 =	vld [tilespmem:s16+$0xFFFFFFE0];
	v0 =	vmul.f32 $1.442695020e+00, v0;
	_ =	sdelay $0x1  }
0x30e: {  	(erf) = vpow2.f32 v0  }
0x30f: {  	v21 =	vld [tilespmem:s16+$0xFFFFFFD0];
	v17 =	vadd.f32 v20, v17  }
0x310: {  	v2 =	vld [tilespmem:s12+$0xFFFFFF10];
	v15 =	vpop (erf)  }
0x311: {  	v26 =	vmul.f32 $9.999999770e-03, v17;
	v1 =	vadd.f32 v1, v7;
	v5 =	vpop (erf)  }
0x312: {  	vm9 =	vlt.f32 v17, $0.0e+00;
	v10 =	vbroadcast v15, $0x7;
	v6 =	vbroadcast v15, $0x0;
	[tilespmem:s31+$0x0] =	vst v5  }
0x313: {  	v17 =	vsel vm9, v26, v17;
	v20 =	vmul.f32 $9.999999770e-03, v1;
	v26 =	vbroadcast v15, $0x3;
	v0 =	vld [tilespmem:s22+$0xFFFFFFC0]  }
0x314: {  	v42 =	vbroadcast v15, $0x5;
	v13 =	vbroadcast v5, $0x5;
	v14 =	vpop (erf)  }
0x315: {  	v2 =	vadd.f32 v21, v2;
	v8 =	vbroadcast v5, $0x1;
	v9 =	vbroadcast v5, $0x0;
	[tilespmem:s31+$0xFFFFFFD0] =	vst v14  }
0x316: {  	vm8 =	vlt.f32 v1, $0.0e+00;
	v28 =	vbroadcast v5, $0x2;
	v31 =	vbroadcast v5, $0x4;
	v4 =	vld [tilespmem:s22+$0xFFFFFED0]  }
0x317: {  	[tilespmem:s31+$0xFFFFFFE0] =	vst v15;
	v1 =	vsel vm8, v20, v1;
	v16 =	vbroadcast v14, $0x4;
	v3 =	vbroadcast v14, $0x6;
	v11 =	vpop (erf)  }
0x318: {  	v21 =	vld [tilespmem:s22+$0xFFFFFF20];
	v1 =	vmul.f32 $1.442695020e+00, v1;
	[tilespmem:s31+$0xFFFFFFF0] =	vst v11;
	v19 =	vshll.u32 v0, $0x10;
	v0 =	vand.u32 $0xFFFF0000, v0  }
0x319: {  	v18 =	vbroadcast v14, $0x1;
	v22 =	vmul.f32 v0, v8;
	v8 =	vld [tilespmem:s22+$0xFFFFFF70]  }
0x31a: {  	(erf) = vpow2.f32 v1;
	v0 =	vbroadcast v14, $0x0  }
0x31b: {  	v12 =	vbroadcast v11, $0x7;
	v23 =	vbroadcast v11, $0x1;
	v25 =	vshll.u32 v4, $0x10  }
0x31c: {  	v24 =	vbroadcast v11, $0x0;
	v4 =	vand.u32 $0xFFFF0000, v4;
	v0 =	vmul.f32 v25, v0  }
0x31d: {  	s9 =	simm.s32 $0x72B0;
	v7 =	vbroadcast v11, $0x3;
	v1 =	vshll.u32 v21, $0x10;
	v4 =	vmul.f32 v4, v18  }
0x31e: {  	v27 =	vld [tilespmem:s16+$0xFFFFFFF0];
	v1 =	vmul.f32 v1, v6;
	v9 =	vmul.f32 v19, v9;
	[tilespmem:s9+$0xFFFFFE10] =	vst v0;
	v25 =	vshll.u32 v8, $0x10  }
0x31f: {  	v20 =	vld [tilespmem:s12+$0xFFFFFFB0];
	v0 =	vmul.f32 $9.999999770e-03, v2;
	[tilespmem:s9+$0xFFFFFE20] =	vst v4;
	v4 =	vand.u32 $0xFFFF0000, v8;
	v8 =	vmul.f32 v25, v24  }
0x320: {  	vm10 =	vlt.f32 v2, $0.0e+00;
	v19 =	vbroadcast v11, $0x4;
	v4 =	vmul.f32 v4, v23  }
0x321: {  	v18 =	vbroadcast v15, $0x1;
	v0 =	vsel vm10, v0, v2;
	v2 =	vmul.f32 $1.442695020e+00, v17;
	[tilespmem:s9+$0xFFFFFF10] =	vst v8  }
0x322: {  	v24 =	vld [tilespmem:s22+$0xFFFFFEE0];
	v23 =	vbroadcast v14, $0x2;
	v25 =	vbroadcast v11, $0x5;
	[tilespmem:s9+$0xFFFFFF20] =	vst v4  }
0x323: {  	v0 =	vmul.f32 $1.442695020e+00, v0;
	v4 =	vand.u32 $0xFFFF0000, v21;
	(erf) = vpow2.f32 v2;
	v8 =	vld [tilespmem:s22+$0xFFFFFF80]  }
0x324: {  	v2 =	vadd.f32 v27, v20;
	v20 =	vbroadcast v14, $0x3;
	v4 =	vmul.f32 v4, v18  }
0x325: {  	[tilespmem:s9+$0xFFFFFE90] =	vst v1;
	v27 =	vbroadcast v5, $0x3;
	(erf) = vpow2.f32 v0  }
0x326: {  	v0 =	vbroadcast v11, $0x2;
	v1 =	vmul.f32 $9.999999770e-03, v2;
	[tilespmem:s9+$0xFFFFFEA0] =	vst v4  }
0x327: {  	v18 =	vbroadcast v15, $0x2;
	vm11 =	vlt.f32 v2, $0.0e+00;
	v6 =	vshll.u32 v24, $0x10;
	v21 =	vld [tilespmem:s22+$0xFFFFFF30]  }
0x328: {  	v17 =	vmul.f32 v6, v23;
	v1 =	vsel vm11, v1, v2;
	v4 =	vand.u32 $0xFFFF0000, v8  }
0x329: {  	v1 =	vmul.f32 $1.442695020e+00, v1;
	v2 =	vshll.u32 v8, $0x10;
	v4 =	vmul.f32 v4, v7  }
0x32a: {  	[tilespmem:s9+$0xFFFFFFA0] =	vst v22;
	v23 =	vbroadcast v14, $0x5;
	v2 =	vmul.f32 v2, v0  }
0x32b: {  	v14 =	vbroadcast v14, $0x7;
	v8 =	vpop (erf);
	(erf) = vpow2.f32 v1;
	[tilespmem:s9+$0xFFFFFF40] =	vst v4  }
0x32c: {  	v22 =	vbroadcast v8, $0x0;
	v0 =	vpop (erf);
	[tilespmem:s9+$0xFFFFFF30] =	vst v2;
	v2 =	vbroadcast v8, $0x7;
	v4 =	vshll.u32 v21, $0x10  }
0x32d: {  	v21 =	vand.u32 $0xFFFF0000, v21;
	v6 =	vbroadcast v0, $0x5;
	v4 =	vmul.f32 v4, v18  }
0x32e: {  	v7 =	vpop (erf);
	v26 =	vmul.f32 v21, v26;
	v33 =	vbroadcast v0, $0x1  }
0x32f: {  	[tilespmem:s9+$0xFFFFFF90] =	vst v9;
	v29 =	vld [tilespmem:s22+$0xFFFFFF90];
	v18 =	vand.u32 $0xFFFF0000, v24;
	v9 =	vbroadcast v7, $0x4;
	v1 =	vbroadcast v7, $0x6  }
0x330: {  	v24 =	vld [tilespmem:s22+$0xFFFFFFD0];
	v21 =	vmul.f32 v18, v20;
	v18 =	vbroadcast v15, $0x6  }
0x331: {  	[tilespmem:s16+$0x0] =	vst v0;
	v20 =	vbroadcast v5, $0x7;
	v36 =	vbroadcast v7, $0x1  }
0x332: {  	[tilespmem:s9+$0xFFFFFE30] =	vst v17;
	v30 =	vld [tilespmem:s12+$0xFFFFFFC0];
	v44 =	vbroadcast v7, $0x0;
	v15 =	vbroadcast v15, $0x4  }
0x333: {  	s15 =	simm.s32 $0x3FF0;
	[tilespmem:s16+$0xFFFFFFD0] =	vst v7;
	v52 =	vbroadcast v7, $0x2;
	v61 =	vbroadcast v7, $0x3  }
0x334: {  	s5 =	simm.s32 $0x21F0;
	v32 =	vld [tilespmem:s15+$0xFFFFFFE0];
	[tilespmem:s9+$0xFFFFFE40] =	vst v21;
	v21 =	vbroadcast v11, $0x6;
	v11 =	vbroadcast v0, $0x0;
	v17 =	vshll.u32 v29, $0x10  }
0x335: {  	v35 =	vld [tilespmem:s5+$0xFFFFFF10];
	[tilespmem:s9+$0xFFFFFEC0] =	vst v26;
	v29 =	vand.u32 $0xFFFF0000, v29;
	v26 =	vshll.u32 v24, $0x10;
	v19 =	vmul.f32 v17, v19  }
0x336: {  	[tilespmem:s9+$0xFFFFFEB0] =	vst v4;
	v39 =	vld [tilespmem:s12+$0xFFFFFED0];
	v24 =	vand.u32 $0xFFFF0000, v24;
	v17 =	vbroadcast v5, $0x6;
	v25 =	vmul.f32 v29, v25  }
0x337: {  	v38 =	vld [tilespmem:s22+$0xFFFFFF40];
	v4 =	vpop (erf);
	v37 =	vshll.u32 v30, $0x10;
	v26 =	vmul.f32 v26, v28;
	v24 =	vmul.f32 v24, v27  }
0x338: {  	v43 =	vld [tilespmem:s15+$0xFFFFFFD0];
	v30 =	vand.u32 $0xFFFF0000, v30;
	v5 =	vbroadcast v4, $0x7;
	v37 =	vmul.f32 v37, v11  }
0x339: {  	v34 =	vld [tilespmem:s22+$0xFFFFFEF0];
	v11 =	vbroadcast v4, $0x4;
	v30 =	vmul.f32 v30, v33  }
0x33a: {  	v62 =	vld [tilespmem:s5+$0x0];
	[tilespmem:s16+$0xFFFFFFE0] =	vst v8;
	v28 =	vbroadcast v4, $0x1;
	v41 =	vbroadcast v4, $0x0  }
0x33b: {  	v63 =	vld [tilespmem:s12+$0xFFFFFF20];
	v47 =	vshll.u32 v39, $0x10;
	v39 =	vand.u32 $0xFFFF0000, v39;
	v49 =	vbroadcast v4, $0x3;
	[tilespmem:s9+$0xFFFFFF60] =	vst v25  }
0x33c: {  	v29 =	vld [tilespmem:s5+$0xFFFFFF60];
	v50 =	vbroadcast v4, $0x2;
	v25 =	vmul.f32 v39, v36;
	v51 =	vand.u32 $0xFFFF0000, v38;
	[tilespmem:s9+$0xFFFFFF50] =	vst v19  }
0x33d: {  	v27 =	vld [tilespmem:s15+$0x0];
	v19 =	vbroadcast v8, $0x1;
	v38 =	vshll.u32 v38, $0x10;
	[tilespmem:s9+$0xFFFFFFC0] =	vst v24;
	v24 =	vadd.f32 v43, v35  }
0x33e: {  	[tilespmem:s16+$0xFFFFFFF0] =	vst v4;
	s16 =	simm.s32 $0x74B0;
	v40 =	vshll.u32 v34, $0x10;
	v15 =	vmul.f32 v38, v15;
	v39 =	vmul.f32 v51, v42  }
0x33f: {  	v48 =	vld [tilespmem:s12+$0xFFFFFF70];
	v34 =	vand.u32 $0xFFFF0000, v34;
	[tilespmem:s16+$0xFFFFFFA0] =	vst v30;
	v30 =	vbroadcast v8, $0x3;
	v16 =	vmul.f32 v40, v16  }
0x340: {  	v23 =	vmul.f32 v34, v23;
	v34 =	vmul.f32 v47, v44  }
0x341: {  	v55 =	vmul.f32 $9.999999770e-03, v24;
	[tilespmem:s16+$0xFFFFFE20] =	vst v25;
	vm12 =	vlt.f32 v24, $0.0e+00;
	v25 =	vand.u32 $0xFFFF0000, v63  }
0x342: {  	[tilespmem:s9+$0xFFFFFFB0] =	vst v26;
	v29 =	vadd.f32 v32, v29;
	v26 =	vadd.f32 v27, v62;
	v27 =	vshll.u32 v63, $0x10  }
0x343: {  	v54 =	vld [tilespmem:s22+$0xFFFFFFE0];
	v25 =	vmul.f32 v25, v19;
	v19 =	vbroadcast v7, $0x5;
	[tilespmem:s9+$0xFFFFFE60] =	vst v23;
	v23 =	vsel vm12, v55, v24  }
0x344: {  	v56 =	vld [tilespmem:s15+$0xFFFFFFF0];
	v22 =	vmul.f32 v27, v22;
	v53 =	vshll.u32 v48, $0x10;
	v32 =	vand.u32 $0xFFFF0000, v48  }
0x345: {  	v59 =	vld [tilespmem:s22+$0xFFFFFFA0];
	[tilespmem:s16+$0xFFFFFE10] =	vst v34;
	v24 =	vmul.f32 $9.999999770e-03, v29;
	v23 =	vmul.f32 $1.442695020e+00, v23;
	vm13 =	vlt.f32 v29, $0.0e+00  }
0x346: {  	v27 =	vld [tilespmem:s5+$0xFFFFFFB0];
	v58 =	vmul.f32 $9.999999770e-03, v26;
	vm14 =	vlt.f32 v26, $0.0e+00;
	[tilespmem:s16+$0xFFFFFEA0] =	vst v25;
	v25 =	vbroadcast v0, $0x3  }
0x347: {  	[tilespmem:s9+$0xFFFFFED0] =	vst v15;
	v57 =	vld [tilespmem:s12+$0xFFFFFEE0];
	v33 =	vmul.f32 v53, v41;
	v15 =	vmul.f32 v32, v28;
	v24 =	vsel vm13, v24, v29  }
0x348: {  	[tilespmem:s9+$0xFFFFFE50] =	vst v16;
	v26 =	vsel vm14, v58, v26;
	v29 =	vand.u32 $0xFFFF0000, v54;
	v16 =	vmul.f32 $1.442695020e+00, v24  }
0x349: {  	[tilespmem:s9+$0xFFFFFEE0] =	vst v39;
	v28 =	vld [tilespmem:s22+$0xFFFFFF00];
	v24 =	vshll.u32 v54, $0x10;
	v26 =	vmul.f32 $1.442695020e+00, v26;
	v13 =	vmul.f32 v29, v13  }
0x34a: {  	[tilespmem:s16+$0xFFFFFF10] =	vst v33;
	v29 =	vbroadcast v8, $0x2;
	v24 =	vmul.f32 v24, v31;
	v31 =	vld [tilespmem:s22+$0xFFFFFF50]  }
0x34b: {  	[tilespmem:s16+$0xFFFFFF20] =	vst v15;
	v15 =	vadd.f32 v56, v27;
	v27 =	vshll.u32 v59, $0x10;
	(erf) = vpow2.f32 v16  }
0x34c: {  	[tilespmem:s16+$0xFFFFFE90] =	vst v22;
	v22 =	vld [tilespmem:s12+$0xFFFFFF80];
	v60 =	vshll.u32 v57, $0x10;
	v21 =	vmul.f32 v27, v21;
	v63 =	vand.u32 $0xFFFF0000, v57  }
0x34d: {  	[tilespmem:s9+$0xFFFFFFE0] =	vst v13;
	v16 =	vmul.f32 v60, v52;
	(erf) = vpow2.f32 v26;
	vm15 =	vlt.f32 v15, $0.0e+00  }
0x34e: {  	[tilespmem:s9+$0xFFFFFFD0] =	vst v24;
	v24 =	vbroadcast v4, $0x5;
	(erf) = vpow2.f32 v23;
	v23 =	vand.u32 $0xFFFF0000, v28  }
0x34f: {  	v26 =	vmul.f32 $9.999999770e-03, v15;
	[tilespmem:s9+$0xFFFFFF70] =	vst v21;
	v14 =	vmul.f32 v23, v14;
	v23 =	vld [tilespmem:s22+$0xFFFFFFF0];
	v13 =	vand.u32 $0xFFFF0000, v31  }
0x350: {  	v33 =	vmul.f32 v63, v61;
	[tilespmem:s16+$0xFFFFFE30] =	vst v16;
	v31 =	vshll.u32 v31, $0x10;
	v10 =	vmul.f32 v13, v10  }
0x351: {  	v13 =	vand.u32 $0xFFFF0000, v22;
	v16 =	vmul.f32 v31, v18;
	v31 =	vld [tilespmem:s12+$0xFFFFFF30];
	[tilespmem:s9+$0xFFFFFE80] =	vst v14;
	v14 =	vsel vm15, v26, v15  }
0x352: {  	v18 =	vshll.u32 v22, $0x10;
	v15 =	vmul.f32 v13, v49;
	v14 =	vmul.f32 $1.442695020e+00, v14;
	[tilespmem:s9+$0xFFFFFF00] =	vst v10  }
0x353: {  	v26 =	vbroadcast v0, $0x2;
	v22 =	vand.u32 $0xFFFF0000, v59;
	v18 =	vmul.f32 v18, v50;
	[tilespmem:s9+$0xFFFFFEF0] =	vst v16  }
0x354: {  	v27 =	vshll.u32 v23, $0x10;
	[tilespmem:s16+$0xFFFFFF40] =	vst v15;
	v15 =	vmul.f32 v22, v12;
	v13 =	vpop (erf);
	(erf) = vpow2.f32 v14  }
0x355: {  	v62 =	vand.u32 $0xFFFF0000, v23;
	[tilespmem:s16+$0xFFFFFF30] =	vst v18;
	v27 =	vmul.f32 v27, v17;
	v10 =	vbroadcast v13, $0x7  }
0x356: {  	v22 =	vld [tilespmem:s12+$0xFFFFFF90];
	v16 =	vpop (erf);
	v23 =	vshll.u32 v31, $0x10;
	v21 =	vbroadcast v13, $0x0;
	[tilespmem:s9+$0xFFFFFF80] =	vst v15;
	v15 =	vbroadcast v8, $0x6  }
0x357: {  	[tilespmem:s16+$0xFFFFFF90] =	vst v37;
	v31 =	vand.u32 $0xFFFF0000, v31;
	v12 =	vbroadcast v16, $0x5;
	v23 =	vmul.f32 v23, v29  }
0x358: {  	s20 =	simm.s32 $0x8;
	v14 =	vpop (erf);
	[tilespmem:s15+$0x0] =	vst v16;
	v32 =	vmul.f32 v31, v30;
	v30 =	vld [tilespmem:s12+$0xFFFFFFD0];
	v31 =	vmul.f32 v62, v20  }
0x359: {  	s23 =	simm.s32 $0x2330;
	s26 =	simm.s32 $0x4030;
	s22 =	simm.s32 $0x76B0;
	v29 =	vshll.u32 v28, $0x10;
	[tilespmem:s9+$0xFFFFFFF0] =	vst v27;
	v18 =	vbroadcast v14, $0x4;
	v17 =	vbroadcast v14, $0x6;
	v28 =	vld [tilespmem:s5+$0xFFFFFFC0]  }
.LBB2_10:
0x35a: {  	s20 =	sadd.s32 $0x4, s20;
	v27 =	vbroadcast v0, $0x4;
	v20 =	vbroadcast v0, $0x7  }
0x35b: {  	v35 =	vbroadcast v16, $0x1;
	v29 =	vmul.f32 v29, v3;
	v3 =	vmovc v1;
	v1 =	vmovc v17;
	v34 =	vld [tilespmem:s26+$0xFFFFFFE0];
	p2 =	slt.u32 s20, $0x54;
	[tilespmem:s16+$0xFFFFFE40] =	vst v33;
	v33 =	vshll.u32 v22, $0x10  }
0x35c: {  	v37 =	vand.u32 $0xFFFF0000, v22;
	v36 =	vld [tilespmem:s12+$0xFFFFFEF0];
	[tilespmem:s16+$0xFFFFFEB0] =	vst v23;
	v33 =	vmul.f32 v33, v11;
	v23 =	vbroadcast v4, $0x6  }
0x35d: {  	v22 =	vbroadcast v0, $0x6;
	v11 =	vbroadcast v16, $0x0;
	v38 =	vld [tilespmem:s23+$0xFFFFFF10];
	v4 =	vpop (erf);
	[tilespmem:s16+$0xFFFFFEC0] =	vst v32;
	v32 =	vshll.u32 v30, $0x10  }
0x35e: {  	v39 =	vbroadcast v14, $0x1;
	v0 =	vmovc v16;
	[tilespmem:s15+$0xFFFFFFD0] =	vst v14;
	v17 =	vbroadcast v4, $0x7;
	v40 =	vshll.u32 v28, $0x10;
	v41 =	vld [tilespmem:s12+$0xFFFFFF40]  }
0x35f: {  	v24 =	vmul.f32 v37, v24;
	v28 =	vand.u32 $0xFFFF0000, v28;
	v16 =	vld [tilespmem:s5+$0xFFFFFED0];
	v40 =	vmul.f32 v40, v11;
	[tilespmem:s9+$0xFFFFFE70] =	vst v29  }
0x360: {  	v30 =	vand.u32 $0xFFFF0000, v30;
	v11 =	vbroadcast v4, $0x4;
	v28 =	vmul.f32 v28, v35;
	v29 =	vld [tilespmem:s23+$0xFFFFFF60];
	[tilespmem:s9+$0x0] =	vst v31;
	s9 =	smov.u32 s16;
	s16 =	smov.u32 s22  }
0x361: {  	v26 =	vmul.f32 v32, v26;
	v25 =	vmul.f32 v30, v25;
	v31 =	vld [tilespmem:s23+$0x0];
	[tilespmem:s15+$0xFFFFFFE0] =	vst v13;
	v35 =	vshll.u32 v36, $0x10  }
0x362: {  	v32 =	vbroadcast v4, $0x1;
	v36 =	vand.u32 $0xFFFF0000, v36;
	v30 =	vld [tilespmem:s26+$0x0];
	v35 =	vmul.f32 v35, v9;
	[tilespmem:s9+$0xFFFFFF60] =	vst v24;
	v9 =	vmovc v18  }
0x363: {  	v37 =	vbroadcast v8, $0x5;
	v24 =	vbroadcast v4, $0x0;
	v18 =	vld [tilespmem:s5+$0xFFFFFF20];
	[tilespmem:s9+$0xFFFFFF50] =	vst v33  }
0x364: {  	v42 =	vbroadcast v14, $0x0;
	v43 =	vbroadcast v8, $0x4;
	v8 =	vmov v13;
	v33 =	vld [tilespmem:s26+$0xFFFFFFD0];
	[tilespmem:s15+$0xFFFFFFF0] =	vst v4;
	s15 =	smov.u32 s26  }
0x365: {  	v19 =	vmul.f32 v36, v19;
	v13 =	vshll.u32 v16, $0x10;
	v16 =	vand.u32 $0xFFFF0000, v16;
	v44 =	vld [tilespmem:s5+$0xFFFFFF70];
	[tilespmem:s9+$0xFFFFFFC0] =	vst v25  }
0x366: {  	v25 =	vadd.f32 v34, v29;
	v13 =	vmul.f32 v13, v42;
	v34 =	vbroadcast v4, $0x3;
	v36 =	vld [tilespmem:s12+$0xFFFFFFA0];
	[tilespmem:s9+$0xFFFFFFB0] =	vst v26  }
0x367: {  	v16 =	vmul.f32 v16, v39;
	v39 =	vbroadcast v4, $0x2;
	[tilespmem:s9+$0xFFFFFE60] =	vst v19;
	v19 =	vand.u32 $0xFFFF0000, v41;
	v26 =	vld [tilespmem:s12+$0xFFFFFFE0]  }
0x368: {  	v42 =	vbroadcast v8, $0x1;
	v41 =	vshll.u32 v41, $0x10;
	v29 =	vld [tilespmem:s26+$0xFFFFFFF0];
	[tilespmem:s22+$0xFFFFFF90] =	vst v40;
	v40 =	vbroadcast v7, $0x7;
	v7 =	vmovc v14  }
0x369: {  	v14 =	vadd.f32 v33, v38;
	[tilespmem:s22+$0xFFFFFE10] =	vst v13;
	v13 =	vbroadcast v7, $0x2;
	v33 =	vmul.f32 v41, v43  }
0x36a: {  	v30 =	vadd.f32 v30, v31;
	[tilespmem:s22+$0xFFFFFE20] =	vst v16;
	v16 =	vshll.u32 v18, $0x10;
	v31 =	vshll.u32 v44, $0x10  }
0x36b: {  	v19 =	vmul.f32 v19, v37;
	v41 =	vand.u32 $0xFFFF0000, v44;
	v38 =	vmul.f32 $9.999999770e-03, v14;
	[tilespmem:s9+$0xFFFFFED0] =	vst v33  }
0x36c: {  	v18 =	vand.u32 $0xFFFF0000, v18;
	vm0 =	vlt.f32 v14, $0.0e+00;
	v24 =	vmul.f32 v31, v24;
	v33 =	vld [tilespmem:s5+$0xFFFFFEE0];
	[tilespmem:s9+$0xFFFFFE50] =	vst v35  }
0x36d: {  	v31 =	vmul.f32 $9.999999770e-03, v25;
	v16 =	vmul.f32 v16, v21;
	v14 =	vsel vm0, v38, v14;
	v35 =	vld [tilespmem:s23+$0xFFFFFFB0];
	[tilespmem:s9+$0xFFFFFEE0] =	vst v19  }
0x36e: {  	vm0 =	vlt.f32 v25, $0.0e+00;
	v19 =	vmul.f32 v41, v32;
	v14 =	vmul.f32 $1.442695020e+00, v14;
	[tilespmem:s22+$0xFFFFFF10] =	vst v24;
	v21 =	vld [tilespmem:s12+$0xFFFFFF00]  }
0x36f: {  	v24 =	vsel vm0, v31, v25;
	v25 =	vmul.f32 $9.999999770e-03, v30;
	v31 =	vand.u32 $0xFFFF0000, v26;
	[tilespmem:s22+$0xFFFFFE90] =	vst v16;
	v16 =	vld [tilespmem:s12+$0xFFFFFF50]  }
0x370: {  	vm0 =	vlt.f32 v30, $0.0e+00;
	v24 =	vmul.f32 $1.442695020e+00, v24;
	[tilespmem:s22+$0xFFFFFF20] =	vst v19;
	v19 =	vshll.u32 v26, $0x10  }
0x371: {  	v25 =	vsel vm0, v25, v30;
	v26 =	vld [tilespmem:s5+$0xFFFFFF80];
	[tilespmem:s22+$0xFFFFFFA0] =	vst v28;
	v28 =	vshll.u32 v36, $0x10;
	v19 =	vmul.f32 v19, v27  }
0x372: {  	v25 =	vmul.f32 $1.442695020e+00, v25;
	v30 =	vshll.u32 v33, $0x10;
	v27 =	vadd.f32 v29, v35  }
0x373: {  	(erf) = vpow2.f32 v24;
	v29 =	vshll.u32 v21, $0x10;
	v24 =	vmul.f32 v31, v6;
	v6 =	vmovc v12  }
0x374: {  	v12 =	vmul.f32 v30, v13;
	v13 =	vmul.f32 v18, v42;
	vm0 =	vlt.f32 v27, $0.0e+00;
	[tilespmem:s9+$0xFFFFFFD0] =	vst v19  }
0x375: {  	v30 =	vbroadcast v8, $0x2;
	v18 =	vand.u32 $0xFFFF0000, v21;
	(erf) = vpow2.f32 v25;
	[tilespmem:s9+$0xFFFFFFE0] =	vst v24  }
0x376: {  	v19 =	vbroadcast v7, $0x5;
	(erf) = vpow2.f32 v14;
	[tilespmem:s22+$0xFFFFFEA0] =	vst v13;
	v13 =	vand.u32 $0xFFFF0000, v26;
	v14 =	vld [tilespmem:s12+$0xFFFFFFF0];
	s12 =	smov.u32 s5;
	s5 =	smov.u32 s23  }
0x377: {  	v31 =	vbroadcast v7, $0x3;
	v24 =	vbroadcast v4, $0x5;
	[tilespmem:s22+$0xFFFFFE30] =	vst v12;
	v12 =	vand.u32 $0xFFFF0000, v16  }
0x378: {  	v32 =	vbroadcast v8, $0x3;
	v18 =	vmul.f32 v18, v40;
	v21 =	vshll.u32 v26, $0x10;
	s22 =	sadd.s32 $0x200, s22  }
0x379: {  	v26 =	vmul.f32 $9.999999770e-03, v27;
	v16 =	vshll.u32 v16, $0x10;
	v12 =	vmul.f32 v12, v2;
	v2 =	vmovc v10;
	v35 =	vld [tilespmem:s12+$0xFFFFFF30]  }
0x37a: {  	v25 =	vbroadcast v0, $0x3;
	v10 =	vmul.f32 v16, v15;
	v15 =	vand.u32 $0xFFFF0000, v36;
	[tilespmem:s9+$0xFFFFFE80] =	vst v18  }
0x37b: {  	v16 =	vsel vm0, v26, v27;
	v26 =	vbroadcast v0, $0x2;
	v18 =	vmul.f32 v13, v34;
	[tilespmem:s9+$0xFFFFFF00] =	vst v12  }
0x37c: {  	v23 =	vmul.f32 v28, v23;
	v12 =	vmul.f32 $1.442695020e+00, v16;
	v27 =	vshll.u32 v14, $0x10;
	v13 =	vpop (erf);
	[tilespmem:s9+$0xFFFFFEF0] =	vst v10  }
0x37d: {  	v21 =	vmul.f32 v21, v39;
	v34 =	vand.u32 $0xFFFF0000, v14;
	v10 =	vbroadcast v13, $0x7;
	[tilespmem:s16+$0xFFFFFF40] =	vst v18  }
0x37e: {  	(erf) = vpow2.f32 v12;
	v16 =	vpop (erf);
	v28 =	vshll.u32 v35, $0x10;
	[tilespmem:s9+$0xFFFFFF70] =	vst v23;
	v23 =	vmul.f32 v15, v5  }
.Ltmp4:
0x37f: {  	v27 =	vmul.f32 v27, v22;
	v15 =	vand.u32 $0xFFFF0000, v35;
	v12 =	vbroadcast v16, $0x5;
	v14 =	vpop (erf);
	[tilespmem:s16+$0xFFFFFF30] =	vst v21;
	(pc) =	sbr.rel @p2 .LBB2_10-.Ltmp4, $4  }
0x380: {  	v5 =	vmov v17;
	v21 =	vbroadcast v13, $0x0;
	v18 =	vbroadcast v14, $0x4;
	v22 =	vld [tilespmem:s12+$0xFFFFFF90];
	[tilespmem:s9+$0xFFFFFF80] =	vst v23  }
0x381: {  	v17 =	vbroadcast v14, $0x6;
	v23 =	vmul.f32 v28, v30;
	[tilespmem:s26+$0x0] =	vst v16  }
0x382: {  	v33 =	vand.u32 $0xFFFF0000, v33;
	v32 =	vmul.f32 v15, v32;
	v15 =	vbroadcast v8, $0x6;
	v30 =	vld [tilespmem:s12+$0xFFFFFFD0];
	[tilespmem:s9+$0xFFFFFFF0] =	vst v27  }
0x383: {  	v33 =	vmul.f32 v33, v31;
	s23 =	sadd.s32 $0x140, s23;
	v31 =	vmul.f32 v34, v20;
	s26 =	sadd.s32 $0x40, s26;
	v28 =	vld [tilespmem:s5+$0xFFFFFFC0]  }
0x384: {  	[tilespmem:s16+$0xFFFFFEB0] =	vst v23  }
0x385: {  	[tilespmem:s16+$0xFFFFFEC0] =	vst v32  }
0x386: {  	[tilespmem:s15+$0xFFFFFFD0] =	vst v14  }
0x387: {  	v3 =	vmul.f32 v29, v3;
	[tilespmem:s15+$0xFFFFFFE0] =	vst v13  }
0x388: {  	[tilespmem:s16+$0xFFFFFE40] =	vst v33;
	v23 =	vand.u32 $0xFFFF0000, v22  }
0x389: {  	v20 =	vld [tilespmem:s12+$0xFFFFFEF0];
	[tilespmem:s9+$0xFFFFFE70] =	vst v3;
	v3 =	vshll.u32 v22, $0x10;
	v22 =	vmul.f32 v23, v24  }
0x38a: {  	[tilespmem:s9+$0x0] =	vst v31;
	v11 =	vmul.f32 v3, v11  }
0x38b: {  	v23 =	vld [tilespmem:s5+$0xFFFFFED0];
	v24 =	vand.u32 $0xFFFF0000, v30;
	[tilespmem:s16+$0xFFFFFF60] =	vst v22  }
0x38c: {  	v22 =	vshll.u32 v30, $0x10;
	v24 =	vmul.f32 v24, v25;
	v3 =	vpop (erf);
	[tilespmem:s16+$0xFFFFFF50] =	vst v11;
	v11 =	vbroadcast v16, $0x0  }
0x38d: {  	v27 =	vld [tilespmem:s12+$0xFFFFFF40];
	v22 =	vmul.f32 v22, v26;
	v26 =	vshll.u32 v28, $0x10;
	[tilespmem:s15+$0xFFFFFFF0] =	vst v3  }
0x38e: {  	[tilespmem:s16+$0xFFFFFFC0] =	vst v24;
	v25 =	vand.u32 $0xFFFF0000, v20;
	v11 =	vmul.f32 v26, v11  }
0x38f: {  	v29 =	vbroadcast v14, $0x0;
	v26 =	vld [tilespmem:s5+$0xFFFFFF70];
	[tilespmem:s16+$0xFFFFFFB0] =	vst v22;
	v20 =	vshll.u32 v20, $0x10;
	v19 =	vmul.f32 v25, v19  }
0x390: {  	v24 =	vbroadcast v14, $0x1;
	v22 =	vld [tilespmem:s5+$0xFFFFFF20];
	v25 =	vshll.u32 v23, $0x10;
	v9 =	vmul.f32 v20, v9;
	[tilespmem:s22+$0xFFFFFF90] =	vst v11  }
0x391: {  	v30 =	vbroadcast v8, $0x4;
	v23 =	vand.u32 $0xFFFF0000, v23;
	v25 =	vmul.f32 v25, v29;
	[tilespmem:s16+$0xFFFFFE60] =	vst v19  }
0x392: {  	v8 =	vbroadcast v8, $0x5;
	v11 =	vshll.u32 v27, $0x10;
	v19 =	vmul.f32 v23, v24;
	[tilespmem:s16+$0xFFFFFE50] =	vst v9  }
0x393: {  	v20 =	vbroadcast v3, $0x0;
	v11 =	vmul.f32 v11, v30;
	v23 =	vand.u32 $0xFFFF0000, v27;
	[tilespmem:s22+$0xFFFFFE10] =	vst v25  }
0x394: {  	v8 =	vmul.f32 v23, v8;
	[tilespmem:s22+$0xFFFFFE20] =	vst v19;
	v19 =	vld [tilespmem:s12+$0xFFFFFFE0];
	v24 =	vshll.u32 v26, $0x10  }
0x395: {  	[tilespmem:s16+$0xFFFFFED0] =	vst v11;
	v11 =	vbroadcast v13, $0x1;
	v23 =	vshll.u32 v22, $0x10;
	v20 =	vmul.f32 v24, v20  }
0x396: {  	v9 =	vbroadcast v3, $0x1;
	v22 =	vand.u32 $0xFFFF0000, v22;
	v24 =	vld [tilespmem:s5+$0xFFFFFEE0];
	v21 =	vmul.f32 v23, v21;
	[tilespmem:s16+$0xFFFFFEE0] =	vst v8  }
0x397: {  	v8 =	vbroadcast v16, $0x1;
	v23 =	vand.u32 $0xFFFF0000, v26;
	v11 =	vmul.f32 v22, v11;
	[tilespmem:s22+$0xFFFFFF10] =	vst v20;
	v20 =	vld [tilespmem:s12+$0xFFFFFF00]  }
0x398: {  	v25 =	vand.u32 $0xFFFF0000, v28;
	v22 =	vbroadcast v0, $0x4;
	v9 =	vmul.f32 v23, v9;
	[tilespmem:s22+$0xFFFFFE90] =	vst v21;
	v21 =	vld [tilespmem:s12+$0xFFFFFF50]  }
0x399: {  	v8 =	vmul.f32 v25, v8;
	[tilespmem:s22+$0xFFFFFEA0] =	vst v11;
	v23 =	vshll.u32 v19, $0x10  }
0x39a: {  	v11 =	vbroadcast v14, $0x2;
	[tilespmem:s22+$0xFFFFFF20] =	vst v9;
	v19 =	vand.u32 $0xFFFF0000, v19;
	v9 =	vmul.f32 v23, v22;
	v22 =	vld [tilespmem:s5+$0xFFFFFF30]  }
0x39b: {  	v7 =	vbroadcast v7, $0x7;
	[tilespmem:s22+$0xFFFFFFA0] =	vst v8;
	v8 =	vshll.u32 v24, $0x10;
	v6 =	vmul.f32 v19, v6  }
0x39c: {  	v8 =	vmul.f32 v8, v11;
	[tilespmem:s16+$0xFFFFFFD0] =	vst v9;
	v9 =	vand.u32 $0xFFFF0000, v20  }
0x39d: {  	v11 =	vld [tilespmem:s5+$0xFFFFFF80];
	[tilespmem:s16+$0xFFFFFFE0] =	vst v6;
	v6 =	vbroadcast v14, $0x3;
	v19 =	vand.u32 $0xFFFF0000, v21;
	v7 =	vmul.f32 v9, v7  }
0x39e: {  	v9 =	vbroadcast v13, $0x2;
	[tilespmem:s22+$0xFFFFFE30] =	vst v8;
	v2 =	vmul.f32 v19, v2;
	v8 =	vand.u32 $0xFFFF0000, v24  }
0x39f: {  	v23 =	vld [tilespmem:s5+$0xFFFFFFD0];
	v19 =	vbroadcast v13, $0x3;
	v6 =	vmul.f32 v8, v6;
	[tilespmem:s16+$0xFFFFFE80] =	vst v7;
	v7 =	vshll.u32 v22, $0x10  }
0x3a0: {  	[tilespmem:s16+$0xFFFFFF00] =	vst v2;
	v2 =	vand.u32 $0xFFFF0000, v22;
	v7 =	vmul.f32 v7, v9  }
0x3a1: {  	v21 =	vshll.u32 v21, $0x10;
	v8 =	vbroadcast v3, $0x3;
	v9 =	vld [tilespmem:s12+$0xFFFFFFA0];
	v2 =	vmul.f32 v2, v19;
	[tilespmem:s22+$0xFFFFFE40] =	vst v6  }
0x3a2: {  	v15 =	vmul.f32 v21, v15;
	v6 =	vbroadcast v3, $0x2;
	v19 =	vand.u32 $0xFFFF0000, v11;
	[tilespmem:s22+$0xFFFFFEB0] =	vst v7  }
0x3a3: {  	v8 =	vmul.f32 v19, v8;
	v19 =	vld [tilespmem:s5+$0xFFFFFEF0];
	v7 =	vshll.u32 v11, $0x10;
	v11 =	vbroadcast v16, $0x3;
	[tilespmem:s22+$0xFFFFFEC0] =	vst v2  }
0x3a4: {  	[tilespmem:s16+$0xFFFFFEF0] =	vst v15;
	v15 =	vand.u32 $0xFFFF0000, v23;
	v2 =	vbroadcast v16, $0x2;
	v6 =	vmul.f32 v7, v6;
	v7 =	vld [tilespmem:s5+$0xFFFFFF40]  }
0x3a5: {  	v4 =	vbroadcast v4, $0x6;
	[tilespmem:s22+$0xFFFFFF40] =	vst v8;
	v8 =	vshll.u32 v23, $0x10;
	v11 =	vmul.f32 v15, v11  }
0x3a6: {  	v2 =	vmul.f32 v8, v2;
	v15 =	vshll.u32 v9, $0x10;
	[tilespmem:s22+$0xFFFFFF30] =	vst v6  }
0x3a7: {  	v6 =	vbroadcast v14, $0x5;
	v8 =	vand.u32 $0xFFFF0000, v9;
	v4 =	vmul.f32 v15, v4;
	v9 =	vld [tilespmem:s5+$0xFFFFFF90];
	[tilespmem:s22+$0xFFFFFFC0] =	vst v11  }
0x3a8: {  	v5 =	vmul.f32 v8, v5;
	v8 =	vand.u32 $0xFFFF0000, v19;
	v11 =	vbroadcast v13, $0x4;
	[tilespmem:s22+$0xFFFFFFB0] =	vst v2  }
0x3a9: {  	v2 =	vmul.f32 v8, v6;
	[tilespmem:s16+$0xFFFFFF70] =	vst v4;
	v4 =	vld [tilespmem:s5+$0xFFFFFFE0];
	v6 =	vshll.u32 v7, $0x10  }
0x3aa: {  	v8 =	vbroadcast v13, $0x5;
	[tilespmem:s16+$0xFFFFFF80] =	vst v5;
	v5 =	vshll.u32 v19, $0x10;
	v6 =	vmul.f32 v6, v11  }
0x3ab: {  	v15 =	vbroadcast v3, $0x5;
	v11 =	vld [tilespmem:s12+$0xFFFFFFF0];
	v5 =	vmul.f32 v5, v18;
	[tilespmem:s22+$0xFFFFFE60] =	vst v2;
	v2 =	vand.u32 $0xFFFF0000, v7  }
0x3ac: {  	v7 =	vbroadcast v3, $0x4;
	v2 =	vmul.f32 v2, v8;
	v18 =	vand.u32 $0xFFFF0000, v9;
	[tilespmem:s22+$0xFFFFFED0] =	vst v6  }
0x3ad: {  	v6 =	vbroadcast v16, $0x4;
	v8 =	vshll.u32 v9, $0x10;
	[tilespmem:s22+$0xFFFFFE50] =	vst v5;
	v9 =	vmul.f32 v18, v15  }
0x3ae: {  	v5 =	vmul.f32 v8, v7;
	[tilespmem:s22+$0xFFFFFEE0] =	vst v2;
	v2 =	vld [tilespmem:s5+$0xFFFFFF00];
	v7 =	vshll.u32 v4, $0x10  }
0x3af: {  	v8 =	vbroadcast v0, $0x6;
	v4 =	vand.u32 $0xFFFF0000, v4;
	[tilespmem:s22+$0xFFFFFF60] =	vst v9;
	v9 =	vld [tilespmem:s5+$0xFFFFFF50];
	v6 =	vmul.f32 v7, v6  }
0x3b0: {  	v7 =	vshll.u32 v11, $0x10;
	[tilespmem:s22+$0xFFFFFF50] =	vst v5;
	v4 =	vmul.f32 v4, v12  }
0x3b1: {  	v0 =	vbroadcast v0, $0x7;
	v5 =	vshll.u32 v20, $0x10;
	v7 =	vmul.f32 v7, v8;
	[tilespmem:s22+$0xFFFFFFD0] =	vst v6  }
0x3b2: {  	v8 =	vld [tilespmem:s5+$0xFFFFFFA0];
	v1 =	vmul.f32 v5, v1;
	v5 =	vbroadcast v14, $0x7;
	v6 =	vand.u32 $0xFFFF0000, v11;
	[tilespmem:s22+$0xFFFFFFE0] =	vst v4  }
0x3b3: {  	[tilespmem:s16+$0xFFFFFFF0] =	vst v7;
	v0 =	vmul.f32 v6, v0;
	v4 =	vand.u32 $0xFFFF0000, v2;
	v6 =	vld [tilespmem:s5+$0xFFFFFFF0]  }
0x3b4: {  	v7 =	vbroadcast v13, $0x6;
	[tilespmem:s16+$0xFFFFFE70] =	vst v1;
	v4 =	vmul.f32 v4, v5;
	v1 =	vand.u32 $0xFFFF0000, v9  }
0x3b5: {  	[tilespmem:s16+$0x0] =	vst v0;
	v0 =	vshll.u32 v9, $0x10;
	v1 =	vmul.f32 v1, v10  }
0x3b6: {  	v2 =	vshll.u32 v2, $0x10;
	v5 =	vbroadcast v3, $0x6;
	[tilespmem:s22+$0xFFFFFE80] =	vst v4;
	v0 =	vmul.f32 v0, v7  }
0x3b7: {  	v2 =	vmul.f32 v2, v17;
	v9 =	vshll.u32 v8, $0x10;
	v4 =	vbroadcast v16, $0x6;
	[tilespmem:s22+$0xFFFFFF00] =	vst v1  }
0x3b8: {  	v3 =	vbroadcast v3, $0x7;
	v1 =	vmul.f32 v9, v5;
	[tilespmem:s22+$0xFFFFFEF0] =	vst v0;
	v0 =	vshll.u32 v6, $0x10  }
0x3b9: {  	v7 =	vand.u32 $0xFFFF0000, v8;
	[tilespmem:s22+$0xFFFFFE70] =	vst v2;
	v5 =	vbroadcast v16, $0x7;
	v0 =	vmul.f32 v0, v4  }
0x3ba: {  	v3 =	vmul.f32 v7, v3;
	[tilespmem:s22+$0xFFFFFF70] =	vst v1;
	v1 =	vand.u32 $0xFFFF0000, v6  }
0x3bb: {  	[tilespmem:s22+$0xFFFFFFF0] =	vst v0;
	v0 =	vmul.f32 v1, v5  }
0x3bc: {  	[tilespmem:s22+$0xFFFFFF80] =	vst v3  }
0x3bd: {  	s30 =	simm.s32 $0x268;
	[tilespmem:s22+$0x0] =	vst v0  }
0x3be: {  	[spmem:s3] =	stream.indirect.scatter.add.f32 [tilespmem:s19], [sflag:$0x6], $0x10, s30, s11, $0xb8;
	[tilespmem:$0x1FC98] =	vst v63  }
0x3bf: {  	s20 =	simm.s32 $0x70C0  }
0x3c0: {  	[spmem:s2] =	stream.indirect.scatter.add.f32 [tilespmem:s20], [sflag:$0x6], $0x80, s30, s11, $0xb8;
	[tilespmem:$0x1FC98] =	vst v63  }
0x3c1: {  	_ =	swait.ge [sflag:s17], $0x580  }
0x3c2: {  	[sflag:s17] =	ssyncset.done $0x0  }
0x3c3: {  	[sflag:s17] =	ssyncadd.s32 $0xFFFFFA80  }
0x3c4: {  	_ =	swait.ge [sflag:s17], $0x1B80  }
0x3c5: {  	[sflag:s17] =	ssyncset.done $0x0  }
0x3c6: {  	[sflag:s17] =	ssyncadd.s32 $0xFFFFE480  }
0x3c7: {  	_ =	swait.ge [sflag:s8], $0x580  }
0x3c8: {  	[sflag:s8] =	ssyncset.done $0x0  }
0x3c9: {  	[sflag:s8] =	ssyncadd.s32 $0xFFFFFA80  }
0x3ca: {  	_ =	swait.ge [sflag:s8], $0x2C00  }
0x3cb: {  	[sflag:s8] =	ssyncset.done $0x0  }
0x3cc: {  	[sflag:s8] =	ssyncadd.s32 $0xFFFFD400  }
0x3cd: {  	_ =	swait.ge [sflag:s18], $0x58  }
0x3ce: {  	[sflag:s18] =	ssyncset.done $0x0  }
0x3cf: {  	[sflag:s18] =	ssyncadd.s32 $0xFFFFFFA8  }
0x3d0: {  	_ =	swait.ge [sflag:s18], $0x58  }
0x3d1: {  	[sflag:s18] =	ssyncset.done $0x0  }
0x3d2: {  	s29 =	simm.s32 $0x1B8;
	[sflag:s18] =	ssyncadd.s32 $0xFFFFFFA8  }
0x3d3: {  	[tilespmem:s19], [sflag:$0x4] =	stream.indirect.gather [hbm4b:s1+s11], $0x10, s29, s11, $0xb8;
	[tilespmem:$0x1FC98] =	vst v63  }
0x3d4: {  	s23 =	simm.s32 $0x39E0;
	s22 =	simm.s32 $0x1E40  }
0x3d5: {  	[tilespmem:s22], [sflag:$0x4] =	stream.indirect.gather [hbm4b:s21+s11], $0x50, s11, s11, $0xb8;
	[tilespmem:$0x1FC98] =	vst v63  }
0x3d6: {  	s26 =	simm.s32 $0x360;
	v0 =	vld [tilespmem:s23+$0xFFFFFFF0]  }
0x3d7: {  	v1 =	vld [tilespmem:s26+$0xFFFFFFF0]  }
0x3d8: {  	v2 =	vld [tilespmem:s26+$0x90]  }
0x3d9: {  	v3 =	vld [tilespmem:s23+$0x10];
	_ =	sdelay $0x1  }
0x3da: {  	v4 =	vld [tilespmem:s26+$0xFFFFFFA0]  }
0x3db: {  	v5 =	vld [tilespmem:s23+$0xFFFFFFE0]  }
0x3dc: {  	v0 =	vadd.f32 v0, v1  }
0x3dd: {  	v6 =	vld [tilespmem:s26+$0x40];
	v1 =	vadd.f32 v3, v2  }
0x3de: {  	v2 =	vld [tilespmem:s23+$0x0];
	v3 =	vmul.f32 $9.999999770e-03, v0  }
0x3df: {  	vm0 =	vlt.f32 v0, $0.0e+00;
	v7 =	vmul.f32 $9.999999770e-03, v1  }
0x3e0: {  	v4 =	vadd.f32 v5, v4;
	vm5 =	vlt.f32 v1, $0.0e+00;
	v0 =	vsel vm0, v3, v0  }
0x3e1: {  	v1 =	vsel vm5, v7, v1;
	v0 =	vmul.f32 $1.442695020e+00, v0  }
0x3e2: {  	v3 =	vmul.f32 $9.999999770e-03, v4;
	v1 =	vmul.f32 $1.442695020e+00, v1  }
0x3e3: {  	s12 =	simm.s32 $0x4A0;
	vm6 =	vlt.f32 v4, $0.0e+00;
	v2 =	vadd.f32 v2, v6;
	(erf) = vpow2.f32 v0  }
0x3e4: {  	s31 =	simm.s32 $0x3A20;
	v17 =	vld [tilespmem:s12+$0x90];
	v0 =	vsel vm6, v3, v4;
	(erf) = vpow2.f32 v1  }
0x3e5: {  	v20 =	vld [tilespmem:s31+$0x10];
	v0 =	vmul.f32 $1.442695020e+00, v0;
	v1 =	vmul.f32 $9.999999770e-03, v2  }
0x3e6: {  	v7 =	vld [tilespmem:s12+$0xFFFFFFF0];
	vm7 =	vlt.f32 v2, $0.0e+00  }
0x3e7: {  	(erf) = vpow2.f32 v0;
	v0 =	vsel vm7, v1, v2;
	v1 =	vld [tilespmem:s31+$0xFFFFFFF0];
	_ =	sdelay $0x1  }
0x3e8: {  	v0 =	vmul.f32 $1.442695020e+00, v0;
	_ =	sdelay $0x1  }
0x3e9: {  	v17 =	vadd.f32 v20, v17;
	(erf) = vpow2.f32 v0  }
0x3ea: {  	v21 =	vld [tilespmem:s31+$0xFFFFFFE0];
	v1 =	vadd.f32 v1, v7;
	v15 =	vpop (erf)  }
0x3eb: {  	v26 =	vmul.f32 $9.999999770e-03, v17;
	v2 =	vld [tilespmem:s12+$0xFFFFFFA0];
	v10 =	vbroadcast v15, $0x7  }
0x3ec: {  	vm9 =	vlt.f32 v17, $0.0e+00;
	v5 =	vpop (erf);
	v6 =	vbroadcast v15, $0x0;
	v20 =	vmul.f32 $9.999999770e-03, v1  }
0x3ed: {  	v17 =	vsel vm9, v26, v17;
	v26 =	vbroadcast v15, $0x3;
	v42 =	vbroadcast v15, $0x5;
	[tilespmem:s23+$0x10] =	vst v5  }
0x3ee: {  	vm8 =	vlt.f32 v1, $0.0e+00;
	v13 =	vbroadcast v5, $0x5;
	v8 =	vbroadcast v5, $0x1;
	v0 =	vld [tilespmem:s26+$0x50]  }
0x3ef: {  	[tilespmem:s23+$0xFFFFFFF0] =	vst v15;
	v9 =	vbroadcast v5, $0x0;
	v28 =	vbroadcast v5, $0x2;
	v14 =	vpop (erf);
	v1 =	vsel vm8, v20, v1  }
0x3f0: {  	v2 =	vadd.f32 v21, v2;
	v21 =	vld [tilespmem:s26+$0xFFFFFFB0];
	v31 =	vbroadcast v5, $0x4;
	[tilespmem:s23+$0xFFFFFFE0] =	vst v14;
	v1 =	vmul.f32 $1.442695020e+00, v1  }
0x3f1: {  	v16 =	vbroadcast v14, $0x4;
	v3 =	vbroadcast v14, $0x6;
	v4 =	vld [tilespmem:s26+$0xFFFFFF60]  }
0x3f2: {  	v18 =	vbroadcast v14, $0x1;
	v11 =	vpop (erf);
	(erf) = vpow2.f32 v1  }
0x3f3: {  	v12 =	vbroadcast v11, $0x7;
	[tilespmem:s23+$0x0] =	vst v11;
	v19 =	vshll.u32 v0, $0x10;
	v0 =	vand.u32 $0xFFFF0000, v0  }
0x3f4: {  	v23 =	vbroadcast v11, $0x1;
	v22 =	vmul.f32 v0, v8;
	v8 =	vld [tilespmem:s26+$0x0]  }
0x3f5: {  	v24 =	vbroadcast v11, $0x0;
	v0 =	vbroadcast v14, $0x0  }
0x3f6: {  	v7 =	vbroadcast v11, $0x3;
	v1 =	vshll.u32 v21, $0x10;
	v25 =	vshll.u32 v4, $0x10  }
0x3f7: {  	v1 =	vmul.f32 v1, v6;
	v4 =	vand.u32 $0xFFFF0000, v4;
	v0 =	vmul.f32 v25, v0  }
0x3f8: {  	s9 =	simm.s32 $0x45C0;
	v27 =	vld [tilespmem:s31+$0x0];
	vm10 =	vlt.f32 v2, $0.0e+00;
	v9 =	vmul.f32 v19, v9;
	v4 =	vmul.f32 v4, v18  }
0x3f9: {  	v20 =	vld [tilespmem:s12+$0x40];
	v19 =	vbroadcast v11, $0x4;
	[tilespmem:s9+$0xFFFFFF00] =	vst v0;
	v0 =	vmul.f32 $9.999999770e-03, v2;
	v25 =	vshll.u32 v8, $0x10  }
0x3fa: {  	v18 =	vbroadcast v15, $0x1;
	[tilespmem:s9+$0xFFFFFF10] =	vst v4;
	v4 =	vand.u32 $0xFFFF0000, v8;
	v8 =	vmul.f32 v25, v24  }
0x3fb: {  	v4 =	vmul.f32 v4, v23;
	v0 =	vsel vm10, v0, v2;
	v2 =	vmul.f32 $1.442695020e+00, v17  }
0x3fc: {  	v24 =	vld [tilespmem:s26+$0xFFFFFF70];
	v23 =	vbroadcast v14, $0x2;
	v25 =	vbroadcast v11, $0x5;
	[tilespmem:s9+$0x0] =	vst v8  }
0x3fd: {  	v0 =	vmul.f32 $1.442695020e+00, v0;
	[tilespmem:s9+$0x10] =	vst v4;
	(erf) = vpow2.f32 v2  }
0x3fe: {  	v4 =	vand.u32 $0xFFFF0000, v21;
	v2 =	vadd.f32 v27, v20;
	v20 =	vbroadcast v14, $0x3;
	v8 =	vld [tilespmem:s26+$0x10]  }
0x3ff: {  	(erf) = vpow2.f32 v0;
	v4 =	vmul.f32 v4, v18  }
0x400: {  	[tilespmem:s9+$0xFFFFFF80] =	vst v1;
	v27 =	vbroadcast v5, $0x3;
	v1 =	vmul.f32 $9.999999770e-03, v2  }
0x401: {  	v0 =	vbroadcast v11, $0x2;
	vm11 =	vlt.f32 v2, $0.0e+00;
	v6 =	vshll.u32 v24, $0x10;
	[tilespmem:s9+$0xFFFFFF90] =	vst v4  }
0x402: {  	v18 =	vbroadcast v15, $0x2;
	v17 =	vmul.f32 v6, v23;
	v21 =	vld [tilespmem:s26+$0xFFFFFFC0];
	v1 =	vsel vm11, v1, v2  }
0x403: {  	v23 =	vbroadcast v14, $0x5;
	v1 =	vmul.f32 $1.442695020e+00, v1;
	v2 =	vshll.u32 v8, $0x10  }
0x404: {  	v14 =	vbroadcast v14, $0x7;
	v4 =	vand.u32 $0xFFFF0000, v8;
	v2 =	vmul.f32 v2, v0  }
0x405: {  	[tilespmem:s9+$0x90] =	vst v22;
	v8 =	vpop (erf);
	v4 =	vmul.f32 v4, v7;
	(erf) = vpow2.f32 v1  }
0x406: {  	v22 =	vbroadcast v8, $0x0;
	v0 =	vpop (erf);
	[tilespmem:s9+$0x20] =	vst v2;
	v2 =	vbroadcast v8, $0x7  }
0x407: {  	[tilespmem:s9+$0x30] =	vst v4;
	v4 =	vshll.u32 v21, $0x10;
	v21 =	vand.u32 $0xFFFF0000, v21;
	v6 =	vbroadcast v0, $0x5  }
0x408: {  	v7 =	vpop (erf);
	v4 =	vmul.f32 v4, v18;
	v26 =	vmul.f32 v21, v26  }
0x409: {  	[tilespmem:s9+$0x80] =	vst v9;
	v29 =	vld [tilespmem:s26+$0x20];
	v18 =	vand.u32 $0xFFFF0000, v24;
	v61 =	vbroadcast v0, $0x1;
	v9 =	vbroadcast v7, $0x4  }
0x40a: {  	v24 =	vld [tilespmem:s26+$0x60];
	v1 =	vbroadcast v7, $0x6;
	v21 =	vmul.f32 v18, v20  }
0x40b: {  	[tilespmem:s31+$0x10] =	vst v0;
	v18 =	vbroadcast v15, $0x6;
	v20 =	vbroadcast v5, $0x7  }
0x40c: {  	[tilespmem:s9+$0xFFFFFF20] =	vst v17;
	v30 =	vld [tilespmem:s12+$0x50];
	v36 =	vbroadcast v7, $0x1;
	v44 =	vbroadcast v7, $0x0  }
0x40d: {  	s15 =	simm.s32 $0x3A60;
	[tilespmem:s31+$0xFFFFFFE0] =	vst v7;
	v15 =	vbroadcast v15, $0x4;
	v52 =	vbroadcast v7, $0x2  }
0x40e: {  	v60 =	vld [tilespmem:s15+$0xFFFFFFF0];
	[tilespmem:s9+$0xFFFFFF30] =	vst v21;
	v21 =	vbroadcast v11, $0x6;
	v11 =	vbroadcast v0, $0x0;
	v17 =	vshll.u32 v29, $0x10  }
0x40f: {  	s5 =	simm.s32 $0x5E0;
	[tilespmem:s9+$0xFFFFFFB0] =	vst v26;
	v39 =	vld [tilespmem:s12+$0xFFFFFF60];
	v29 =	vand.u32 $0xFFFF0000, v29;
	v26 =	vshll.u32 v24, $0x10;
	v19 =	vmul.f32 v17, v19  }
0x410: {  	v35 =	vld [tilespmem:s5+$0xFFFFFFA0];
	[tilespmem:s9+$0xFFFFFFA0] =	vst v4;
	v24 =	vand.u32 $0xFFFF0000, v24;
	v17 =	vbroadcast v5, $0x6;
	v25 =	vmul.f32 v29, v25  }
0x411: {  	v38 =	vld [tilespmem:s26+$0xFFFFFFD0];
	v4 =	vpop (erf);
	v37 =	vshll.u32 v30, $0x10;
	v26 =	vmul.f32 v26, v28;
	v24 =	vmul.f32 v24, v27  }
0x412: {  	v43 =	vld [tilespmem:s15+$0xFFFFFFE0];
	v30 =	vand.u32 $0xFFFF0000, v30;
	v5 =	vbroadcast v4, $0x7;
	v37 =	vmul.f32 v37, v11  }
0x413: {  	v34 =	vld [tilespmem:s26+$0xFFFFFF80];
	v11 =	vbroadcast v4, $0x4;
	v30 =	vmul.f32 v30, v61  }
0x414: {  	v62 =	vld [tilespmem:s5+$0x90];
	[tilespmem:s31+$0xFFFFFFF0] =	vst v8;
	v28 =	vbroadcast v4, $0x1;
	v41 =	vbroadcast v4, $0x0;
	v47 =	vshll.u32 v39, $0x10  }
0x415: {  	v63 =	vld [tilespmem:s12+$0xFFFFFFB0];
	v39 =	vand.u32 $0xFFFF0000, v39;
	v49 =	vbroadcast v4, $0x3;
	v50 =	vbroadcast v4, $0x2;
	[tilespmem:s9+$0x50] =	vst v25  }
0x416: {  	v29 =	vld [tilespmem:s5+$0xFFFFFFF0];
	v61 =	vbroadcast v7, $0x3;
	v25 =	vmul.f32 v39, v36;
	v51 =	vand.u32 $0xFFFF0000, v38;
	[tilespmem:s9+$0x40] =	vst v19  }
0x417: {  	v27 =	vld [tilespmem:s15+$0x10];
	v19 =	vbroadcast v8, $0x1;
	v38 =	vshll.u32 v38, $0x10;
	[tilespmem:s9+$0xB0] =	vst v24;
	v24 =	vadd.f32 v43, v35  }
0x418: {  	s16 =	simm.s32 $0x47C0;
	[tilespmem:s31+$0x0] =	vst v4;
	v40 =	vshll.u32 v34, $0x10;
	v15 =	vmul.f32 v38, v15;
	v39 =	vmul.f32 v51, v42  }
0x419: {  	v48 =	vld [tilespmem:s12+$0x0];
	v34 =	vand.u32 $0xFFFF0000, v34;
	[tilespmem:s16+$0x90] =	vst v30;
	v30 =	vbroadcast v8, $0x3;
	v16 =	vmul.f32 v40, v16  }
0x41a: {  	v23 =	vmul.f32 v34, v23;
	v34 =	vmul.f32 v47, v44  }
0x41b: {  	v55 =	vmul.f32 $9.999999770e-03, v24;
	[tilespmem:s16+$0xFFFFFF10] =	vst v25;
	vm12 =	vlt.f32 v24, $0.0e+00;
	v25 =	vand.u32 $0xFFFF0000, v63  }
0x41c: {  	[tilespmem:s9+$0xA0] =	vst v26;
	v29 =	vadd.f32 v60, v29;
	v26 =	vadd.f32 v27, v62;
	v27 =	vshll.u32 v63, $0x10  }
0x41d: {  	v54 =	vld [tilespmem:s26+$0x70];
	v25 =	vmul.f32 v25, v19;
	v19 =	vbroadcast v7, $0x5;
	[tilespmem:s9+$0xFFFFFF50] =	vst v23;
	v23 =	vsel vm12, v55, v24  }
0x41e: {  	v56 =	vld [tilespmem:s15+$0x0];
	v22 =	vmul.f32 v27, v22;
	v53 =	vshll.u32 v48, $0x10;
	v32 =	vand.u32 $0xFFFF0000, v48  }
0x41f: {  	v59 =	vld [tilespmem:s26+$0x30];
	[tilespmem:s16+$0xFFFFFF00] =	vst v34;
	v24 =	vmul.f32 $9.999999770e-03, v29;
	v23 =	vmul.f32 $1.442695020e+00, v23;
	vm13 =	vlt.f32 v29, $0.0e+00  }
0x420: {  	v27 =	vld [tilespmem:s5+$0x40];
	v58 =	vmul.f32 $9.999999770e-03, v26;
	vm14 =	vlt.f32 v26, $0.0e+00;
	[tilespmem:s16+$0xFFFFFF90] =	vst v25;
	v25 =	vbroadcast v0, $0x3  }
0x421: {  	[tilespmem:s9+$0xFFFFFFC0] =	vst v15;
	v57 =	vld [tilespmem:s12+$0xFFFFFF70];
	v33 =	vmul.f32 v53, v41;
	v15 =	vmul.f32 v32, v28;
	v24 =	vsel vm13, v24, v29  }
0x422: {  	[tilespmem:s9+$0xFFFFFF40] =	vst v16;
	v26 =	vsel vm14, v58, v26;
	v29 =	vand.u32 $0xFFFF0000, v54;
	v16 =	vmul.f32 $1.442695020e+00, v24  }
0x423: {  	[tilespmem:s9+$0xFFFFFFD0] =	vst v39;
	v28 =	vld [tilespmem:s26+$0xFFFFFF90];
	v24 =	vshll.u32 v54, $0x10;
	v26 =	vmul.f32 $1.442695020e+00, v26;
	v13 =	vmul.f32 v29, v13  }
0x424: {  	[tilespmem:s16+$0x0] =	vst v33;
	v29 =	vbroadcast v8, $0x2;
	v24 =	vmul.f32 v24, v31;
	v31 =	vld [tilespmem:s26+$0xFFFFFFE0]  }
0x425: {  	[tilespmem:s16+$0x10] =	vst v15;
	v15 =	vadd.f32 v56, v27;
	v27 =	vshll.u32 v59, $0x10;
	(erf) = vpow2.f32 v16  }
0x426: {  	[tilespmem:s16+$0xFFFFFF80] =	vst v22;
	v22 =	vld [tilespmem:s12+$0x10];
	v60 =	vshll.u32 v57, $0x10;
	v21 =	vmul.f32 v27, v21;
	v63 =	vand.u32 $0xFFFF0000, v57  }
0x427: {  	[tilespmem:s9+$0xD0] =	vst v13;
	v16 =	vmul.f32 v60, v52;
	(erf) = vpow2.f32 v26;
	vm15 =	vlt.f32 v15, $0.0e+00  }
0x428: {  	[tilespmem:s9+$0xC0] =	vst v24;
	v24 =	vbroadcast v4, $0x5;
	(erf) = vpow2.f32 v23;
	v23 =	vand.u32 $0xFFFF0000, v28  }
0x429: {  	v26 =	vmul.f32 $9.999999770e-03, v15;
	[tilespmem:s9+$0x60] =	vst v21;
	v14 =	vmul.f32 v23, v14;
	v23 =	vld [tilespmem:s26+$0x80];
	v13 =	vand.u32 $0xFFFF0000, v31  }
0x42a: {  	v33 =	vmul.f32 v63, v61;
	[tilespmem:s16+$0xFFFFFF20] =	vst v16;
	v31 =	vshll.u32 v31, $0x10;
	v10 =	vmul.f32 v13, v10  }
0x42b: {  	v13 =	vand.u32 $0xFFFF0000, v22;
	v16 =	vmul.f32 v31, v18;
	v31 =	vld [tilespmem:s12+$0xFFFFFFC0];
	[tilespmem:s9+$0xFFFFFF70] =	vst v14;
	v14 =	vsel vm15, v26, v15  }
0x42c: {  	v18 =	vshll.u32 v22, $0x10;
	v15 =	vmul.f32 v13, v49;
	v14 =	vmul.f32 $1.442695020e+00, v14;
	[tilespmem:s9+$0xFFFFFFF0] =	vst v10  }
0x42d: {  	v26 =	vbroadcast v0, $0x2;
	v22 =	vand.u32 $0xFFFF0000, v59;
	v18 =	vmul.f32 v18, v50;
	[tilespmem:s9+$0xFFFFFFE0] =	vst v16  }
0x42e: {  	v27 =	vshll.u32 v23, $0x10;
	[tilespmem:s16+$0x30] =	vst v15;
	v15 =	vmul.f32 v22, v12;
	v13 =	vpop (erf);
	(erf) = vpow2.f32 v14  }
0x42f: {  	v62 =	vand.u32 $0xFFFF0000, v23;
	[tilespmem:s16+$0x20] =	vst v18;
	v27 =	vmul.f32 v27, v17;
	v10 =	vbroadcast v13, $0x7  }
0x430: {  	v22 =	vld [tilespmem:s12+$0x20];
	v16 =	vpop (erf);
	v23 =	vshll.u32 v31, $0x10;
	v21 =	vbroadcast v13, $0x0;
	[tilespmem:s9+$0x70] =	vst v15;
	v15 =	vbroadcast v8, $0x6  }
0x431: {  	[tilespmem:s16+$0x80] =	vst v37;
	v31 =	vand.u32 $0xFFFF0000, v31;
	v12 =	vbroadcast v16, $0x5;
	v23 =	vmul.f32 v23, v29  }
0x432: {  	s20 =	simm.s32 $0x8;
	v14 =	vpop (erf);
	[tilespmem:s15+$0x10] =	vst v16;
	v32 =	vmul.f32 v31, v30;
	v30 =	vld [tilespmem:s12+$0x60];
	v31 =	vmul.f32 v62, v20  }
0x433: {  	s22 =	simm.s32 $0x49C0;
	s23 =	simm.s32 $0x720;
	s26 =	simm.s32 $0x3AA0;
	v29 =	vshll.u32 v28, $0x10;
	[tilespmem:s9+$0xE0] =	vst v27;
	v18 =	vbroadcast v14, $0x4;
	v17 =	vbroadcast v14, $0x6;
	v28 =	vld [tilespmem:s5+$0x50]  }
.LBB2_12:
0x434: {  	s20 =	sadd.s32 $0x4, s20;
	v27 =	vbroadcast v0, $0x4;
	v20 =	vbroadcast v0, $0x7  }
0x435: {  	v35 =	vbroadcast v16, $0x1;
	v29 =	vmul.f32 v29, v3;
	v3 =	vmovc v1;
	v1 =	vmovc v17;
	v34 =	vld [tilespmem:s26+$0xFFFFFFF0];
	p2 =	slt.u32 s20, $0x54;
	[tilespmem:s16+$0xFFFFFF30] =	vst v33;
	v33 =	vshll.u32 v22, $0x10  }
0x436: {  	v37 =	vand.u32 $0xFFFF0000, v22;
	v36 =	vld [tilespmem:s12+$0xFFFFFF80];
	[tilespmem:s16+$0xFFFFFFA0] =	vst v23;
	v33 =	vmul.f32 v33, v11;
	v23 =	vbroadcast v4, $0x6  }
0x437: {  	v22 =	vbroadcast v0, $0x6;
	v11 =	vbroadcast v16, $0x0;
	v38 =	vld [tilespmem:s23+$0xFFFFFFA0];
	v4 =	vpop (erf);
	[tilespmem:s16+$0xFFFFFFB0] =	vst v32;
	v32 =	vshll.u32 v30, $0x10  }
0x438: {  	v39 =	vbroadcast v14, $0x1;
	v0 =	vmovc v16;
	[tilespmem:s15+$0xFFFFFFE0] =	vst v14;
	v17 =	vbroadcast v4, $0x7;
	v40 =	vshll.u32 v28, $0x10;
	v41 =	vld [tilespmem:s12+$0xFFFFFFD0]  }
0x439: {  	v24 =	vmul.f32 v37, v24;
	v28 =	vand.u32 $0xFFFF0000, v28;
	v16 =	vld [tilespmem:s5+$0xFFFFFF60];
	v40 =	vmul.f32 v40, v11;
	[tilespmem:s9+$0xFFFFFF60] =	vst v29  }
0x43a: {  	v30 =	vand.u32 $0xFFFF0000, v30;
	v11 =	vbroadcast v4, $0x4;
	v28 =	vmul.f32 v28, v35;
	v29 =	vld [tilespmem:s23+$0xFFFFFFF0];
	[tilespmem:s9+$0xF0] =	vst v31;
	s9 =	smov.u32 s16;
	s16 =	smov.u32 s22  }
0x43b: {  	v26 =	vmul.f32 v32, v26;
	v25 =	vmul.f32 v30, v25;
	v31 =	vld [tilespmem:s23+$0x90];
	[tilespmem:s15+$0xFFFFFFF0] =	vst v13;
	v35 =	vshll.u32 v36, $0x10  }
0x43c: {  	v32 =	vbroadcast v4, $0x1;
	v36 =	vand.u32 $0xFFFF0000, v36;
	v30 =	vld [tilespmem:s26+$0x10];
	v35 =	vmul.f32 v35, v9;
	[tilespmem:s9+$0x50] =	vst v24;
	v9 =	vmovc v18  }
0x43d: {  	v37 =	vbroadcast v8, $0x5;
	v24 =	vbroadcast v4, $0x0;
	v18 =	vld [tilespmem:s5+$0xFFFFFFB0];
	[tilespmem:s9+$0x40] =	vst v33  }
0x43e: {  	v42 =	vbroadcast v14, $0x0;
	v43 =	vbroadcast v8, $0x4;
	v8 =	vmov v13;
	v33 =	vld [tilespmem:s26+$0xFFFFFFE0];
	[tilespmem:s15+$0x0] =	vst v4;
	s15 =	smov.u32 s26  }
0x43f: {  	v19 =	vmul.f32 v36, v19;
	v13 =	vshll.u32 v16, $0x10;
	v16 =	vand.u32 $0xFFFF0000, v16;
	v44 =	vld [tilespmem:s5+$0x0];
	[tilespmem:s9+$0xB0] =	vst v25  }
0x440: {  	v25 =	vadd.f32 v34, v29;
	v13 =	vmul.f32 v13, v42;
	v34 =	vbroadcast v4, $0x3;
	v36 =	vld [tilespmem:s12+$0x30];
	[tilespmem:s9+$0xA0] =	vst v26  }
0x441: {  	v16 =	vmul.f32 v16, v39;
	v39 =	vbroadcast v4, $0x2;
	[tilespmem:s9+$0xFFFFFF50] =	vst v19;
	v19 =	vand.u32 $0xFFFF0000, v41;
	v26 =	vld [tilespmem:s12+$0x70]  }
0x442: {  	v42 =	vbroadcast v8, $0x1;
	v41 =	vshll.u32 v41, $0x10;
	v29 =	vld [tilespmem:s26+$0x0];
	[tilespmem:s22+$0x80] =	vst v40;
	v40 =	vbroadcast v7, $0x7;
	v7 =	vmovc v14  }
0x443: {  	v14 =	vadd.f32 v33, v38;
	[tilespmem:s22+$0xFFFFFF00] =	vst v13;
	v13 =	vbroadcast v7, $0x2;
	v33 =	vmul.f32 v41, v43  }
0x444: {  	v30 =	vadd.f32 v30, v31;
	[tilespmem:s22+$0xFFFFFF10] =	vst v16;
	v16 =	vshll.u32 v18, $0x10;
	v31 =	vshll.u32 v44, $0x10  }
0x445: {  	v19 =	vmul.f32 v19, v37;
	v41 =	vand.u32 $0xFFFF0000, v44;
	v38 =	vmul.f32 $9.999999770e-03, v14;
	[tilespmem:s9+$0xFFFFFFC0] =	vst v33  }
0x446: {  	v18 =	vand.u32 $0xFFFF0000, v18;
	vm0 =	vlt.f32 v14, $0.0e+00;
	v24 =	vmul.f32 v31, v24;
	v33 =	vld [tilespmem:s5+$0xFFFFFF70];
	[tilespmem:s9+$0xFFFFFF40] =	vst v35  }
0x447: {  	v31 =	vmul.f32 $9.999999770e-03, v25;
	v16 =	vmul.f32 v16, v21;
	v14 =	vsel vm0, v38, v14;
	v35 =	vld [tilespmem:s23+$0x40];
	[tilespmem:s9+$0xFFFFFFD0] =	vst v19  }
0x448: {  	vm0 =	vlt.f32 v25, $0.0e+00;
	v19 =	vmul.f32 v41, v32;
	v14 =	vmul.f32 $1.442695020e+00, v14;
	[tilespmem:s22+$0x0] =	vst v24;
	v21 =	vld [tilespmem:s12+$0xFFFFFF90]  }
0x449: {  	v24 =	vsel vm0, v31, v25;
	v25 =	vmul.f32 $9.999999770e-03, v30;
	v31 =	vand.u32 $0xFFFF0000, v26;
	[tilespmem:s22+$0xFFFFFF80] =	vst v16;
	v16 =	vld [tilespmem:s12+$0xFFFFFFE0]  }
0x44a: {  	vm0 =	vlt.f32 v30, $0.0e+00;
	v24 =	vmul.f32 $1.442695020e+00, v24;
	[tilespmem:s22+$0x10] =	vst v19;
	v19 =	vshll.u32 v26, $0x10  }
0x44b: {  	v25 =	vsel vm0, v25, v30;
	v26 =	vld [tilespmem:s5+$0x10];
	[tilespmem:s22+$0x90] =	vst v28;
	v28 =	vshll.u32 v36, $0x10;
	v19 =	vmul.f32 v19, v27  }
0x44c: {  	v25 =	vmul.f32 $1.442695020e+00, v25;
	v30 =	vshll.u32 v33, $0x10;
	v27 =	vadd.f32 v29, v35  }
0x44d: {  	(erf) = vpow2.f32 v24;
	v29 =	vshll.u32 v21, $0x10;
	v24 =	vmul.f32 v31, v6;
	v6 =	vmovc v12  }
0x44e: {  	v12 =	vmul.f32 v30, v13;
	v13 =	vmul.f32 v18, v42;
	vm0 =	vlt.f32 v27, $0.0e+00;
	[tilespmem:s9+$0xC0] =	vst v19  }
0x44f: {  	v30 =	vbroadcast v8, $0x2;
	v18 =	vand.u32 $0xFFFF0000, v21;
	(erf) = vpow2.f32 v25;
	[tilespmem:s9+$0xD0] =	vst v24  }
0x450: {  	v19 =	vbroadcast v7, $0x5;
	(erf) = vpow2.f32 v14;
	[tilespmem:s22+$0xFFFFFF90] =	vst v13;
	v13 =	vand.u32 $0xFFFF0000, v26;
	v14 =	vld [tilespmem:s12+$0x80];
	s12 =	smov.u32 s5;
	s5 =	smov.u32 s23  }
0x451: {  	v31 =	vbroadcast v7, $0x3;
	v24 =	vbroadcast v4, $0x5;
	[tilespmem:s22+$0xFFFFFF20] =	vst v12;
	v12 =	vand.u32 $0xFFFF0000, v16  }
0x452: {  	v32 =	vbroadcast v8, $0x3;
	v18 =	vmul.f32 v18, v40;
	v21 =	vshll.u32 v26, $0x10;
	s22 =	sadd.s32 $0x200, s22  }
0x453: {  	v26 =	vmul.f32 $9.999999770e-03, v27;
	v16 =	vshll.u32 v16, $0x10;
	v12 =	vmul.f32 v12, v2;
	v2 =	vmovc v10;
	v35 =	vld [tilespmem:s12+$0xFFFFFFC0]  }
0x454: {  	v25 =	vbroadcast v0, $0x3;
	v10 =	vmul.f32 v16, v15;
	v15 =	vand.u32 $0xFFFF0000, v36;
	[tilespmem:s9+$0xFFFFFF70] =	vst v18  }
0x455: {  	v16 =	vsel vm0, v26, v27;
	v26 =	vbroadcast v0, $0x2;
	v18 =	vmul.f32 v13, v34;
	[tilespmem:s9+$0xFFFFFFF0] =	vst v12  }
0x456: {  	v23 =	vmul.f32 v28, v23;
	v12 =	vmul.f32 $1.442695020e+00, v16;
	v27 =	vshll.u32 v14, $0x10;
	v13 =	vpop (erf);
	[tilespmem:s9+$0xFFFFFFE0] =	vst v10  }
0x457: {  	v21 =	vmul.f32 v21, v39;
	v34 =	vand.u32 $0xFFFF0000, v14;
	v10 =	vbroadcast v13, $0x7;
	[tilespmem:s16+$0x30] =	vst v18  }
0x458: {  	(erf) = vpow2.f32 v12;
	v16 =	vpop (erf);
	v28 =	vshll.u32 v35, $0x10;
	[tilespmem:s9+$0x60] =	vst v23;
	v23 =	vmul.f32 v15, v5  }
.Ltmp5:
0x459: {  	v27 =	vmul.f32 v27, v22;
	v15 =	vand.u32 $0xFFFF0000, v35;
	v12 =	vbroadcast v16, $0x5;
	v14 =	vpop (erf);
	[tilespmem:s16+$0x20] =	vst v21;
	(pc) =	sbr.rel @p2 .LBB2_12-.Ltmp5, $4  }
0x45a: {  	v5 =	vmov v17;
	v21 =	vbroadcast v13, $0x0;
	v18 =	vbroadcast v14, $0x4;
	v22 =	vld [tilespmem:s12+$0x20];
	[tilespmem:s9+$0x70] =	vst v23  }
0x45b: {  	v17 =	vbroadcast v14, $0x6;
	v23 =	vmul.f32 v28, v30;
	[tilespmem:s26+$0x10] =	vst v16  }
0x45c: {  	v33 =	vand.u32 $0xFFFF0000, v33;
	v32 =	vmul.f32 v15, v32;
	v15 =	vbroadcast v8, $0x6;
	v30 =	vld [tilespmem:s12+$0x60];
	[tilespmem:s9+$0xE0] =	vst v27  }
0x45d: {  	v33 =	vmul.f32 v33, v31;
	s23 =	sadd.s32 $0x140, s23;
	v31 =	vmul.f32 v34, v20;
	s26 =	sadd.s32 $0x40, s26;
	v28 =	vld [tilespmem:s5+$0x50]  }
0x45e: {  	[tilespmem:s16+$0xFFFFFFA0] =	vst v23  }
0x45f: {  	[tilespmem:s16+$0xFFFFFFB0] =	vst v32  }
0x460: {  	[tilespmem:s15+$0xFFFFFFE0] =	vst v14  }
0x461: {  	v3 =	vmul.f32 v29, v3;
	[tilespmem:s15+$0xFFFFFFF0] =	vst v13  }
0x462: {  	[tilespmem:s16+$0xFFFFFF30] =	vst v33;
	v23 =	vand.u32 $0xFFFF0000, v22  }
0x463: {  	v20 =	vld [tilespmem:s12+$0xFFFFFF80];
	[tilespmem:s9+$0xFFFFFF60] =	vst v3;
	v3 =	vshll.u32 v22, $0x10;
	v22 =	vmul.f32 v23, v24  }
0x464: {  	[tilespmem:s9+$0xF0] =	vst v31;
	v11 =	vmul.f32 v3, v11  }
0x465: {  	v23 =	vld [tilespmem:s5+$0xFFFFFF60];
	v24 =	vand.u32 $0xFFFF0000, v30;
	[tilespmem:s16+$0x50] =	vst v22  }
0x466: {  	v22 =	vshll.u32 v30, $0x10;
	v24 =	vmul.f32 v24, v25;
	v3 =	vpop (erf);
	[tilespmem:s16+$0x40] =	vst v11;
	v11 =	vbroadcast v16, $0x0  }
0x467: {  	v27 =	vld [tilespmem:s12+$0xFFFFFFD0];
	v22 =	vmul.f32 v22, v26;
	v26 =	vshll.u32 v28, $0x10;
	[tilespmem:s15+$0x0] =	vst v3  }
0x468: {  	[tilespmem:s16+$0xB0] =	vst v24;
	v25 =	vand.u32 $0xFFFF0000, v20;
	v11 =	vmul.f32 v26, v11  }
0x469: {  	v29 =	vbroadcast v14, $0x0;
	v26 =	vld [tilespmem:s5+$0x0];
	[tilespmem:s16+$0xA0] =	vst v22;
	v20 =	vshll.u32 v20, $0x10;
	v19 =	vmul.f32 v25, v19  }
0x46a: {  	v24 =	vbroadcast v14, $0x1;
	v22 =	vld [tilespmem:s5+$0xFFFFFFB0];
	v25 =	vshll.u32 v23, $0x10;
	v9 =	vmul.f32 v20, v9;
	[tilespmem:s22+$0x80] =	vst v11  }
0x46b: {  	v30 =	vbroadcast v8, $0x4;
	v23 =	vand.u32 $0xFFFF0000, v23;
	v25 =	vmul.f32 v25, v29;
	[tilespmem:s16+$0xFFFFFF50] =	vst v19  }
0x46c: {  	v8 =	vbroadcast v8, $0x5;
	v11 =	vshll.u32 v27, $0x10;
	v19 =	vmul.f32 v23, v24;
	[tilespmem:s16+$0xFFFFFF40] =	vst v9  }
0x46d: {  	v20 =	vbroadcast v3, $0x0;
	v11 =	vmul.f32 v11, v30;
	v23 =	vand.u32 $0xFFFF0000, v27;
	[tilespmem:s22+$0xFFFFFF00] =	vst v25  }
0x46e: {  	v8 =	vmul.f32 v23, v8;
	[tilespmem:s22+$0xFFFFFF10] =	vst v19;
	v19 =	vld [tilespmem:s12+$0x70];
	v24 =	vshll.u32 v26, $0x10  }
0x46f: {  	[tilespmem:s16+$0xFFFFFFC0] =	vst v11;
	v11 =	vbroadcast v13, $0x1;
	v23 =	vshll.u32 v22, $0x10;
	v20 =	vmul.f32 v24, v20  }
0x470: {  	v9 =	vbroadcast v3, $0x1;
	v22 =	vand.u32 $0xFFFF0000, v22;
	v24 =	vld [tilespmem:s5+$0xFFFFFF70];
	v21 =	vmul.f32 v23, v21;
	[tilespmem:s16+$0xFFFFFFD0] =	vst v8  }
0x471: {  	v8 =	vbroadcast v16, $0x1;
	v23 =	vand.u32 $0xFFFF0000, v26;
	v11 =	vmul.f32 v22, v11;
	[tilespmem:s22+$0x0] =	vst v20;
	v20 =	vld [tilespmem:s12+$0xFFFFFF90]  }
0x472: {  	v25 =	vand.u32 $0xFFFF0000, v28;
	v22 =	vbroadcast v0, $0x4;
	v9 =	vmul.f32 v23, v9;
	[tilespmem:s22+$0xFFFFFF80] =	vst v21;
	v21 =	vld [tilespmem:s12+$0xFFFFFFE0]  }
0x473: {  	v8 =	vmul.f32 v25, v8;
	[tilespmem:s22+$0xFFFFFF90] =	vst v11;
	v23 =	vshll.u32 v19, $0x10  }
0x474: {  	v11 =	vbroadcast v14, $0x2;
	[tilespmem:s22+$0x10] =	vst v9;
	v19 =	vand.u32 $0xFFFF0000, v19;
	v9 =	vmul.f32 v23, v22;
	v22 =	vld [tilespmem:s5+$0xFFFFFFC0]  }
0x475: {  	v7 =	vbroadcast v7, $0x7;
	[tilespmem:s22+$0x90] =	vst v8;
	v8 =	vshll.u32 v24, $0x10;
	v6 =	vmul.f32 v19, v6  }
0x476: {  	v8 =	vmul.f32 v8, v11;
	[tilespmem:s16+$0xC0] =	vst v9;
	v9 =	vand.u32 $0xFFFF0000, v20  }
0x477: {  	v11 =	vld [tilespmem:s5+$0x10];
	[tilespmem:s16+$0xD0] =	vst v6;
	v6 =	vbroadcast v14, $0x3;
	v19 =	vand.u32 $0xFFFF0000, v21;
	v7 =	vmul.f32 v9, v7  }
0x478: {  	v9 =	vbroadcast v13, $0x2;
	[tilespmem:s22+$0xFFFFFF20] =	vst v8;
	v2 =	vmul.f32 v19, v2;
	v8 =	vand.u32 $0xFFFF0000, v24  }
0x479: {  	v23 =	vld [tilespmem:s5+$0x60];
	v19 =	vbroadcast v13, $0x3;
	v6 =	vmul.f32 v8, v6;
	[tilespmem:s16+$0xFFFFFF70] =	vst v7;
	v7 =	vshll.u32 v22, $0x10  }
0x47a: {  	[tilespmem:s16+$0xFFFFFFF0] =	vst v2;
	v2 =	vand.u32 $0xFFFF0000, v22;
	v7 =	vmul.f32 v7, v9  }
0x47b: {  	v21 =	vshll.u32 v21, $0x10;
	v8 =	vbroadcast v3, $0x3;
	v9 =	vld [tilespmem:s12+$0x30];
	v2 =	vmul.f32 v2, v19;
	[tilespmem:s22+$0xFFFFFF30] =	vst v6  }
0x47c: {  	v15 =	vmul.f32 v21, v15;
	v6 =	vbroadcast v3, $0x2;
	v19 =	vand.u32 $0xFFFF0000, v11;
	[tilespmem:s22+$0xFFFFFFA0] =	vst v7  }
0x47d: {  	v8 =	vmul.f32 v19, v8;
	v19 =	vld [tilespmem:s5+$0xFFFFFF80];
	v7 =	vshll.u32 v11, $0x10;
	v11 =	vbroadcast v16, $0x3;
	[tilespmem:s22+$0xFFFFFFB0] =	vst v2  }
0x47e: {  	[tilespmem:s16+$0xFFFFFFE0] =	vst v15;
	v15 =	vand.u32 $0xFFFF0000, v23;
	v2 =	vbroadcast v16, $0x2;
	v6 =	vmul.f32 v7, v6;
	v7 =	vld [tilespmem:s5+$0xFFFFFFD0]  }
0x47f: {  	v4 =	vbroadcast v4, $0x6;
	[tilespmem:s22+$0x30] =	vst v8;
	v8 =	vshll.u32 v23, $0x10;
	v11 =	vmul.f32 v15, v11  }
0x480: {  	v2 =	vmul.f32 v8, v2;
	v15 =	vshll.u32 v9, $0x10;
	[tilespmem:s22+$0x20] =	vst v6  }
0x481: {  	v6 =	vbroadcast v14, $0x5;
	v8 =	vand.u32 $0xFFFF0000, v9;
	v4 =	vmul.f32 v15, v4;
	v9 =	vld [tilespmem:s5+$0x20];
	[tilespmem:s22+$0xB0] =	vst v11  }
0x482: {  	v5 =	vmul.f32 v8, v5;
	v8 =	vand.u32 $0xFFFF0000, v19;
	v11 =	vbroadcast v13, $0x4;
	[tilespmem:s22+$0xA0] =	vst v2  }
0x483: {  	v2 =	vmul.f32 v8, v6;
	[tilespmem:s16+$0x60] =	vst v4;
	v4 =	vld [tilespmem:s5+$0x70];
	v6 =	vshll.u32 v7, $0x10  }
0x484: {  	v8 =	vbroadcast v13, $0x5;
	[tilespmem:s16+$0x70] =	vst v5;
	v5 =	vshll.u32 v19, $0x10;
	v6 =	vmul.f32 v6, v11  }
0x485: {  	v15 =	vbroadcast v3, $0x5;
	v11 =	vld [tilespmem:s12+$0x80];
	v5 =	vmul.f32 v5, v18;
	[tilespmem:s22+$0xFFFFFF50] =	vst v2;
	v2 =	vand.u32 $0xFFFF0000, v7  }
0x486: {  	v7 =	vbroadcast v3, $0x4;
	v2 =	vmul.f32 v2, v8;
	v18 =	vand.u32 $0xFFFF0000, v9;
	[tilespmem:s22+$0xFFFFFFC0] =	vst v6  }
0x487: {  	v6 =	vbroadcast v16, $0x4;
	v8 =	vshll.u32 v9, $0x10;
	[tilespmem:s22+$0xFFFFFF40] =	vst v5;
	v9 =	vmul.f32 v18, v15  }
0x488: {  	v5 =	vmul.f32 v8, v7;
	[tilespmem:s22+$0xFFFFFFD0] =	vst v2;
	v2 =	vld [tilespmem:s5+$0xFFFFFF90];
	v7 =	vshll.u32 v4, $0x10  }
0x489: {  	v8 =	vbroadcast v0, $0x6;
	v4 =	vand.u32 $0xFFFF0000, v4;
	[tilespmem:s22+$0x50] =	vst v9;
	v9 =	vld [tilespmem:s5+$0xFFFFFFE0];
	v6 =	vmul.f32 v7, v6  }
0x48a: {  	v7 =	vshll.u32 v11, $0x10;
	[tilespmem:s22+$0x40] =	vst v5;
	v4 =	vmul.f32 v4, v12  }
0x48b: {  	v0 =	vbroadcast v0, $0x7;
	v5 =	vshll.u32 v20, $0x10;
	v7 =	vmul.f32 v7, v8;
	[tilespmem:s22+$0xC0] =	vst v6  }
0x48c: {  	v8 =	vld [tilespmem:s5+$0x30];
	v1 =	vmul.f32 v5, v1;
	v5 =	vbroadcast v14, $0x7;
	v6 =	vand.u32 $0xFFFF0000, v11;
	[tilespmem:s22+$0xD0] =	vst v4  }
0x48d: {  	[tilespmem:s16+$0xE0] =	vst v7;
	v0 =	vmul.f32 v6, v0;
	v4 =	vand.u32 $0xFFFF0000, v2;
	v6 =	vld [tilespmem:s5+$0x80]  }
0x48e: {  	v7 =	vbroadcast v13, $0x6;
	[tilespmem:s16+$0xFFFFFF60] =	vst v1;
	v4 =	vmul.f32 v4, v5;
	v1 =	vand.u32 $0xFFFF0000, v9  }
0x48f: {  	[tilespmem:s16+$0xF0] =	vst v0;
	v0 =	vshll.u32 v9, $0x10;
	v1 =	vmul.f32 v1, v10  }
0x490: {  	v2 =	vshll.u32 v2, $0x10;
	v5 =	vbroadcast v3, $0x6;
	[tilespmem:s22+$0xFFFFFF70] =	vst v4;
	v0 =	vmul.f32 v0, v7  }
0x491: {  	v2 =	vmul.f32 v2, v17;
	v9 =	vshll.u32 v8, $0x10;
	v4 =	vbroadcast v16, $0x6;
	[tilespmem:s22+$0xFFFFFFF0] =	vst v1  }
0x492: {  	v3 =	vbroadcast v3, $0x7;
	v1 =	vmul.f32 v9, v5;
	[tilespmem:s22+$0xFFFFFFE0] =	vst v0;
	v0 =	vshll.u32 v6, $0x10  }
0x493: {  	v7 =	vand.u32 $0xFFFF0000, v8;
	[tilespmem:s22+$0xFFFFFF60] =	vst v2;
	v5 =	vbroadcast v16, $0x7;
	v0 =	vmul.f32 v0, v4  }
0x494: {  	v3 =	vmul.f32 v7, v3;
	[tilespmem:s22+$0x60] =	vst v1;
	v1 =	vand.u32 $0xFFFF0000, v6  }
0x495: {  	[tilespmem:s22+$0xE0] =	vst v0;
	v0 =	vmul.f32 v1, v5  }
0x496: {  	[tilespmem:s22+$0x70] =	vst v3  }
0x497: {  	[tilespmem:s22+$0xF0] =	vst v0  }
0x498: {  	[spmem:s3] =	stream.indirect.scatter.add.f32 [tilespmem:s14], [sflag:$0x5], $0x10, s28, s11, $0xb8;
	[tilespmem:$0x1FC98] =	vst v63  }
0x499: {  	s22 =	simm.s32 $0x44C0  }
0x49a: {  	[spmem:s2] =	stream.indirect.scatter.add.f32 [tilespmem:s22], [sflag:$0x5], $0x80, s28, s11, $0xb8;
	[tilespmem:$0x1FC98] =	vst v63  }
0x49b: {  	_ =	swait.ge [sflag:s24], $0x580  }
0x49c: {  	[sflag:s24] =	ssyncset.done $0x0  }
0x49d: {  	[sflag:s24] =	ssyncadd.s32 $0xFFFFFA80  }
0x49e: {  	_ =	swait.ge [sflag:s24], $0x1B80  }
0x49f: {  	[sflag:s24] =	ssyncset.done $0x0  }
0x4a0: {  	[sflag:s24] =	ssyncadd.s32 $0xFFFFE480  }
0x4a1: {  	_ =	swait.ge [sflag:s25], $0x580  }
0x4a2: {  	[sflag:s25] =	ssyncset.done $0x0  }
0x4a3: {  	[sflag:s25] =	ssyncadd.s32 $0xFFFFFA80  }
0x4a4: {  	_ =	swait.ge [sflag:s25], $0x2C00  }
0x4a5: {  	[sflag:s25] =	ssyncset.done $0x0  }
0x4a6: {  	s23 =	simm.s32 $0x3F70;
	[sflag:s25] =	ssyncadd.s32 $0xFFFFD400  }
0x4a7: {  	s26 =	simm.s32 $0x1F70;
	v0 =	vld [tilespmem:s23+$0xFFFFFFE0]  }
0x4a8: {  	v1 =	vld [tilespmem:s26+$0xFFFFFF60]  }
0x4a9: {  	v2 =	vld [tilespmem:s26+$0x0]  }
0x4aa: {  	v3 =	vld [tilespmem:s23+$0x0];
	_ =	sdelay $0x1  }
0x4ab: {  	v4 =	vld [tilespmem:s26+$0xFFFFFF10]  }
0x4ac: {  	v5 =	vld [tilespmem:s23+$0xFFFFFFD0]  }
0x4ad: {  	v0 =	vadd.f32 v0, v1  }
0x4ae: {  	v6 =	vld [tilespmem:s26+$0xFFFFFFB0];
	v1 =	vadd.f32 v3, v2  }
0x4af: {  	v2 =	vld [tilespmem:s23+$0xFFFFFFF0];
	v3 =	vmul.f32 $9.999999770e-03, v0  }
0x4b0: {  	vm0 =	vlt.f32 v0, $0.0e+00;
	v7 =	vmul.f32 $9.999999770e-03, v1  }
0x4b1: {  	v4 =	vadd.f32 v5, v4;
	vm5 =	vlt.f32 v1, $0.0e+00;
	v0 =	vsel vm0, v3, v0  }
0x4b2: {  	v1 =	vsel vm5, v7, v1;
	v0 =	vmul.f32 $1.442695020e+00, v0  }
0x4b3: {  	v3 =	vmul.f32 $9.999999770e-03, v4;
	v1 =	vmul.f32 $1.442695020e+00, v1  }
0x4b4: {  	s12 =	simm.s32 $0x20B0;
	vm6 =	vlt.f32 v4, $0.0e+00;
	v2 =	vadd.f32 v2, v6;
	(erf) = vpow2.f32 v0  }
0x4b5: {  	s31 =	simm.s32 $0x3FB0;
	v17 =	vld [tilespmem:s12+$0x0];
	v0 =	vsel vm6, v3, v4;
	(erf) = vpow2.f32 v1  }
0x4b6: {  	v20 =	vld [tilespmem:s31+$0x0];
	v0 =	vmul.f32 $1.442695020e+00, v0;
	v1 =	vmul.f32 $9.999999770e-03, v2  }
0x4b7: {  	v7 =	vld [tilespmem:s12+$0xFFFFFF60];
	vm7 =	vlt.f32 v2, $0.0e+00  }
0x4b8: {  	(erf) = vpow2.f32 v0;
	v0 =	vsel vm7, v1, v2;
	v1 =	vld [tilespmem:s31+$0xFFFFFFE0];
	_ =	sdelay $0x1  }
0x4b9: {  	v0 =	vmul.f32 $1.442695020e+00, v0;
	_ =	sdelay $0x1  }
0x4ba: {  	v17 =	vadd.f32 v20, v17;
	(erf) = vpow2.f32 v0  }
0x4bb: {  	v21 =	vld [tilespmem:s31+$0xFFFFFFD0];
	v1 =	vadd.f32 v1, v7;
	v15 =	vpop (erf)  }
0x4bc: {  	v26 =	vmul.f32 $9.999999770e-03, v17;
	v2 =	vld [tilespmem:s12+$0xFFFFFF10];
	v10 =	vbroadcast v15, $0x7  }
0x4bd: {  	vm9 =	vlt.f32 v17, $0.0e+00;
	v5 =	vpop (erf);
	v6 =	vbroadcast v15, $0x0;
	v20 =	vmul.f32 $9.999999770e-03, v1  }
0x4be: {  	v17 =	vsel vm9, v26, v17;
	v26 =	vbroadcast v15, $0x3;
	v42 =	vbroadcast v15, $0x5;
	[tilespmem:s23+$0x0] =	vst v5  }
0x4bf: {  	vm8 =	vlt.f32 v1, $0.0e+00;
	v13 =	vbroadcast v5, $0x5;
	v8 =	vbroadcast v5, $0x1;
	v0 =	vld [tilespmem:s26+$0xFFFFFFC0]  }
0x4c0: {  	[tilespmem:s23+$0xFFFFFFE0] =	vst v15;
	v9 =	vbroadcast v5, $0x0;
	v28 =	vbroadcast v5, $0x2;
	v14 =	vpop (erf);
	v1 =	vsel vm8, v20, v1  }
0x4c1: {  	v2 =	vadd.f32 v21, v2;
	v21 =	vld [tilespmem:s26+$0xFFFFFF20];
	v31 =	vbroadcast v5, $0x4;
	[tilespmem:s23+$0xFFFFFFD0] =	vst v14;
	v1 =	vmul.f32 $1.442695020e+00, v1  }
0x4c2: {  	v16 =	vbroadcast v14, $0x4;
	v3 =	vbroadcast v14, $0x6;
	v4 =	vld [tilespmem:s26+$0xFFFFFED0]  }
0x4c3: {  	v18 =	vbroadcast v14, $0x1;
	v11 =	vpop (erf);
	(erf) = vpow2.f32 v1  }
0x4c4: {  	v12 =	vbroadcast v11, $0x7;
	[tilespmem:s23+$0xFFFFFFF0] =	vst v11;
	v19 =	vshll.u32 v0, $0x10;
	v0 =	vand.u32 $0xFFFF0000, v0  }
0x4c5: {  	v23 =	vbroadcast v11, $0x1;
	v22 =	vmul.f32 v0, v8;
	v8 =	vld [tilespmem:s26+$0xFFFFFF70]  }
0x4c6: {  	v24 =	vbroadcast v11, $0x0;
	v0 =	vbroadcast v14, $0x0  }
0x4c7: {  	v7 =	vbroadcast v11, $0x3;
	v1 =	vshll.u32 v21, $0x10;
	v25 =	vshll.u32 v4, $0x10  }
0x4c8: {  	v1 =	vmul.f32 v1, v6;
	v4 =	vand.u32 $0xFFFF0000, v4;
	v0 =	vmul.f32 v25, v0  }
0x4c9: {  	s9 =	simm.s32 $0x72B0;
	v27 =	vld [tilespmem:s31+$0xFFFFFFF0];
	vm10 =	vlt.f32 v2, $0.0e+00;
	v9 =	vmul.f32 v19, v9;
	v4 =	vmul.f32 v4, v18  }
0x4ca: {  	v20 =	vld [tilespmem:s12+$0xFFFFFFB0];
	v19 =	vbroadcast v11, $0x4;
	[tilespmem:s9+$0xFFFFFE10] =	vst v0;
	v0 =	vmul.f32 $9.999999770e-03, v2;
	v25 =	vshll.u32 v8, $0x10  }
0x4cb: {  	v18 =	vbroadcast v15, $0x1;
	[tilespmem:s9+$0xFFFFFE20] =	vst v4;
	v4 =	vand.u32 $0xFFFF0000, v8;
	v8 =	vmul.f32 v25, v24  }
0x4cc: {  	v4 =	vmul.f32 v4, v23;
	v0 =	vsel vm10, v0, v2;
	v2 =	vmul.f32 $1.442695020e+00, v17  }
0x4cd: {  	v24 =	vld [tilespmem:s26+$0xFFFFFEE0];
	v23 =	vbroadcast v14, $0x2;
	v25 =	vbroadcast v11, $0x5;
	[tilespmem:s9+$0xFFFFFF10] =	vst v8  }
0x4ce: {  	v0 =	vmul.f32 $1.442695020e+00, v0;
	[tilespmem:s9+$0xFFFFFF20] =	vst v4;
	(erf) = vpow2.f32 v2  }
0x4cf: {  	v4 =	vand.u32 $0xFFFF0000, v21;
	v2 =	vadd.f32 v27, v20;
	v20 =	vbroadcast v14, $0x3;
	v8 =	vld [tilespmem:s26+$0xFFFFFF80]  }
0x4d0: {  	(erf) = vpow2.f32 v0;
	v4 =	vmul.f32 v4, v18  }
0x4d1: {  	[tilespmem:s9+$0xFFFFFE90] =	vst v1;
	v27 =	vbroadcast v5, $0x3;
	v1 =	vmul.f32 $9.999999770e-03, v2  }
0x4d2: {  	v0 =	vbroadcast v11, $0x2;
	vm11 =	vlt.f32 v2, $0.0e+00;
	v6 =	vshll.u32 v24, $0x10;
	[tilespmem:s9+$0xFFFFFEA0] =	vst v4  }
0x4d3: {  	v18 =	vbroadcast v15, $0x2;
	v17 =	vmul.f32 v6, v23;
	v21 =	vld [tilespmem:s26+$0xFFFFFF30];
	v1 =	vsel vm11, v1, v2  }
0x4d4: {  	v23 =	vbroadcast v14, $0x5;
	v1 =	vmul.f32 $1.442695020e+00, v1;
	v2 =	vshll.u32 v8, $0x10  }
0x4d5: {  	v14 =	vbroadcast v14, $0x7;
	v4 =	vand.u32 $0xFFFF0000, v8;
	v2 =	vmul.f32 v2, v0  }
0x4d6: {  	[tilespmem:s9+$0xFFFFFFA0] =	vst v22;
	v8 =	vpop (erf);
	v4 =	vmul.f32 v4, v7;
	(erf) = vpow2.f32 v1  }
0x4d7: {  	v22 =	vbroadcast v8, $0x0;
	v0 =	vpop (erf);
	[tilespmem:s9+$0xFFFFFF30] =	vst v2;
	v2 =	vbroadcast v8, $0x7  }
0x4d8: {  	[tilespmem:s9+$0xFFFFFF40] =	vst v4;
	v4 =	vshll.u32 v21, $0x10;
	v21 =	vand.u32 $0xFFFF0000, v21;
	v6 =	vbroadcast v0, $0x5  }
0x4d9: {  	v7 =	vpop (erf);
	v4 =	vmul.f32 v4, v18;
	v26 =	vmul.f32 v21, v26  }
0x4da: {  	[tilespmem:s9+$0xFFFFFF90] =	vst v9;
	v29 =	vld [tilespmem:s26+$0xFFFFFF90];
	v18 =	vand.u32 $0xFFFF0000, v24;
	v61 =	vbroadcast v0, $0x1;
	v9 =	vbroadcast v7, $0x4  }
0x4db: {  	v24 =	vld [tilespmem:s26+$0xFFFFFFD0];
	v1 =	vbroadcast v7, $0x6;
	v21 =	vmul.f32 v18, v20  }
0x4dc: {  	[tilespmem:s31+$0x0] =	vst v0;
	v18 =	vbroadcast v15, $0x6;
	v20 =	vbroadcast v5, $0x7  }
0x4dd: {  	[tilespmem:s9+$0xFFFFFE30] =	vst v17;
	v30 =	vld [tilespmem:s12+$0xFFFFFFC0];
	v36 =	vbroadcast v7, $0x1;
	v44 =	vbroadcast v7, $0x0  }
0x4de: {  	s15 =	simm.s32 $0x3FF0;
	[tilespmem:s31+$0xFFFFFFD0] =	vst v7;
	v15 =	vbroadcast v15, $0x4;
	v52 =	vbroadcast v7, $0x2  }
0x4df: {  	v60 =	vld [tilespmem:s15+$0xFFFFFFE0];
	[tilespmem:s9+$0xFFFFFE40] =	vst v21;
	v21 =	vbroadcast v11, $0x6;
	v11 =	vbroadcast v0, $0x0;
	v17 =	vshll.u32 v29, $0x10  }
0x4e0: {  	s5 =	simm.s32 $0x21F0;
	[tilespmem:s9+$0xFFFFFEC0] =	vst v26;
	v39 =	vld [tilespmem:s12+$0xFFFFFED0];
	v29 =	vand.u32 $0xFFFF0000, v29;
	v26 =	vshll.u32 v24, $0x10;
	v19 =	vmul.f32 v17, v19  }
0x4e1: {  	v35 =	vld [tilespmem:s5+$0xFFFFFF10];
	[tilespmem:s9+$0xFFFFFEB0] =	vst v4;
	v24 =	vand.u32 $0xFFFF0000, v24;
	v17 =	vbroadcast v5, $0x6;
	v25 =	vmul.f32 v29, v25  }
0x4e2: {  	v38 =	vld [tilespmem:s26+$0xFFFFFF40];
	v4 =	vpop (erf);
	v37 =	vshll.u32 v30, $0x10;
	v26 =	vmul.f32 v26, v28;
	v24 =	vmul.f32 v24, v27  }
0x4e3: {  	v43 =	vld [tilespmem:s15+$0xFFFFFFD0];
	v30 =	vand.u32 $0xFFFF0000, v30;
	v5 =	vbroadcast v4, $0x7;
	v37 =	vmul.f32 v37, v11  }
0x4e4: {  	v34 =	vld [tilespmem:s26+$0xFFFFFEF0];
	v11 =	vbroadcast v4, $0x4;
	v30 =	vmul.f32 v30, v61  }
0x4e5: {  	v62 =	vld [tilespmem:s5+$0x0];
	[tilespmem:s31+$0xFFFFFFE0] =	vst v8;
	v28 =	vbroadcast v4, $0x1;
	v41 =	vbroadcast v4, $0x0;
	v47 =	vshll.u32 v39, $0x10  }
0x4e6: {  	v63 =	vld [tilespmem:s12+$0xFFFFFF20];
	v39 =	vand.u32 $0xFFFF0000, v39;
	v49 =	vbroadcast v4, $0x3;
	v50 =	vbroadcast v4, $0x2;
	[tilespmem:s9+$0xFFFFFF60] =	vst v25  }
0x4e7: {  	v29 =	vld [tilespmem:s5+$0xFFFFFF60];
	v61 =	vbroadcast v7, $0x3;
	v25 =	vmul.f32 v39, v36;
	v51 =	vand.u32 $0xFFFF0000, v38;
	[tilespmem:s9+$0xFFFFFF50] =	vst v19  }
0x4e8: {  	v27 =	vld [tilespmem:s15+$0x0];
	v19 =	vbroadcast v8, $0x1;
	v38 =	vshll.u32 v38, $0x10;
	[tilespmem:s9+$0xFFFFFFC0] =	vst v24;
	v24 =	vadd.f32 v43, v35  }
0x4e9: {  	s16 =	simm.s32 $0x74B0;
	[tilespmem:s31+$0xFFFFFFF0] =	vst v4;
	v40 =	vshll.u32 v34, $0x10;
	v15 =	vmul.f32 v38, v15;
	v39 =	vmul.f32 v51, v42  }
0x4ea: {  	v48 =	vld [tilespmem:s12+$0xFFFFFF70];
	v34 =	vand.u32 $0xFFFF0000, v34;
	[tilespmem:s16+$0xFFFFFFA0] =	vst v30;
	v30 =	vbroadcast v8, $0x3;
	v16 =	vmul.f32 v40, v16  }
0x4eb: {  	v23 =	vmul.f32 v34, v23;
	v34 =	vmul.f32 v47, v44  }
0x4ec: {  	v55 =	vmul.f32 $9.999999770e-03, v24;
	[tilespmem:s16+$0xFFFFFE20] =	vst v25;
	vm12 =	vlt.f32 v24, $0.0e+00;
	v25 =	vand.u32 $0xFFFF0000, v63  }
0x4ed: {  	[tilespmem:s9+$0xFFFFFFB0] =	vst v26;
	v29 =	vadd.f32 v60, v29;
	v26 =	vadd.f32 v27, v62;
	v27 =	vshll.u32 v63, $0x10  }
0x4ee: {  	v54 =	vld [tilespmem:s26+$0xFFFFFFE0];
	v25 =	vmul.f32 v25, v19;
	v19 =	vbroadcast v7, $0x5;
	[tilespmem:s9+$0xFFFFFE60] =	vst v23;
	v23 =	vsel vm12, v55, v24  }
0x4ef: {  	v56 =	vld [tilespmem:s15+$0xFFFFFFF0];
	v22 =	vmul.f32 v27, v22;
	v53 =	vshll.u32 v48, $0x10;
	v32 =	vand.u32 $0xFFFF0000, v48  }
0x4f0: {  	v59 =	vld [tilespmem:s26+$0xFFFFFFA0];
	[tilespmem:s16+$0xFFFFFE10] =	vst v34;
	v24 =	vmul.f32 $9.999999770e-03, v29;
	v23 =	vmul.f32 $1.442695020e+00, v23;
	vm13 =	vlt.f32 v29, $0.0e+00  }
0x4f1: {  	v27 =	vld [tilespmem:s5+$0xFFFFFFB0];
	v58 =	vmul.f32 $9.999999770e-03, v26;
	vm14 =	vlt.f32 v26, $0.0e+00;
	[tilespmem:s16+$0xFFFFFEA0] =	vst v25;
	v25 =	vbroadcast v0, $0x3  }
0x4f2: {  	[tilespmem:s9+$0xFFFFFED0] =	vst v15;
	v57 =	vld [tilespmem:s12+$0xFFFFFEE0];
	v33 =	vmul.f32 v53, v41;
	v15 =	vmul.f32 v32, v28;
	v24 =	vsel vm13, v24, v29  }
0x4f3: {  	[tilespmem:s9+$0xFFFFFE50] =	vst v16;
	v26 =	vsel vm14, v58, v26;
	v29 =	vand.u32 $0xFFFF0000, v54;
	v16 =	vmul.f32 $1.442695020e+00, v24  }
0x4f4: {  	[tilespmem:s9+$0xFFFFFEE0] =	vst v39;
	v28 =	vld [tilespmem:s26+$0xFFFFFF00];
	v24 =	vshll.u32 v54, $0x10;
	v26 =	vmul.f32 $1.442695020e+00, v26;
	v13 =	vmul.f32 v29, v13  }
0x4f5: {  	[tilespmem:s16+$0xFFFFFF10] =	vst v33;
	v29 =	vbroadcast v8, $0x2;
	v24 =	vmul.f32 v24, v31;
	v31 =	vld [tilespmem:s26+$0xFFFFFF50]  }
0x4f6: {  	[tilespmem:s16+$0xFFFFFF20] =	vst v15;
	v15 =	vadd.f32 v56, v27;
	v27 =	vshll.u32 v59, $0x10;
	(erf) = vpow2.f32 v16  }
0x4f7: {  	[tilespmem:s16+$0xFFFFFE90] =	vst v22;
	v22 =	vld [tilespmem:s12+$0xFFFFFF80];
	v60 =	vshll.u32 v57, $0x10;
	v21 =	vmul.f32 v27, v21;
	v63 =	vand.u32 $0xFFFF0000, v57  }
0x4f8: {  	[tilespmem:s9+$0xFFFFFFE0] =	vst v13;
	v16 =	vmul.f32 v60, v52;
	(erf) = vpow2.f32 v26;
	vm15 =	vlt.f32 v15, $0.0e+00  }
0x4f9: {  	[tilespmem:s9+$0xFFFFFFD0] =	vst v24;
	v24 =	vbroadcast v4, $0x5;
	(erf) = vpow2.f32 v23;
	v23 =	vand.u32 $0xFFFF0000, v28  }
0x4fa: {  	v26 =	vmul.f32 $9.999999770e-03, v15;
	[tilespmem:s9+$0xFFFFFF70] =	vst v21;
	v14 =	vmul.f32 v23, v14;
	v23 =	vld [tilespmem:s26+$0xFFFFFFF0];
	v13 =	vand.u32 $0xFFFF0000, v31  }
0x4fb: {  	v33 =	vmul.f32 v63, v61;
	[tilespmem:s16+$0xFFFFFE30] =	vst v16;
	v31 =	vshll.u32 v31, $0x10;
	v10 =	vmul.f32 v13, v10  }
0x4fc: {  	v13 =	vand.u32 $0xFFFF0000, v22;
	v16 =	vmul.f32 v31, v18;
	v31 =	vld [tilespmem:s12+$0xFFFFFF30];
	[tilespmem:s9+$0xFFFFFE80] =	vst v14;
	v14 =	vsel vm15, v26, v15  }
0x4fd: {  	v18 =	vshll.u32 v22, $0x10;
	v15 =	vmul.f32 v13, v49;
	v14 =	vmul.f32 $1.442695020e+00, v14;
	[tilespmem:s9+$0xFFFFFF00] =	vst v10  }
0x4fe: {  	v26 =	vbroadcast v0, $0x2;
	v22 =	vand.u32 $0xFFFF0000, v59;
	v18 =	vmul.f32 v18, v50;
	[tilespmem:s9+$0xFFFFFEF0] =	vst v16  }
0x4ff: {  	v27 =	vshll.u32 v23, $0x10;
	[tilespmem:s16+$0xFFFFFF40] =	vst v15;
	v15 =	vmul.f32 v22, v12;
	v13 =	vpop (erf);
	(erf) = vpow2.f32 v14  }
0x500: {  	v62 =	vand.u32 $0xFFFF0000, v23;
	[tilespmem:s16+$0xFFFFFF30] =	vst v18;
	v27 =	vmul.f32 v27, v17;
	v10 =	vbroadcast v13, $0x7  }
0x501: {  	v22 =	vld [tilespmem:s12+$0xFFFFFF90];
	v16 =	vpop (erf);
	v23 =	vshll.u32 v31, $0x10;
	v21 =	vbroadcast v13, $0x0;
	[tilespmem:s9+$0xFFFFFF80] =	vst v15;
	v15 =	vbroadcast v8, $0x6  }
0x502: {  	[tilespmem:s16+$0xFFFFFF90] =	vst v37;
	v31 =	vand.u32 $0xFFFF0000, v31;
	v12 =	vbroadcast v16, $0x5;
	v23 =	vmul.f32 v23, v29  }
0x503: {  	s20 =	simm.s32 $0x8;
	v14 =	vpop (erf);
	[tilespmem:s15+$0x0] =	vst v16;
	v32 =	vmul.f32 v31, v30;
	v30 =	vld [tilespmem:s12+$0xFFFFFFD0];
	v31 =	vmul.f32 v62, v20  }
0x504: {  	s22 =	simm.s32 $0x76B0;
	s23 =	simm.s32 $0x2330;
	s26 =	simm.s32 $0x4030;
	v29 =	vshll.u32 v28, $0x10;
	[tilespmem:s9+$0xFFFFFFF0] =	vst v27;
	v18 =	vbroadcast v14, $0x4;
	v17 =	vbroadcast v14, $0x6;
	v28 =	vld [tilespmem:s5+$0xFFFFFFC0]  }
.LBB2_14:
0x505: {  	s20 =	sadd.s32 $0x4, s20;
	v27 =	vbroadcast v0, $0x4;
	v20 =	vbroadcast v0, $0x7  }
0x506: {  	v35 =	vbroadcast v16, $0x1;
	v29 =	vmul.f32 v29, v3;
	v3 =	vmovc v1;
	v1 =	vmovc v17;
	v34 =	vld [tilespmem:s26+$0xFFFFFFE0];
	p2 =	slt.u32 s20, $0x54;
	[tilespmem:s16+$0xFFFFFE40] =	vst v33;
	v33 =	vshll.u32 v22, $0x10  }
0x507: {  	v37 =	vand.u32 $0xFFFF0000, v22;
	v36 =	vld [tilespmem:s12+$0xFFFFFEF0];
	[tilespmem:s16+$0xFFFFFEB0] =	vst v23;
	v33 =	vmul.f32 v33, v11;
	v23 =	vbroadcast v4, $0x6  }
0x508: {  	v22 =	vbroadcast v0, $0x6;
	v11 =	vbroadcast v16, $0x0;
	v38 =	vld [tilespmem:s23+$0xFFFFFF10];
	v4 =	vpop (erf);
	[tilespmem:s16+$0xFFFFFEC0] =	vst v32;
	v32 =	vshll.u32 v30, $0x10  }
0x509: {  	v39 =	vbroadcast v14, $0x1;
	v0 =	vmovc v16;
	[tilespmem:s15+$0xFFFFFFD0] =	vst v14;
	v17 =	vbroadcast v4, $0x7;
	v40 =	vshll.u32 v28, $0x10;
	v41 =	vld [tilespmem:s12+$0xFFFFFF40]  }
0x50a: {  	v24 =	vmul.f32 v37, v24;
	v28 =	vand.u32 $0xFFFF0000, v28;
	v16 =	vld [tilespmem:s5+$0xFFFFFED0];
	v40 =	vmul.f32 v40, v11;
	[tilespmem:s9+$0xFFFFFE70] =	vst v29  }
0x50b: {  	v30 =	vand.u32 $0xFFFF0000, v30;
	v11 =	vbroadcast v4, $0x4;
	v28 =	vmul.f32 v28, v35;
	v29 =	vld [tilespmem:s23+$0xFFFFFF60];
	[tilespmem:s9+$0x0] =	vst v31;
	s9 =	smov.u32 s16;
	s16 =	smov.u32 s22  }
0x50c: {  	v26 =	vmul.f32 v32, v26;
	v25 =	vmul.f32 v30, v25;
	v31 =	vld [tilespmem:s23+$0x0];
	[tilespmem:s15+$0xFFFFFFE0] =	vst v13;
	v35 =	vshll.u32 v36, $0x10  }
0x50d: {  	v32 =	vbroadcast v4, $0x1;
	v36 =	vand.u32 $0xFFFF0000, v36;
	v30 =	vld [tilespmem:s26+$0x0];
	v35 =	vmul.f32 v35, v9;
	[tilespmem:s9+$0xFFFFFF60] =	vst v24;
	v9 =	vmovc v18  }
0x50e: {  	v37 =	vbroadcast v8, $0x5;
	v24 =	vbroadcast v4, $0x0;
	v18 =	vld [tilespmem:s5+$0xFFFFFF20];
	[tilespmem:s9+$0xFFFFFF50] =	vst v33  }
0x50f: {  	v42 =	vbroadcast v14, $0x0;
	v43 =	vbroadcast v8, $0x4;
	v8 =	vmov v13;
	v33 =	vld [tilespmem:s26+$0xFFFFFFD0];
	[tilespmem:s15+$0xFFFFFFF0] =	vst v4;
	s15 =	smov.u32 s26  }
0x510: {  	v19 =	vmul.f32 v36, v19;
	v13 =	vshll.u32 v16, $0x10;
	v16 =	vand.u32 $0xFFFF0000, v16;
	v44 =	vld [tilespmem:s5+$0xFFFFFF70];
	[tilespmem:s9+$0xFFFFFFC0] =	vst v25  }
0x511: {  	v25 =	vadd.f32 v34, v29;
	v13 =	vmul.f32 v13, v42;
	v34 =	vbroadcast v4, $0x3;
	v36 =	vld [tilespmem:s12+$0xFFFFFFA0];
	[tilespmem:s9+$0xFFFFFFB0] =	vst v26  }
0x512: {  	v16 =	vmul.f32 v16, v39;
	v39 =	vbroadcast v4, $0x2;
	[tilespmem:s9+$0xFFFFFE60] =	vst v19;
	v19 =	vand.u32 $0xFFFF0000, v41;
	v26 =	vld [tilespmem:s12+$0xFFFFFFE0]  }
0x513: {  	v42 =	vbroadcast v8, $0x1;
	v41 =	vshll.u32 v41, $0x10;
	v29 =	vld [tilespmem:s26+$0xFFFFFFF0];
	[tilespmem:s22+$0xFFFFFF90] =	vst v40;
	v40 =	vbroadcast v7, $0x7;
	v7 =	vmovc v14  }
0x514: {  	v14 =	vadd.f32 v33, v38;
	[tilespmem:s22+$0xFFFFFE10] =	vst v13;
	v13 =	vbroadcast v7, $0x2;
	v33 =	vmul.f32 v41, v43  }
0x515: {  	v30 =	vadd.f32 v30, v31;
	[tilespmem:s22+$0xFFFFFE20] =	vst v16;
	v16 =	vshll.u32 v18, $0x10;
	v31 =	vshll.u32 v44, $0x10  }
0x516: {  	v19 =	vmul.f32 v19, v37;
	v41 =	vand.u32 $0xFFFF0000, v44;
	v38 =	vmul.f32 $9.999999770e-03, v14;
	[tilespmem:s9+$0xFFFFFED0] =	vst v33  }
0x517: {  	v18 =	vand.u32 $0xFFFF0000, v18;
	vm0 =	vlt.f32 v14, $0.0e+00;
	v24 =	vmul.f32 v31, v24;
	v33 =	vld [tilespmem:s5+$0xFFFFFEE0];
	[tilespmem:s9+$0xFFFFFE50] =	vst v35  }
0x518: {  	v31 =	vmul.f32 $9.999999770e-03, v25;
	v16 =	vmul.f32 v16, v21;
	v14 =	vsel vm0, v38, v14;
	v35 =	vld [tilespmem:s23+$0xFFFFFFB0];
	[tilespmem:s9+$0xFFFFFEE0] =	vst v19  }
0x519: {  	vm0 =	vlt.f32 v25, $0.0e+00;
	v19 =	vmul.f32 v41, v32;
	v14 =	vmul.f32 $1.442695020e+00, v14;
	[tilespmem:s22+$0xFFFFFF10] =	vst v24;
	v21 =	vld [tilespmem:s12+$0xFFFFFF00]  }
0x51a: {  	v24 =	vsel vm0, v31, v25;
	v25 =	vmul.f32 $9.999999770e-03, v30;
	v31 =	vand.u32 $0xFFFF0000, v26;
	[tilespmem:s22+$0xFFFFFE90] =	vst v16;
	v16 =	vld [tilespmem:s12+$0xFFFFFF50]  }
0x51b: {  	vm0 =	vlt.f32 v30, $0.0e+00;
	v24 =	vmul.f32 $1.442695020e+00, v24;
	[tilespmem:s22+$0xFFFFFF20] =	vst v19;
	v19 =	vshll.u32 v26, $0x10  }
0x51c: {  	v25 =	vsel vm0, v25, v30;
	v26 =	vld [tilespmem:s5+$0xFFFFFF80];
	[tilespmem:s22+$0xFFFFFFA0] =	vst v28;
	v28 =	vshll.u32 v36, $0x10;
	v19 =	vmul.f32 v19, v27  }
0x51d: {  	v25 =	vmul.f32 $1.442695020e+00, v25;
	v30 =	vshll.u32 v33, $0x10;
	v27 =	vadd.f32 v29, v35  }
0x51e: {  	(erf) = vpow2.f32 v24;
	v29 =	vshll.u32 v21, $0x10;
	v24 =	vmul.f32 v31, v6;
	v6 =	vmovc v12  }
0x51f: {  	v12 =	vmul.f32 v30, v13;
	v13 =	vmul.f32 v18, v42;
	vm0 =	vlt.f32 v27, $0.0e+00;
	[tilespmem:s9+$0xFFFFFFD0] =	vst v19  }
0x520: {  	v30 =	vbroadcast v8, $0x2;
	v18 =	vand.u32 $0xFFFF0000, v21;
	(erf) = vpow2.f32 v25;
	[tilespmem:s9+$0xFFFFFFE0] =	vst v24  }
0x521: {  	v19 =	vbroadcast v7, $0x5;
	(erf) = vpow2.f32 v14;
	[tilespmem:s22+$0xFFFFFEA0] =	vst v13;
	v13 =	vand.u32 $0xFFFF0000, v26;
	v14 =	vld [tilespmem:s12+$0xFFFFFFF0];
	s12 =	smov.u32 s5;
	s5 =	smov.u32 s23  }
0x522: {  	v31 =	vbroadcast v7, $0x3;
	v24 =	vbroadcast v4, $0x5;
	[tilespmem:s22+$0xFFFFFE30] =	vst v12;
	v12 =	vand.u32 $0xFFFF0000, v16  }
0x523: {  	v32 =	vbroadcast v8, $0x3;
	v18 =	vmul.f32 v18, v40;
	v21 =	vshll.u32 v26, $0x10;
	s22 =	sadd.s32 $0x200, s22  }
0x524: {  	v26 =	vmul.f32 $9.999999770e-03, v27;
	v16 =	vshll.u32 v16, $0x10;
	v12 =	vmul.f32 v12, v2;
	v2 =	vmovc v10;
	v35 =	vld [tilespmem:s12+$0xFFFFFF30]  }
0x525: {  	v25 =	vbroadcast v0, $0x3;
	v10 =	vmul.f32 v16, v15;
	v15 =	vand.u32 $0xFFFF0000, v36;
	[tilespmem:s9+$0xFFFFFE80] =	vst v18  }
0x526: {  	v16 =	vsel vm0, v26, v27;
	v26 =	vbroadcast v0, $0x2;
	v18 =	vmul.f32 v13, v34;
	[tilespmem:s9+$0xFFFFFF00] =	vst v12  }
0x527: {  	v23 =	vmul.f32 v28, v23;
	v12 =	vmul.f32 $1.442695020e+00, v16;
	v27 =	vshll.u32 v14, $0x10;
	v13 =	vpop (erf);
	[tilespmem:s9+$0xFFFFFEF0] =	vst v10  }
0x528: {  	v21 =	vmul.f32 v21, v39;
	v34 =	vand.u32 $0xFFFF0000, v14;
	v10 =	vbroadcast v13, $0x7;
	[tilespmem:s16+$0xFFFFFF40] =	vst v18  }
0x529: {  	(erf) = vpow2.f32 v12;
	v16 =	vpop (erf);
	v28 =	vshll.u32 v35, $0x10;
	[tilespmem:s9+$0xFFFFFF70] =	vst v23;
	v23 =	vmul.f32 v15, v5  }
.Ltmp6:
0x52a: {  	v27 =	vmul.f32 v27, v22;
	v15 =	vand.u32 $0xFFFF0000, v35;
	v12 =	vbroadcast v16, $0x5;
	v14 =	vpop (erf);
	[tilespmem:s16+$0xFFFFFF30] =	vst v21;
	(pc) =	sbr.rel @p2 .LBB2_14-.Ltmp6, $4  }
0x52b: {  	v5 =	vmov v17;
	v21 =	vbroadcast v13, $0x0;
	v18 =	vbroadcast v14, $0x4;
	v22 =	vld [tilespmem:s12+$0xFFFFFF90];
	[tilespmem:s9+$0xFFFFFF80] =	vst v23  }
0x52c: {  	v17 =	vbroadcast v14, $0x6;
	v23 =	vmul.f32 v28, v30;
	[tilespmem:s26+$0x0] =	vst v16  }
0x52d: {  	v33 =	vand.u32 $0xFFFF0000, v33;
	v32 =	vmul.f32 v15, v32;
	v15 =	vbroadcast v8, $0x6;
	v30 =	vld [tilespmem:s12+$0xFFFFFFD0];
	[tilespmem:s9+$0xFFFFFFF0] =	vst v27  }
0x52e: {  	v33 =	vmul.f32 v33, v31;
	s23 =	sadd.s32 $0x140, s23;
	v31 =	vmul.f32 v34, v20;
	s26 =	sadd.s32 $0x40, s26;
	v28 =	vld [tilespmem:s5+$0xFFFFFFC0]  }
0x52f: {  	[tilespmem:s16+$0xFFFFFEB0] =	vst v23  }
0x530: {  	[tilespmem:s16+$0xFFFFFEC0] =	vst v32  }
0x531: {  	[tilespmem:s15+$0xFFFFFFD0] =	vst v14  }
0x532: {  	[tilespmem:s15+$0xFFFFFFE0] =	vst v13  }
0x533: {  	v3 =	vmul.f32 v29, v3;
	[tilespmem:s16+$0xFFFFFE40] =	vst v33;
	v41 =	vand.u32 $0xFFFF0000, v22  }
0x534: {  	v42 =	vshll.u32 v22, $0x10;
	[tilespmem:s9+$0x0] =	vst v31;
	v44 =	vld [tilespmem:s5+$0xFFFFFED0];
	v43 =	vmul.f32 v41, v24  }
0x535: {  	[tilespmem:s9+$0xFFFFFE70] =	vst v3;
	v11 =	vmul.f32 v42, v11  }
0x536: {  	v27 =	vld [tilespmem:s12+$0xFFFFFF40];
	v45 =	vand.u32 $0xFFFF0000, v30;
	[tilespmem:s16+$0xFFFFFF60] =	vst v43  }
0x537: {  	v47 =	vbroadcast v16, $0x0;
	v46 =	vshll.u32 v30, $0x10;
	v3 =	vpop (erf);
	v24 =	vmul.f32 v45, v25;
	[tilespmem:s16+$0xFFFFFF50] =	vst v11  }
0x538: {  	v50 =	vbroadcast v14, $0x0;
	v54 =	vld [tilespmem:s5+$0xFFFFFF20];
	v22 =	vmul.f32 v46, v26;
	v49 =	vshll.u32 v28, $0x10;
	[tilespmem:s15+$0xFFFFFFF0] =	vst v3  }
0x539: {  	v51 =	vbroadcast v14, $0x1;
	v20 =	vld [tilespmem:s12+$0xFFFFFEF0];
	v11 =	vmul.f32 v49, v47;
	[tilespmem:s16+$0xFFFFFFC0] =	vst v24;
	v52 =	vshll.u32 v44, $0x10  }
0x53a: {  	v55 =	vbroadcast v8, $0x4;
	[tilespmem:s16+$0xFFFFFFB0] =	vst v22;
	v23 =	vand.u32 $0xFFFF0000, v44;
	v25 =	vmul.f32 v52, v50  }
0x53b: {  	v58 =	vbroadcast v8, $0x5;
	v57 =	vshll.u32 v27, $0x10;
	v56 =	vmul.f32 v23, v51;
	[tilespmem:s22+$0xFFFFFF90] =	vst v11  }
0x53c: {  	v60 =	vand.u32 $0xFFFF0000, v27;
	v11 =	vmul.f32 v57, v55;
	[tilespmem:s22+$0xFFFFFE10] =	vst v25  }
0x53d: {  	v53 =	vld [tilespmem:s5+$0xFFFFFF70];
	v29 =	vshll.u32 v54, $0x10;
	v8 =	vmul.f32 v60, v58;
	[tilespmem:s22+$0xFFFFFE20] =	vst v56  }
0x53e: {  	v48 =	vand.u32 $0xFFFF0000, v20;
	v21 =	vmul.f32 v29, v21;
	[tilespmem:s16+$0xFFFFFED0] =	vst v11  }
0x53f: {  	v63 =	vbroadcast v13, $0x1;
	v20 =	vshll.u32 v20, $0x10;
	v61 =	vld [tilespmem:s12+$0xFFFFFFE0];
	v19 =	vmul.f32 v48, v19;
	[tilespmem:s16+$0xFFFFFEE0] =	vst v8  }
0x540: {  	v32 =	vbroadcast v16, $0x1;
	v22 =	vand.u32 $0xFFFF0000, v54;
	v9 =	vmul.f32 v20, v9;
	[tilespmem:s22+$0xFFFFFE90] =	vst v21  }
0x541: {  	v35 =	vand.u32 $0xFFFF0000, v28;
	v59 =	vbroadcast v3, $0x0;
	v11 =	vmul.f32 v22, v63;
	[tilespmem:s16+$0xFFFFFE60] =	vst v19;
	v31 =	vld [tilespmem:s5+$0xFFFFFEE0]  }
0x542: {  	v30 =	vbroadcast v3, $0x1;
	v8 =	vmul.f32 v35, v32;
	[tilespmem:s16+$0xFFFFFE50] =	vst v9;
	v36 =	vld [tilespmem:s12+$0xFFFFFF50];
	v62 =	vshll.u32 v53, $0x10  }
0x543: {  	v34 =	vbroadcast v0, $0x4;
	v33 =	vand.u32 $0xFFFF0000, v53;
	[tilespmem:s22+$0xFFFFFEA0] =	vst v11;
	v20 =	vmul.f32 v62, v59  }
0x544: {  	[tilespmem:s22+$0xFFFFFFA0] =	vst v8;
	v9 =	vmul.f32 v33, v30;
	v37 =	vshll.u32 v61, $0x10  }
0x545: {  	v38 =	vbroadcast v14, $0x2;
	v53 =	vld [tilespmem:s12+$0xFFFFFFA0];
	v19 =	vand.u32 $0xFFFF0000, v61;
	v39 =	vmul.f32 v37, v34;
	[tilespmem:s22+$0xFFFFFF10] =	vst v20  }
0x546: {  	v6 =	vmul.f32 v19, v6;
	v20 =	vld [tilespmem:s12+$0xFFFFFF00];
	[tilespmem:s22+$0xFFFFFF20] =	vst v9;
	v41 =	vshll.u32 v31, $0x10  }
0x547: {  	v44 =	vbroadcast v14, $0x3;
	[tilespmem:s16+$0xFFFFFFD0] =	vst v39;
	v43 =	vld [tilespmem:s5+$0xFFFFFF80];
	v45 =	vand.u32 $0xFFFF0000, v36;
	v8 =	vmul.f32 v41, v38  }
0x548: {  	[tilespmem:s16+$0xFFFFFFE0] =	vst v6;
	v47 =	vand.u32 $0xFFFF0000, v31;
	v2 =	vmul.f32 v45, v2  }
0x549: {  	v4 =	vbroadcast v4, $0x6;
	v40 =	vld [tilespmem:s5+$0xFFFFFF30];
	v21 =	vshll.u32 v36, $0x10;
	v6 =	vmul.f32 v47, v44;
	[tilespmem:s22+$0xFFFFFE30] =	vst v8  }
0x54a: {  	v7 =	vbroadcast v7, $0x7;
	v15 =	vmul.f32 v21, v15;
	v63 =	vshll.u32 v53, $0x10;
	[tilespmem:s16+$0xFFFFFF00] =	vst v2  }
0x54b: {  	v52 =	vbroadcast v3, $0x3;
	v50 =	vld [tilespmem:s5+$0xFFFFFFD0];
	v4 =	vmul.f32 v63, v4;
	[tilespmem:s22+$0xFFFFFE40] =	vst v6;
	v42 =	vand.u32 $0xFFFF0000, v20  }
0x54c: {  	v54 =	vbroadcast v3, $0x2;
	[tilespmem:s16+$0xFFFFFEF0] =	vst v15;
	v7 =	vmul.f32 v42, v7;
	v55 =	vand.u32 $0xFFFF0000, v43  }
0x54d: {  	v48 =	vbroadcast v13, $0x3;
	[tilespmem:s16+$0xFFFFFF70] =	vst v4;
	v56 =	vshll.u32 v43, $0x10;
	v8 =	vmul.f32 v55, v52  }
0x54e: {  	v46 =	vbroadcast v13, $0x2;
	v31 =	vld [tilespmem:s12+$0xFFFFFFF0];
	v51 =	vand.u32 $0xFFFF0000, v40;
	v6 =	vmul.f32 v56, v54;
	[tilespmem:s16+$0xFFFFFE80] =	vst v7  }
0x54f: {  	v57 =	vbroadcast v16, $0x3;
	v49 =	vshll.u32 v40, $0x10;
	v2 =	vmul.f32 v51, v48;
	v58 =	vld [tilespmem:s5+$0xFFFFFEF0];
	[tilespmem:s22+$0xFFFFFF40] =	vst v8  }
0x550: {  	v59 =	vbroadcast v16, $0x2;
	v61 =	vand.u32 $0xFFFF0000, v50;
	v7 =	vmul.f32 v49, v46;
	[tilespmem:s22+$0xFFFFFF30] =	vst v6  }
0x551: {  	v62 =	vshll.u32 v50, $0x10;
	v11 =	vmul.f32 v61, v57;
	[tilespmem:s22+$0xFFFFFEC0] =	vst v2;
	v23 =	vld [tilespmem:s5+$0xFFFFFF90]  }
0x552: {  	v22 =	vand.u32 $0xFFFF0000, v53;
	v45 =	vbroadcast v0, $0x7;
	v2 =	vmul.f32 v62, v59;
	[tilespmem:s22+$0xFFFFFEB0] =	vst v7  }
0x553: {  	v21 =	vbroadcast v14, $0x5;
	v5 =	vmul.f32 v22, v5;
	[tilespmem:s22+$0xFFFFFFC0] =	vst v11;
	v48 =	vand.u32 $0xFFFF0000, v31;
	v60 =	vld [tilespmem:s5+$0xFFFFFF40]  }
0x554: {  	v42 =	vbroadcast v0, $0x6;
	[tilespmem:s22+$0xFFFFFFB0] =	vst v2;
	v0 =	vmul.f32 v48, v45;
	v24 =	vand.u32 $0xFFFF0000, v58  }
0x555: {  	v32 =	vbroadcast v3, $0x5;
	[tilespmem:s16+$0xFFFFFF80] =	vst v5;
	v27 =	vld [tilespmem:s5+$0xFFFFFFE0];
	v29 =	vshll.u32 v58, $0x10;
	v26 =	vmul.f32 v24, v21  }
0x556: {  	v34 =	vbroadcast v3, $0x4;
	[tilespmem:s16+$0x0] =	vst v0;
	v5 =	vmul.f32 v29, v18;
	v35 =	vand.u32 $0xFFFF0000, v23  }
0x557: {  	v25 =	vbroadcast v13, $0x4;
	[tilespmem:s22+$0xFFFFFE60] =	vst v26;
	v37 =	vshll.u32 v23, $0x10;
	v38 =	vmul.f32 v35, v32  }
0x558: {  	v30 =	vbroadcast v13, $0x5;
	[tilespmem:s22+$0xFFFFFE50] =	vst v5;
	v28 =	vshll.u32 v60, $0x10;
	v39 =	vmul.f32 v37, v34  }
0x559: {  	v40 =	vld [tilespmem:s5+$0xFFFFFF00];
	v33 =	vand.u32 $0xFFFF0000, v60;
	v6 =	vmul.f32 v28, v25;
	[tilespmem:s22+$0xFFFFFF60] =	vst v38  }
0x55a: {  	v36 =	vbroadcast v16, $0x4;
	v4 =	vand.u32 $0xFFFF0000, v27;
	v2 =	vmul.f32 v33, v30;
	[tilespmem:s22+$0xFFFFFF50] =	vst v39  }
0x55b: {  	v41 =	vshll.u32 v27, $0x10;
	v4 =	vmul.f32 v4, v12;
	[tilespmem:s22+$0xFFFFFED0] =	vst v6;
	v47 =	vld [tilespmem:s5+$0xFFFFFFA0]  }
0x55c: {  	v46 =	vshll.u32 v20, $0x10;
	[tilespmem:s22+$0xFFFFFEE0] =	vst v2;
	v6 =	vmul.f32 v41, v36  }
0x55d: {  	v44 =	vshll.u32 v31, $0x10;
	v49 =	vbroadcast v14, $0x7;
	v1 =	vmul.f32 v46, v1;
	[tilespmem:s22+$0xFFFFFFE0] =	vst v4;
	v43 =	vld [tilespmem:s5+$0xFFFFFF50]  }
0x55e: {  	v7 =	vmul.f32 v44, v42;
	v50 =	vand.u32 $0xFFFF0000, v40;
	[tilespmem:s22+$0xFFFFFFD0] =	vst v6  }
0x55f: {  	v54 =	vbroadcast v3, $0x6;
	[tilespmem:s16+$0xFFFFFE70] =	vst v1;
	v2 =	vshll.u32 v40, $0x10;
	v4 =	vmul.f32 v50, v49;
	v51 =	vld [tilespmem:s5+$0xFFFFFFF0]  }
0x560: {  	v3 =	vbroadcast v3, $0x7;
	[tilespmem:s16+$0xFFFFFFF0] =	vst v7;
	v2 =	vmul.f32 v2, v17;
	v56 =	vshll.u32 v47, $0x10  }
0x561: {  	v52 =	vbroadcast v13, $0x6;
	[tilespmem:s22+$0xFFFFFE80] =	vst v4;
	v58 =	vand.u32 $0xFFFF0000, v47;
	v59 =	vmul.f32 v56, v54  }
0x562: {  	[tilespmem:s22+$0xFFFFFE70] =	vst v2;
	v55 =	vshll.u32 v43, $0x10;
	v3 =	vmul.f32 v58, v3  }
0x563: {  	v57 =	vbroadcast v16, $0x6;
	v53 =	vand.u32 $0xFFFF0000, v43;
	v0 =	vmul.f32 v55, v52;
	[tilespmem:s22+$0xFFFFFF70] =	vst v59  }
0x564: {  	v61 =	vbroadcast v16, $0x7;
	v1 =	vmul.f32 v53, v10;
	v60 =	vshll.u32 v51, $0x10;
	[tilespmem:s22+$0xFFFFFF80] =	vst v3  }
0x565: {  	v62 =	vand.u32 $0xFFFF0000, v51;
	[tilespmem:s22+$0xFFFFFEF0] =	vst v0;
	v0 =	vmul.f32 v60, v57  }
0x566: {  	[tilespmem:s22+$0xFFFFFF00] =	vst v1;
	v63 =	vmul.f32 v62, v61  }
0x567: {  	[tilespmem:s22+$0xFFFFFFF0] =	vst v0  }
0x568: {  	[tilespmem:s22+$0x0] =	vst v63  }
0x569: {  	[spmem:s3] =	stream.indirect.scatter.add.f32 [tilespmem:s19], [sflag:$0x6], $0x10, s29, s11, $0xb8;
	[tilespmem:$0x1FC98] =	vst v63  }
0x56a: {  	s9 =	simm.s32 $0x70C0  }
0x56b: {  	[spmem:s2] =	stream.indirect.scatter.add.f32 [tilespmem:s9], [sflag:$0x6], $0x80, s29, s11, $0xb8;
	[tilespmem:$0x1FC98] =	vst v63  }
0x56c: {  	_ =	swait.ge [sflag:s8], $0x580  }
0x56d: {  	[sflag:s8] =	ssyncset.done $0x0  }
0x56e: {  	[sflag:s8] =	ssyncadd.s32 $0xFFFFFA80  }
0x56f: {  	_ =	swait.ge [sflag:s8], $0x2C00  }
0x570: {  	[sflag:s8] =	ssyncset.done $0x0  }
0x571: {  	[sflag:s8] =	ssyncadd.s32 $0xFFFFD400  }
0x572: {  	[bflag:$0x0] =	sbarrier.arrive $0xFFFF  }
0x573: {  	s12 =	rddreg [dreg:$0x5]  }
0x574: {  	s9 =	rddreg [dreg:$0x15]  }
0x575: {  	s22 =	rddreg [dreg:$0x1b]  }
0x576: {  	s20 =	simm.s32 $0x7;
	s15 =	rddreg [dreg:$0x1c];
	s5 =	sadd.s32 s12, s9  }
0x577: {  	[hbm:s5], [sflag:s22] =	dma.local [spmem:s15], $0x2700  }
0x578: {  	_ =	swait.ge [sflag:s20], $0x2700  }
0x579: {  	s16 =	rddreg [dreg:$0x6]  }
0x57a: {  	[sflag:s20] =	ssyncset.done $0x0;
	s12 =	rddreg [dreg:$0x16]  }
0x57b: {  	s23 =	rddreg [dreg:$0x1d];
	[sflag:s20] =	ssyncadd.s32 $0xFFFFD900;
	s5 =	sadd.s32 s16, s12  }
0x57c: {  	[hbm:s5], [sflag:s22] =	dma.local [spmem:s23], $0x4E0  }
0x57d: {  	_ =	swait.ge [sflag:s20], $0x4E0  }
0x57e: {  	[sflag:s20] =	ssyncset.done $0x0;
	s15 =	rddreg [dreg:$0x18]  }
0x57f: {  	s5 =	sadd.s32 @!p1 $0x27000, s9;
	[sflag:s20] =	ssyncadd.s32 $0xFFFFFB20;
	s9 =	sshrl.u32 @!p1 s15, $0x3  }
0x580: {  	[hbm:s5], [sflag:s22] =	dma.local @!p1 [spmem:s9], $0x100  }
0x581: {  	s5 =	simm.s32 @!p1 $0x7  }
0x582: {  	_ =	swait.ge @!p1 [sflag:s5], $0x100  }
0x583: {  	[sflag:s5] =	ssyncset.done @!p1 $0x0;
	s16 =	rddreg [dreg:$0x19]  }
0x584: {  	s9 =	sadd.s32 @!p1 $0x4E00, s12;
	[sflag:s5] =	ssyncadd.s32 @!p1 $0xFFFFFF00;
	s12 =	sshrl.u32 @!p1 s16, $0x3  }
0x585: {  	[hbm:s9], [sflag:s22] =	dma.local @!p1 [spmem:s12], $0x20  }
0x586: {  	_ =	swait.ge @!p1 [sflag:s5], $0x20  }
0x587: {  	s26 =	rddreg [dreg:$0x1a]  }
0x588: {  	s31 =	rddreg [dreg:$0x17];
	s12 =	sadd.s32 $0x1, s26  }
0x589: {  	p2 =	sne.s32 s12, s31  }
.Ltmp7:
0x58a: {  	_ = 	snop;
	(pc) =	sbr.rel @p2 .LBB2_1-.Ltmp7, $3  }
0x58b: {  	_ =	sdelay $0x1  }
0x58c: {  	[sflag:s5] =	ssyncset.done @!p1 $0x0  }
0x58d: {  	[sflag:s5] =	ssyncadd.s32 @!p1 $0xFFFFFFE0  }
0x58e: {  	_ =	sfence.sel $0x180000  }
0x58f: {  	[bflag:$0x0] =	sbarrier.arrive $0xFFFF  }
0x590: {  	_ =	strace $0x90000047  }
0x591: {  	[bflag:$0x2] =	sbarrier.arrive $0xFFFF  }
0x592: {  	s0 =	rddreg [dreg:$0x4]  }
0x593: {  	s0 =	sadd.s32 @!p0 $0x100000, s0  }
0x594: {  	[sflag:s0] =	ssyncadd.tile.s32 @!p0 $0x1;
	_ =	shalt  }
.Lfunc_end2:
_tile_overlayer_lowered:
.L_overlay_start_2:
0x595: {  	(tag) =	ssettag $0x2  }
0x596: {  	s0 =	rddreg [dreg:$0x0];
	s2 =	stileid.u32  }
0x597: {  	s1 =	rddreg [dreg:$0x1];
	p0 =	sne.s32 s2, $0x0  }
0x598: {  	s3 =	rddreg [dreg:$0x2];
	[bflag:$0x3] =	sbarrier.arrive $0xFFFF;
	s2 =	simm.s32 @!p0 $0x1C07  }
0x599: {  	[timem:s3], [sflag:s2] =	dma.local @!p0 [hbm:s0], s1  }
0x59a: {  	s0 =	simm.s32 @!p0 $0x7  }
0x59b: {  	_ =	swait.ge @!p0 [sflag:s0], s1  }
0x59c: {  	s1 =	ssub.s32 @!p0 $0x0, s1;
	[sflag:s0] =	ssyncset.done @!p0 $0x0  }
0x59d: {  	[sflag:s0] =	ssyncadd.s32 @!p0 s1  }
0x59e: {  	[bflag:$0x3] =	sbarrier.arrive $0xFFFF  }
0x59f: {  	_ =	shalt  }

</sc_bundles>
